<compile_context>
chip_gen: v7x
topology: tpu7x:2x2x1
jax: 0.10.2.dev20260603
libtpu: 0.0.44.dev20260713+nightly
codegen_flags: <defaults>
</compile_context>

<pallas_src>
import functools

import jax
import jax.numpy as jnp
from jax import lax
from jax.experimental import pallas as pl
from jax.experimental.pallas import tpu as pltpu
from jax.experimental.pallas import tpu_sc as plsc

N = 10000
D = 256
K = 32
KK = 2 * K
NC = 2
NS = 16
NW = NC * NS
NPAD = 10240
NPW = NPAD // NW
NB = 32
NBLK = NPW // NB
NCHUNK = D // 16


NG = KK // 16
CU = 4


def _sc_products_body(pk_hbm, idx_hbm, out_hbm, emb_blk, idx_blk,
                      rows0, rows1, rows2, rows3, prod_blk, table_sh,
                      sem0, sem1, sem2, sem3):
    wid = lax.axis_index("s") * NC + lax.axis_index("c")
    base = wid * NPW
    lane = lax.broadcasted_iota(jnp.int32, (16,), 0)
    UN = NB

    sid = lax.axis_index("s")
    tslice = NPAD // NS
    pltpu.sync_copy(pk_hbm.at[pl.ds(sid * tslice, tslice)],
                    table_sh.at[pl.ds(sid * tslice, tslice)])
    plsc.subcore_barrier()

    def gather(u, buf, sem):
        return pltpu.async_copy(
            table_sh.at[idx_blk.at[pl.ds(u * KK, KK)]], buf, sem)

    def compute(j, buf):
        zero = jnp.zeros((16,), jnp.float32)

        def grp_body(g, carry3):
            def sub_body(q, res):
                prs = [g * 16 + q * 8 + tt for tt in range(8)]
                acc_a = [zero] * 8
                acc_b = [zero] * 8
                for c in range(NCHUNK // 2):
                    e_pk = plsc.bitcast(emb_blk[j, pl.ds(c * 16, 16)],
                                        jnp.bfloat16)
                    for tt in range(8):
                        pk = plsc.bitcast(buf[prs[tt], pl.ds(c * 16, 16)],
                                          jnp.bfloat16)
                        av, bv = plsc.unpack(
                            pk * e_pk, format=plsc.PackFormat.INTERLEAVED)
                        acc_a[tt] = acc_a[tt] + av
                        acc_b[tt] = acc_b[tt] + bv
                for tt in range(8):
                    res = jnp.where(lane == q * 8 + tt,
                                    jnp.sum(acc_a[tt] + acc_b[tt]), res)
                return res

            res = lax.fori_loop(0, 2, sub_body, zero)
            prod_blk[j, pl.ds(g * 16, 16)] = res
            return carry3

        lax.fori_loop(0, NG, grp_body, 0)

    bufs = None

    def blk_body(blk, carry):
        n0 = base + blk * NB
        pltpu.sync_copy(pk_hbm.at[pl.ds(n0, NB)], emb_blk)
        pltpu.sync_copy(idx_hbm.at[pl.ds(n0 * KK, NB * KK)], idx_blk)
        for b, (buf, sem) in enumerate(bufs):
            gather(b, buf, sem)

        def unit_body(uu, carry2):
            for b, (buf, sem) in enumerate(bufs):
                u = uu * len(bufs) + b
                pltpu.make_async_copy(
                    table_sh.at[idx_blk.at[pl.ds(u * KK, KK)]],
                    buf, sem).wait()
                compute(u, buf)

                @pl.when(u + len(bufs) < UN)
                def _():
                    gather(u + len(bufs), buf, sem)
            return carry2

        lax.fori_loop(0, UN // len(bufs), unit_body, 0)
        pltpu.sync_copy(prod_blk, out_hbm.at[pl.ds(n0, NB)])
        return carry

    bufs = [(rows0, sem0), (rows1, sem1), (rows2, sem2), (rows3, sem3)]
    lax.fori_loop(0, NBLK, blk_body, 0)


_sc_products = functools.partial(
    pl.kernel,
    out_type=jax.ShapeDtypeStruct((NPAD, KK), jnp.float32),
    mesh=plsc.VectorSubcoreMesh(core_axis_name="c", subcore_axis_name="s"),
    compiler_params=pltpu.CompilerParams(
        use_tc_tiling_on_sc=False, needs_layout_passes=False),
    scratch_types=[
        pltpu.VMEM((NB, D // 2), jnp.int32),
        pltpu.VMEM((NB * KK,), jnp.int32),
        pltpu.VMEM((KK, D // 2), jnp.int32),
        pltpu.VMEM((KK, D // 2), jnp.int32),
        pltpu.VMEM((KK, D // 2), jnp.int32),
        pltpu.VMEM((KK, D // 2), jnp.int32),
        pltpu.VMEM((NB, KK), jnp.float32),
        pltpu.VMEM_SHARED((NPAD, D // 2), jnp.int32),
        pltpu.SemaphoreType.DMA,
        pltpu.SemaphoreType.DMA,
        pltpu.SemaphoreType.DMA,
        pltpu.SemaphoreType.DMA,
    ],
)(_sc_products_body)


def _tc_loss_body(prod_ref, mask_ref, out_ref, acc_ref):
    i = pl.program_id(0)

    @pl.when(i == 0)
    def _():
        acc_ref[0] = 0.0
        acc_ref[1] = 0.0

    x = prod_ref[...]
    m = mask_ref[...]
    sig = jax.nn.sigmoid(x)
    col = lax.broadcasted_iota(jnp.int32, x.shape, 1)
    v = jnp.where(col < K, sig, 1.0 - sig)
    loss_elem = -jnp.log(v + 1e-15)
    acc_ref[0] += jnp.sum(loss_elem * m) / K
    acc_ref[1] += jnp.sum(m)

    @pl.when(i == pl.num_programs(0) - 1)
    def _():
        out_ref[0, 0] = acc_ref[0] / acc_ref[1]


def _tc_loss(products, mask2d):
    rows_per_step = 1024
    grid = (NPAD // rows_per_step,)
    return pl.pallas_call(
        _tc_loss_body,
        grid=grid,
        in_specs=[
            pl.BlockSpec((rows_per_step, KK), lambda i: (i, 0)),
            pl.BlockSpec((rows_per_step, 1), lambda i: (i, 0)),
        ],
        out_specs=pl.BlockSpec((1, 1), lambda i: (0, 0),
                               memory_space=pltpu.SMEM),
        out_shape=jax.ShapeDtypeStruct((1, 1), jnp.float32),
        scratch_shapes=[pltpu.SMEM((2,), jnp.float32)],
    )(products, mask2d)


def kernel(embeddings, neighbors_array, negative_array, mask_array):
    emb_p = jnp.pad(embeddings, ((0, NPAD - N), (0, 0)))
    emb_pk = lax.bitcast_convert_type(
        emb_p.astype(jnp.bfloat16).reshape(NPAD, D // 2, 2), jnp.int32)
    idx_all = jnp.concatenate([neighbors_array, negative_array], axis=1)
    idx_p = jnp.pad(idx_all, ((0, NPAD - N), (0, 0))).reshape(-1)
    mask2d = jnp.pad(mask_array, (0, NPAD - N)).reshape(NPAD, 1)
    products = _sc_products(emb_pk, idx_p)
    loss = _tc_loss(products, mask2d)
    return loss[0, 0]

# --- scband reference (transcript-rebuilt; emitter-appended) ---
"""Pipeline reference for scband-neg-sampling-loss-36945308680351 (READ-ONLY COPY).

The authoritative reference and input builder live on the scoring server;
editing this copy changes nothing except your own understanding.
"""

import jax, jax.numpy as jnp
import numpy as np

N = 10000
D = 256
K = 32

def setup_inputs(seed: int = 0) -> dict:
    key = jax.random.key(seed)
    k1, k2, k3 = jax.random.split(key, 3)
    embeddings = jax.random.normal(k1, (N, D), dtype=jnp.float32) * 0.1
    neighbors_array = jax.random.randint(k2, (N, K), 0, N, dtype=jnp.int32)
    negative_array = jax.random.randint(k3, (N, K), 0, N, dtype=jnp.int32)
    mask_array = jnp.ones((N,), dtype=jnp.float32)
    return {"embeddings": embeddings, "neighbors_array": neighbors_array, "negative_array": negative_array, "mask_array": mask_array}

def reference(embeddings, neighbors_array, negative_array, mask_array):
    EPS = 1e-15
    # Vectorized form of the per-node loop:
    # pos_products[i, k] = <embeddings[neighbors[i, k]], embeddings[i]>
    pos_gather = jnp.take(embeddings, neighbors_array, axis=0)  # [N, K, D]
    neg_gather = jnp.take(embeddings, negative_array, axis=0)   # [N, K, D]
    pos_products = jnp.einsum('nkd,nd->nk', pos_gather, embeddings)
    neg_products = jnp.einsum('nkd,nd->nk', neg_gather, embeddings)
    pos_loss = -jnp.log(jax.nn.sigmoid(pos_products) + EPS).mean(axis=1)  # [N]
    neg_loss = -jnp.log(1.0 - jax.nn.sigmoid(neg_products) + EPS).mean(axis=1)  # [N]
    per_node = pos_loss + neg_loss
    # mask==1 selects contributing nodes; divide by number of masked nodes
    loss = jnp.sum(per_node * mask_array) / jnp.sum(mask_array)
    return loss

if __name__ == "__main__":
    import jax
    _d = setup_inputs()
    print(jax.jit(kernel)(*tuple(_d.values())))

</pallas_src>

<mosaic_0001>
#map = affine_map<(d0, d1) -> (0, 0)>
#map1 = affine_map<(d0, d1) -> (0)>
module attributes {stable_mosaic.version = 14 : i64} {
  func.func @_sc_products_body(%arg0: i32, %arg1: i32, %arg2: memref<10240x128xi32, #tpu.memory_space<hbm>>, %arg3: memref<655360xi32, #tpu.memory_space<hbm>>, %arg4: memref<10240x64xf32, #tpu.memory_space<hbm>>, %arg5: memref<32x128xi32, #tpu.memory_space<vmem>>, %arg6: memref<2048xi32, #tpu.memory_space<vmem>>, %arg7: memref<64x128xi32, #tpu.memory_space<vmem>>, %arg8: memref<64x128xi32, #tpu.memory_space<vmem>>, %arg9: memref<64x128xi32, #tpu.memory_space<vmem>>, %arg10: memref<64x128xi32, #tpu.memory_space<vmem>>, %arg11: memref<32x64xf32, #tpu.memory_space<vmem>>, %arg12: memref<10240x128xi32, #tpu.memory_space<vmem_shared>>, %arg13: memref<!tpu.dma_semaphore, #tpu.memory_space<semaphore_mem>>, %arg14: memref<!tpu.dma_semaphore, #tpu.memory_space<semaphore_mem>>, %arg15: memref<!tpu.dma_semaphore, #tpu.memory_space<semaphore_mem>>, %arg16: memref<!tpu.dma_semaphore, #tpu.memory_space<semaphore_mem>>) attributes {dimension_semantics = [#tpu.dimension_semantics<core_parallel>, #tpu.dimension_semantics<subcore_parallel>], iteration_bounds = array<i64: 2, 16>, scalar_prefetch = 0 : i64, scratch_operands = 12 : i64, tpu.core_type = #tpu.core_type<sc_vector_subcore>, window_params = [{transform_indices = #map}, {transform_indices = #map1}, {transform_indices = #map}]} {
    %mul3A = arith.constant 2 : i32
    %mul3A_0 = arith.muli %arg1, %mul3A : i32
    %add3A = arith.addi %mul3A_0, %arg0 : i32
    %mul3A_1 = arith.constant 320 : i32
    %mul3A_2 = arith.muli %add3A, %mul3A_1 : i32
    %iota3A = tpu.iota {dimensions = array<i32: 0>} : vector<16xi32>
    %mul3A_3 = arith.constant 640 : i32
    %mul3A_4 = arith.muli %arg1, %mul3A_3 : i32
    %mul3A_5 = arith.constant 640 : i32
    %mul3A_6 = arith.muli %arg1, %mul3A_5 : i32
    "tpu.region"() ({
      %run_scoped3A = tpu.sem_alloc : memref<!tpu.dma_semaphore, #tpu.memory_space<semaphore_mem>>
      %dma_start3A = arith.constant 0 : i32
      %dma_start3A_12 = tpu.memref_slice %arg12[%mul3A_6, %dma_start3A] : memref<10240x128xi32, #tpu.memory_space<vmem_shared>> -> memref<640x128xi32, #tpu.memory_space<vmem_shared>>
      %dma_start3A_13 = arith.constant 0 : i32
      %dma_start3A_14 = tpu.memref_slice %arg2[%mul3A_4, %dma_start3A_13] : memref<10240x128xi32, #tpu.memory_space<hbm>> -> memref<640x128xi32, #tpu.memory_space<hbm>>
      tpu.enqueue_dma source(%dma_start3A_14 : memref<640x128xi32, #tpu.memory_space<hbm>>) target(%dma_start3A_12 : memref<640x128xi32, #tpu.memory_space<vmem_shared>>) target_semaphore(%run_scoped3A : memref<!tpu.dma_semaphore, #tpu.memory_space<semaphore_mem>>)
      %dma_wait3A = arith.constant 0 : i32
      %dma_wait3A_15 = tpu.memref_slice %arg12[%mul3A_6, %dma_wait3A] : memref<10240x128xi32, #tpu.memory_space<vmem_shared>> -> memref<640x128xi32, #tpu.memory_space<vmem_shared>>
      %dma_wait3A_16 = arith.constant 0 : i32
      %dma_wait3A_17 = tpu.memref_slice %arg2[%mul3A_4, %dma_wait3A_16] : memref<10240x128xi32, #tpu.memory_space<hbm>> -> memref<640x128xi32, #tpu.memory_space<hbm>>
      tpu.wait_dma2 semaphore(%run_scoped3A : memref<!tpu.dma_semaphore, #tpu.memory_space<semaphore_mem>>) src(%dma_wait3A_17 : memref<640x128xi32, #tpu.memory_space<hbm>>) dst(%dma_wait3A_15 : memref<640x128xi32, #tpu.memory_space<vmem_shared>>)
      tpu.yield
    }) : () -> ()
    %barrier3A = arith.constant 0 : index
    tpu.barrier barrier_id(%barrier3A)
    %scan3A = arith.constant 0 : i32
    %scan3A_7 = arith.constant 0 : i32
    %scan3A_8 = arith.constant 10 : i32
    %scan3A_9 = arith.addi %scan3A_7, %scan3A_8 : i32
    %scan3A_10 = arith.constant 1 : i32
    scf.for %scan3A_12 = %scan3A_7 to %scan3A_9 step %scan3A_10  : i32 {
      %mul3A_13 = arith.constant 32 : i32
      %mul3A_14 = arith.muli %scan3A_12, %mul3A_13 : i32
      %add3A_15 = arith.addi %mul3A_2, %mul3A_14 : i32
      "tpu.region"() ({
        %run_scoped3A = tpu.sem_alloc : memref<!tpu.dma_semaphore, #tpu.memory_space<semaphore_mem>>
        %dma_start3A_43 = arith.constant 0 : i32
        %dma_start3A_44 = tpu.memref_slice %arg2[%add3A_15, %dma_start3A_43] : memref<10240x128xi32, #tpu.memory_space<hbm>> -> memref<32x128xi32, #tpu.memory_space<hbm>>
        %dma_start3A_45 = arith.constant 0 : i32
        %dma_start3A_46 = tpu.memref_slice %arg2[%add3A_15, %dma_start3A_45] : memref<10240x128xi32, #tpu.memory_space<hbm>> -> memref<32x128xi32, #tpu.memory_space<hbm>>
        tpu.enqueue_dma source(%dma_start3A_46 : memref<32x128xi32, #tpu.memory_space<hbm>>) target(%arg5 : memref<32x128xi32, #tpu.memory_space<vmem>>) target_semaphore(%run_scoped3A : memref<!tpu.dma_semaphore, #tpu.memory_space<semaphore_mem>>)
        %dma_wait3A = arith.constant 0 : i32
        %dma_wait3A_47 = tpu.memref_slice %arg2[%add3A_15, %dma_wait3A] : memref<10240x128xi32, #tpu.memory_space<hbm>> -> memref<32x128xi32, #tpu.memory_space<hbm>>
        %dma_wait3A_48 = arith.constant 0 : i32
        %dma_wait3A_49 = tpu.memref_slice %arg2[%add3A_15, %dma_wait3A_48] : memref<10240x128xi32, #tpu.memory_space<hbm>> -> memref<32x128xi32, #tpu.memory_space<hbm>>
        tpu.wait_dma2 semaphore(%run_scoped3A : memref<!tpu.dma_semaphore, #tpu.memory_space<semaphore_mem>>) src(%dma_wait3A_49 : memref<32x128xi32, #tpu.memory_space<hbm>>) dst(%arg5 : memref<32x128xi32, #tpu.memory_space<vmem>>)
        tpu.yield
      }) : () -> ()
      %mul3A_16 = arith.constant 64 : i32
      %mul3A_17 = arith.muli %add3A_15, %mul3A_16 : i32
      "tpu.region"() ({
        %run_scoped3A = tpu.sem_alloc : memref<!tpu.dma_semaphore, #tpu.memory_space<semaphore_mem>>
        %dma_start3A_43 = tpu.memref_slice %arg3[%mul3A_17] : memref<655360xi32, #tpu.memory_space<hbm>> -> memref<2048xi32, #tpu.memory_space<hbm>>
        %dma_start3A_44 = tpu.memref_slice %arg3[%mul3A_17] : memref<655360xi32, #tpu.memory_space<hbm>> -> memref<2048xi32, #tpu.memory_space<hbm>>
        tpu.enqueue_dma source(%dma_start3A_44 : memref<2048xi32, #tpu.memory_space<hbm>>) target(%arg6 : memref<2048xi32, #tpu.memory_space<vmem>>) target_semaphore(%run_scoped3A : memref<!tpu.dma_semaphore, #tpu.memory_space<semaphore_mem>>)
        %dma_wait3A = tpu.memref_slice %arg3[%mul3A_17] : memref<655360xi32, #tpu.memory_space<hbm>> -> memref<2048xi32, #tpu.memory_space<hbm>>
        %dma_wait3A_45 = tpu.memref_slice %arg3[%mul3A_17] : memref<655360xi32, #tpu.memory_space<hbm>> -> memref<2048xi32, #tpu.memory_space<hbm>>
        tpu.wait_dma2 semaphore(%run_scoped3A : memref<!tpu.dma_semaphore, #tpu.memory_space<semaphore_mem>>) src(%dma_wait3A_45 : memref<2048xi32, #tpu.memory_space<hbm>>) dst(%arg6 : memref<2048xi32, #tpu.memory_space<vmem>>)
        tpu.yield
      }) : () -> ()
      %dma_start3A = arith.constant 0 : i32
      %dma_start3A_18 = tpu.memref_slice %arg6[%dma_start3A] : memref<2048xi32, #tpu.memory_space<vmem>> -> memref<64xi32, #tpu.memory_space<vmem>>
      %dma_start3A_19 = arith.constant 0 : i32
      %dma_start3A_20 = arith.constant 0 : i32
      %dma_start3A_21 = tpu.memref_slice %arg12[%dma_start3A_19, %dma_start3A_20] : memref<10240x128xi32, #tpu.memory_space<vmem_shared>> -> memref<10240x128xi32, #tpu.memory_space<vmem_shared>>
      tpu.enqueue_indirect_dma source(%dma_start3A_21 : memref<10240x128xi32, #tpu.memory_space<vmem_shared>>) target(%arg7 : memref<64x128xi32, #tpu.memory_space<vmem>>) offsets(%dma_start3A_18 : memref<64xi32, #tpu.memory_space<vmem>>) semaphore(%arg13 : memref<!tpu.dma_semaphore, #tpu.memory_space<semaphore_mem>>)
      %dma_start3A_22 = arith.constant 64 : i32
      %dma_start3A_23 = tpu.memref_slice %arg6[%dma_start3A_22] : memref<2048xi32, #tpu.memory_space<vmem>> -> memref<64xi32, #tpu.memory_space<vmem>>
      %dma_start3A_24 = arith.constant 0 : i32
      %dma_start3A_25 = arith.constant 0 : i32
      %dma_start3A_26 = tpu.memref_slice %arg12[%dma_start3A_24, %dma_start3A_25] : memref<10240x128xi32, #tpu.memory_space<vmem_shared>> -> memref<10240x128xi32, #tpu.memory_space<vmem_shared>>
      tpu.enqueue_indirect_dma source(%dma_start3A_26 : memref<10240x128xi32, #tpu.memory_space<vmem_shared>>) target(%arg8 : memref<64x128xi32, #tpu.memory_space<vmem>>) offsets(%dma_start3A_23 : memref<64xi32, #tpu.memory_space<vmem>>) semaphore(%arg14 : memref<!tpu.dma_semaphore, #tpu.memory_space<semaphore_mem>>)
      %dma_start3A_27 = arith.constant 128 : i32
      %dma_start3A_28 = tpu.memref_slice %arg6[%dma_start3A_27] : memref<2048xi32, #tpu.memory_space<vmem>> -> memref<64xi32, #tpu.memory_space<vmem>>
      %dma_start3A_29 = arith.constant 0 : i32
      %dma_start3A_30 = arith.constant 0 : i32
      %dma_start3A_31 = tpu.memref_slice %arg12[%dma_start3A_29, %dma_start3A_30] : memref<10240x128xi32, #tpu.memory_space<vmem_shared>> -> memref<10240x128xi32, #tpu.memory_space<vmem_shared>>
      tpu.enqueue_indirect_dma source(%dma_start3A_31 : memref<10240x128xi32, #tpu.memory_space<vmem_shared>>) target(%arg9 : memref<64x128xi32, #tpu.memory_space<vmem>>) offsets(%dma_start3A_28 : memref<64xi32, #tpu.memory_space<vmem>>) semaphore(%arg15 : memref<!tpu.dma_semaphore, #tpu.memory_space<semaphore_mem>>)
      %dma_start3A_32 = arith.constant 192 : i32
      %dma_start3A_33 = tpu.memref_slice %arg6[%dma_start3A_32] : memref<2048xi32, #tpu.memory_space<vmem>> -> memref<64xi32, #tpu.memory_space<vmem>>
      %dma_start3A_34 = arith.constant 0 : i32
      %dma_start3A_35 = arith.constant 0 : i32
      %dma_start3A_36 = tpu.memref_slice %arg12[%dma_start3A_34, %dma_start3A_35] : memref<10240x128xi32, #tpu.memory_space<vmem_shared>> -> memref<10240x128xi32, #tpu.memory_space<vmem_shared>>
      tpu.enqueue_indirect_dma source(%dma_start3A_36 : memref<10240x128xi32, #tpu.memory_space<vmem_shared>>) target(%arg10 : memref<64x128xi32, #tpu.memory_space<vmem>>) offsets(%dma_start3A_33 : memref<64xi32, #tpu.memory_space<vmem>>) semaphore(%arg16 : memref<!tpu.dma_semaphore, #tpu.memory_space<semaphore_mem>>)
      %scan3A_37 = arith.constant 0 : i32
      %scan3A_38 = arith.constant 0 : i32
      %scan3A_39 = arith.constant 8 : i32
      %scan3A_40 = arith.addi %scan3A_38, %scan3A_39 : i32
      %scan3A_41 = arith.constant 1 : i32
      scf.for %scan3A_43 = %scan3A_38 to %scan3A_40 step %scan3A_41  : i32 {
        %mul3A_44 = arith.constant 4 : i32
        %mul3A_45 = arith.muli %scan3A_43, %mul3A_44 : i32
        %add3A_46 = arith.constant 0 : i32
        %add3A_47 = arith.addi %mul3A_45, %add3A_46 : i32
        %mul3A_48 = arith.constant 64 : i32
        %mul3A_49 = arith.muli %add3A_47, %mul3A_48 : i32
        %dma_wait3A = tpu.memref_slice %arg6[%mul3A_49] : memref<2048xi32, #tpu.memory_space<vmem>> -> memref<64xi32, #tpu.memory_space<vmem>>
        %dma_wait3A_50 = arith.constant 0 : i32
        %dma_wait3A_51 = arith.constant 0 : i32
        %dma_wait3A_52 = tpu.memref_slice %arg12[%dma_wait3A_50, %dma_wait3A_51] : memref<10240x128xi32, #tpu.memory_space<vmem_shared>> -> memref<10240x128xi32, #tpu.memory_space<vmem_shared>>
        tpu.wait_indirect_dma semaphore(%arg13 : memref<!tpu.dma_semaphore, #tpu.memory_space<semaphore_mem>>) src(%dma_wait3A_52 : memref<10240x128xi32, #tpu.memory_space<vmem_shared>>) dst(%arg7 : memref<64x128xi32, #tpu.memory_space<vmem>>)
        %broadcast_in_dim3A = arith.constant 0.000000e+00 : f32
        %broadcast_in_dim3A_53 = vector.broadcast %broadcast_in_dim3A : f32 to vector<16xf32>
        %scan3A_54 = arith.constant 0 : i32
        %scan3A_55 = arith.constant 0 : i32
        %scan3A_56 = arith.constant 4 : i32
        %scan3A_57 = arith.addi %scan3A_55, %scan3A_56 : i32
        %scan3A_58 = arith.constant 1 : i32
        scf.for %scan3A_139 = %scan3A_55 to %scan3A_57 step %scan3A_58  : i32 {
          %scan3A_140 = arith.constant 0 : i32
          %scan3A_141 = arith.constant 2 : i32
          %scan3A_142 = arith.addi %scan3A_140, %scan3A_141 : i32
          %scan3A_143 = arith.constant 1 : i32
          %scan3A_144 = scf.for %scan3A_150 = %scan3A_140 to %scan3A_142 step %scan3A_143 iter_args(%scan3A_151 = %broadcast_in_dim3A_53) -> (vector<16xf32>)  : i32 {
            %mul3A_152 = arith.constant 16 : i32
            %mul3A_153 = arith.muli %scan3A_139, %mul3A_152 : i32
            %mul3A_154 = arith.constant 8 : i32
            %mul3A_155 = arith.muli %scan3A_150, %mul3A_154 : i32
            %add3A_156 = arith.addi %mul3A_153, %mul3A_155 : i32
            %add3A_157 = arith.constant 0 : i32
            %add3A_158 = arith.addi %add3A_156, %add3A_157 : i32
            %mul3A_159 = arith.constant 16 : i32
            %mul3A_160 = arith.muli %scan3A_139, %mul3A_159 : i32
            %mul3A_161 = arith.constant 8 : i32
            %mul3A_162 = arith.muli %scan3A_150, %mul3A_161 : i32
            %add3A_163 = arith.addi %mul3A_160, %mul3A_162 : i32
            %add3A_164 = arith.constant 1 : i32
            %add3A_165 = arith.addi %add3A_163, %add3A_164 : i32
            %mul3A_166 = arith.constant 16 : i32
            %mul3A_167 = arith.muli %scan3A_139, %mul3A_166 : i32
            %mul3A_168 = arith.constant 8 : i32
            %mul3A_169 = arith.muli %scan3A_150, %mul3A_168 : i32
            %add3A_170 = arith.addi %mul3A_167, %mul3A_169 : i32
            %add3A_171 = arith.constant 2 : i32
            %add3A_172 = arith.addi %add3A_170, %add3A_171 : i32
            %mul3A_173 = arith.constant 16 : i32
            %mul3A_174 = arith.muli %scan3A_139, %mul3A_173 : i32
            %mul3A_175 = arith.constant 8 : i32
            %mul3A_176 = arith.muli %scan3A_150, %mul3A_175 : i32
            %add3A_177 = arith.addi %mul3A_174, %mul3A_176 : i32
            %add3A_178 = arith.constant 3 : i32
            %add3A_179 = arith.addi %add3A_177, %add3A_178 : i32
            %mul3A_180 = arith.constant 16 : i32
            %mul3A_181 = arith.muli %scan3A_139, %mul3A_180 : i32
            %mul3A_182 = arith.constant 8 : i32
            %mul3A_183 = arith.muli %scan3A_150, %mul3A_182 : i32
            %add3A_184 = arith.addi %mul3A_181, %mul3A_183 : i32
            %add3A_185 = arith.constant 4 : i32
            %add3A_186 = arith.addi %add3A_184, %add3A_185 : i32
            %mul3A_187 = arith.constant 16 : i32
            %mul3A_188 = arith.muli %scan3A_139, %mul3A_187 : i32
            %mul3A_189 = arith.constant 8 : i32
            %mul3A_190 = arith.muli %scan3A_150, %mul3A_189 : i32
            %add3A_191 = arith.addi %mul3A_188, %mul3A_190 : i32
            %add3A_192 = arith.constant 5 : i32
            %add3A_193 = arith.addi %add3A_191, %add3A_192 : i32
            %mul3A_194 = arith.constant 16 : i32
            %mul3A_195 = arith.muli %scan3A_139, %mul3A_194 : i32
            %mul3A_196 = arith.constant 8 : i32
            %mul3A_197 = arith.muli %scan3A_150, %mul3A_196 : i32
            %add3A_198 = arith.addi %mul3A_195, %mul3A_197 : i32
            %add3A_199 = arith.constant 6 : i32
            %add3A_200 = arith.addi %add3A_198, %add3A_199 : i32
            %mul3A_201 = arith.constant 16 : i32
            %mul3A_202 = arith.muli %scan3A_139, %mul3A_201 : i32
            %mul3A_203 = arith.constant 8 : i32
            %mul3A_204 = arith.muli %scan3A_150, %mul3A_203 : i32
            %add3A_205 = arith.addi %mul3A_202, %mul3A_204 : i32
            %add3A_206 = arith.constant 7 : i32
            %add3A_207 = arith.addi %add3A_205, %add3A_206 : i32
            %get3A = arith.index_cast %add3A_47 : i32 to index
            %get3A_208 = arith.constant 0 : index
            %get3A_209 = tpu.vector_load %arg5[%get3A, %get3A_208] {strides = array<i32>} : memref<32x128xi32, #tpu.memory_space<vmem>>, vector<16xi32>,
            %bitcast3A = vector.bitcast %get3A_209 : vector<16xi32> to vector<32xbf16>
            %get3A_210 = arith.index_cast %add3A_158 : i32 to index
            %get3A_211 = arith.constant 0 : index
            %get3A_212 = tpu.vector_load %arg7[%get3A_210, %get3A_211] {strides = array<i32>} : memref<64x128xi32, #tpu.memory_space<vmem>>, vector<16xi32>,
            %bitcast3A_213 = vector.bitcast %get3A_212 : vector<16xi32> to vector<32xbf16>
            %mul3A_214 = arith.mulf %bitcast3A_213, %bitcast3A : vector<32xbf16>
            %unpack3A = tpu.unpack_subelements %mul3A_214, 0 {pack_format = #tpu.pack_format<interleaved>} : vector<32xbf16> -> vector<16xf32>
            %unpack3A_215 = tpu.unpack_subelements %mul3A_214, 1 {pack_format = #tpu.pack_format<interleaved>} : vector<32xbf16> -> vector<16xf32>
            %add3A_216 = arith.addf %broadcast_in_dim3A_53, %unpack3A : vector<16xf32>
            %add3A_217 = arith.addf %broadcast_in_dim3A_53, %unpack3A_215 : vector<16xf32>
            %get3A_218 = arith.index_cast %add3A_165 : i32 to index
            %get3A_219 = arith.constant 0 : index
            %get3A_220 = tpu.vector_load %arg7[%get3A_218, %get3A_219] {strides = array<i32>} : memref<64x128xi32, #tpu.memory_space<vmem>>, vector<16xi32>,
            %bitcast3A_221 = vector.bitcast %get3A_220 : vector<16xi32> to vector<32xbf16>
            %mul3A_222 = arith.mulf %bitcast3A_221, %bitcast3A : vector<32xbf16>
            %unpack3A_223 = tpu.unpack_subelements %mul3A_222, 0 {pack_format = #tpu.pack_format<interleaved>} : vector<32xbf16> -> vector<16xf32>
            %unpack3A_224 = tpu.unpack_subelements %mul3A_222, 1 {pack_format = #tpu.pack_format<interleaved>} : vector<32xbf16> -> vector<16xf32>
            %add3A_225 = arith.addf %broadcast_in_dim3A_53, %unpack3A_223 : vector<16xf32>
            %add3A_226 = arith.addf %broadcast_in_dim3A_53, %unpack3A_224 : vector<16xf32>
            %get3A_227 = arith.index_cast %add3A_172 : i32 to index
            %get3A_228 = arith.constant 0 : index
            %get3A_229 = tpu.vector_load %arg7[%get3A_227, %get3A_228] {strides = array<i32>} : memref<64x128xi32, #tpu.memory_space<vmem>>, vector<16xi32>,
            %bitcast3A_230 = vector.bitcast %get3A_229 : vector<16xi32> to vector<32xbf16>
            %mul3A_231 = arith.mulf %bitcast3A_230, %bitcast3A : vector<32xbf16>
            %unpack3A_232 = tpu.unpack_subelements %mul3A_231, 0 {pack_format = #tpu.pack_format<interleaved>} : vector<32xbf16> -> vector<16xf32>
            %unpack3A_233 = tpu.unpack_subelements %mul3A_231, 1 {pack_format = #tpu.pack_format<interleaved>} : vector<32xbf16> -> vector<16xf32>
            %add3A_234 = arith.addf %broadcast_in_dim3A_53, %unpack3A_232 : vector<16xf32>
            %add3A_235 = arith.addf %broadcast_in_dim3A_53, %unpack3A_233 : vector<16xf32>
            %get3A_236 = arith.index_cast %add3A_179 : i32 to index
            %get3A_237 = arith.constant 0 : index
            %get3A_238 = tpu.vector_load %arg7[%get3A_236, %get3A_237] {strides = array<i32>} : memref<64x128xi32, #tpu.memory_space<vmem>>, vector<16xi32>,
            %bitcast3A_239 = vector.bitcast %get3A_238 : vector<16xi32> to vector<32xbf16>
            %mul3A_240 = arith.mulf %bitcast3A_239, %bitcast3A : vector<32xbf16>
            %unpack3A_241 = tpu.unpack_subelements %mul3A_240, 0 {pack_format = #tpu.pack_format<interleaved>} : vector<32xbf16> -> vector<16xf32>
            %unpack3A_242 = tpu.unpack_subelements %mul3A_240, 1 {pack_format = #tpu.pack_format<interleaved>} : vector<32xbf16> -> vector<16xf32>
            %add3A_243 = arith.addf %broadcast_in_dim3A_53, %unpack3A_241 : vector<16xf32>
            %add3A_244 = arith.addf %broadcast_in_dim3A_53, %unpack3A_242 : vector<16xf32>
            %get3A_245 = arith.index_cast %add3A_186 : i32 to index
            %get3A_246 = arith.constant 0 : index
            %get3A_247 = tpu.vector_load %arg7[%get3A_245, %get3A_246] {strides = array<i32>} : memref<64x128xi32, #tpu.memory_space<vmem>>, vector<16xi32>,
            %bitcast3A_248 = vector.bitcast %get3A_247 : vector<16xi32> to vector<32xbf16>
            %mul3A_249 = arith.mulf %bitcast3A_248, %bitcast3A : vector<32xbf16>
            %unpack3A_250 = tpu.unpack_subelements %mul3A_249, 0 {pack_format = #tpu.pack_format<interleaved>} : vector<32xbf16> -> vector<16xf32>
            %unpack3A_251 = tpu.unpack_subelements %mul3A_249, 1 {pack_format = #tpu.pack_format<interleaved>} : vector<32xbf16> -> vector<16xf32>
            %add3A_252 = arith.addf %broadcast_in_dim3A_53, %unpack3A_250 : vector<16xf32>
            %add3A_253 = arith.addf %broadcast_in_dim3A_53, %unpack3A_251 : vector<16xf32>
            %get3A_254 = arith.index_cast %add3A_193 : i32 to index
            %get3A_255 = arith.constant 0 : index
            %get3A_256 = tpu.vector_load %arg7[%get3A_254, %get3A_255] {strides = array<i32>} : memref<64x128xi32, #tpu.memory_space<vmem>>, vector<16xi32>,
            %bitcast3A_257 = vector.bitcast %get3A_256 : vector<16xi32> to vector<32xbf16>
            %mul3A_258 = arith.mulf %bitcast3A_257, %bitcast3A : vector<32xbf16>
            %unpack3A_259 = tpu.unpack_subelements %mul3A_258, 0 {pack_format = #tpu.pack_format<interleaved>} : vector<32xbf16> -> vector<16xf32>
            %unpack3A_260 = tpu.unpack_subelements %mul3A_258, 1 {pack_format = #tpu.pack_format<interleaved>} : vector<32xbf16> -> vector<16xf32>
            %add3A_261 = arith.addf %broadcast_in_dim3A_53, %unpack3A_259 : vector<16xf32>
            %add3A_262 = arith.addf %broadcast_in_dim3A_53, %unpack3A_260 : vector<16xf32>
            %get3A_263 = arith.index_cast %add3A_200 : i32 to index
            %get3A_264 = arith.constant 0 : index
            %get3A_265 = tpu.vector_load %arg7[%get3A_263, %get3A_264] {strides = array<i32>} : memref<64x128xi32, #tpu.memory_space<vmem>>, vector<16xi32>,
            %bitcast3A_266 = vector.bitcast %get3A_265 : vector<16xi32> to vector<32xbf16>
            %mul3A_267 = arith.mulf %bitcast3A_266, %bitcast3A : vector<32xbf16>
            %unpack3A_268 = tpu.unpack_subelements %mul3A_267, 0 {pack_format = #tpu.pack_format<interleaved>} : vector<32xbf16> -> vector<16xf32>
            %unpack3A_269 = tpu.unpack_subelements %mul3A_267, 1 {pack_format = #tpu.pack_format<interleaved>} : vector<32xbf16> -> vector<16xf32>
            %add3A_270 = arith.addf %broadcast_in_dim3A_53, %unpack3A_268 : vector<16xf32>
            %add3A_271 = arith.addf %broadcast_in_dim3A_53, %unpack3A_269 : vector<16xf32>
            %get3A_272 = arith.index_cast %add3A_207 : i32 to index
            %get3A_273 = arith.constant 0 : index
            %get3A_274 = tpu.vector_load %arg7[%get3A_272, %get3A_273] {strides = array<i32>} : memref<64x128xi32, #tpu.memory_space<vmem>>, vector<16xi32>,
            %bitcast3A_275 = vector.bitcast %get3A_274 : vector<16xi32> to vector<32xbf16>
            %mul3A_276 = arith.mulf %bitcast3A_275, %bitcast3A : vector<32xbf16>
            %unpack3A_277 = tpu.unpack_subelements %mul3A_276, 0 {pack_format = #tpu.pack_format<interleaved>} : vector<32xbf16> -> vector<16xf32>
            %unpack3A_278 = tpu.unpack_subelements %mul3A_276, 1 {pack_format = #tpu.pack_format<interleaved>} : vector<32xbf16> -> vector<16xf32>
            %add3A_279 = arith.addf %broadcast_in_dim3A_53, %unpack3A_277 : vector<16xf32>
            %add3A_280 = arith.addf %broadcast_in_dim3A_53, %unpack3A_278 : vector<16xf32>
            %get3A_281 = arith.index_cast %add3A_47 : i32 to index
            %get3A_282 = arith.constant 16 : index
            %get3A_283 = tpu.vector_load %arg5[%get3A_281, %get3A_282] {strides = array<i32>} : memref<32x128xi32, #tpu.memory_space<vmem>>, vector<16xi32>,
            %bitcast3A_284 = vector.bitcast %get3A_283 : vector<16xi32> to vector<32xbf16>
            %get3A_285 = arith.index_cast %add3A_158 : i32 to index
            %get3A_286 = arith.constant 16 : index
            %get3A_287 = tpu.vector_load %arg7[%get3A_285, %get3A_286] {strides = array<i32>} : memref<64x128xi32, #tpu.memory_space<vmem>>, vector<16xi32>,
            %bitcast3A_288 = vector.bitcast %get3A_287 : vector<16xi32> to vector<32xbf16>
            %mul3A_289 = arith.mulf %bitcast3A_288, %bitcast3A_284 : vector<32xbf16>
            %unpack3A_290 = tpu.unpack_subelements %mul3A_289, 0 {pack_format = #tpu.pack_format<interleaved>} : vector<32xbf16> -> vector<16xf32>
            %unpack3A_291 = tpu.unpack_subelements %mul3A_289, 1 {pack_format = #tpu.pack_format<interleaved>} : vector<32xbf16> -> vector<16xf32>
            %add3A_292 = arith.addf %add3A_216, %unpack3A_290 : vector<16xf32>
            %add3A_293 = arith.addf %add3A_217, %unpack3A_291 : vector<16xf32>
            %get3A_294 = arith.index_cast %add3A_165 : i32 to index
            %get3A_295 = arith.constant 16 : index
            %get3A_296 = tpu.vector_load %arg7[%get3A_294, %get3A_295] {strides = array<i32>} : memref<64x128xi32, #tpu.memory_space<vmem>>, vector<16xi32>,
            %bitcast3A_297 = vector.bitcast %get3A_296 : vector<16xi32> to vector<32xbf16>
            %mul3A_298 = arith.mulf %bitcast3A_297, %bitcast3A_284 : vector<32xbf16>
            %unpack3A_299 = tpu.unpack_subelements %mul3A_298, 0 {pack_format = #tpu.pack_format<interleaved>} : vector<32xbf16> -> vector<16xf32>
            %unpack3A_300 = tpu.unpack_subelements %mul3A_298, 1 {pack_format = #tpu.pack_format<interleaved>} : vector<32xbf16> -> vector<16xf32>
            %add3A_301 = arith.addf %add3A_225, %unpack3A_299 : vector<16xf32>
            %add3A_302 = arith.addf %add3A_226, %unpack3A_300 : vector<16xf32>
            %get3A_303 = arith.index_cast %add3A_172 : i32 to index
            %get3A_304 = arith.constant 16 : index
            %get3A_305 = tpu.vector_load %arg7[%get3A_303, %get3A_304] {strides = array<i32>} : memref<64x128xi32, #tpu.memory_space<vmem>>, vector<16xi32>,
            %bitcast3A_306 = vector.bitcast %get3A_305 : vector<16xi32> to vector<32xbf16>
            %mul3A_307 = arith.mulf %bitcast3A_306, %bitcast3A_284 : vector<32xbf16>
            %unpack3A_308 = tpu.unpack_subelements %mul3A_307, 0 {pack_format = #tpu.pack_format<interleaved>} : vector<32xbf16> -> vector<16xf32>
            %unpack3A_309 = tpu.unpack_subelements %mul3A_307, 1 {pack_format = #tpu.pack_format<interleaved>} : vector<32xbf16> -> vector<16xf32>
            %add3A_310 = arith.addf %add3A_234, %unpack3A_308 : vector<16xf32>
            %add3A_311 = arith.addf %add3A_235, %unpack3A_309 : vector<16xf32>
            %get3A_312 = arith.index_cast %add3A_179 : i32 to index
            %get3A_313 = arith.constant 16 : index
            %get3A_314 = tpu.vector_load %arg7[%get3A_312, %get3A_313] {strides = array<i32>} : memref<64x128xi32, #tpu.memory_space<vmem>>, vector<16xi32>,
            %bitcast3A_315 = vector.bitcast %get3A_314 : vector<16xi32> to vector<32xbf16>
            %mul3A_316 = arith.mulf %bitcast3A_315, %bitcast3A_284 : vector<32xbf16>
            %unpack3A_317 = tpu.unpack_subelements %mul3A_316, 0 {pack_format = #tpu.pack_format<interleaved>} : vector<32xbf16> -> vector<16xf32>
            %unpack3A_318 = tpu.unpack_subelements %mul3A_316, 1 {pack_format = #tpu.pack_format<interleaved>} : vector<32xbf16> -> vector<16xf32>
            %add3A_319 = arith.addf %add3A_243, %unpack3A_317 : vector<16xf32>
            %add3A_320 = arith.addf %add3A_244, %unpack3A_318 : vector<16xf32>
            %get3A_321 = arith.index_cast %add3A_186 : i32 to index
            %get3A_322 = arith.constant 16 : index
            %get3A_323 = tpu.vector_load %arg7[%get3A_321, %get3A_322] {strides = array<i32>} : memref<64x128xi32, #tpu.memory_space<vmem>>, vector<16xi32>,
            %bitcast3A_324 = vector.bitcast %get3A_323 : vector<16xi32> to vector<32xbf16>
            %mul3A_325 = arith.mulf %bitcast3A_324, %bitcast3A_284 : vector<32xbf16>
            %unpack3A_326 = tpu.unpack_subelements %mul3A_325, 0 {pack_format = #tpu.pack_format<interleaved>} : vector<32xbf16> -> vector<16xf32>
            %unpack3A_327 = tpu.unpack_subelements %mul3A_325, 1 {pack_format = #tpu.pack_format<interleaved>} : vector<32xbf16> -> vector<16xf32>
            %add3A_328 = arith.addf %add3A_252, %unpack3A_326 : vector<16xf32>
            %add3A_329 = arith.addf %add3A_253, %unpack3A_327 : vector<16xf32>
            %get3A_330 = arith.index_cast %add3A_193 : i32 to index
            %get3A_331 = arith.constant 16 : index
            %get3A_332 = tpu.vector_load %arg7[%get3A_330, %get3A_331] {strides = array<i32>} : memref<64x128xi32, #tpu.memory_space<vmem>>, vector<16xi32>,
            %bitcast3A_333 = vector.bitcast %get3A_332 : vector<16xi32> to vector<32xbf16>
            %mul3A_334 = arith.mulf %bitcast3A_333, %bitcast3A_284 : vector<32xbf16>
            %unpack3A_335 = tpu.unpack_subelements %mul3A_334, 0 {pack_format = #tpu.pack_format<interleaved>} : vector<32xbf16> -> vector<16xf32>
            %unpack3A_336 = tpu.unpack_subelements %mul3A_334, 1 {pack_format = #tpu.pack_format<interleaved>} : vector<32xbf16> -> vector<16xf32>
            %add3A_337 = arith.addf %add3A_261, %unpack3A_335 : vector<16xf32>
            %add3A_338 = arith.addf %add3A_262, %unpack3A_336 : vector<16xf32>
            %get3A_339 = arith.index_cast %add3A_200 : i32 to index
            %get3A_340 = arith.constant 16 : index
            %get3A_341 = tpu.vector_load %arg7[%get3A_339, %get3A_340] {strides = array<i32>} : memref<64x128xi32, #tpu.memory_space<vmem>>, vector<16xi32>,
            %bitcast3A_342 = vector.bitcast %get3A_341 : vector<16xi32> to vector<32xbf16>
            %mul3A_343 = arith.mulf %bitcast3A_342, %bitcast3A_284 : vector<32xbf16>
            %unpack3A_344 = tpu.unpack_subelements %mul3A_343, 0 {pack_format = #tpu.pack_format<interleaved>} : vector<32xbf16> -> vector<16xf32>
            %unpack3A_345 = tpu.unpack_subelements %mul3A_343, 1 {pack_format = #tpu.pack_format<interleaved>} : vector<32xbf16> -> vector<16xf32>
            %add3A_346 = arith.addf %add3A_270, %unpack3A_344 : vector<16xf32>
            %add3A_347 = arith.addf %add3A_271, %unpack3A_345 : vector<16xf32>
            %get3A_348 = arith.index_cast %add3A_207 : i32 to index
            %get3A_349 = arith.constant 16 : index
            %get3A_350 = tpu.vector_load %arg7[%get3A_348, %get3A_349] {strides = array<i32>} : memref<64x128xi32, #tpu.memory_space<vmem>>, vector<16xi32>,
            %bitcast3A_351 = vector.bitcast %get3A_350 : vector<16xi32> to vector<32xbf16>
            %mul3A_352 = arith.mulf %bitcast3A_351, %bitcast3A_284 : vector<32xbf16>
            %unpack3A_353 = tpu.unpack_subelements %mul3A_352, 0 {pack_format = #tpu.pack_format<interleaved>} : vector<32xbf16> -> vector<16xf32>
            %unpack3A_354 = tpu.unpack_subelements %mul3A_352, 1 {pack_format = #tpu.pack_format<interleaved>} : vector<32xbf16> -> vector<16xf32>
            %add3A_355 = arith.addf %add3A_279, %unpack3A_353 : vector<16xf32>
            %add3A_356 = arith.addf %add3A_280, %unpack3A_354 : vector<16xf32>
            %get3A_357 = arith.index_cast %add3A_47 : i32 to index
            %get3A_358 = arith.constant 32 : index
            %get3A_359 = tpu.vector_load %arg5[%get3A_357, %get3A_358] {strides = array<i32>} : memref<32x128xi32, #tpu.memory_space<vmem>>, vector<16xi32>,
            %bitcast3A_360 = vector.bitcast %get3A_359 : vector<16xi32> to vector<32xbf16>
            %get3A_361 = arith.index_cast %add3A_158 : i32 to index
            %get3A_362 = arith.constant 32 : index
            %get3A_363 = tpu.vector_load %arg7[%get3A_361, %get3A_362] {strides = array<i32>} : memref<64x128xi32, #tpu.memory_space<vmem>>, vector<16xi32>,
            %bitcast3A_364 = vector.bitcast %get3A_363 : vector<16xi32> to vector<32xbf16>
            %mul3A_365 = arith.mulf %bitcast3A_364, %bitcast3A_360 : vector<32xbf16>
            %unpack3A_366 = tpu.unpack_subelements %mul3A_365, 0 {pack_format = #tpu.pack_format<interleaved>} : vector<32xbf16> -> vector<16xf32>
            %unpack3A_367 = tpu.unpack_subelements %mul3A_365, 1 {pack_format = #tpu.pack_format<interleaved>} : vector<32xbf16> -> vector<16xf32>
            %add3A_368 = arith.addf %add3A_292, %unpack3A_366 : vector<16xf32>
            %add3A_369 = arith.addf %add3A_293, %unpack3A_367 : vector<16xf32>
            %get3A_370 = arith.index_cast %add3A_165 : i32 to index
            %get3A_371 = arith.constant 32 : index
            %get3A_372 = tpu.vector_load %arg7[%get3A_370, %get3A_371] {strides = array<i32>} : memref<64x128xi32, #tpu.memory_space<vmem>>, vector<16xi32>,
            %bitcast3A_373 = vector.bitcast %get3A_372 : vector<16xi32> to vector<32xbf16>
            %mul3A_374 = arith.mulf %bitcast3A_373, %bitcast3A_360 : vector<32xbf16>
            %unpack3A_375 = tpu.unpack_subelements %mul3A_374, 0 {pack_format = #tpu.pack_format<interleaved>} : vector<32xbf16> -> vector<16xf32>
            %unpack3A_376 = tpu.unpack_subelements %mul3A_374, 1 {pack_format = #tpu.pack_format<interleaved>} : vector<32xbf16> -> vector<16xf32>
            %add3A_377 = arith.addf %add3A_301, %unpack3A_375 : vector<16xf32>
            %add3A_378 = arith.addf %add3A_302, %unpack3A_376 : vector<16xf32>
            %get3A_379 = arith.index_cast %add3A_172 : i32 to index
            %get3A_380 = arith.constant 32 : index
            %get3A_381 = tpu.vector_load %arg7[%get3A_379, %get3A_380] {strides = array<i32>} : memref<64x128xi32, #tpu.memory_space<vmem>>, vector<16xi32>,
            %bitcast3A_382 = vector.bitcast %get3A_381 : vector<16xi32> to vector<32xbf16>
            %mul3A_383 = arith.mulf %bitcast3A_382, %bitcast3A_360 : vector<32xbf16>
            %unpack3A_384 = tpu.unpack_subelements %mul3A_383, 0 {pack_format = #tpu.pack_format<interleaved>} : vector<32xbf16> -> vector<16xf32>
            %unpack3A_385 = tpu.unpack_subelements %mul3A_383, 1 {pack_format = #tpu.pack_format<interleaved>} : vector<32xbf16> -> vector<16xf32>
            %add3A_386 = arith.addf %add3A_310, %unpack3A_384 : vector<16xf32>
            %add3A_387 = arith.addf %add3A_311, %unpack3A_385 : vector<16xf32>
            %get3A_388 = arith.index_cast %add3A_179 : i32 to index
            %get3A_389 = arith.constant 32 : index
            %get3A_390 = tpu.vector_load %arg7[%get3A_388, %get3A_389] {strides = array<i32>} : memref<64x128xi32, #tpu.memory_space<vmem>>, vector<16xi32>,
            %bitcast3A_391 = vector.bitcast %get3A_390 : vector<16xi32> to vector<32xbf16>
            %mul3A_392 = arith.mulf %bitcast3A_391, %bitcast3A_360 : vector<32xbf16>
            %unpack3A_393 = tpu.unpack_subelements %mul3A_392, 0 {pack_format = #tpu.pack_format<interleaved>} : vector<32xbf16> -> vector<16xf32>
            %unpack3A_394 = tpu.unpack_subelements %mul3A_392, 1 {pack_format = #tpu.pack_format<interleaved>} : vector<32xbf16> -> vector<16xf32>
            %add3A_395 = arith.addf %add3A_319, %unpack3A_393 : vector<16xf32>
            %add3A_396 = arith.addf %add3A_320, %unpack3A_394 : vector<16xf32>
            %get3A_397 = arith.index_cast %add3A_186 : i32 to index
            %get3A_398 = arith.constant 32 : index
            %get3A_399 = tpu.vector_load %arg7[%get3A_397, %get3A_398] {strides = array<i32>} : memref<64x128xi32, #tpu.memory_space<vmem>>, vector<16xi32>,
            %bitcast3A_400 = vector.bitcast %get3A_399 : vector<16xi32> to vector<32xbf16>
            %mul3A_401 = arith.mulf %bitcast3A_400, %bitcast3A_360 : vector<32xbf16>
            %unpack3A_402 = tpu.unpack_subelements %mul3A_401, 0 {pack_format = #tpu.pack_format<interleaved>} : vector<32xbf16> -> vector<16xf32>
            %unpack3A_403 = tpu.unpack_subelements %mul3A_401, 1 {pack_format = #tpu.pack_format<interleaved>} : vector<32xbf16> -> vector<16xf32>
            %add3A_404 = arith.addf %add3A_328, %unpack3A_402 : vector<16xf32>
            %add3A_405 = arith.addf %add3A_329, %unpack3A_403 : vector<16xf32>
            %get3A_406 = arith.index_cast %add3A_193 : i32 to index
            %get3A_407 = arith.constant 32 : index
            %get3A_408 = tpu.vector_load %arg7[%get3A_406, %get3A_407] {strides = array<i32>} : memref<64x128xi32, #tpu.memory_space<vmem>>, vector<16xi32>,
            %bitcast3A_409 = vector.bitcast %get3A_408 : vector<16xi32> to vector<32xbf16>
            %mul3A_410 = arith.mulf %bitcast3A_409, %bitcast3A_360 : vector<32xbf16>
            %unpack3A_411 = tpu.unpack_subelements %mul3A_410, 0 {pack_format = #tpu.pack_format<interleaved>} : vector<32xbf16> -> vector<16xf32>
            %unpack3A_412 = tpu.unpack_subelements %mul3A_410, 1 {pack_format = #tpu.pack_format<interleaved>} : vector<32xbf16> -> vector<16xf32>
            %add3A_413 = arith.addf %add3A_337, %unpack3A_411 : vector<16xf32>
            %add3A_414 = arith.addf %add3A_338, %unpack3A_412 : vector<16xf32>
            %get3A_415 = arith.index_cast %add3A_200 : i32 to index
            %get3A_416 = arith.constant 32 : index
            %get3A_417 = tpu.vector_load %arg7[%get3A_415, %get3A_416] {strides = array<i32>} : memref<64x128xi32, #tpu.memory_space<vmem>>, vector<16xi32>,
            %bitcast3A_418 = vector.bitcast %get3A_417 : vector<16xi32> to vector<32xbf16>
            %mul3A_419 = arith.mulf %bitcast3A_418, %bitcast3A_360 : vector<32xbf16>
            %unpack3A_420 = tpu.unpack_subelements %mul3A_419, 0 {pack_format = #tpu.pack_format<interleaved>} : vector<32xbf16> -> vector<16xf32>
            %unpack3A_421 = tpu.unpack_subelements %mul3A_419, 1 {pack_format = #tpu.pack_format<interleaved>} : vector<32xbf16> -> vector<16xf32>
            %add3A_422 = arith.addf %add3A_346, %unpack3A_420 : vector<16xf32>
            %add3A_423 = arith.addf %add3A_347, %unpack3A_421 : vector<16xf32>
            %get3A_424 = arith.index_cast %add3A_207 : i32 to index
            %get3A_425 = arith.constant 32 : index
            %get3A_426 = tpu.vector_load %arg7[%get3A_424, %get3A_425] {strides = array<i32>} : memref<64x128xi32, #tpu.memory_space<vmem>>, vector<16xi32>,
            %bitcast3A_427 = vector.bitcast %get3A_426 : vector<16xi32> to vector<32xbf16>
            %mul3A_428 = arith.mulf %bitcast3A_427, %bitcast3A_360 : vector<32xbf16>
            %unpack3A_429 = tpu.unpack_subelements %mul3A_428, 0 {pack_format = #tpu.pack_format<interleaved>} : vector<32xbf16> -> vector<16xf32>
            %unpack3A_430 = tpu.unpack_subelements %mul3A_428, 1 {pack_format = #tpu.pack_format<interleaved>} : vector<32xbf16> -> vector<16xf32>
            %add3A_431 = arith.addf %add3A_355, %unpack3A_429 : vector<16xf32>
            %add3A_432 = arith.addf %add3A_356, %unpack3A_430 : vector<16xf32>
            %get3A_433 = arith.index_cast %add3A_47 : i32 to index
            %get3A_434 = arith.constant 48 : index
            %get3A_435 = tpu.vector_load %arg5[%get3A_433, %get3A_434] {strides = array<i32>} : memref<32x128xi32, #tpu.memory_space<vmem>>, vector<16xi32>,
            %bitcast3A_436 = vector.bitcast %get3A_435 : vector<16xi32> to vector<32xbf16>
            %get3A_437 = arith.index_cast %add3A_158 : i32 to index
            %get3A_438 = arith.constant 48 : index
            %get3A_439 = tpu.vector_load %arg7[%get3A_437, %get3A_438] {strides = array<i32>} : memref<64x128xi32, #tpu.memory_space<vmem>>, vector<16xi32>,
            %bitcast3A_440 = vector.bitcast %get3A_439 : vector<16xi32> to vector<32xbf16>
            %mul3A_441 = arith.mulf %bitcast3A_440, %bitcast3A_436 : vector<32xbf16>
            %unpack3A_442 = tpu.unpack_subelements %mul3A_441, 0 {pack_format = #tpu.pack_format<interleaved>} : vector<32xbf16> -> vector<16xf32>
            %unpack3A_443 = tpu.unpack_subelements %mul3A_441, 1 {pack_format = #tpu.pack_format<interleaved>} : vector<32xbf16> -> vector<16xf32>
            %add3A_444 = arith.addf %add3A_368, %unpack3A_442 : vector<16xf32>
            %add3A_445 = arith.addf %add3A_369, %unpack3A_443 : vector<16xf32>
            %get3A_446 = arith.index_cast %add3A_165 : i32 to index
            %get3A_447 = arith.constant 48 : index
            %get3A_448 = tpu.vector_load %arg7[%get3A_446, %get3A_447] {strides = array<i32>} : memref<64x128xi32, #tpu.memory_space<vmem>>, vector<16xi32>,
            %bitcast3A_449 = vector.bitcast %get3A_448 : vector<16xi32> to vector<32xbf16>
            %mul3A_450 = arith.mulf %bitcast3A_449, %bitcast3A_436 : vector<32xbf16>
            %unpack3A_451 = tpu.unpack_subelements %mul3A_450, 0 {pack_format = #tpu.pack_format<interleaved>} : vector<32xbf16> -> vector<16xf32>
            %unpack3A_452 = tpu.unpack_subelements %mul3A_450, 1 {pack_format = #tpu.pack_format<interleaved>} : vector<32xbf16> -> vector<16xf32>
            %add3A_453 = arith.addf %add3A_377, %unpack3A_451 : vector<16xf32>
            %add3A_454 = arith.addf %add3A_378, %unpack3A_452 : vector<16xf32>
            %get3A_455 = arith.index_cast %add3A_172 : i32 to index
            %get3A_456 = arith.constant 48 : index
            %get3A_457 = tpu.vector_load %arg7[%get3A_455, %get3A_456] {strides = array<i32>} : memref<64x128xi32, #tpu.memory_space<vmem>>, vector<16xi32>,
            %bitcast3A_458 = vector.bitcast %get3A_457 : vector<16xi32> to vector<32xbf16>
            %mul3A_459 = arith.mulf %bitcast3A_458, %bitcast3A_436 : vector<32xbf16>
            %unpack3A_460 = tpu.unpack_subelements %mul3A_459, 0 {pack_format = #tpu.pack_format<interleaved>} : vector<32xbf16> -> vector<16xf32>
            %unpack3A_461 = tpu.unpack_subelements %mul3A_459, 1 {pack_format = #tpu.pack_format<interleaved>} : vector<32xbf16> -> vector<16xf32>
            %add3A_462 = arith.addf %add3A_386, %unpack3A_460 : vector<16xf32>
            %add3A_463 = arith.addf %add3A_387, %unpack3A_461 : vector<16xf32>
            %get3A_464 = arith.index_cast %add3A_179 : i32 to index
            %get3A_465 = arith.constant 48 : index
            %get3A_466 = tpu.vector_load %arg7[%get3A_464, %get3A_465] {strides = array<i32>} : memref<64x128xi32, #tpu.memory_space<vmem>>, vector<16xi32>,
            %bitcast3A_467 = vector.bitcast %get3A_466 : vector<16xi32> to vector<32xbf16>
            %mul3A_468 = arith.mulf %bitcast3A_467, %bitcast3A_436 : vector<32xbf16>
            %unpack3A_469 = tpu.unpack_subelements %mul3A_468, 0 {pack_format = #tpu.pack_format<interleaved>} : vector<32xbf16> -> vector<16xf32>
            %unpack3A_470 = tpu.unpack_subelements %mul3A_468, 1 {pack_format = #tpu.pack_format<interleaved>} : vector<32xbf16> -> vector<16xf32>
            %add3A_471 = arith.addf %add3A_395, %unpack3A_469 : vector<16xf32>
            %add3A_472 = arith.addf %add3A_396, %unpack3A_470 : vector<16xf32>
            %get3A_473 = arith.index_cast %add3A_186 : i32 to index
            %get3A_474 = arith.constant 48 : index
            %get3A_475 = tpu.vector_load %arg7[%get3A_473, %get3A_474] {strides = array<i32>} : memref<64x128xi32, #tpu.memory_space<vmem>>, vector<16xi32>,
            %bitcast3A_476 = vector.bitcast %get3A_475 : vector<16xi32> to vector<32xbf16>
            %mul3A_477 = arith.mulf %bitcast3A_476, %bitcast3A_436 : vector<32xbf16>
            %unpack3A_478 = tpu.unpack_subelements %mul3A_477, 0 {pack_format = #tpu.pack_format<interleaved>} : vector<32xbf16> -> vector<16xf32>
            %unpack3A_479 = tpu.unpack_subelements %mul3A_477, 1 {pack_format = #tpu.pack_format<interleaved>} : vector<32xbf16> -> vector<16xf32>
            %add3A_480 = arith.addf %add3A_404, %unpack3A_478 : vector<16xf32>
            %add3A_481 = arith.addf %add3A_405, %unpack3A_479 : vector<16xf32>
            %get3A_482 = arith.index_cast %add3A_193 : i32 to index
            %get3A_483 = arith.constant 48 : index
            %get3A_484 = tpu.vector_load %arg7[%get3A_482, %get3A_483] {strides = array<i32>} : memref<64x128xi32, #tpu.memory_space<vmem>>, vector<16xi32>,
            %bitcast3A_485 = vector.bitcast %get3A_484 : vector<16xi32> to vector<32xbf16>
            %mul3A_486 = arith.mulf %bitcast3A_485, %bitcast3A_436 : vector<32xbf16>
            %unpack3A_487 = tpu.unpack_subelements %mul3A_486, 0 {pack_format = #tpu.pack_format<interleaved>} : vector<32xbf16> -> vector<16xf32>
            %unpack3A_488 = tpu.unpack_subelements %mul3A_486, 1 {pack_format = #tpu.pack_format<interleaved>} : vector<32xbf16> -> vector<16xf32>
            %add3A_489 = arith.addf %add3A_413, %unpack3A_487 : vector<16xf32>
            %add3A_490 = arith.addf %add3A_414, %unpack3A_488 : vector<16xf32>
            %get3A_491 = arith.index_cast %add3A_200 : i32 to index
            %get3A_492 = arith.constant 48 : index
            %get3A_493 = tpu.vector_load %arg7[%get3A_491, %get3A_492] {strides = array<i32>} : memref<64x128xi32, #tpu.memory_space<vmem>>, vector<16xi32>,
            %bitcast3A_494 = vector.bitcast %get3A_493 : vector<16xi32> to vector<32xbf16>
            %mul3A_495 = arith.mulf %bitcast3A_494, %bitcast3A_436 : vector<32xbf16>
            %unpack3A_496 = tpu.unpack_subelements %mul3A_495, 0 {pack_format = #tpu.pack_format<interleaved>} : vector<32xbf16> -> vector<16xf32>
            %unpack3A_497 = tpu.unpack_subelements %mul3A_495, 1 {pack_format = #tpu.pack_format<interleaved>} : vector<32xbf16> -> vector<16xf32>
            %add3A_498 = arith.addf %add3A_422, %unpack3A_496 : vector<16xf32>
            %add3A_499 = arith.addf %add3A_423, %unpack3A_497 : vector<16xf32>
            %get3A_500 = arith.index_cast %add3A_207 : i32 to index
            %get3A_501 = arith.constant 48 : index
            %get3A_502 = tpu.vector_load %arg7[%get3A_500, %get3A_501] {strides = array<i32>} : memref<64x128xi32, #tpu.memory_space<vmem>>, vector<16xi32>,
            %bitcast3A_503 = vector.bitcast %get3A_502 : vector<16xi32> to vector<32xbf16>
            %mul3A_504 = arith.mulf %bitcast3A_503, %bitcast3A_436 : vector<32xbf16>
            %unpack3A_505 = tpu.unpack_subelements %mul3A_504, 0 {pack_format = #tpu.pack_format<interleaved>} : vector<32xbf16> -> vector<16xf32>
            %unpack3A_506 = tpu.unpack_subelements %mul3A_504, 1 {pack_format = #tpu.pack_format<interleaved>} : vector<32xbf16> -> vector<16xf32>
            %add3A_507 = arith.addf %add3A_431, %unpack3A_505 : vector<16xf32>
            %add3A_508 = arith.addf %add3A_432, %unpack3A_506 : vector<16xf32>
            %get3A_509 = arith.index_cast %add3A_47 : i32 to index
            %get3A_510 = arith.constant 64 : index
            %get3A_511 = tpu.vector_load %arg5[%get3A_509, %get3A_510] {strides = array<i32>} : memref<32x128xi32, #tpu.memory_space<vmem>>, vector<16xi32>,
            %bitcast3A_512 = vector.bitcast %get3A_511 : vector<16xi32> to vector<32xbf16>
            %get3A_513 = arith.index_cast %add3A_158 : i32 to index
            %get3A_514 = arith.constant 64 : index
            %get3A_515 = tpu.vector_load %arg7[%get3A_513, %get3A_514] {strides = array<i32>} : memref<64x128xi32, #tpu.memory_space<vmem>>, vector<16xi32>,
            %bitcast3A_516 = vector.bitcast %get3A_515 : vector<16xi32> to vector<32xbf16>
            %mul3A_517 = arith.mulf %bitcast3A_516, %bitcast3A_512 : vector<32xbf16>
            %unpack3A_518 = tpu.unpack_subelements %mul3A_517, 0 {pack_format = #tpu.pack_format<interleaved>} : vector<32xbf16> -> vector<16xf32>
            %unpack3A_519 = tpu.unpack_subelements %mul3A_517, 1 {pack_format = #tpu.pack_format<interleaved>} : vector<32xbf16> -> vector<16xf32>
            %add3A_520 = arith.addf %add3A_444, %unpack3A_518 : vector<16xf32>
            %add3A_521 = arith.addf %add3A_445, %unpack3A_519 : vector<16xf32>
            %get3A_522 = arith.index_cast %add3A_165 : i32 to index
            %get3A_523 = arith.constant 64 : index
            %get3A_524 = tpu.vector_load %arg7[%get3A_522, %get3A_523] {strides = array<i32>} : memref<64x128xi32, #tpu.memory_space<vmem>>, vector<16xi32>,
            %bitcast3A_525 = vector.bitcast %get3A_524 : vector<16xi32> to vector<32xbf16>
            %mul3A_526 = arith.mulf %bitcast3A_525, %bitcast3A_512 : vector<32xbf16>
            %unpack3A_527 = tpu.unpack_subelements %mul3A_526, 0 {pack_format = #tpu.pack_format<interleaved>} : vector<32xbf16> -> vector<16xf32>
            %unpack3A_528 = tpu.unpack_subelements %mul3A_526, 1 {pack_format = #tpu.pack_format<interleaved>} : vector<32xbf16> -> vector<16xf32>
            %add3A_529 = arith.addf %add3A_453, %unpack3A_527 : vector<16xf32>
            %add3A_530 = arith.addf %add3A_454, %unpack3A_528 : vector<16xf32>
            %get3A_531 = arith.index_cast %add3A_172 : i32 to index
            %get3A_532 = arith.constant 64 : index
            %get3A_533 = tpu.vector_load %arg7[%get3A_531, %get3A_532] {strides = array<i32>} : memref<64x128xi32, #tpu.memory_space<vmem>>, vector<16xi32>,
            %bitcast3A_534 = vector.bitcast %get3A_533 : vector<16xi32> to vector<32xbf16>
            %mul3A_535 = arith.mulf %bitcast3A_534, %bitcast3A_512 : vector<32xbf16>
            %unpack3A_536 = tpu.unpack_subelements %mul3A_535, 0 {pack_format = #tpu.pack_format<interleaved>} : vector<32xbf16> -> vector<16xf32>
            %unpack3A_537 = tpu.unpack_subelements %mul3A_535, 1 {pack_format = #tpu.pack_format<interleaved>} : vector<32xbf16> -> vector<16xf32>
            %add3A_538 = arith.addf %add3A_462, %unpack3A_536 : vector<16xf32>
            %add3A_539 = arith.addf %add3A_463, %unpack3A_537 : vector<16xf32>
            %get3A_540 = arith.index_cast %add3A_179 : i32 to index
            %get3A_541 = arith.constant 64 : index
            %get3A_542 = tpu.vector_load %arg7[%get3A_540, %get3A_541] {strides = array<i32>} : memref<64x128xi32, #tpu.memory_space<vmem>>, vector<16xi32>,
            %bitcast3A_543 = vector.bitcast %get3A_542 : vector<16xi32> to vector<32xbf16>
            %mul3A_544 = arith.mulf %bitcast3A_543, %bitcast3A_512 : vector<32xbf16>
            %unpack3A_545 = tpu.unpack_subelements %mul3A_544, 0 {pack_format = #tpu.pack_format<interleaved>} : vector<32xbf16> -> vector<16xf32>
            %unpack3A_546 = tpu.unpack_subelements %mul3A_544, 1 {pack_format = #tpu.pack_format<interleaved>} : vector<32xbf16> -> vector<16xf32>
            %add3A_547 = arith.addf %add3A_471, %unpack3A_545 : vector<16xf32>
            %add3A_548 = arith.addf %add3A_472, %unpack3A_546 : vector<16xf32>
            %get3A_549 = arith.index_cast %add3A_186 : i32 to index
            %get3A_550 = arith.constant 64 : index
            %get3A_551 = tpu.vector_load %arg7[%get3A_549, %get3A_550] {strides = array<i32>} : memref<64x128xi32, #tpu.memory_space<vmem>>, vector<16xi32>,
            %bitcast3A_552 = vector.bitcast %get3A_551 : vector<16xi32> to vector<32xbf16>
            %mul3A_553 = arith.mulf %bitcast3A_552, %bitcast3A_512 : vector<32xbf16>
            %unpack3A_554 = tpu.unpack_subelements %mul3A_553, 0 {pack_format = #tpu.pack_format<interleaved>} : vector<32xbf16> -> vector<16xf32>
            %unpack3A_555 = tpu.unpack_subelements %mul3A_553, 1 {pack_format = #tpu.pack_format<interleaved>} : vector<32xbf16> -> vector<16xf32>
            %add3A_556 = arith.addf %add3A_480, %unpack3A_554 : vector<16xf32>
            %add3A_557 = arith.addf %add3A_481, %unpack3A_555 : vector<16xf32>
            %get3A_558 = arith.index_cast %add3A_193 : i32 to index
            %get3A_559 = arith.constant 64 : index
            %get3A_560 = tpu.vector_load %arg7[%get3A_558, %get3A_559] {strides = array<i32>} : memref<64x128xi32, #tpu.memory_space<vmem>>, vector<16xi32>,
            %bitcast3A_561 = vector.bitcast %get3A_560 : vector<16xi32> to vector<32xbf16>
            %mul3A_562 = arith.mulf %bitcast3A_561, %bitcast3A_512 : vector<32xbf16>
            %unpack3A_563 = tpu.unpack_subelements %mul3A_562, 0 {pack_format = #tpu.pack_format<interleaved>} : vector<32xbf16> -> vector<16xf32>
            %unpack3A_564 = tpu.unpack_subelements %mul3A_562, 1 {pack_format = #tpu.pack_format<interleaved>} : vector<32xbf16> -> vector<16xf32>
            %add3A_565 = arith.addf %add3A_489, %unpack3A_563 : vector<16xf32>
            %add3A_566 = arith.addf %add3A_490, %unpack3A_564 : vector<16xf32>
            %get3A_567 = arith.index_cast %add3A_200 : i32 to index
            %get3A_568 = arith.constant 64 : index
            %get3A_569 = tpu.vector_load %arg7[%get3A_567, %get3A_568] {strides = array<i32>} : memref<64x128xi32, #tpu.memory_space<vmem>>, vector<16xi32>,
            %bitcast3A_570 = vector.bitcast %get3A_569 : vector<16xi32> to vector<32xbf16>
            %mul3A_571 = arith.mulf %bitcast3A_570, %bitcast3A_512 : vector<32xbf16>
            %unpack3A_572 = tpu.unpack_subelements %mul3A_571, 0 {pack_format = #tpu.pack_format<interleaved>} : vector<32xbf16> -> vector<16xf32>
            %unpack3A_573 = tpu.unpack_subelements %mul3A_571, 1 {pack_format = #tpu.pack_format<interleaved>} : vector<32xbf16> -> vector<16xf32>
            %add3A_574 = arith.addf %add3A_498, %unpack3A_572 : vector<16xf32>
            %add3A_575 = arith.addf %add3A_499, %unpack3A_573 : vector<16xf32>
            %get3A_576 = arith.index_cast %add3A_207 : i32 to index
            %get3A_577 = arith.constant 64 : index
            %get3A_578 = tpu.vector_load %arg7[%get3A_576, %get3A_577] {strides = array<i32>} : memref<64x128xi32, #tpu.memory_space<vmem>>, vector<16xi32>,
            %bitcast3A_579 = vector.bitcast %get3A_578 : vector<16xi32> to vector<32xbf16>
            %mul3A_580 = arith.mulf %bitcast3A_579, %bitcast3A_512 : vector<32xbf16>
            %unpack3A_581 = tpu.unpack_subelements %mul3A_580, 0 {pack_format = #tpu.pack_format<interleaved>} : vector<32xbf16> -> vector<16xf32>
            %unpack3A_582 = tpu.unpack_subelements %mul3A_580, 1 {pack_format = #tpu.pack_format<interleaved>} : vector<32xbf16> -> vector<16xf32>
            %add3A_583 = arith.addf %add3A_507, %unpack3A_581 : vector<16xf32>
            %add3A_584 = arith.addf %add3A_508, %unpack3A_582 : vector<16xf32>
            %get3A_585 = arith.index_cast %add3A_47 : i32 to index
            %get3A_586 = arith.constant 80 : index
            %get3A_587 = tpu.vector_load %arg5[%get3A_585, %get3A_586] {strides = array<i32>} : memref<32x128xi32, #tpu.memory_space<vmem>>, vector<16xi32>,
            %bitcast3A_588 = vector.bitcast %get3A_587 : vector<16xi32> to vector<32xbf16>
            %get3A_589 = arith.index_cast %add3A_158 : i32 to index
            %get3A_590 = arith.constant 80 : index
            %get3A_591 = tpu.vector_load %arg7[%get3A_589, %get3A_590] {strides = array<i32>} : memref<64x128xi32, #tpu.memory_space<vmem>>, vector<16xi32>,
            %bitcast3A_592 = vector.bitcast %get3A_591 : vector<16xi32> to vector<32xbf16>
            %mul3A_593 = arith.mulf %bitcast3A_592, %bitcast3A_588 : vector<32xbf16>
            %unpack3A_594 = tpu.unpack_subelements %mul3A_593, 0 {pack_format = #tpu.pack_format<interleaved>} : vector<32xbf16> -> vector<16xf32>
            %unpack3A_595 = tpu.unpack_subelements %mul3A_593, 1 {pack_format = #tpu.pack_format<interleaved>} : vector<32xbf16> -> vector<16xf32>
            %add3A_596 = arith.addf %add3A_520, %unpack3A_594 : vector<16xf32>
            %add3A_597 = arith.addf %add3A_521, %unpack3A_595 : vector<16xf32>
            %get3A_598 = arith.index_cast %add3A_165 : i32 to index
            %get3A_599 = arith.constant 80 : index
            %get3A_600 = tpu.vector_load %arg7[%get3A_598, %get3A_599] {strides = array<i32>} : memref<64x128xi32, #tpu.memory_space<vmem>>, vector<16xi32>,
            %bitcast3A_601 = vector.bitcast %get3A_600 : vector<16xi32> to vector<32xbf16>
            %mul3A_602 = arith.mulf %bitcast3A_601, %bitcast3A_588 : vector<32xbf16>
            %unpack3A_603 = tpu.unpack_subelements %mul3A_602, 0 {pack_format = #tpu.pack_format<interleaved>} : vector<32xbf16> -> vector<16xf32>
            %unpack3A_604 = tpu.unpack_subelements %mul3A_602, 1 {pack_format = #tpu.pack_format<interleaved>} : vector<32xbf16> -> vector<16xf32>
            %add3A_605 = arith.addf %add3A_529, %unpack3A_603 : vector<16xf32>
            %add3A_606 = arith.addf %add3A_530, %unpack3A_604 : vector<16xf32>
            %get3A_607 = arith.index_cast %add3A_172 : i32 to index
            %get3A_608 = arith.constant 80 : index
            %get3A_609 = tpu.vector_load %arg7[%get3A_607, %get3A_608] {strides = array<i32>} : memref<64x128xi32, #tpu.memory_space<vmem>>, vector<16xi32>,
            %bitcast3A_610 = vector.bitcast %get3A_609 : vector<16xi32> to vector<32xbf16>
            %mul3A_611 = arith.mulf %bitcast3A_610, %bitcast3A_588 : vector<32xbf16>
            %unpack3A_612 = tpu.unpack_subelements %mul3A_611, 0 {pack_format = #tpu.pack_format<interleaved>} : vector<32xbf16> -> vector<16xf32>
            %unpack3A_613 = tpu.unpack_subelements %mul3A_611, 1 {pack_format = #tpu.pack_format<interleaved>} : vector<32xbf16> -> vector<16xf32>
            %add3A_614 = arith.addf %add3A_538, %unpack3A_612 : vector<16xf32>
            %add3A_615 = arith.addf %add3A_539, %unpack3A_613 : vector<16xf32>
            %get3A_616 = arith.index_cast %add3A_179 : i32 to index
            %get3A_617 = arith.constant 80 : index
            %get3A_618 = tpu.vector_load %arg7[%get3A_616, %get3A_617] {strides = array<i32>} : memref<64x128xi32, #tpu.memory_space<vmem>>, vector<16xi32>,
            %bitcast3A_619 = vector.bitcast %get3A_618 : vector<16xi32> to vector<32xbf16>
            %mul3A_620 = arith.mulf %bitcast3A_619, %bitcast3A_588 : vector<32xbf16>
            %unpack3A_621 = tpu.unpack_subelements %mul3A_620, 0 {pack_format = #tpu.pack_format<interleaved>} : vector<32xbf16> -> vector<16xf32>
            %unpack3A_622 = tpu.unpack_subelements %mul3A_620, 1 {pack_format = #tpu.pack_format<interleaved>} : vector<32xbf16> -> vector<16xf32>
            %add3A_623 = arith.addf %add3A_547, %unpack3A_621 : vector<16xf32>
            %add3A_624 = arith.addf %add3A_548, %unpack3A_622 : vector<16xf32>
            %get3A_625 = arith.index_cast %add3A_186 : i32 to index
            %get3A_626 = arith.constant 80 : index
            %get3A_627 = tpu.vector_load %arg7[%get3A_625, %get3A_626] {strides = array<i32>} : memref<64x128xi32, #tpu.memory_space<vmem>>, vector<16xi32>,
            %bitcast3A_628 = vector.bitcast %get3A_627 : vector<16xi32> to vector<32xbf16>
            %mul3A_629 = arith.mulf %bitcast3A_628, %bitcast3A_588 : vector<32xbf16>
            %unpack3A_630 = tpu.unpack_subelements %mul3A_629, 0 {pack_format = #tpu.pack_format<interleaved>} : vector<32xbf16> -> vector<16xf32>
            %unpack3A_631 = tpu.unpack_subelements %mul3A_629, 1 {pack_format = #tpu.pack_format<interleaved>} : vector<32xbf16> -> vector<16xf32>
            %add3A_632 = arith.addf %add3A_556, %unpack3A_630 : vector<16xf32>
            %add3A_633 = arith.addf %add3A_557, %unpack3A_631 : vector<16xf32>
            %get3A_634 = arith.index_cast %add3A_193 : i32 to index
            %get3A_635 = arith.constant 80 : index
            %get3A_636 = tpu.vector_load %arg7[%get3A_634, %get3A_635] {strides = array<i32>} : memref<64x128xi32, #tpu.memory_space<vmem>>, vector<16xi32>,
            %bitcast3A_637 = vector.bitcast %get3A_636 : vector<16xi32> to vector<32xbf16>
            %mul3A_638 = arith.mulf %bitcast3A_637, %bitcast3A_588 : vector<32xbf16>
            %unpack3A_639 = tpu.unpack_subelements %mul3A_638, 0 {pack_format = #tpu.pack_format<interleaved>} : vector<32xbf16> -> vector<16xf32>
            %unpack3A_640 = tpu.unpack_subelements %mul3A_638, 1 {pack_format = #tpu.pack_format<interleaved>} : vector<32xbf16> -> vector<16xf32>
            %add3A_641 = arith.addf %add3A_565, %unpack3A_639 : vector<16xf32>
            %add3A_642 = arith.addf %add3A_566, %unpack3A_640 : vector<16xf32>
            %get3A_643 = arith.index_cast %add3A_200 : i32 to index
            %get3A_644 = arith.constant 80 : index
            %get3A_645 = tpu.vector_load %arg7[%get3A_643, %get3A_644] {strides = array<i32>} : memref<64x128xi32, #tpu.memory_space<vmem>>, vector<16xi32>,
            %bitcast3A_646 = vector.bitcast %get3A_645 : vector<16xi32> to vector<32xbf16>
            %mul3A_647 = arith.mulf %bitcast3A_646, %bitcast3A_588 : vector<32xbf16>
            %unpack3A_648 = tpu.unpack_subelements %mul3A_647, 0 {pack_format = #tpu.pack_format<interleaved>} : vector<32xbf16> -> vector<16xf32>
            %unpack3A_649 = tpu.unpack_subelements %mul3A_647, 1 {pack_format = #tpu.pack_format<interleaved>} : vector<32xbf16> -> vector<16xf32>
            %add3A_650 = arith.addf %add3A_574, %unpack3A_648 : vector<16xf32>
            %add3A_651 = arith.addf %add3A_575, %unpack3A_649 : vector<16xf32>
            %get3A_652 = arith.index_cast %add3A_207 : i32 to index
            %get3A_653 = arith.constant 80 : index
            %get3A_654 = tpu.vector_load %arg7[%get3A_652, %get3A_653] {strides = array<i32>} : memref<64x128xi32, #tpu.memory_space<vmem>>, vector<16xi32>,
            %bitcast3A_655 = vector.bitcast %get3A_654 : vector<16xi32> to vector<32xbf16>
            %mul3A_656 = arith.mulf %bitcast3A_655, %bitcast3A_588 : vector<32xbf16>
            %unpack3A_657 = tpu.unpack_subelements %mul3A_656, 0 {pack_format = #tpu.pack_format<interleaved>} : vector<32xbf16> -> vector<16xf32>
            %unpack3A_658 = tpu.unpack_subelements %mul3A_656, 1 {pack_format = #tpu.pack_format<interleaved>} : vector<32xbf16> -> vector<16xf32>
            %add3A_659 = arith.addf %add3A_583, %unpack3A_657 : vector<16xf32>
            %add3A_660 = arith.addf %add3A_584, %unpack3A_658 : vector<16xf32>
            %get3A_661 = arith.index_cast %add3A_47 : i32 to index
            %get3A_662 = arith.constant 96 : index
            %get3A_663 = tpu.vector_load %arg5[%get3A_661, %get3A_662] {strides = array<i32>} : memref<32x128xi32, #tpu.memory_space<vmem>>, vector<16xi32>,
            %bitcast3A_664 = vector.bitcast %get3A_663 : vector<16xi32> to vector<32xbf16>
            %get3A_665 = arith.index_cast %add3A_158 : i32 to index
            %get3A_666 = arith.constant 96 : index
            %get3A_667 = tpu.vector_load %arg7[%get3A_665, %get3A_666] {strides = array<i32>} : memref<64x128xi32, #tpu.memory_space<vmem>>, vector<16xi32>,
            %bitcast3A_668 = vector.bitcast %get3A_667 : vector<16xi32> to vector<32xbf16>
            %mul3A_669 = arith.mulf %bitcast3A_668, %bitcast3A_664 : vector<32xbf16>
            %unpack3A_670 = tpu.unpack_subelements %mul3A_669, 0 {pack_format = #tpu.pack_format<interleaved>} : vector<32xbf16> -> vector<16xf32>
            %unpack3A_671 = tpu.unpack_subelements %mul3A_669, 1 {pack_format = #tpu.pack_format<interleaved>} : vector<32xbf16> -> vector<16xf32>
            %add3A_672 = arith.addf %add3A_596, %unpack3A_670 : vector<16xf32>
            %add3A_673 = arith.addf %add3A_597, %unpack3A_671 : vector<16xf32>
            %get3A_674 = arith.index_cast %add3A_165 : i32 to index
            %get3A_675 = arith.constant 96 : index
            %get3A_676 = tpu.vector_load %arg7[%get3A_674, %get3A_675] {strides = array<i32>} : memref<64x128xi32, #tpu.memory_space<vmem>>, vector<16xi32>,
            %bitcast3A_677 = vector.bitcast %get3A_676 : vector<16xi32> to vector<32xbf16>
            %mul3A_678 = arith.mulf %bitcast3A_677, %bitcast3A_664 : vector<32xbf16>
            %unpack3A_679 = tpu.unpack_subelements %mul3A_678, 0 {pack_format = #tpu.pack_format<interleaved>} : vector<32xbf16> -> vector<16xf32>
            %unpack3A_680 = tpu.unpack_subelements %mul3A_678, 1 {pack_format = #tpu.pack_format<interleaved>} : vector<32xbf16> -> vector<16xf32>
            %add3A_681 = arith.addf %add3A_605, %unpack3A_679 : vector<16xf32>
            %add3A_682 = arith.addf %add3A_606, %unpack3A_680 : vector<16xf32>
            %get3A_683 = arith.index_cast %add3A_172 : i32 to index
            %get3A_684 = arith.constant 96 : index
            %get3A_685 = tpu.vector_load %arg7[%get3A_683, %get3A_684] {strides = array<i32>} : memref<64x128xi32, #tpu.memory_space<vmem>>, vector<16xi32>,
            %bitcast3A_686 = vector.bitcast %get3A_685 : vector<16xi32> to vector<32xbf16>
            %mul3A_687 = arith.mulf %bitcast3A_686, %bitcast3A_664 : vector<32xbf16>
            %unpack3A_688 = tpu.unpack_subelements %mul3A_687, 0 {pack_format = #tpu.pack_format<interleaved>} : vector<32xbf16> -> vector<16xf32>
            %unpack3A_689 = tpu.unpack_subelements %mul3A_687, 1 {pack_format = #tpu.pack_format<interleaved>} : vector<32xbf16> -> vector<16xf32>
            %add3A_690 = arith.addf %add3A_614, %unpack3A_688 : vector<16xf32>
            %add3A_691 = arith.addf %add3A_615, %unpack3A_689 : vector<16xf32>
            %get3A_692 = arith.index_cast %add3A_179 : i32 to index
            %get3A_693 = arith.constant 96 : index
            %get3A_694 = tpu.vector_load %arg7[%get3A_692, %get3A_693] {strides = array<i32>} : memref<64x128xi32, #tpu.memory_space<vmem>>, vector<16xi32>,
            %bitcast3A_695 = vector.bitcast %get3A_694 : vector<16xi32> to vector<32xbf16>
            %mul3A_696 = arith.mulf %bitcast3A_695, %bitcast3A_664 : vector<32xbf16>
            %unpack3A_697 = tpu.unpack_subelements %mul3A_696, 0 {pack_format = #tpu.pack_format<interleaved>} : vector<32xbf16> -> vector<16xf32>
            %unpack3A_698 = tpu.unpack_subelements %mul3A_696, 1 {pack_format = #tpu.pack_format<interleaved>} : vector<32xbf16> -> vector<16xf32>
            %add3A_699 = arith.addf %add3A_623, %unpack3A_697 : vector<16xf32>
            %add3A_700 = arith.addf %add3A_624, %unpack3A_698 : vector<16xf32>
            %get3A_701 = arith.index_cast %add3A_186 : i32 to index
            %get3A_702 = arith.constant 96 : index
            %get3A_703 = tpu.vector_load %arg7[%get3A_701, %get3A_702] {strides = array<i32>} : memref<64x128xi32, #tpu.memory_space<vmem>>, vector<16xi32>,
            %bitcast3A_704 = vector.bitcast %get3A_703 : vector<16xi32> to vector<32xbf16>
            %mul3A_705 = arith.mulf %bitcast3A_704, %bitcast3A_664 : vector<32xbf16>
            %unpack3A_706 = tpu.unpack_subelements %mul3A_705, 0 {pack_format = #tpu.pack_format<interleaved>} : vector<32xbf16> -> vector<16xf32>
            %unpack3A_707 = tpu.unpack_subelements %mul3A_705, 1 {pack_format = #tpu.pack_format<interleaved>} : vector<32xbf16> -> vector<16xf32>
            %add3A_708 = arith.addf %add3A_632, %unpack3A_706 : vector<16xf32>
            %add3A_709 = arith.addf %add3A_633, %unpack3A_707 : vector<16xf32>
            %get3A_710 = arith.index_cast %add3A_193 : i32 to index
            %get3A_711 = arith.constant 96 : index
            %get3A_712 = tpu.vector_load %arg7[%get3A_710, %get3A_711] {strides = array<i32>} : memref<64x128xi32, #tpu.memory_space<vmem>>, vector<16xi32>,
            %bitcast3A_713 = vector.bitcast %get3A_712 : vector<16xi32> to vector<32xbf16>
            %mul3A_714 = arith.mulf %bitcast3A_713, %bitcast3A_664 : vector<32xbf16>
            %unpack3A_715 = tpu.unpack_subelements %mul3A_714, 0 {pack_format = #tpu.pack_format<interleaved>} : vector<32xbf16> -> vector<16xf32>
            %unpack3A_716 = tpu.unpack_subelements %mul3A_714, 1 {pack_format = #tpu.pack_format<interleaved>} : vector<32xbf16> -> vector<16xf32>
            %add3A_717 = arith.addf %add3A_641, %unpack3A_715 : vector<16xf32>
            %add3A_718 = arith.addf %add3A_642, %unpack3A_716 : vector<16xf32>
            %get3A_719 = arith.index_cast %add3A_200 : i32 to index
            %get3A_720 = arith.constant 96 : index
            %get3A_721 = tpu.vector_load %arg7[%get3A_719, %get3A_720] {strides = array<i32>} : memref<64x128xi32, #tpu.memory_space<vmem>>, vector<16xi32>,
            %bitcast3A_722 = vector.bitcast %get3A_721 : vector<16xi32> to vector<32xbf16>
            %mul3A_723 = arith.mulf %bitcast3A_722, %bitcast3A_664 : vector<32xbf16>
            %unpack3A_724 = tpu.unpack_subelements %mul3A_723, 0 {pack_format = #tpu.pack_format<interleaved>} : vector<32xbf16> -> vector<16xf32>
            %unpack3A_725 = tpu.unpack_subelements %mul3A_723, 1 {pack_format = #tpu.pack_format<interleaved>} : vector<32xbf16> -> vector<16xf32>
            %add3A_726 = arith.addf %add3A_650, %unpack3A_724 : vector<16xf32>
            %add3A_727 = arith.addf %add3A_651, %unpack3A_725 : vector<16xf32>
            %get3A_728 = arith.index_cast %add3A_207 : i32 to index
            %get3A_729 = arith.constant 96 : index
            %get3A_730 = tpu.vector_load %arg7[%get3A_728, %get3A_729] {strides = array<i32>} : memref<64x128xi32, #tpu.memory_space<vmem>>, vector<16xi32>,
            %bitcast3A_731 = vector.bitcast %get3A_730 : vector<16xi32> to vector<32xbf16>
            %mul3A_732 = arith.mulf %bitcast3A_731, %bitcast3A_664 : vector<32xbf16>
            %unpack3A_733 = tpu.unpack_subelements %mul3A_732, 0 {pack_format = #tpu.pack_format<interleaved>} : vector<32xbf16> -> vector<16xf32>
            %unpack3A_734 = tpu.unpack_subelements %mul3A_732, 1 {pack_format = #tpu.pack_format<interleaved>} : vector<32xbf16> -> vector<16xf32>
            %add3A_735 = arith.addf %add3A_659, %unpack3A_733 : vector<16xf32>
            %add3A_736 = arith.addf %add3A_660, %unpack3A_734 : vector<16xf32>
            %get3A_737 = arith.index_cast %add3A_47 : i32 to index
            %get3A_738 = arith.constant 112 : index
            %get3A_739 = tpu.vector_load %arg5[%get3A_737, %get3A_738] {strides = array<i32>} : memref<32x128xi32, #tpu.memory_space<vmem>>, vector<16xi32>,
            %bitcast3A_740 = vector.bitcast %get3A_739 : vector<16xi32> to vector<32xbf16>
            %get3A_741 = arith.index_cast %add3A_158 : i32 to index
            %get3A_742 = arith.constant 112 : index
            %get3A_743 = tpu.vector_load %arg7[%get3A_741, %get3A_742] {strides = array<i32>} : memref<64x128xi32, #tpu.memory_space<vmem>>, vector<16xi32>,
            %bitcast3A_744 = vector.bitcast %get3A_743 : vector<16xi32> to vector<32xbf16>
            %mul3A_745 = arith.mulf %bitcast3A_744, %bitcast3A_740 : vector<32xbf16>
            %unpack3A_746 = tpu.unpack_subelements %mul3A_745, 0 {pack_format = #tpu.pack_format<interleaved>} : vector<32xbf16> -> vector<16xf32>
            %unpack3A_747 = tpu.unpack_subelements %mul3A_745, 1 {pack_format = #tpu.pack_format<interleaved>} : vector<32xbf16> -> vector<16xf32>
            %add3A_748 = arith.addf %add3A_672, %unpack3A_746 : vector<16xf32>
            %add3A_749 = arith.addf %add3A_673, %unpack3A_747 : vector<16xf32>
            %get3A_750 = arith.index_cast %add3A_165 : i32 to index
            %get3A_751 = arith.constant 112 : index
            %get3A_752 = tpu.vector_load %arg7[%get3A_750, %get3A_751] {strides = array<i32>} : memref<64x128xi32, #tpu.memory_space<vmem>>, vector<16xi32>,
            %bitcast3A_753 = vector.bitcast %get3A_752 : vector<16xi32> to vector<32xbf16>
            %mul3A_754 = arith.mulf %bitcast3A_753, %bitcast3A_740 : vector<32xbf16>
            %unpack3A_755 = tpu.unpack_subelements %mul3A_754, 0 {pack_format = #tpu.pack_format<interleaved>} : vector<32xbf16> -> vector<16xf32>
            %unpack3A_756 = tpu.unpack_subelements %mul3A_754, 1 {pack_format = #tpu.pack_format<interleaved>} : vector<32xbf16> -> vector<16xf32>
            %add3A_757 = arith.addf %add3A_681, %unpack3A_755 : vector<16xf32>
            %add3A_758 = arith.addf %add3A_682, %unpack3A_756 : vector<16xf32>
            %get3A_759 = arith.index_cast %add3A_172 : i32 to index
            %get3A_760 = arith.constant 112 : index
            %get3A_761 = tpu.vector_load %arg7[%get3A_759, %get3A_760] {strides = array<i32>} : memref<64x128xi32, #tpu.memory_space<vmem>>, vector<16xi32>,
            %bitcast3A_762 = vector.bitcast %get3A_761 : vector<16xi32> to vector<32xbf16>
            %mul3A_763 = arith.mulf %bitcast3A_762, %bitcast3A_740 : vector<32xbf16>
            %unpack3A_764 = tpu.unpack_subelements %mul3A_763, 0 {pack_format = #tpu.pack_format<interleaved>} : vector<32xbf16> -> vector<16xf32>
            %unpack3A_765 = tpu.unpack_subelements %mul3A_763, 1 {pack_format = #tpu.pack_format<interleaved>} : vector<32xbf16> -> vector<16xf32>
            %add3A_766 = arith.addf %add3A_690, %unpack3A_764 : vector<16xf32>
            %add3A_767 = arith.addf %add3A_691, %unpack3A_765 : vector<16xf32>
            %get3A_768 = arith.index_cast %add3A_179 : i32 to index
            %get3A_769 = arith.constant 112 : index
            %get3A_770 = tpu.vector_load %arg7[%get3A_768, %get3A_769] {strides = array<i32>} : memref<64x128xi32, #tpu.memory_space<vmem>>, vector<16xi32>,
            %bitcast3A_771 = vector.bitcast %get3A_770 : vector<16xi32> to vector<32xbf16>
            %mul3A_772 = arith.mulf %bitcast3A_771, %bitcast3A_740 : vector<32xbf16>
            %unpack3A_773 = tpu.unpack_subelements %mul3A_772, 0 {pack_format = #tpu.pack_format<interleaved>} : vector<32xbf16> -> vector<16xf32>
            %unpack3A_774 = tpu.unpack_subelements %mul3A_772, 1 {pack_format = #tpu.pack_format<interleaved>} : vector<32xbf16> -> vector<16xf32>
            %add3A_775 = arith.addf %add3A_699, %unpack3A_773 : vector<16xf32>
            %add3A_776 = arith.addf %add3A_700, %unpack3A_774 : vector<16xf32>
            %get3A_777 = arith.index_cast %add3A_186 : i32 to index
            %get3A_778 = arith.constant 112 : index
            %get3A_779 = tpu.vector_load %arg7[%get3A_777, %get3A_778] {strides = array<i32>} : memref<64x128xi32, #tpu.memory_space<vmem>>, vector<16xi32>,
            %bitcast3A_780 = vector.bitcast %get3A_779 : vector<16xi32> to vector<32xbf16>
            %mul3A_781 = arith.mulf %bitcast3A_780, %bitcast3A_740 : vector<32xbf16>
            %unpack3A_782 = tpu.unpack_subelements %mul3A_781, 0 {pack_format = #tpu.pack_format<interleaved>} : vector<32xbf16> -> vector<16xf32>
            %unpack3A_783 = tpu.unpack_subelements %mul3A_781, 1 {pack_format = #tpu.pack_format<interleaved>} : vector<32xbf16> -> vector<16xf32>
            %add3A_784 = arith.addf %add3A_708, %unpack3A_782 : vector<16xf32>
            %add3A_785 = arith.addf %add3A_709, %unpack3A_783 : vector<16xf32>
            %get3A_786 = arith.index_cast %add3A_193 : i32 to index
            %get3A_787 = arith.constant 112 : index
            %get3A_788 = tpu.vector_load %arg7[%get3A_786, %get3A_787] {strides = array<i32>} : memref<64x128xi32, #tpu.memory_space<vmem>>, vector<16xi32>,
            %bitcast3A_789 = vector.bitcast %get3A_788 : vector<16xi32> to vector<32xbf16>
            %mul3A_790 = arith.mulf %bitcast3A_789, %bitcast3A_740 : vector<32xbf16>
            %unpack3A_791 = tpu.unpack_subelements %mul3A_790, 0 {pack_format = #tpu.pack_format<interleaved>} : vector<32xbf16> -> vector<16xf32>
            %unpack3A_792 = tpu.unpack_subelements %mul3A_790, 1 {pack_format = #tpu.pack_format<interleaved>} : vector<32xbf16> -> vector<16xf32>
            %add3A_793 = arith.addf %add3A_717, %unpack3A_791 : vector<16xf32>
            %add3A_794 = arith.addf %add3A_718, %unpack3A_792 : vector<16xf32>
            %get3A_795 = arith.index_cast %add3A_200 : i32 to index
            %get3A_796 = arith.constant 112 : index
            %get3A_797 = tpu.vector_load %arg7[%get3A_795, %get3A_796] {strides = array<i32>} : memref<64x128xi32, #tpu.memory_space<vmem>>, vector<16xi32>,
            %bitcast3A_798 = vector.bitcast %get3A_797 : vector<16xi32> to vector<32xbf16>
            %mul3A_799 = arith.mulf %bitcast3A_798, %bitcast3A_740 : vector<32xbf16>
            %unpack3A_800 = tpu.unpack_subelements %mul3A_799, 0 {pack_format = #tpu.pack_format<interleaved>} : vector<32xbf16> -> vector<16xf32>
            %unpack3A_801 = tpu.unpack_subelements %mul3A_799, 1 {pack_format = #tpu.pack_format<interleaved>} : vector<32xbf16> -> vector<16xf32>
            %add3A_802 = arith.addf %add3A_726, %unpack3A_800 : vector<16xf32>
            %add3A_803 = arith.addf %add3A_727, %unpack3A_801 : vector<16xf32>
            %get3A_804 = arith.index_cast %add3A_207 : i32 to index
            %get3A_805 = arith.constant 112 : index
            %get3A_806 = tpu.vector_load %arg7[%get3A_804, %get3A_805] {strides = array<i32>} : memref<64x128xi32, #tpu.memory_space<vmem>>, vector<16xi32>,
            %bitcast3A_807 = vector.bitcast %get3A_806 : vector<16xi32> to vector<32xbf16>
            %mul3A_808 = arith.mulf %bitcast3A_807, %bitcast3A_740 : vector<32xbf16>
            %unpack3A_809 = tpu.unpack_subelements %mul3A_808, 0 {pack_format = #tpu.pack_format<interleaved>} : vector<32xbf16> -> vector<16xf32>
            %unpack3A_810 = tpu.unpack_subelements %mul3A_808, 1 {pack_format = #tpu.pack_format<interleaved>} : vector<32xbf16> -> vector<16xf32>
            %add3A_811 = arith.addf %add3A_735, %unpack3A_809 : vector<16xf32>
            %add3A_812 = arith.addf %add3A_736, %unpack3A_810 : vector<16xf32>
            %mul3A_813 = arith.constant 8 : i32
            %mul3A_814 = arith.muli %scan3A_150, %mul3A_813 : i32
            %add3A_815 = arith.constant 0 : i32
            %add3A_816 = arith.addi %mul3A_814, %add3A_815 : i32
            %eq3A = vector.broadcast %add3A_816 : i32 to vector<16xi32>
            %eq3A_817 = arith.cmpi eq, %iota3A, %eq3A : vector<16xi32>
            %add3A_818 = arith.addf %add3A_748, %add3A_749 : vector<16xf32>
            %reduce_sum3A = arith.constant true
            %reduce_sum3A_819 = vector.broadcast %reduce_sum3A : i1 to vector<16xi1>
            %reduce_sum3A_820 = tpu.scan <sum>, %add3A_818 masked %reduce_sum3A_819 : vector<16xf32>, vector<16xi1> -> vector<16xf32>
            %reduce_sum3A_821 = vector.extract %reduce_sum3A_820[15] : f32 from vector<16xf32>
            %broadcast_in_dim3A_822 = vector.broadcast %reduce_sum3A_821 : f32 to vector<16xf32>
            %select_n3A = arith.select %eq3A_817, %broadcast_in_dim3A_822, %scan3A_151 : vector<16xi1>, vector<16xf32>
            %mul3A_823 = arith.constant 8 : i32
            %mul3A_824 = arith.muli %scan3A_150, %mul3A_823 : i32
            %add3A_825 = arith.constant 1 : i32
            %add3A_826 = arith.addi %mul3A_824, %add3A_825 : i32
            %eq3A_827 = vector.broadcast %add3A_826 : i32 to vector<16xi32>
            %eq3A_828 = arith.cmpi eq, %iota3A, %eq3A_827 : vector<16xi32>
            %add3A_829 = arith.addf %add3A_757, %add3A_758 : vector<16xf32>
            %reduce_sum3A_830 = arith.constant true
            %reduce_sum3A_831 = vector.broadcast %reduce_sum3A_830 : i1 to vector<16xi1>
            %reduce_sum3A_832 = tpu.scan <sum>, %add3A_829 masked %reduce_sum3A_831 : vector<16xf32>, vector<16xi1> -> vector<16xf32>
            %reduce_sum3A_833 = vector.extract %reduce_sum3A_832[15] : f32 from vector<16xf32>
            %broadcast_in_dim3A_834 = vector.broadcast %reduce_sum3A_833 : f32 to vector<16xf32>
            %select_n3A_835 = arith.select %eq3A_828, %broadcast_in_dim3A_834, %select_n3A : vector<16xi1>, vector<16xf32>
            %mul3A_836 = arith.constant 8 : i32
            %mul3A_837 = arith.muli %scan3A_150, %mul3A_836 : i32
            %add3A_838 = arith.constant 2 : i32
            %add3A_839 = arith.addi %mul3A_837, %add3A_838 : i32
            %eq3A_840 = vector.broadcast %add3A_839 : i32 to vector<16xi32>
            %eq3A_841 = arith.cmpi eq, %iota3A, %eq3A_840 : vector<16xi32>
            %add3A_842 = arith.addf %add3A_766, %add3A_767 : vector<16xf32>
            %reduce_sum3A_843 = arith.constant true
            %reduce_sum3A_844 = vector.broadcast %reduce_sum3A_843 : i1 to vector<16xi1>
            %reduce_sum3A_845 = tpu.scan <sum>, %add3A_842 masked %reduce_sum3A_844 : vector<16xf32>, vector<16xi1> -> vector<16xf32>
            %reduce_sum3A_846 = vector.extract %reduce_sum3A_845[15] : f32 from vector<16xf32>
            %broadcast_in_dim3A_847 = vector.broadcast %reduce_sum3A_846 : f32 to vector<16xf32>
            %select_n3A_848 = arith.select %eq3A_841, %broadcast_in_dim3A_847, %select_n3A_835 : vector<16xi1>, vector<16xf32>
            %mul3A_849 = arith.constant 8 : i32
            %mul3A_850 = arith.muli %scan3A_150, %mul3A_849 : i32
            %add3A_851 = arith.constant 3 : i32
            %add3A_852 = arith.addi %mul3A_850, %add3A_851 : i32
            %eq3A_853 = vector.broadcast %add3A_852 : i32 to vector<16xi32>
            %eq3A_854 = arith.cmpi eq, %iota3A, %eq3A_853 : vector<16xi32>
            %add3A_855 = arith.addf %add3A_775, %add3A_776 : vector<16xf32>
            %reduce_sum3A_856 = arith.constant true
            %reduce_sum3A_857 = vector.broadcast %reduce_sum3A_856 : i1 to vector<16xi1>
            %reduce_sum3A_858 = tpu.scan <sum>, %add3A_855 masked %reduce_sum3A_857 : vector<16xf32>, vector<16xi1> -> vector<16xf32>
            %reduce_sum3A_859 = vector.extract %reduce_sum3A_858[15] : f32 from vector<16xf32>
            %broadcast_in_dim3A_860 = vector.broadcast %reduce_sum3A_859 : f32 to vector<16xf32>
            %select_n3A_861 = arith.select %eq3A_854, %broadcast_in_dim3A_860, %select_n3A_848 : vector<16xi1>, vector<16xf32>
            %mul3A_862 = arith.constant 8 : i32
            %mul3A_863 = arith.muli %scan3A_150, %mul3A_862 : i32
            %add3A_864 = arith.constant 4 : i32
            %add3A_865 = arith.addi %mul3A_863, %add3A_864 : i32
            %eq3A_866 = vector.broadcast %add3A_865 : i32 to vector<16xi32>
            %eq3A_867 = arith.cmpi eq, %iota3A, %eq3A_866 : vector<16xi32>
            %add3A_868 = arith.addf %add3A_784, %add3A_785 : vector<16xf32>
            %reduce_sum3A_869 = arith.constant true
            %reduce_sum3A_870 = vector.broadcast %reduce_sum3A_869 : i1 to vector<16xi1>
            %reduce_sum3A_871 = tpu.scan <sum>, %add3A_868 masked %reduce_sum3A_870 : vector<16xf32>, vector<16xi1> -> vector<16xf32>
            %reduce_sum3A_872 = vector.extract %reduce_sum3A_871[15] : f32 from vector<16xf32>
            %broadcast_in_dim3A_873 = vector.broadcast %reduce_sum3A_872 : f32 to vector<16xf32>
            %select_n3A_874 = arith.select %eq3A_867, %broadcast_in_dim3A_873, %select_n3A_861 : vector<16xi1>, vector<16xf32>
            %mul3A_875 = arith.constant 8 : i32
            %mul3A_876 = arith.muli %scan3A_150, %mul3A_875 : i32
            %add3A_877 = arith.constant 5 : i32
            %add3A_878 = arith.addi %mul3A_876, %add3A_877 : i32
            %eq3A_879 = vector.broadcast %add3A_878 : i32 to vector<16xi32>
            %eq3A_880 = arith.cmpi eq, %iota3A, %eq3A_879 : vector<16xi32>
            %add3A_881 = arith.addf %add3A_793, %add3A_794 : vector<16xf32>
            %reduce_sum3A_882 = arith.constant true
            %reduce_sum3A_883 = vector.broadcast %reduce_sum3A_882 : i1 to vector<16xi1>
            %reduce_sum3A_884 = tpu.scan <sum>, %add3A_881 masked %reduce_sum3A_883 : vector<16xf32>, vector<16xi1> -> vector<16xf32>
            %reduce_sum3A_885 = vector.extract %reduce_sum3A_884[15] : f32 from vector<16xf32>
            %broadcast_in_dim3A_886 = vector.broadcast %reduce_sum3A_885 : f32 to vector<16xf32>
            %select_n3A_887 = arith.select %eq3A_880, %broadcast_in_dim3A_886, %select_n3A_874 : vector<16xi1>, vector<16xf32>
            %mul3A_888 = arith.constant 8 : i32
            %mul3A_889 = arith.muli %scan3A_150, %mul3A_888 : i32
            %add3A_890 = arith.constant 6 : i32
            %add3A_891 = arith.addi %mul3A_889, %add3A_890 : i32
            %eq3A_892 = vector.broadcast %add3A_891 : i32 to vector<16xi32>
            %eq3A_893 = arith.cmpi eq, %iota3A, %eq3A_892 : vector<16xi32>
            %add3A_894 = arith.addf %add3A_802, %add3A_803 : vector<16xf32>
            %reduce_sum3A_895 = arith.constant true
            %reduce_sum3A_896 = vector.broadcast %reduce_sum3A_895 : i1 to vector<16xi1>
            %reduce_sum3A_897 = tpu.scan <sum>, %add3A_894 masked %reduce_sum3A_896 : vector<16xf32>, vector<16xi1> -> vector<16xf32>
            %reduce_sum3A_898 = vector.extract %reduce_sum3A_897[15] : f32 from vector<16xf32>
            %broadcast_in_dim3A_899 = vector.broadcast %reduce_sum3A_898 : f32 to vector<16xf32>
            %select_n3A_900 = arith.select %eq3A_893, %broadcast_in_dim3A_899, %select_n3A_887 : vector<16xi1>, vector<16xf32>
            %mul3A_901 = arith.constant 8 : i32
            %mul3A_902 = arith.muli %scan3A_150, %mul3A_901 : i32
            %add3A_903 = arith.constant 7 : i32
            %add3A_904 = arith.addi %mul3A_902, %add3A_903 : i32
            %eq3A_905 = vector.broadcast %add3A_904 : i32 to vector<16xi32>
            %eq3A_906 = arith.cmpi eq, %iota3A, %eq3A_905 : vector<16xi32>
            %add3A_907 = arith.addf %add3A_811, %add3A_812 : vector<16xf32>
            %reduce_sum3A_908 = arith.constant true
            %reduce_sum3A_909 = vector.broadcast %reduce_sum3A_908 : i1 to vector<16xi1>
            %reduce_sum3A_910 = tpu.scan <sum>, %add3A_907 masked %reduce_sum3A_909 : vector<16xf32>, vector<16xi1> -> vector<16xf32>
            %reduce_sum3A_911 = vector.extract %reduce_sum3A_910[15] : f32 from vector<16xf32>
            %broadcast_in_dim3A_912 = vector.broadcast %reduce_sum3A_911 : f32 to vector<16xf32>
            %select_n3A_913 = arith.select %eq3A_906, %broadcast_in_dim3A_912, %select_n3A_900 : vector<16xi1>, vector<16xf32>
            scf.yield %select_n3A_913 : vector<16xf32>
          }
          %scan3A_145 = arith.constant 2 : i32
          %mul3A_146 = arith.constant 16 : i32
          %mul3A_147 = arith.muli %scan3A_139, %mul3A_146 : i32
          %swap3A = arith.index_cast %add3A_47 : i32 to index
          %swap3A_148 = arith.index_cast %mul3A_147 : i32 to index
          %swap3A_149 = tpu.vector_load %arg11[%swap3A, %swap3A_148] {strides = array<i32>} : memref<32x64xf32, #tpu.memory_space<vmem>>, vector<16xf32>,
          tpu.vector_store %arg11[%swap3A, %swap3A_148], %scan3A_144 {strides = array<i32>} : memref<32x64xf32, #tpu.memory_space<vmem>>, vector<16xf32>,
        }
        %scan3A_59 = arith.constant 4 : i32
        %add3A_60 = arith.constant 4 : i32
        %add3A_61 = arith.addi %add3A_47, %add3A_60 : i32
        %lt3A = arith.constant 32 : i32
        %lt3A_62 = arith.cmpi slt, %add3A_61, %lt3A : i32
        %convert_element_type3A = arith.extui %lt3A_62 : i1 to i32
        %cond3A = arith.constant 0 : i32
        %cond3A_63 = arith.cmpi ne, %convert_element_type3A, %cond3A : i32
        scf.if %cond3A_63 {
          %add3A_139 = arith.constant 4 : i32
          %add3A_140 = arith.addi %add3A_47, %add3A_139 : i32
          %mul3A_141 = arith.constant 64 : i32
          %mul3A_142 = arith.muli %add3A_140, %mul3A_141 : i32
          %dma_start3A_143 = tpu.memref_slice %arg6[%mul3A_142] : memref<2048xi32, #tpu.memory_space<vmem>> -> memref<64xi32, #tpu.memory_space<vmem>>
          %dma_start3A_144 = arith.constant 0 : i32
          %dma_start3A_145 = arith.constant 0 : i32
          %dma_start3A_146 = tpu.memref_slice %arg12[%dma_start3A_144, %dma_start3A_145] : memref<10240x128xi32, #tpu.memory_space<vmem_shared>> -> memref<10240x128xi32, #tpu.memory_space<vmem_shared>>
          tpu.enqueue_indirect_dma source(%dma_start3A_146 : memref<10240x128xi32, #tpu.memory_space<vmem_shared>>) target(%arg7 : memref<64x128xi32, #tpu.memory_space<vmem>>) offsets(%dma_start3A_143 : memref<64xi32, #tpu.memory_space<vmem>>) semaphore(%arg13 : memref<!tpu.dma_semaphore, #tpu.memory_space<semaphore_mem>>)
        } else {
        }
        %mul3A_64 = arith.constant 4 : i32
        %mul3A_65 = arith.muli %scan3A_43, %mul3A_64 : i32
        %add3A_66 = arith.constant 1 : i32
        %add3A_67 = arith.addi %mul3A_65, %add3A_66 : i32
        %mul3A_68 = arith.constant 64 : i32
        %mul3A_69 = arith.muli %add3A_67, %mul3A_68 : i32
        %dma_wait3A_70 = tpu.memref_slice %arg6[%mul3A_69] : memref<2048xi32, #tpu.memory_space<vmem>> -> memref<64xi32, #tpu.memory_space<vmem>>
        %dma_wait3A_71 = arith.constant 0 : i32
        %dma_wait3A_72 = arith.constant 0 : i32
        %dma_wait3A_73 = tpu.memref_slice %arg12[%dma_wait3A_71, %dma_wait3A_72] : memref<10240x128xi32, #tpu.memory_space<vmem_shared>> -> memref<10240x128xi32, #tpu.memory_space<vmem_shared>>
        tpu.wait_indirect_dma semaphore(%arg14 : memref<!tpu.dma_semaphore, #tpu.memory_space<semaphore_mem>>) src(%dma_wait3A_73 : memref<10240x128xi32, #tpu.memory_space<vmem_shared>>) dst(%arg8 : memref<64x128xi32, #tpu.memory_space<vmem>>)
        %broadcast_in_dim3A_74 = arith.constant 0.000000e+00 : f32
        %broadcast_in_dim3A_75 = vector.broadcast %broadcast_in_dim3A_74 : f32 to vector<16xf32>
        %scan3A_76 = arith.constant 0 : i32
        %scan3A_77 = arith.constant 0 : i32
        %scan3A_78 = arith.constant 4 : i32
        %scan3A_79 = arith.addi %scan3A_77, %scan3A_78 : i32
        %scan3A_80 = arith.constant 1 : i32
        scf.for %scan3A_139 = %scan3A_77 to %scan3A_79 step %scan3A_80  : i32 {
          %scan3A_140 = arith.constant 0 : i32
          %scan3A_141 = arith.constant 2 : i32
          %scan3A_142 = arith.addi %scan3A_140, %scan3A_141 : i32
          %scan3A_143 = arith.constant 1 : i32
          %scan3A_144 = scf.for %scan3A_150 = %scan3A_140 to %scan3A_142 step %scan3A_143 iter_args(%scan3A_151 = %broadcast_in_dim3A_75) -> (vector<16xf32>)  : i32 {
            %mul3A_152 = arith.constant 16 : i32
            %mul3A_153 = arith.muli %scan3A_139, %mul3A_152 : i32
            %mul3A_154 = arith.constant 8 : i32
            %mul3A_155 = arith.muli %scan3A_150, %mul3A_154 : i32
            %add3A_156 = arith.addi %mul3A_153, %mul3A_155 : i32
            %add3A_157 = arith.constant 0 : i32
            %add3A_158 = arith.addi %add3A_156, %add3A_157 : i32
            %mul3A_159 = arith.constant 16 : i32
            %mul3A_160 = arith.muli %scan3A_139, %mul3A_159 : i32
            %mul3A_161 = arith.constant 8 : i32
            %mul3A_162 = arith.muli %scan3A_150, %mul3A_161 : i32
            %add3A_163 = arith.addi %mul3A_160, %mul3A_162 : i32
            %add3A_164 = arith.constant 1 : i32
            %add3A_165 = arith.addi %add3A_163, %add3A_164 : i32
            %mul3A_166 = arith.constant 16 : i32
            %mul3A_167 = arith.muli %scan3A_139, %mul3A_166 : i32
            %mul3A_168 = arith.constant 8 : i32
            %mul3A_169 = arith.muli %scan3A_150, %mul3A_168 : i32
            %add3A_170 = arith.addi %mul3A_167, %mul3A_169 : i32
            %add3A_171 = arith.constant 2 : i32
            %add3A_172 = arith.addi %add3A_170, %add3A_171 : i32
            %mul3A_173 = arith.constant 16 : i32
            %mul3A_174 = arith.muli %scan3A_139, %mul3A_173 : i32
            %mul3A_175 = arith.constant 8 : i32
            %mul3A_176 = arith.muli %scan3A_150, %mul3A_175 : i32
            %add3A_177 = arith.addi %mul3A_174, %mul3A_176 : i32
            %add3A_178 = arith.constant 3 : i32
            %add3A_179 = arith.addi %add3A_177, %add3A_178 : i32
            %mul3A_180 = arith.constant 16 : i32
            %mul3A_181 = arith.muli %scan3A_139, %mul3A_180 : i32
            %mul3A_182 = arith.constant 8 : i32
            %mul3A_183 = arith.muli %scan3A_150, %mul3A_182 : i32
            %add3A_184 = arith.addi %mul3A_181, %mul3A_183 : i32
            %add3A_185 = arith.constant 4 : i32
            %add3A_186 = arith.addi %add3A_184, %add3A_185 : i32
            %mul3A_187 = arith.constant 16 : i32
            %mul3A_188 = arith.muli %scan3A_139, %mul3A_187 : i32
            %mul3A_189 = arith.constant 8 : i32
            %mul3A_190 = arith.muli %scan3A_150, %mul3A_189 : i32
            %add3A_191 = arith.addi %mul3A_188, %mul3A_190 : i32
            %add3A_192 = arith.constant 5 : i32
            %add3A_193 = arith.addi %add3A_191, %add3A_192 : i32
            %mul3A_194 = arith.constant 16 : i32
            %mul3A_195 = arith.muli %scan3A_139, %mul3A_194 : i32
            %mul3A_196 = arith.constant 8 : i32
            %mul3A_197 = arith.muli %scan3A_150, %mul3A_196 : i32
            %add3A_198 = arith.addi %mul3A_195, %mul3A_197 : i32
            %add3A_199 = arith.constant 6 : i32
            %add3A_200 = arith.addi %add3A_198, %add3A_199 : i32
            %mul3A_201 = arith.constant 16 : i32
            %mul3A_202 = arith.muli %scan3A_139, %mul3A_201 : i32
            %mul3A_203 = arith.constant 8 : i32
            %mul3A_204 = arith.muli %scan3A_150, %mul3A_203 : i32
            %add3A_205 = arith.addi %mul3A_202, %mul3A_204 : i32
            %add3A_206 = arith.constant 7 : i32
            %add3A_207 = arith.addi %add3A_205, %add3A_206 : i32
            %get3A = arith.index_cast %add3A_67 : i32 to index
            %get3A_208 = arith.constant 0 : index
            %get3A_209 = tpu.vector_load %arg5[%get3A, %get3A_208] {strides = array<i32>} : memref<32x128xi32, #tpu.memory_space<vmem>>, vector<16xi32>,
            %bitcast3A = vector.bitcast %get3A_209 : vector<16xi32> to vector<32xbf16>
            %get3A_210 = arith.index_cast %add3A_158 : i32 to index
            %get3A_211 = arith.constant 0 : index
            %get3A_212 = tpu.vector_load %arg8[%get3A_210, %get3A_211] {strides = array<i32>} : memref<64x128xi32, #tpu.memory_space<vmem>>, vector<16xi32>,
            %bitcast3A_213 = vector.bitcast %get3A_212 : vector<16xi32> to vector<32xbf16>
            %mul3A_214 = arith.mulf %bitcast3A_213, %bitcast3A : vector<32xbf16>
            %unpack3A = tpu.unpack_subelements %mul3A_214, 0 {pack_format = #tpu.pack_format<interleaved>} : vector<32xbf16> -> vector<16xf32>
            %unpack3A_215 = tpu.unpack_subelements %mul3A_214, 1 {pack_format = #tpu.pack_format<interleaved>} : vector<32xbf16> -> vector<16xf32>
            %add3A_216 = arith.addf %broadcast_in_dim3A_75, %unpack3A : vector<16xf32>
            %add3A_217 = arith.addf %broadcast_in_dim3A_75, %unpack3A_215 : vector<16xf32>
            %get3A_218 = arith.index_cast %add3A_165 : i32 to index
            %get3A_219 = arith.constant 0 : index
            %get3A_220 = tpu.vector_load %arg8[%get3A_218, %get3A_219] {strides = array<i32>} : memref<64x128xi32, #tpu.memory_space<vmem>>, vector<16xi32>,
            %bitcast3A_221 = vector.bitcast %get3A_220 : vector<16xi32> to vector<32xbf16>
            %mul3A_222 = arith.mulf %bitcast3A_221, %bitcast3A : vector<32xbf16>
            %unpack3A_223 = tpu.unpack_subelements %mul3A_222, 0 {pack_format = #tpu.pack_format<interleaved>} : vector<32xbf16> -> vector<16xf32>
            %unpack3A_224 = tpu.unpack_subelements %mul3A_222, 1 {pack_format = #tpu.pack_format<interleaved>} : vector<32xbf16> -> vector<16xf32>
            %add3A_225 = arith.addf %broadcast_in_dim3A_75, %unpack3A_223 : vector<16xf32>
            %add3A_226 = arith.addf %broadcast_in_dim3A_75, %unpack3A_224 : vector<16xf32>
            %get3A_227 = arith.index_cast %add3A_172 : i32 to index
            %get3A_228 = arith.constant 0 : index
            %get3A_229 = tpu.vector_load %arg8[%get3A_227, %get3A_228] {strides = array<i32>} : memref<64x128xi32, #tpu.memory_space<vmem>>, vector<16xi32>,
            %bitcast3A_230 = vector.bitcast %get3A_229 : vector<16xi32> to vector<32xbf16>
            %mul3A_231 = arith.mulf %bitcast3A_230, %bitcast3A : vector<32xbf16>
            %unpack3A_232 = tpu.unpack_subelements %mul3A_231, 0 {pack_format = #tpu.pack_format<interleaved>} : vector<32xbf16> -> vector<16xf32>
            %unpack3A_233 = tpu.unpack_subelements %mul3A_231, 1 {pack_format = #tpu.pack_format<interleaved>} : vector<32xbf16> -> vector<16xf32>
            %add3A_234 = arith.addf %broadcast_in_dim3A_75, %unpack3A_232 : vector<16xf32>
            %add3A_235 = arith.addf %broadcast_in_dim3A_75, %unpack3A_233 : vector<16xf32>
            %get3A_236 = arith.index_cast %add3A_179 : i32 to index
            %get3A_237 = arith.constant 0 : index
            %get3A_238 = tpu.vector_load %arg8[%get3A_236, %get3A_237] {strides = array<i32>} : memref<64x128xi32, #tpu.memory_space<vmem>>, vector<16xi32>,
            %bitcast3A_239 = vector.bitcast %get3A_238 : vector<16xi32> to vector<32xbf16>
            %mul3A_240 = arith.mulf %bitcast3A_239, %bitcast3A : vector<32xbf16>
            %unpack3A_241 = tpu.unpack_subelements %mul3A_240, 0 {pack_format = #tpu.pack_format<interleaved>} : vector<32xbf16> -> vector<16xf32>
            %unpack3A_242 = tpu.unpack_subelements %mul3A_240, 1 {pack_format = #tpu.pack_format<interleaved>} : vector<32xbf16> -> vector<16xf32>
            %add3A_243 = arith.addf %broadcast_in_dim3A_75, %unpack3A_241 : vector<16xf32>
            %add3A_244 = arith.addf %broadcast_in_dim3A_75, %unpack3A_242 : vector<16xf32>
            %get3A_245 = arith.index_cast %add3A_186 : i32 to index
            %get3A_246 = arith.constant 0 : index
            %get3A_247 = tpu.vector_load %arg8[%get3A_245, %get3A_246] {strides = array<i32>} : memref<64x128xi32, #tpu.memory_space<vmem>>, vector<16xi32>,
            %bitcast3A_248 = vector.bitcast %get3A_247 : vector<16xi32> to vector<32xbf16>
            %mul3A_249 = arith.mulf %bitcast3A_248, %bitcast3A : vector<32xbf16>
            %unpack3A_250 = tpu.unpack_subelements %mul3A_249, 0 {pack_format = #tpu.pack_format<interleaved>} : vector<32xbf16> -> vector<16xf32>
            %unpack3A_251 = tpu.unpack_subelements %mul3A_249, 1 {pack_format = #tpu.pack_format<interleaved>} : vector<32xbf16> -> vector<16xf32>
            %add3A_252 = arith.addf %broadcast_in_dim3A_75, %unpack3A_250 : vector<16xf32>
            %add3A_253 = arith.addf %broadcast_in_dim3A_75, %unpack3A_251 : vector<16xf32>
            %get3A_254 = arith.index_cast %add3A_193 : i32 to index
            %get3A_255 = arith.constant 0 : index
            %get3A_256 = tpu.vector_load %arg8[%get3A_254, %get3A_255] {strides = array<i32>} : memref<64x128xi32, #tpu.memory_space<vmem>>, vector<16xi32>,
            %bitcast3A_257 = vector.bitcast %get3A_256 : vector<16xi32> to vector<32xbf16>
            %mul3A_258 = arith.mulf %bitcast3A_257, %bitcast3A : vector<32xbf16>
            %unpack3A_259 = tpu.unpack_subelements %mul3A_258, 0 {pack_format = #tpu.pack_format<interleaved>} : vector<32xbf16> -> vector<16xf32>
            %unpack3A_260 = tpu.unpack_subelements %mul3A_258, 1 {pack_format = #tpu.pack_format<interleaved>} : vector<32xbf16> -> vector<16xf32>
            %add3A_261 = arith.addf %broadcast_in_dim3A_75, %unpack3A_259 : vector<16xf32>
            %add3A_262 = arith.addf %broadcast_in_dim3A_75, %unpack3A_260 : vector<16xf32>
            %get3A_263 = arith.index_cast %add3A_200 : i32 to index
            %get3A_264 = arith.constant 0 : index
            %get3A_265 = tpu.vector_load %arg8[%get3A_263, %get3A_264] {strides = array<i32>} : memref<64x128xi32, #tpu.memory_space<vmem>>, vector<16xi32>,
            %bitcast3A_266 = vector.bitcast %get3A_265 : vector<16xi32> to vector<32xbf16>
            %mul3A_267 = arith.mulf %bitcast3A_266, %bitcast3A : vector<32xbf16>
            %unpack3A_268 = tpu.unpack_subelements %mul3A_267, 0 {pack_format = #tpu.pack_format<interleaved>} : vector<32xbf16> -> vector<16xf32>
            %unpack3A_269 = tpu.unpack_subelements %mul3A_267, 1 {pack_format = #tpu.pack_format<interleaved>} : vector<32xbf16> -> vector<16xf32>
            %add3A_270 = arith.addf %broadcast_in_dim3A_75, %unpack3A_268 : vector<16xf32>
            %add3A_271 = arith.addf %broadcast_in_dim3A_75, %unpack3A_269 : vector<16xf32>
            %get3A_272 = arith.index_cast %add3A_207 : i32 to index
            %get3A_273 = arith.constant 0 : index
            %get3A_274 = tpu.vector_load %arg8[%get3A_272, %get3A_273] {strides = array<i32>} : memref<64x128xi32, #tpu.memory_space<vmem>>, vector<16xi32>,
            %bitcast3A_275 = vector.bitcast %get3A_274 : vector<16xi32> to vector<32xbf16>
            %mul3A_276 = arith.mulf %bitcast3A_275, %bitcast3A : vector<32xbf16>
            %unpack3A_277 = tpu.unpack_subelements %mul3A_276, 0 {pack_format = #tpu.pack_format<interleaved>} : vector<32xbf16> -> vector<16xf32>
            %unpack3A_278 = tpu.unpack_subelements %mul3A_276, 1 {pack_format = #tpu.pack_format<interleaved>} : vector<32xbf16> -> vector<16xf32>
            %add3A_279 = arith.addf %broadcast_in_dim3A_75, %unpack3A_277 : vector<16xf32>
            %add3A_280 = arith.addf %broadcast_in_dim3A_75, %unpack3A_278 : vector<16xf32>
            %get3A_281 = arith.index_cast %add3A_67 : i32 to index
            %get3A_282 = arith.constant 16 : index
            %get3A_283 = tpu.vector_load %arg5[%get3A_281, %get3A_282] {strides = array<i32>} : memref<32x128xi32, #tpu.memory_space<vmem>>, vector<16xi32>,
            %bitcast3A_284 = vector.bitcast %get3A_283 : vector<16xi32> to vector<32xbf16>
            %get3A_285 = arith.index_cast %add3A_158 : i32 to index
            %get3A_286 = arith.constant 16 : index
            %get3A_287 = tpu.vector_load %arg8[%get3A_285, %get3A_286] {strides = array<i32>} : memref<64x128xi32, #tpu.memory_space<vmem>>, vector<16xi32>,
            %bitcast3A_288 = vector.bitcast %get3A_287 : vector<16xi32> to vector<32xbf16>
            %mul3A_289 = arith.mulf %bitcast3A_288, %bitcast3A_284 : vector<32xbf16>
            %unpack3A_290 = tpu.unpack_subelements %mul3A_289, 0 {pack_format = #tpu.pack_format<interleaved>} : vector<32xbf16> -> vector<16xf32>
            %unpack3A_291 = tpu.unpack_subelements %mul3A_289, 1 {pack_format = #tpu.pack_format<interleaved>} : vector<32xbf16> -> vector<16xf32>
            %add3A_292 = arith.addf %add3A_216, %unpack3A_290 : vector<16xf32>
            %add3A_293 = arith.addf %add3A_217, %unpack3A_291 : vector<16xf32>
            %get3A_294 = arith.index_cast %add3A_165 : i32 to index
            %get3A_295 = arith.constant 16 : index
            %get3A_296 = tpu.vector_load %arg8[%get3A_294, %get3A_295] {strides = array<i32>} : memref<64x128xi32, #tpu.memory_space<vmem>>, vector<16xi32>,
            %bitcast3A_297 = vector.bitcast %get3A_296 : vector<16xi32> to vector<32xbf16>
            %mul3A_298 = arith.mulf %bitcast3A_297, %bitcast3A_284 : vector<32xbf16>
            %unpack3A_299 = tpu.unpack_subelements %mul3A_298, 0 {pack_format = #tpu.pack_format<interleaved>} : vector<32xbf16> -> vector<16xf32>
            %unpack3A_300 = tpu.unpack_subelements %mul3A_298, 1 {pack_format = #tpu.pack_format<interleaved>} : vector<32xbf16> -> vector<16xf32>
            %add3A_301 = arith.addf %add3A_225, %unpack3A_299 : vector<16xf32>
            %add3A_302 = arith.addf %add3A_226, %unpack3A_300 : vector<16xf32>
            %get3A_303 = arith.index_cast %add3A_172 : i32 to index
            %get3A_304 = arith.constant 16 : index
            %get3A_305 = tpu.vector_load %arg8[%get3A_303, %get3A_304] {strides = array<i32>} : memref<64x128xi32, #tpu.memory_space<vmem>>, vector<16xi32>,
            %bitcast3A_306 = vector.bitcast %get3A_305 : vector<16xi32> to vector<32xbf16>
            %mul3A_307 = arith.mulf %bitcast3A_306, %bitcast3A_284 : vector<32xbf16>
            %unpack3A_308 = tpu.unpack_subelements %mul3A_307, 0 {pack_format = #tpu.pack_format<interleaved>} : vector<32xbf16> -> vector<16xf32>
            %unpack3A_309 = tpu.unpack_subelements %mul3A_307, 1 {pack_format = #tpu.pack_format<interleaved>} : vector<32xbf16> -> vector<16xf32>
            %add3A_310 = arith.addf %add3A_234, %unpack3A_308 : vector<16xf32>
            %add3A_311 = arith.addf %add3A_235, %unpack3A_309 : vector<16xf32>
            %get3A_312 = arith.index_cast %add3A_179 : i32 to index
            %get3A_313 = arith.constant 16 : index
            %get3A_314 = tpu.vector_load %arg8[%get3A_312, %get3A_313] {strides = array<i32>} : memref<64x128xi32, #tpu.memory_space<vmem>>, vector<16xi32>,
            %bitcast3A_315 = vector.bitcast %get3A_314 : vector<16xi32> to vector<32xbf16>
            %mul3A_316 = arith.mulf %bitcast3A_315, %bitcast3A_284 : vector<32xbf16>
            %unpack3A_317 = tpu.unpack_subelements %mul3A_316, 0 {pack_format = #tpu.pack_format<interleaved>} : vector<32xbf16> -> vector<16xf32>
            %unpack3A_318 = tpu.unpack_subelements %mul3A_316, 1 {pack_format = #tpu.pack_format<interleaved>} : vector<32xbf16> -> vector<16xf32>
            %add3A_319 = arith.addf %add3A_243, %unpack3A_317 : vector<16xf32>
            %add3A_320 = arith.addf %add3A_244, %unpack3A_318 : vector<16xf32>
            %get3A_321 = arith.index_cast %add3A_186 : i32 to index
            %get3A_322 = arith.constant 16 : index
            %get3A_323 = tpu.vector_load %arg8[%get3A_321, %get3A_322] {strides = array<i32>} : memref<64x128xi32, #tpu.memory_space<vmem>>, vector<16xi32>,
            %bitcast3A_324 = vector.bitcast %get3A_323 : vector<16xi32> to vector<32xbf16>
            %mul3A_325 = arith.mulf %bitcast3A_324, %bitcast3A_284 : vector<32xbf16>
            %unpack3A_326 = tpu.unpack_subelements %mul3A_325, 0 {pack_format = #tpu.pack_format<interleaved>} : vector<32xbf16> -> vector<16xf32>
            %unpack3A_327 = tpu.unpack_subelements %mul3A_325, 1 {pack_format = #tpu.pack_format<interleaved>} : vector<32xbf16> -> vector<16xf32>
            %add3A_328 = arith.addf %add3A_252, %unpack3A_326 : vector<16xf32>
            %add3A_329 = arith.addf %add3A_253, %unpack3A_327 : vector<16xf32>
            %get3A_330 = arith.index_cast %add3A_193 : i32 to index
            %get3A_331 = arith.constant 16 : index
            %get3A_332 = tpu.vector_load %arg8[%get3A_330, %get3A_331] {strides = array<i32>} : memref<64x128xi32, #tpu.memory_space<vmem>>, vector<16xi32>,
            %bitcast3A_333 = vector.bitcast %get3A_332 : vector<16xi32> to vector<32xbf16>
            %mul3A_334 = arith.mulf %bitcast3A_333, %bitcast3A_284 : vector<32xbf16>
            %unpack3A_335 = tpu.unpack_subelements %mul3A_334, 0 {pack_format = #tpu.pack_format<interleaved>} : vector<32xbf16> -> vector<16xf32>
            %unpack3A_336 = tpu.unpack_subelements %mul3A_334, 1 {pack_format = #tpu.pack_format<interleaved>} : vector<32xbf16> -> vector<16xf32>
            %add3A_337 = arith.addf %add3A_261, %unpack3A_335 : vector<16xf32>
            %add3A_338 = arith.addf %add3A_262, %unpack3A_336 : vector<16xf32>
            %get3A_339 = arith.index_cast %add3A_200 : i32 to index
            %get3A_340 = arith.constant 16 : index
            %get3A_341 = tpu.vector_load %arg8[%get3A_339, %get3A_340] {strides = array<i32>} : memref<64x128xi32, #tpu.memory_space<vmem>>, vector<16xi32>,
            %bitcast3A_342 = vector.bitcast %get3A_341 : vector<16xi32> to vector<32xbf16>
            %mul3A_343 = arith.mulf %bitcast3A_342, %bitcast3A_284 : vector<32xbf16>
            %unpack3A_344 = tpu.unpack_subelements %mul3A_343, 0 {pack_format = #tpu.pack_format<interleaved>} : vector<32xbf16> -> vector<16xf32>
            %unpack3A_345 = tpu.unpack_subelements %mul3A_343, 1 {pack_format = #tpu.pack_format<interleaved>} : vector<32xbf16> -> vector<16xf32>
            %add3A_346 = arith.addf %add3A_270, %unpack3A_344 : vector<16xf32>
            %add3A_347 = arith.addf %add3A_271, %unpack3A_345 : vector<16xf32>
            %get3A_348 = arith.index_cast %add3A_207 : i32 to index
            %get3A_349 = arith.constant 16 : index
            %get3A_350 = tpu.vector_load %arg8[%get3A_348, %get3A_349] {strides = array<i32>} : memref<64x128xi32, #tpu.memory_space<vmem>>, vector<16xi32>,
            %bitcast3A_351 = vector.bitcast %get3A_350 : vector<16xi32> to vector<32xbf16>
            %mul3A_352 = arith.mulf %bitcast3A_351, %bitcast3A_284 : vector<32xbf16>
            %unpack3A_353 = tpu.unpack_subelements %mul3A_352, 0 {pack_format = #tpu.pack_format<interleaved>} : vector<32xbf16> -> vector<16xf32>
            %unpack3A_354 = tpu.unpack_subelements %mul3A_352, 1 {pack_format = #tpu.pack_format<interleaved>} : vector<32xbf16> -> vector<16xf32>
            %add3A_355 = arith.addf %add3A_279, %unpack3A_353 : vector<16xf32>
            %add3A_356 = arith.addf %add3A_280, %unpack3A_354 : vector<16xf32>
            %get3A_357 = arith.index_cast %add3A_67 : i32 to index
            %get3A_358 = arith.constant 32 : index
            %get3A_359 = tpu.vector_load %arg5[%get3A_357, %get3A_358] {strides = array<i32>} : memref<32x128xi32, #tpu.memory_space<vmem>>, vector<16xi32>,
            %bitcast3A_360 = vector.bitcast %get3A_359 : vector<16xi32> to vector<32xbf16>
            %get3A_361 = arith.index_cast %add3A_158 : i32 to index
            %get3A_362 = arith.constant 32 : index
            %get3A_363 = tpu.vector_load %arg8[%get3A_361, %get3A_362] {strides = array<i32>} : memref<64x128xi32, #tpu.memory_space<vmem>>, vector<16xi32>,
            %bitcast3A_364 = vector.bitcast %get3A_363 : vector<16xi32> to vector<32xbf16>
            %mul3A_365 = arith.mulf %bitcast3A_364, %bitcast3A_360 : vector<32xbf16>
            %unpack3A_366 = tpu.unpack_subelements %mul3A_365, 0 {pack_format = #tpu.pack_format<interleaved>} : vector<32xbf16> -> vector<16xf32>
            %unpack3A_367 = tpu.unpack_subelements %mul3A_365, 1 {pack_format = #tpu.pack_format<interleaved>} : vector<32xbf16> -> vector<16xf32>
            %add3A_368 = arith.addf %add3A_292, %unpack3A_366 : vector<16xf32>
            %add3A_369 = arith.addf %add3A_293, %unpack3A_367 : vector<16xf32>
            %get3A_370 = arith.index_cast %add3A_165 : i32 to index
            %get3A_371 = arith.constant 32 : index
            %get3A_372 = tpu.vector_load %arg8[%get3A_370, %get3A_371] {strides = array<i32>} : memref<64x128xi32, #tpu.memory_space<vmem>>, vector<16xi32>,
            %bitcast3A_373 = vector.bitcast %get3A_372 : vector<16xi32> to vector<32xbf16>
            %mul3A_374 = arith.mulf %bitcast3A_373, %bitcast3A_360 : vector<32xbf16>
            %unpack3A_375 = tpu.unpack_subelements %mul3A_374, 0 {pack_format = #tpu.pack_format<interleaved>} : vector<32xbf16> -> vector<16xf32>
            %unpack3A_376 = tpu.unpack_subelements %mul3A_374, 1 {pack_format = #tpu.pack_format<interleaved>} : vector<32xbf16> -> vector<16xf32>
            %add3A_377 = arith.addf %add3A_301, %unpack3A_375 : vector<16xf32>
            %add3A_378 = arith.addf %add3A_302, %unpack3A_376 : vector<16xf32>
            %get3A_379 = arith.index_cast %add3A_172 : i32 to index
            %get3A_380 = arith.constant 32 : index
            %get3A_381 = tpu.vector_load %arg8[%get3A_379, %get3A_380] {strides = array<i32>} : memref<64x128xi32, #tpu.memory_space<vmem>>, vector<16xi32>,
            %bitcast3A_382 = vector.bitcast %get3A_381 : vector<16xi32> to vector<32xbf16>
            %mul3A_383 = arith.mulf %bitcast3A_382, %bitcast3A_360 : vector<32xbf16>
            %unpack3A_384 = tpu.unpack_subelements %mul3A_383, 0 {pack_format = #tpu.pack_format<interleaved>} : vector<32xbf16> -> vector<16xf32>
            %unpack3A_385 = tpu.unpack_subelements %mul3A_383, 1 {pack_format = #tpu.pack_format<interleaved>} : vector<32xbf16> -> vector<16xf32>
            %add3A_386 = arith.addf %add3A_310, %unpack3A_384 : vector<16xf32>
            %add3A_387 = arith.addf %add3A_311, %unpack3A_385 : vector<16xf32>
            %get3A_388 = arith.index_cast %add3A_179 : i32 to index
            %get3A_389 = arith.constant 32 : index
            %get3A_390 = tpu.vector_load %arg8[%get3A_388, %get3A_389] {strides = array<i32>} : memref<64x128xi32, #tpu.memory_space<vmem>>, vector<16xi32>,
            %bitcast3A_391 = vector.bitcast %get3A_390 : vector<16xi32> to vector<32xbf16>
            %mul3A_392 = arith.mulf %bitcast3A_391, %bitcast3A_360 : vector<32xbf16>
            %unpack3A_393 = tpu.unpack_subelements %mul3A_392, 0 {pack_format = #tpu.pack_format<interleaved>} : vector<32xbf16> -> vector<16xf32>
            %unpack3A_394 = tpu.unpack_subelements %mul3A_392, 1 {pack_format = #tpu.pack_format<interleaved>} : vector<32xbf16> -> vector<16xf32>
            %add3A_395 = arith.addf %add3A_319, %unpack3A_393 : vector<16xf32>
            %add3A_396 = arith.addf %add3A_320, %unpack3A_394 : vector<16xf32>
            %get3A_397 = arith.index_cast %add3A_186 : i32 to index
            %get3A_398 = arith.constant 32 : index
            %get3A_399 = tpu.vector_load %arg8[%get3A_397, %get3A_398] {strides = array<i32>} : memref<64x128xi32, #tpu.memory_space<vmem>>, vector<16xi32>,
            %bitcast3A_400 = vector.bitcast %get3A_399 : vector<16xi32> to vector<32xbf16>
            %mul3A_401 = arith.mulf %bitcast3A_400, %bitcast3A_360 : vector<32xbf16>
            %unpack3A_402 = tpu.unpack_subelements %mul3A_401, 0 {pack_format = #tpu.pack_format<interleaved>} : vector<32xbf16> -> vector<16xf32>
            %unpack3A_403 = tpu.unpack_subelements %mul3A_401, 1 {pack_format = #tpu.pack_format<interleaved>} : vector<32xbf16> -> vector<16xf32>
            %add3A_404 = arith.addf %add3A_328, %unpack3A_402 : vector<16xf32>
            %add3A_405 = arith.addf %add3A_329, %unpack3A_403 : vector<16xf32>
            %get3A_406 = arith.index_cast %add3A_193 : i32 to index
            %get3A_407 = arith.constant 32 : index
            %get3A_408 = tpu.vector_load %arg8[%get3A_406, %get3A_407] {strides = array<i32>} : memref<64x128xi32, #tpu.memory_space<vmem>>, vector<16xi32>,
            %bitcast3A_409 = vector.bitcast %get3A_408 : vector<16xi32> to vector<32xbf16>
            %mul3A_410 = arith.mulf %bitcast3A_409, %bitcast3A_360 : vector<32xbf16>
            %unpack3A_411 = tpu.unpack_subelements %mul3A_410, 0 {pack_format = #tpu.pack_format<interleaved>} : vector<32xbf16> -> vector<16xf32>
            %unpack3A_412 = tpu.unpack_subelements %mul3A_410, 1 {pack_format = #tpu.pack_format<interleaved>} : vector<32xbf16> -> vector<16xf32>
            %add3A_413 = arith.addf %add3A_337, %unpack3A_411 : vector<16xf32>
            %add3A_414 = arith.addf %add3A_338, %unpack3A_412 : vector<16xf32>
            %get3A_415 = arith.index_cast %add3A_200 : i32 to index
            %get3A_416 = arith.constant 32 : index
            %get3A_417 = tpu.vector_load %arg8[%get3A_415, %get3A_416] {strides = array<i32>} : memref<64x128xi32, #tpu.memory_space<vmem>>, vector<16xi32>,
            %bitcast3A_418 = vector.bitcast %get3A_417 : vector<16xi32> to vector<32xbf16>
            %mul3A_419 = arith.mulf %bitcast3A_418, %bitcast3A_360 : vector<32xbf16>
            %unpack3A_420 = tpu.unpack_subelements %mul3A_419, 0 {pack_format = #tpu.pack_format<interleaved>} : vector<32xbf16> -> vector<16xf32>
            %unpack3A_421 = tpu.unpack_subelements %mul3A_419, 1 {pack_format = #tpu.pack_format<interleaved>} : vector<32xbf16> -> vector<16xf32>
            %add3A_422 = arith.addf %add3A_346, %unpack3A_420 : vector<16xf32>
            %add3A_423 = arith.addf %add3A_347, %unpack3A_421 : vector<16xf32>
            %get3A_424 = arith.index_cast %add3A_207 : i32 to index
            %get3A_425 = arith.constant 32 : index
            %get3A_426 = tpu.vector_load %arg8[%get3A_424, %get3A_425] {strides = array<i32>} : memref<64x128xi32, #tpu.memory_space<vmem>>, vector<16xi32>,
            %bitcast3A_427 = vector.bitcast %get3A_426 : vector<16xi32> to vector<32xbf16>
            %mul3A_428 = arith.mulf %bitcast3A_427, %bitcast3A_360 : vector<32xbf16>
            %unpack3A_429 = tpu.unpack_subelements %mul3A_428, 0 {pack_format = #tpu.pack_format<interleaved>} : vector<32xbf16> -> vector<16xf32>
            %unpack3A_430 = tpu.unpack_subelements %mul3A_428, 1 {pack_format = #tpu.pack_format<interleaved>} : vector<32xbf16> -> vector<16xf32>
            %add3A_431 = arith.addf %add3A_355, %unpack3A_429 : vector<16xf32>
            %add3A_432 = arith.addf %add3A_356, %unpack3A_430 : vector<16xf32>
            %get3A_433 = arith.index_cast %add3A_67 : i32 to index
            %get3A_434 = arith.constant 48 : index
            %get3A_435 = tpu.vector_load %arg5[%get3A_433, %get3A_434] {strides = array<i32>} : memref<32x128xi32, #tpu.memory_space<vmem>>, vector<16xi32>,
            %bitcast3A_436 = vector.bitcast %get3A_435 : vector<16xi32> to vector<32xbf16>
            %get3A_437 = arith.index_cast %add3A_158 : i32 to index
            %get3A_438 = arith.constant 48 : index
            %get3A_439 = tpu.vector_load %arg8[%get3A_437, %get3A_438] {strides = array<i32>} : memref<64x128xi32, #tpu.memory_space<vmem>>, vector<16xi32>,
            %bitcast3A_440 = vector.bitcast %get3A_439 : vector<16xi32> to vector<32xbf16>
            %mul3A_441 = arith.mulf %bitcast3A_440, %bitcast3A_436 : vector<32xbf16>
            %unpack3A_442 = tpu.unpack_subelements %mul3A_441, 0 {pack_format = #tpu.pack_format<interleaved>} : vector<32xbf16> -> vector<16xf32>
            %unpack3A_443 = tpu.unpack_subelements %mul3A_441, 1 {pack_format = #tpu.pack_format<interleaved>} : vector<32xbf16> -> vector<16xf32>
            %add3A_444 = arith.addf %add3A_368, %unpack3A_442 : vector<16xf32>
            %add3A_445 = arith.addf %add3A_369, %unpack3A_443 : vector<16xf32>
            %get3A_446 = arith.index_cast %add3A_165 : i32 to index
            %get3A_447 = arith.constant 48 : index
            %get3A_448 = tpu.vector_load %arg8[%get3A_446, %get3A_447] {strides = array<i32>} : memref<64x128xi32, #tpu.memory_space<vmem>>, vector<16xi32>,
            %bitcast3A_449 = vector.bitcast %get3A_448 : vector<16xi32> to vector<32xbf16>
            %mul3A_450 = arith.mulf %bitcast3A_449, %bitcast3A_436 : vector<32xbf16>
            %unpack3A_451 = tpu.unpack_subelements %mul3A_450, 0 {pack_format = #tpu.pack_format<interleaved>} : vector<32xbf16> -> vector<16xf32>
            %unpack3A_452 = tpu.unpack_subelements %mul3A_450, 1 {pack_format = #tpu.pack_format<interleaved>} : vector<32xbf16> -> vector<16xf32>
            %add3A_453 = arith.addf %add3A_377, %unpack3A_451 : vector<16xf32>
            %add3A_454 = arith.addf %add3A_378, %unpack3A_452 : vector<16xf32>
            %get3A_455 = arith.index_cast %add3A_172 : i32 to index
            %get3A_456 = arith.constant 48 : index
            %get3A_457 = tpu.vector_load %arg8[%get3A_455, %get3A_456] {strides = array<i32>} : memref<64x128xi32, #tpu.memory_space<vmem>>, vector<16xi32>,
            %bitcast3A_458 = vector.bitcast %get3A_457 : vector<16xi32> to vector<32xbf16>
            %mul3A_459 = arith.mulf %bitcast3A_458, %bitcast3A_436 : vector<32xbf16>
            %unpack3A_460 = tpu.unpack_subelements %mul3A_459, 0 {pack_format = #tpu.pack_format<interleaved>} : vector<32xbf16> -> vector<16xf32>
            %unpack3A_461 = tpu.unpack_subelements %mul3A_459, 1 {pack_format = #tpu.pack_format<interleaved>} : vector<32xbf16> -> vector<16xf32>
            %add3A_462 = arith.addf %add3A_386, %unpack3A_460 : vector<16xf32>
            %add3A_463 = arith.addf %add3A_387, %unpack3A_461 : vector<16xf32>
            %get3A_464 = arith.index_cast %add3A_179 : i32 to index
            %get3A_465 = arith.constant 48 : index
            %get3A_466 = tpu.vector_load %arg8[%get3A_464, %get3A_465] {strides = array<i32>} : memref<64x128xi32, #tpu.memory_space<vmem>>, vector<16xi32>,
            %bitcast3A_467 = vector.bitcast %get3A_466 : vector<16xi32> to vector<32xbf16>
            %mul3A_468 = arith.mulf %bitcast3A_467, %bitcast3A_436 : vector<32xbf16>
            %unpack3A_469 = tpu.unpack_subelements %mul3A_468, 0 {pack_format = #tpu.pack_format<interleaved>} : vector<32xbf16> -> vector<16xf32>
            %unpack3A_470 = tpu.unpack_subelements %mul3A_468, 1 {pack_format = #tpu.pack_format<interleaved>} : vector<32xbf16> -> vector<16xf32>
            %add3A_471 = arith.addf %add3A_395, %unpack3A_469 : vector<16xf32>
            %add3A_472 = arith.addf %add3A_396, %unpack3A_470 : vector<16xf32>
            %get3A_473 = arith.index_cast %add3A_186 : i32 to index
            %get3A_474 = arith.constant 48 : index
            %get3A_475 = tpu.vector_load %arg8[%get3A_473, %get3A_474] {strides = array<i32>} : memref<64x128xi32, #tpu.memory_space<vmem>>, vector<16xi32>,
            %bitcast3A_476 = vector.bitcast %get3A_475 : vector<16xi32> to vector<32xbf16>
            %mul3A_477 = arith.mulf %bitcast3A_476, %bitcast3A_436 : vector<32xbf16>
            %unpack3A_478 = tpu.unpack_subelements %mul3A_477, 0 {pack_format = #tpu.pack_format<interleaved>} : vector<32xbf16> -> vector<16xf32>
            %unpack3A_479 = tpu.unpack_subelements %mul3A_477, 1 {pack_format = #tpu.pack_format<interleaved>} : vector<32xbf16> -> vector<16xf32>
            %add3A_480 = arith.addf %add3A_404, %unpack3A_478 : vector<16xf32>
            %add3A_481 = arith.addf %add3A_405, %unpack3A_479 : vector<16xf32>
            %get3A_482 = arith.index_cast %add3A_193 : i32 to index
            %get3A_483 = arith.constant 48 : index
            %get3A_484 = tpu.vector_load %arg8[%get3A_482, %get3A_483] {strides = array<i32>} : memref<64x128xi32, #tpu.memory_space<vmem>>, vector<16xi32>,
            %bitcast3A_485 = vector.bitcast %get3A_484 : vector<16xi32> to vector<32xbf16>
            %mul3A_486 = arith.mulf %bitcast3A_485, %bitcast3A_436 : vector<32xbf16>
            %unpack3A_487 = tpu.unpack_subelements %mul3A_486, 0 {pack_format = #tpu.pack_format<interleaved>} : vector<32xbf16> -> vector<16xf32>
            %unpack3A_488 = tpu.unpack_subelements %mul3A_486, 1 {pack_format = #tpu.pack_format<interleaved>} : vector<32xbf16> -> vector<16xf32>
            %add3A_489 = arith.addf %add3A_413, %unpack3A_487 : vector<16xf32>
            %add3A_490 = arith.addf %add3A_414, %unpack3A_488 : vector<16xf32>
            %get3A_491 = arith.index_cast %add3A_200 : i32 to index
            %get3A_492 = arith.constant 48 : index
            %get3A_493 = tpu.vector_load %arg8[%get3A_491, %get3A_492] {strides = array<i32>} : memref<64x128xi32, #tpu.memory_space<vmem>>, vector<16xi32>,
            %bitcast3A_494 = vector.bitcast %get3A_493 : vector<16xi32> to vector<32xbf16>
            %mul3A_495 = arith.mulf %bitcast3A_494, %bitcast3A_436 : vector<32xbf16>
            %unpack3A_496 = tpu.unpack_subelements %mul3A_495, 0 {pack_format = #tpu.pack_format<interleaved>} : vector<32xbf16> -> vector<16xf32>
            %unpack3A_497 = tpu.unpack_subelements %mul3A_495, 1 {pack_format = #tpu.pack_format<interleaved>} : vector<32xbf16> -> vector<16xf32>
            %add3A_498 = arith.addf %add3A_422, %unpack3A_496 : vector<16xf32>
            %add3A_499 = arith.addf %add3A_423, %unpack3A_497 : vector<16xf32>
            %get3A_500 = arith.index_cast %add3A_207 : i32 to index
            %get3A_501 = arith.constant 48 : index
            %get3A_502 = tpu.vector_load %arg8[%get3A_500, %get3A_501] {strides = array<i32>} : memref<64x128xi32, #tpu.memory_space<vmem>>, vector<16xi32>,
            %bitcast3A_503 = vector.bitcast %get3A_502 : vector<16xi32> to vector<32xbf16>
            %mul3A_504 = arith.mulf %bitcast3A_503, %bitcast3A_436 : vector<32xbf16>
            %unpack3A_505 = tpu.unpack_subelements %mul3A_504, 0 {pack_format = #tpu.pack_format<interleaved>} : vector<32xbf16> -> vector<16xf32>
            %unpack3A_506 = tpu.unpack_subelements %mul3A_504, 1 {pack_format = #tpu.pack_format<interleaved>} : vector<32xbf16> -> vector<16xf32>
            %add3A_507 = arith.addf %add3A_431, %unpack3A_505 : vector<16xf32>
            %add3A_508 = arith.addf %add3A_432, %unpack3A_506 : vector<16xf32>
            %get3A_509 = arith.index_cast %add3A_67 : i32 to index
            %get3A_510 = arith.constant 64 : index
            %get3A_511 = tpu.vector_load %arg5[%get3A_509, %get3A_510] {strides = array<i32>} : memref<32x128xi32, #tpu.memory_space<vmem>>, vector<16xi32>,
            %bitcast3A_512 = vector.bitcast %get3A_511 : vector<16xi32> to vector<32xbf16>
            %get3A_513 = arith.index_cast %add3A_158 : i32 to index
            %get3A_514 = arith.constant 64 : index
            %get3A_515 = tpu.vector_load %arg8[%get3A_513, %get3A_514] {strides = array<i32>} : memref<64x128xi32, #tpu.memory_space<vmem>>, vector<16xi32>,
            %bitcast3A_516 = vector.bitcast %get3A_515 : vector<16xi32> to vector<32xbf16>
            %mul3A_517 = arith.mulf %bitcast3A_516, %bitcast3A_512 : vector<32xbf16>
            %unpack3A_518 = tpu.unpack_subelements %mul3A_517, 0 {pack_format = #tpu.pack_format<interleaved>} : vector<32xbf16> -> vector<16xf32>
            %unpack3A_519 = tpu.unpack_subelements %mul3A_517, 1 {pack_format = #tpu.pack_format<interleaved>} : vector<32xbf16> -> vector<16xf32>
            %add3A_520 = arith.addf %add3A_444, %unpack3A_518 : vector<16xf32>
            %add3A_521 = arith.addf %add3A_445, %unpack3A_519 : vector<16xf32>
            %get3A_522 = arith.index_cast %add3A_165 : i32 to index
            %get3A_523 = arith.constant 64 : index
            %get3A_524 = tpu.vector_load %arg8[%get3A_522, %get3A_523] {strides = array<i32>} : memref<64x128xi32, #tpu.memory_space<vmem>>, vector<16xi32>,
            %bitcast3A_525 = vector.bitcast %get3A_524 : vector<16xi32> to vector<32xbf16>
            %mul3A_526 = arith.mulf %bitcast3A_525, %bitcast3A_512 : vector<32xbf16>
            %unpack3A_527 = tpu.unpack_subelements %mul3A_526, 0 {pack_format = #tpu.pack_format<interleaved>} : vector<32xbf16> -> vector<16xf32>
            %unpack3A_528 = tpu.unpack_subelements %mul3A_526, 1 {pack_format = #tpu.pack_format<interleaved>} : vector<32xbf16> -> vector<16xf32>
            %add3A_529 = arith.addf %add3A_453, %unpack3A_527 : vector<16xf32>
            %add3A_530 = arith.addf %add3A_454, %unpack3A_528 : vector<16xf32>
            %get3A_531 = arith.index_cast %add3A_172 : i32 to index
            %get3A_532 = arith.constant 64 : index
            %get3A_533 = tpu.vector_load %arg8[%get3A_531, %get3A_532] {strides = array<i32>} : memref<64x128xi32, #tpu.memory_space<vmem>>, vector<16xi32>,
            %bitcast3A_534 = vector.bitcast %get3A_533 : vector<16xi32> to vector<32xbf16>
            %mul3A_535 = arith.mulf %bitcast3A_534, %bitcast3A_512 : vector<32xbf16>
            %unpack3A_536 = tpu.unpack_subelements %mul3A_535, 0 {pack_format = #tpu.pack_format<interleaved>} : vector<32xbf16> -> vector<16xf32>
            %unpack3A_537 = tpu.unpack_subelements %mul3A_535, 1 {pack_format = #tpu.pack_format<interleaved>} : vector<32xbf16> -> vector<16xf32>
            %add3A_538 = arith.addf %add3A_462, %unpack3A_536 : vector<16xf32>
            %add3A_539 = arith.addf %add3A_463, %unpack3A_537 : vector<16xf32>
            %get3A_540 = arith.index_cast %add3A_179 : i32 to index
            %get3A_541 = arith.constant 64 : index
            %get3A_542 = tpu.vector_load %arg8[%get3A_540, %get3A_541] {strides = array<i32>} : memref<64x128xi32, #tpu.memory_space<vmem>>, vector<16xi32>,
            %bitcast3A_543 = vector.bitcast %get3A_542 : vector<16xi32> to vector<32xbf16>
            %mul3A_544 = arith.mulf %bitcast3A_543, %bitcast3A_512 : vector<32xbf16>
            %unpack3A_545 = tpu.unpack_subelements %mul3A_544, 0 {pack_format = #tpu.pack_format<interleaved>} : vector<32xbf16> -> vector<16xf32>
            %unpack3A_546 = tpu.unpack_subelements %mul3A_544, 1 {pack_format = #tpu.pack_format<interleaved>} : vector<32xbf16> -> vector<16xf32>
            %add3A_547 = arith.addf %add3A_471, %unpack3A_545 : vector<16xf32>
            %add3A_548 = arith.addf %add3A_472, %unpack3A_546 : vector<16xf32>
            %get3A_549 = arith.index_cast %add3A_186 : i32 to index
            %get3A_550 = arith.constant 64 : index
            %get3A_551 = tpu.vector_load %arg8[%get3A_549, %get3A_550] {strides = array<i32>} : memref<64x128xi32, #tpu.memory_space<vmem>>, vector<16xi32>,
            %bitcast3A_552 = vector.bitcast %get3A_551 : vector<16xi32> to vector<32xbf16>
            %mul3A_553 = arith.mulf %bitcast3A_552, %bitcast3A_512 : vector<32xbf16>
            %unpack3A_554 = tpu.unpack_subelements %mul3A_553, 0 {pack_format = #tpu.pack_format<interleaved>} : vector<32xbf16> -> vector<16xf32>
            %unpack3A_555 = tpu.unpack_subelements %mul3A_553, 1 {pack_format = #tpu.pack_format<interleaved>} : vector<32xbf16> -> vector<16xf32>
            %add3A_556 = arith.addf %add3A_480, %unpack3A_554 : vector<16xf32>
            %add3A_557 = arith.addf %add3A_481, %unpack3A_555 : vector<16xf32>
            %get3A_558 = arith.index_cast %add3A_193 : i32 to index
            %get3A_559 = arith.constant 64 : index
            %get3A_560 = tpu.vector_load %arg8[%get3A_558, %get3A_559] {strides = array<i32>} : memref<64x128xi32, #tpu.memory_space<vmem>>, vector<16xi32>,
            %bitcast3A_561 = vector.bitcast %get3A_560 : vector<16xi32> to vector<32xbf16>
            %mul3A_562 = arith.mulf %bitcast3A_561, %bitcast3A_512 : vector<32xbf16>
            %unpack3A_563 = tpu.unpack_subelements %mul3A_562, 0 {pack_format = #tpu.pack_format<interleaved>} : vector<32xbf16> -> vector<16xf32>
            %unpack3A_564 = tpu.unpack_subelements %mul3A_562, 1 {pack_format = #tpu.pack_format<interleaved>} : vector<32xbf16> -> vector<16xf32>
            %add3A_565 = arith.addf %add3A_489, %unpack3A_563 : vector<16xf32>
            %add3A_566 = arith.addf %add3A_490, %unpack3A_564 : vector<16xf32>
            %get3A_567 = arith.index_cast %add3A_200 : i32 to index
            %get3A_568 = arith.constant 64 : index
            %get3A_569 = tpu.vector_load %arg8[%get3A_567, %get3A_568] {strides = array<i32>} : memref<64x128xi32, #tpu.memory_space<vmem>>, vector<16xi32>,
            %bitcast3A_570 = vector.bitcast %get3A_569 : vector<16xi32> to vector<32xbf16>
            %mul3A_571 = arith.mulf %bitcast3A_570, %bitcast3A_512 : vector<32xbf16>
            %unpack3A_572 = tpu.unpack_subelements %mul3A_571, 0 {pack_format = #tpu.pack_format<interleaved>} : vector<32xbf16> -> vector<16xf32>
            %unpack3A_573 = tpu.unpack_subelements %mul3A_571, 1 {pack_format = #tpu.pack_format<interleaved>} : vector<32xbf16> -> vector<16xf32>
            %add3A_574 = arith.addf %add3A_498, %unpack3A_572 : vector<16xf32>
            %add3A_575 = arith.addf %add3A_499, %unpack3A_573 : vector<16xf32>
            %get3A_576 = arith.index_cast %add3A_207 : i32 to index
            %get3A_577 = arith.constant 64 : index
            %get3A_578 = tpu.vector_load %arg8[%get3A_576, %get3A_577] {strides = array<i32>} : memref<64x128xi32, #tpu.memory_space<vmem>>, vector<16xi32>,
            %bitcast3A_579 = vector.bitcast %get3A_578 : vector<16xi32> to vector<32xbf16>
            %mul3A_580 = arith.mulf %bitcast3A_579, %bitcast3A_512 : vector<32xbf16>
            %unpack3A_581 = tpu.unpack_subelements %mul3A_580, 0 {pack_format = #tpu.pack_format<interleaved>} : vector<32xbf16> -> vector<16xf32>
            %unpack3A_582 = tpu.unpack_subelements %mul3A_580, 1 {pack_format = #tpu.pack_format<interleaved>} : vector<32xbf16> -> vector<16xf32>
            %add3A_583 = arith.addf %add3A_507, %unpack3A_581 : vector<16xf32>
            %add3A_584 = arith.addf %add3A_508, %unpack3A_582 : vector<16xf32>
            %get3A_585 = arith.index_cast %add3A_67 : i32 to index
            %get3A_586 = arith.constant 80 : index
            %get3A_587 = tpu.vector_load %arg5[%get3A_585, %get3A_586] {strides = array<i32>} : memref<32x128xi32, #tpu.memory_space<vmem>>, vector<16xi32>,
            %bitcast3A_588 = vector.bitcast %get3A_587 : vector<16xi32> to vector<32xbf16>
            %get3A_589 = arith.index_cast %add3A_158 : i32 to index
            %get3A_590 = arith.constant 80 : index
            %get3A_591 = tpu.vector_load %arg8[%get3A_589, %get3A_590] {strides = array<i32>} : memref<64x128xi32, #tpu.memory_space<vmem>>, vector<16xi32>,
            %bitcast3A_592 = vector.bitcast %get3A_591 : vector<16xi32> to vector<32xbf16>
            %mul3A_593 = arith.mulf %bitcast3A_592, %bitcast3A_588 : vector<32xbf16>
            %unpack3A_594 = tpu.unpack_subelements %mul3A_593, 0 {pack_format = #tpu.pack_format<interleaved>} : vector<32xbf16> -> vector<16xf32>
            %unpack3A_595 = tpu.unpack_subelements %mul3A_593, 1 {pack_format = #tpu.pack_format<interleaved>} : vector<32xbf16> -> vector<16xf32>
            %add3A_596 = arith.addf %add3A_520, %unpack3A_594 : vector<16xf32>
            %add3A_597 = arith.addf %add3A_521, %unpack3A_595 : vector<16xf32>
            %get3A_598 = arith.index_cast %add3A_165 : i32 to index
            %get3A_599 = arith.constant 80 : index
            %get3A_600 = tpu.vector_load %arg8[%get3A_598, %get3A_599] {strides = array<i32>} : memref<64x128xi32, #tpu.memory_space<vmem>>, vector<16xi32>,
            %bitcast3A_601 = vector.bitcast %get3A_600 : vector<16xi32> to vector<32xbf16>
            %mul3A_602 = arith.mulf %bitcast3A_601, %bitcast3A_588 : vector<32xbf16>
            %unpack3A_603 = tpu.unpack_subelements %mul3A_602, 0 {pack_format = #tpu.pack_format<interleaved>} : vector<32xbf16> -> vector<16xf32>
            %unpack3A_604 = tpu.unpack_subelements %mul3A_602, 1 {pack_format = #tpu.pack_format<interleaved>} : vector<32xbf16> -> vector<16xf32>
            %add3A_605 = arith.addf %add3A_529, %unpack3A_603 : vector<16xf32>
            %add3A_606 = arith.addf %add3A_530, %unpack3A_604 : vector<16xf32>
            %get3A_607 = arith.index_cast %add3A_172 : i32 to index
            %get3A_608 = arith.constant 80 : index
            %get3A_609 = tpu.vector_load %arg8[%get3A_607, %get3A_608] {strides = array<i32>} : memref<64x128xi32, #tpu.memory_space<vmem>>, vector<16xi32>,
            %bitcast3A_610 = vector.bitcast %get3A_609 : vector<16xi32> to vector<32xbf16>
            %mul3A_611 = arith.mulf %bitcast3A_610, %bitcast3A_588 : vector<32xbf16>
            %unpack3A_612 = tpu.unpack_subelements %mul3A_611, 0 {pack_format = #tpu.pack_format<interleaved>} : vector<32xbf16> -> vector<16xf32>
            %unpack3A_613 = tpu.unpack_subelements %mul3A_611, 1 {pack_format = #tpu.pack_format<interleaved>} : vector<32xbf16> -> vector<16xf32>
            %add3A_614 = arith.addf %add3A_538, %unpack3A_612 : vector<16xf32>
            %add3A_615 = arith.addf %add3A_539, %unpack3A_613 : vector<16xf32>
            %get3A_616 = arith.index_cast %add3A_179 : i32 to index
            %get3A_617 = arith.constant 80 : index
            %get3A_618 = tpu.vector_load %arg8[%get3A_616, %get3A_617] {strides = array<i32>} : memref<64x128xi32, #tpu.memory_space<vmem>>, vector<16xi32>,
            %bitcast3A_619 = vector.bitcast %get3A_618 : vector<16xi32> to vector<32xbf16>
            %mul3A_620 = arith.mulf %bitcast3A_619, %bitcast3A_588 : vector<32xbf16>
            %unpack3A_621 = tpu.unpack_subelements %mul3A_620, 0 {pack_format = #tpu.pack_format<interleaved>} : vector<32xbf16> -> vector<16xf32>
            %unpack3A_622 = tpu.unpack_subelements %mul3A_620, 1 {pack_format = #tpu.pack_format<interleaved>} : vector<32xbf16> -> vector<16xf32>
            %add3A_623 = arith.addf %add3A_547, %unpack3A_621 : vector<16xf32>
            %add3A_624 = arith.addf %add3A_548, %unpack3A_622 : vector<16xf32>
            %get3A_625 = arith.index_cast %add3A_186 : i32 to index
            %get3A_626 = arith.constant 80 : index
            %get3A_627 = tpu.vector_load %arg8[%get3A_625, %get3A_626] {strides = array<i32>} : memref<64x128xi32, #tpu.memory_space<vmem>>, vector<16xi32>,
            %bitcast3A_628 = vector.bitcast %get3A_627 : vector<16xi32> to vector<32xbf16>
            %mul3A_629 = arith.mulf %bitcast3A_628, %bitcast3A_588 : vector<32xbf16>
            %unpack3A_630 = tpu.unpack_subelements %mul3A_629, 0 {pack_format = #tpu.pack_format<interleaved>} : vector<32xbf16> -> vector<16xf32>
            %unpack3A_631 = tpu.unpack_subelements %mul3A_629, 1 {pack_format = #tpu.pack_format<interleaved>} : vector<32xbf16> -> vector<16xf32>
            %add3A_632 = arith.addf %add3A_556, %unpack3A_630 : vector<16xf32>
            %add3A_633 = arith.addf %add3A_557, %unpack3A_631 : vector<16xf32>
            %get3A_634 = arith.index_cast %add3A_193 : i32 to index
            %get3A_635 = arith.constant 80 : index
            %get3A_636 = tpu.vector_load %arg8[%get3A_634, %get3A_635] {strides = array<i32>} : memref<64x128xi32, #tpu.memory_space<vmem>>, vector<16xi32>,
            %bitcast3A_637 = vector.bitcast %get3A_636 : vector<16xi32> to vector<32xbf16>
            %mul3A_638 = arith.mulf %bitcast3A_637, %bitcast3A_588 : vector<32xbf16>
            %unpack3A_639 = tpu.unpack_subelements %mul3A_638, 0 {pack_format = #tpu.pack_format<interleaved>} : vector<32xbf16> -> vector<16xf32>
            %unpack3A_640 = tpu.unpack_subelements %mul3A_638, 1 {pack_format = #tpu.pack_format<interleaved>} : vector<32xbf16> -> vector<16xf32>
            %add3A_641 = arith.addf %add3A_565, %unpack3A_639 : vector<16xf32>
            %add3A_642 = arith.addf %add3A_566, %unpack3A_640 : vector<16xf32>
            %get3A_643 = arith.index_cast %add3A_200 : i32 to index
            %get3A_644 = arith.constant 80 : index
            %get3A_645 = tpu.vector_load %arg8[%get3A_643, %get3A_644] {strides = array<i32>} : memref<64x128xi32, #tpu.memory_space<vmem>>, vector<16xi32>,
            %bitcast3A_646 = vector.bitcast %get3A_645 : vector<16xi32> to vector<32xbf16>
            %mul3A_647 = arith.mulf %bitcast3A_646, %bitcast3A_588 : vector<32xbf16>
            %unpack3A_648 = tpu.unpack_subelements %mul3A_647, 0 {pack_format = #tpu.pack_format<interleaved>} : vector<32xbf16> -> vector<16xf32>
            %unpack3A_649 = tpu.unpack_subelements %mul3A_647, 1 {pack_format = #tpu.pack_format<interleaved>} : vector<32xbf16> -> vector<16xf32>
            %add3A_650 = arith.addf %add3A_574, %unpack3A_648 : vector<16xf32>
            %add3A_651 = arith.addf %add3A_575, %unpack3A_649 : vector<16xf32>
            %get3A_652 = arith.index_cast %add3A_207 : i32 to index
            %get3A_653 = arith.constant 80 : index
            %get3A_654 = tpu.vector_load %arg8[%get3A_652, %get3A_653] {strides = array<i32>} : memref<64x128xi32, #tpu.memory_space<vmem>>, vector<16xi32>,
            %bitcast3A_655 = vector.bitcast %get3A_654 : vector<16xi32> to vector<32xbf16>
            %mul3A_656 = arith.mulf %bitcast3A_655, %bitcast3A_588 : vector<32xbf16>
            %unpack3A_657 = tpu.unpack_subelements %mul3A_656, 0 {pack_format = #tpu.pack_format<interleaved>} : vector<32xbf16> -> vector<16xf32>
            %unpack3A_658 = tpu.unpack_subelements %mul3A_656, 1 {pack_format = #tpu.pack_format<interleaved>} : vector<32xbf16> -> vector<16xf32>
            %add3A_659 = arith.addf %add3A_583, %unpack3A_657 : vector<16xf32>
            %add3A_660 = arith.addf %add3A_584, %unpack3A_658 : vector<16xf32>
            %get3A_661 = arith.index_cast %add3A_67 : i32 to index
            %get3A_662 = arith.constant 96 : index
            %get3A_663 = tpu.vector_load %arg5[%get3A_661, %get3A_662] {strides = array<i32>} : memref<32x128xi32, #tpu.memory_space<vmem>>, vector<16xi32>,
            %bitcast3A_664 = vector.bitcast %get3A_663 : vector<16xi32> to vector<32xbf16>
            %get3A_665 = arith.index_cast %add3A_158 : i32 to index
            %get3A_666 = arith.constant 96 : index
            %get3A_667 = tpu.vector_load %arg8[%get3A_665, %get3A_666] {strides = array<i32>} : memref<64x128xi32, #tpu.memory_space<vmem>>, vector<16xi32>,
            %bitcast3A_668 = vector.bitcast %get3A_667 : vector<16xi32> to vector<32xbf16>
            %mul3A_669 = arith.mulf %bitcast3A_668, %bitcast3A_664 : vector<32xbf16>
            %unpack3A_670 = tpu.unpack_subelements %mul3A_669, 0 {pack_format = #tpu.pack_format<interleaved>} : vector<32xbf16> -> vector<16xf32>
            %unpack3A_671 = tpu.unpack_subelements %mul3A_669, 1 {pack_format = #tpu.pack_format<interleaved>} : vector<32xbf16> -> vector<16xf32>
            %add3A_672 = arith.addf %add3A_596, %unpack3A_670 : vector<16xf32>
            %add3A_673 = arith.addf %add3A_597, %unpack3A_671 : vector<16xf32>
            %get3A_674 = arith.index_cast %add3A_165 : i32 to index
            %get3A_675 = arith.constant 96 : index
            %get3A_676 = tpu.vector_load %arg8[%get3A_674, %get3A_675] {strides = array<i32>} : memref<64x128xi32, #tpu.memory_space<vmem>>, vector<16xi32>,
            %bitcast3A_677 = vector.bitcast %get3A_676 : vector<16xi32> to vector<32xbf16>
            %mul3A_678 = arith.mulf %bitcast3A_677, %bitcast3A_664 : vector<32xbf16>
            %unpack3A_679 = tpu.unpack_subelements %mul3A_678, 0 {pack_format = #tpu.pack_format<interleaved>} : vector<32xbf16> -> vector<16xf32>
            %unpack3A_680 = tpu.unpack_subelements %mul3A_678, 1 {pack_format = #tpu.pack_format<interleaved>} : vector<32xbf16> -> vector<16xf32>
            %add3A_681 = arith.addf %add3A_605, %unpack3A_679 : vector<16xf32>
            %add3A_682 = arith.addf %add3A_606, %unpack3A_680 : vector<16xf32>
            %get3A_683 = arith.index_cast %add3A_172 : i32 to index
            %get3A_684 = arith.constant 96 : index
            %get3A_685 = tpu.vector_load %arg8[%get3A_683, %get3A_684] {strides = array<i32>} : memref<64x128xi32, #tpu.memory_space<vmem>>, vector<16xi32>,
            %bitcast3A_686 = vector.bitcast %get3A_685 : vector<16xi32> to vector<32xbf16>
            %mul3A_687 = arith.mulf %bitcast3A_686, %bitcast3A_664 : vector<32xbf16>
            %unpack3A_688 = tpu.unpack_subelements %mul3A_687, 0 {pack_format = #tpu.pack_format<interleaved>} : vector<32xbf16> -> vector<16xf32>
            %unpack3A_689 = tpu.unpack_subelements %mul3A_687, 1 {pack_format = #tpu.pack_format<interleaved>} : vector<32xbf16> -> vector<16xf32>
            %add3A_690 = arith.addf %add3A_614, %unpack3A_688 : vector<16xf32>
            %add3A_691 = arith.addf %add3A_615, %unpack3A_689 : vector<16xf32>
            %get3A_692 = arith.index_cast %add3A_179 : i32 to index
            %get3A_693 = arith.constant 96 : index
            %get3A_694 = tpu.vector_load %arg8[%get3A_692, %get3A_693] {strides = array<i32>} : memref<64x128xi32, #tpu.memory_space<vmem>>, vector<16xi32>,
            %bitcast3A_695 = vector.bitcast %get3A_694 : vector<16xi32> to vector<32xbf16>
            %mul3A_696 = arith.mulf %bitcast3A_695, %bitcast3A_664 : vector<32xbf16>
            %unpack3A_697 = tpu.unpack_subelements %mul3A_696, 0 {pack_format = #tpu.pack_format<interleaved>} : vector<32xbf16> -> vector<16xf32>
            %unpack3A_698 = tpu.unpack_subelements %mul3A_696, 1 {pack_format = #tpu.pack_format<interleaved>} : vector<32xbf16> -> vector<16xf32>
            %add3A_699 = arith.addf %add3A_623, %unpack3A_697 : vector<16xf32>
            %add3A_700 = arith.addf %add3A_624, %unpack3A_698 : vector<16xf32>
            %get3A_701 = arith.index_cast %add3A_186 : i32 to index
            %get3A_702 = arith.constant 96 : index
            %get3A_703 = tpu.vector_load %arg8[%get3A_701, %get3A_702] {strides = array<i32>} : memref<64x128xi32, #tpu.memory_space<vmem>>, vector<16xi32>,
            %bitcast3A_704 = vector.bitcast %get3A_703 : vector<16xi32> to vector<32xbf16>
            %mul3A_705 = arith.mulf %bitcast3A_704, %bitcast3A_664 : vector<32xbf16>
            %unpack3A_706 = tpu.unpack_subelements %mul3A_705, 0 {pack_format = #tpu.pack_format<interleaved>} : vector<32xbf16> -> vector<16xf32>
            %unpack3A_707 = tpu.unpack_subelements %mul3A_705, 1 {pack_format = #tpu.pack_format<interleaved>} : vector<32xbf16> -> vector<16xf32>
            %add3A_708 = arith.addf %add3A_632, %unpack3A_706 : vector<16xf32>
            %add3A_709 = arith.addf %add3A_633, %unpack3A_707 : vector<16xf32>
            %get3A_710 = arith.index_cast %add3A_193 : i32 to index
            %get3A_711 = arith.constant 96 : index
            %get3A_712 = tpu.vector_load %arg8[%get3A_710, %get3A_711] {strides = array<i32>} : memref<64x128xi32, #tpu.memory_space<vmem>>, vector<16xi32>,
            %bitcast3A_713 = vector.bitcast %get3A_712 : vector<16xi32> to vector<32xbf16>
            %mul3A_714 = arith.mulf %bitcast3A_713, %bitcast3A_664 : vector<32xbf16>
            %unpack3A_715 = tpu.unpack_subelements %mul3A_714, 0 {pack_format = #tpu.pack_format<interleaved>} : vector<32xbf16> -> vector<16xf32>
            %unpack3A_716 = tpu.unpack_subelements %mul3A_714, 1 {pack_format = #tpu.pack_format<interleaved>} : vector<32xbf16> -> vector<16xf32>
            %add3A_717 = arith.addf %add3A_641, %unpack3A_715 : vector<16xf32>
            %add3A_718 = arith.addf %add3A_642, %unpack3A_716 : vector<16xf32>
            %get3A_719 = arith.index_cast %add3A_200 : i32 to index
            %get3A_720 = arith.constant 96 : index
            %get3A_721 = tpu.vector_load %arg8[%get3A_719, %get3A_720] {strides = array<i32>} : memref<64x128xi32, #tpu.memory_space<vmem>>, vector<16xi32>,
            %bitcast3A_722 = vector.bitcast %get3A_721 : vector<16xi32> to vector<32xbf16>
            %mul3A_723 = arith.mulf %bitcast3A_722, %bitcast3A_664 : vector<32xbf16>
            %unpack3A_724 = tpu.unpack_subelements %mul3A_723, 0 {pack_format = #tpu.pack_format<interleaved>} : vector<32xbf16> -> vector<16xf32>
            %unpack3A_725 = tpu.unpack_subelements %mul3A_723, 1 {pack_format = #tpu.pack_format<interleaved>} : vector<32xbf16> -> vector<16xf32>
            %add3A_726 = arith.addf %add3A_650, %unpack3A_724 : vector<16xf32>
            %add3A_727 = arith.addf %add3A_651, %unpack3A_725 : vector<16xf32>
            %get3A_728 = arith.index_cast %add3A_207 : i32 to index
            %get3A_729 = arith.constant 96 : index
            %get3A_730 = tpu.vector_load %arg8[%get3A_728, %get3A_729] {strides = array<i32>} : memref<64x128xi32, #tpu.memory_space<vmem>>, vector<16xi32>,
            %bitcast3A_731 = vector.bitcast %get3A_730 : vector<16xi32> to vector<32xbf16>
            %mul3A_732 = arith.mulf %bitcast3A_731, %bitcast3A_664 : vector<32xbf16>
            %unpack3A_733 = tpu.unpack_subelements %mul3A_732, 0 {pack_format = #tpu.pack_format<interleaved>} : vector<32xbf16> -> vector<16xf32>
            %unpack3A_734 = tpu.unpack_subelements %mul3A_732, 1 {pack_format = #tpu.pack_format<interleaved>} : vector<32xbf16> -> vector<16xf32>
            %add3A_735 = arith.addf %add3A_659, %unpack3A_733 : vector<16xf32>
            %add3A_736 = arith.addf %add3A_660, %unpack3A_734 : vector<16xf32>
            %get3A_737 = arith.index_cast %add3A_67 : i32 to index
            %get3A_738 = arith.constant 112 : index
            %get3A_739 = tpu.vector_load %arg5[%get3A_737, %get3A_738] {strides = array<i32>} : memref<32x128xi32, #tpu.memory_space<vmem>>, vector<16xi32>,
            %bitcast3A_740 = vector.bitcast %get3A_739 : vector<16xi32> to vector<32xbf16>
            %get3A_741 = arith.index_cast %add3A_158 : i32 to index
            %get3A_742 = arith.constant 112 : index
            %get3A_743 = tpu.vector_load %arg8[%get3A_741, %get3A_742] {strides = array<i32>} : memref<64x128xi32, #tpu.memory_space<vmem>>, vector<16xi32>,
            %bitcast3A_744 = vector.bitcast %get3A_743 : vector<16xi32> to vector<32xbf16>
            %mul3A_745 = arith.mulf %bitcast3A_744, %bitcast3A_740 : vector<32xbf16>
            %unpack3A_746 = tpu.unpack_subelements %mul3A_745, 0 {pack_format = #tpu.pack_format<interleaved>} : vector<32xbf16> -> vector<16xf32>
            %unpack3A_747 = tpu.unpack_subelements %mul3A_745, 1 {pack_format = #tpu.pack_format<interleaved>} : vector<32xbf16> -> vector<16xf32>
            %add3A_748 = arith.addf %add3A_672, %unpack3A_746 : vector<16xf32>
            %add3A_749 = arith.addf %add3A_673, %unpack3A_747 : vector<16xf32>
            %get3A_750 = arith.index_cast %add3A_165 : i32 to index
            %get3A_751 = arith.constant 112 : index
            %get3A_752 = tpu.vector_load %arg8[%get3A_750, %get3A_751] {strides = array<i32>} : memref<64x128xi32, #tpu.memory_space<vmem>>, vector<16xi32>,
            %bitcast3A_753 = vector.bitcast %get3A_752 : vector<16xi32> to vector<32xbf16>
            %mul3A_754 = arith.mulf %bitcast3A_753, %bitcast3A_740 : vector<32xbf16>
            %unpack3A_755 = tpu.unpack_subelements %mul3A_754, 0 {pack_format = #tpu.pack_format<interleaved>} : vector<32xbf16> -> vector<16xf32>
            %unpack3A_756 = tpu.unpack_subelements %mul3A_754, 1 {pack_format = #tpu.pack_format<interleaved>} : vector<32xbf16> -> vector<16xf32>
            %add3A_757 = arith.addf %add3A_681, %unpack3A_755 : vector<16xf32>
            %add3A_758 = arith.addf %add3A_682, %unpack3A_756 : vector<16xf32>
            %get3A_759 = arith.index_cast %add3A_172 : i32 to index
            %get3A_760 = arith.constant 112 : index
            %get3A_761 = tpu.vector_load %arg8[%get3A_759, %get3A_760] {strides = array<i32>} : memref<64x128xi32, #tpu.memory_space<vmem>>, vector<16xi32>,
            %bitcast3A_762 = vector.bitcast %get3A_761 : vector<16xi32> to vector<32xbf16>
            %mul3A_763 = arith.mulf %bitcast3A_762, %bitcast3A_740 : vector<32xbf16>
            %unpack3A_764 = tpu.unpack_subelements %mul3A_763, 0 {pack_format = #tpu.pack_format<interleaved>} : vector<32xbf16> -> vector<16xf32>
            %unpack3A_765 = tpu.unpack_subelements %mul3A_763, 1 {pack_format = #tpu.pack_format<interleaved>} : vector<32xbf16> -> vector<16xf32>
            %add3A_766 = arith.addf %add3A_690, %unpack3A_764 : vector<16xf32>
            %add3A_767 = arith.addf %add3A_691, %unpack3A_765 : vector<16xf32>
            %get3A_768 = arith.index_cast %add3A_179 : i32 to index
            %get3A_769 = arith.constant 112 : index
            %get3A_770 = tpu.vector_load %arg8[%get3A_768, %get3A_769] {strides = array<i32>} : memref<64x128xi32, #tpu.memory_space<vmem>>, vector<16xi32>,
            %bitcast3A_771 = vector.bitcast %get3A_770 : vector<16xi32> to vector<32xbf16>
            %mul3A_772 = arith.mulf %bitcast3A_771, %bitcast3A_740 : vector<32xbf16>
            %unpack3A_773 = tpu.unpack_subelements %mul3A_772, 0 {pack_format = #tpu.pack_format<interleaved>} : vector<32xbf16> -> vector<16xf32>
            %unpack3A_774 = tpu.unpack_subelements %mul3A_772, 1 {pack_format = #tpu.pack_format<interleaved>} : vector<32xbf16> -> vector<16xf32>
            %add3A_775 = arith.addf %add3A_699, %unpack3A_773 : vector<16xf32>
            %add3A_776 = arith.addf %add3A_700, %unpack3A_774 : vector<16xf32>
            %get3A_777 = arith.index_cast %add3A_186 : i32 to index
            %get3A_778 = arith.constant 112 : index
            %get3A_779 = tpu.vector_load %arg8[%get3A_777, %get3A_778] {strides = array<i32>} : memref<64x128xi32, #tpu.memory_space<vmem>>, vector<16xi32>,
            %bitcast3A_780 = vector.bitcast %get3A_779 : vector<16xi32> to vector<32xbf16>
            %mul3A_781 = arith.mulf %bitcast3A_780, %bitcast3A_740 : vector<32xbf16>
            %unpack3A_782 = tpu.unpack_subelements %mul3A_781, 0 {pack_format = #tpu.pack_format<interleaved>} : vector<32xbf16> -> vector<16xf32>
            %unpack3A_783 = tpu.unpack_subelements %mul3A_781, 1 {pack_format = #tpu.pack_format<interleaved>} : vector<32xbf16> -> vector<16xf32>
            %add3A_784 = arith.addf %add3A_708, %unpack3A_782 : vector<16xf32>
            %add3A_785 = arith.addf %add3A_709, %unpack3A_783 : vector<16xf32>
            %get3A_786 = arith.index_cast %add3A_193 : i32 to index
            %get3A_787 = arith.constant 112 : index
            %get3A_788 = tpu.vector_load %arg8[%get3A_786, %get3A_787] {strides = array<i32>} : memref<64x128xi32, #tpu.memory_space<vmem>>, vector<16xi32>,
            %bitcast3A_789 = vector.bitcast %get3A_788 : vector<16xi32> to vector<32xbf16>
            %mul3A_790 = arith.mulf %bitcast3A_789, %bitcast3A_740 : vector<32xbf16>
            %unpack3A_791 = tpu.unpack_subelements %mul3A_790, 0 {pack_format = #tpu.pack_format<interleaved>} : vector<32xbf16> -> vector<16xf32>
            %unpack3A_792 = tpu.unpack_subelements %mul3A_790, 1 {pack_format = #tpu.pack_format<interleaved>} : vector<32xbf16> -> vector<16xf32>
            %add3A_793 = arith.addf %add3A_717, %unpack3A_791 : vector<16xf32>
            %add3A_794 = arith.addf %add3A_718, %unpack3A_792 : vector<16xf32>
            %get3A_795 = arith.index_cast %add3A_200 : i32 to index
            %get3A_796 = arith.constant 112 : index
            %get3A_797 = tpu.vector_load %arg8[%get3A_795, %get3A_796] {strides = array<i32>} : memref<64x128xi32, #tpu.memory_space<vmem>>, vector<16xi32>,
            %bitcast3A_798 = vector.bitcast %get3A_797 : vector<16xi32> to vector<32xbf16>
            %mul3A_799 = arith.mulf %bitcast3A_798, %bitcast3A_740 : vector<32xbf16>
            %unpack3A_800 = tpu.unpack_subelements %mul3A_799, 0 {pack_format = #tpu.pack_format<interleaved>} : vector<32xbf16> -> vector<16xf32>
            %unpack3A_801 = tpu.unpack_subelements %mul3A_799, 1 {pack_format = #tpu.pack_format<interleaved>} : vector<32xbf16> -> vector<16xf32>
            %add3A_802 = arith.addf %add3A_726, %unpack3A_800 : vector<16xf32>
            %add3A_803 = arith.addf %add3A_727, %unpack3A_801 : vector<16xf32>
            %get3A_804 = arith.index_cast %add3A_207 : i32 to index
            %get3A_805 = arith.constant 112 : index
            %get3A_806 = tpu.vector_load %arg8[%get3A_804, %get3A_805] {strides = array<i32>} : memref<64x128xi32, #tpu.memory_space<vmem>>, vector<16xi32>,
            %bitcast3A_807 = vector.bitcast %get3A_806 : vector<16xi32> to vector<32xbf16>
            %mul3A_808 = arith.mulf %bitcast3A_807, %bitcast3A_740 : vector<32xbf16>
            %unpack3A_809 = tpu.unpack_subelements %mul3A_808, 0 {pack_format = #tpu.pack_format<interleaved>} : vector<32xbf16> -> vector<16xf32>
            %unpack3A_810 = tpu.unpack_subelements %mul3A_808, 1 {pack_format = #tpu.pack_format<interleaved>} : vector<32xbf16> -> vector<16xf32>
            %add3A_811 = arith.addf %add3A_735, %unpack3A_809 : vector<16xf32>
            %add3A_812 = arith.addf %add3A_736, %unpack3A_810 : vector<16xf32>
            %mul3A_813 = arith.constant 8 : i32
            %mul3A_814 = arith.muli %scan3A_150, %mul3A_813 : i32
            %add3A_815 = arith.constant 0 : i32
            %add3A_816 = arith.addi %mul3A_814, %add3A_815 : i32
            %eq3A = vector.broadcast %add3A_816 : i32 to vector<16xi32>
            %eq3A_817 = arith.cmpi eq, %iota3A, %eq3A : vector<16xi32>
            %add3A_818 = arith.addf %add3A_748, %add3A_749 : vector<16xf32>
            %reduce_sum3A = arith.constant true
            %reduce_sum3A_819 = vector.broadcast %reduce_sum3A : i1 to vector<16xi1>
            %reduce_sum3A_820 = tpu.scan <sum>, %add3A_818 masked %reduce_sum3A_819 : vector<16xf32>, vector<16xi1> -> vector<16xf32>
            %reduce_sum3A_821 = vector.extract %reduce_sum3A_820[15] : f32 from vector<16xf32>
            %broadcast_in_dim3A_822 = vector.broadcast %reduce_sum3A_821 : f32 to vector<16xf32>
            %select_n3A = arith.select %eq3A_817, %broadcast_in_dim3A_822, %scan3A_151 : vector<16xi1>, vector<16xf32>
            %mul3A_823 = arith.constant 8 : i32
            %mul3A_824 = arith.muli %scan3A_150, %mul3A_823 : i32
            %add3A_825 = arith.constant 1 : i32
            %add3A_826 = arith.addi %mul3A_824, %add3A_825 : i32
            %eq3A_827 = vector.broadcast %add3A_826 : i32 to vector<16xi32>
            %eq3A_828 = arith.cmpi eq, %iota3A, %eq3A_827 : vector<16xi32>
            %add3A_829 = arith.addf %add3A_757, %add3A_758 : vector<16xf32>
            %reduce_sum3A_830 = arith.constant true
            %reduce_sum3A_831 = vector.broadcast %reduce_sum3A_830 : i1 to vector<16xi1>
            %reduce_sum3A_832 = tpu.scan <sum>, %add3A_829 masked %reduce_sum3A_831 : vector<16xf32>, vector<16xi1> -> vector<16xf32>
            %reduce_sum3A_833 = vector.extract %reduce_sum3A_832[15] : f32 from vector<16xf32>
            %broadcast_in_dim3A_834 = vector.broadcast %reduce_sum3A_833 : f32 to vector<16xf32>
            %select_n3A_835 = arith.select %eq3A_828, %broadcast_in_dim3A_834, %select_n3A : vector<16xi1>, vector<16xf32>
            %mul3A_836 = arith.constant 8 : i32
            %mul3A_837 = arith.muli %scan3A_150, %mul3A_836 : i32
            %add3A_838 = arith.constant 2 : i32
            %add3A_839 = arith.addi %mul3A_837, %add3A_838 : i32
            %eq3A_840 = vector.broadcast %add3A_839 : i32 to vector<16xi32>
            %eq3A_841 = arith.cmpi eq, %iota3A, %eq3A_840 : vector<16xi32>
            %add3A_842 = arith.addf %add3A_766, %add3A_767 : vector<16xf32>
            %reduce_sum3A_843 = arith.constant true
            %reduce_sum3A_844 = vector.broadcast %reduce_sum3A_843 : i1 to vector<16xi1>
            %reduce_sum3A_845 = tpu.scan <sum>, %add3A_842 masked %reduce_sum3A_844 : vector<16xf32>, vector<16xi1> -> vector<16xf32>
            %reduce_sum3A_846 = vector.extract %reduce_sum3A_845[15] : f32 from vector<16xf32>
            %broadcast_in_dim3A_847 = vector.broadcast %reduce_sum3A_846 : f32 to vector<16xf32>
            %select_n3A_848 = arith.select %eq3A_841, %broadcast_in_dim3A_847, %select_n3A_835 : vector<16xi1>, vector<16xf32>
            %mul3A_849 = arith.constant 8 : i32
            %mul3A_850 = arith.muli %scan3A_150, %mul3A_849 : i32
            %add3A_851 = arith.constant 3 : i32
            %add3A_852 = arith.addi %mul3A_850, %add3A_851 : i32
            %eq3A_853 = vector.broadcast %add3A_852 : i32 to vector<16xi32>
            %eq3A_854 = arith.cmpi eq, %iota3A, %eq3A_853 : vector<16xi32>
            %add3A_855 = arith.addf %add3A_775, %add3A_776 : vector<16xf32>
            %reduce_sum3A_856 = arith.constant true
            %reduce_sum3A_857 = vector.broadcast %reduce_sum3A_856 : i1 to vector<16xi1>
            %reduce_sum3A_858 = tpu.scan <sum>, %add3A_855 masked %reduce_sum3A_857 : vector<16xf32>, vector<16xi1> -> vector<16xf32>
            %reduce_sum3A_859 = vector.extract %reduce_sum3A_858[15] : f32 from vector<16xf32>
            %broadcast_in_dim3A_860 = vector.broadcast %reduce_sum3A_859 : f32 to vector<16xf32>
            %select_n3A_861 = arith.select %eq3A_854, %broadcast_in_dim3A_860, %select_n3A_848 : vector<16xi1>, vector<16xf32>
            %mul3A_862 = arith.constant 8 : i32
            %mul3A_863 = arith.muli %scan3A_150, %mul3A_862 : i32
            %add3A_864 = arith.constant 4 : i32
            %add3A_865 = arith.addi %mul3A_863, %add3A_864 : i32
            %eq3A_866 = vector.broadcast %add3A_865 : i32 to vector<16xi32>
            %eq3A_867 = arith.cmpi eq, %iota3A, %eq3A_866 : vector<16xi32>
            %add3A_868 = arith.addf %add3A_784, %add3A_785 : vector<16xf32>
            %reduce_sum3A_869 = arith.constant true
            %reduce_sum3A_870 = vector.broadcast %reduce_sum3A_869 : i1 to vector<16xi1>
            %reduce_sum3A_871 = tpu.scan <sum>, %add3A_868 masked %reduce_sum3A_870 : vector<16xf32>, vector<16xi1> -> vector<16xf32>
            %reduce_sum3A_872 = vector.extract %reduce_sum3A_871[15] : f32 from vector<16xf32>
            %broadcast_in_dim3A_873 = vector.broadcast %reduce_sum3A_872 : f32 to vector<16xf32>
            %select_n3A_874 = arith.select %eq3A_867, %broadcast_in_dim3A_873, %select_n3A_861 : vector<16xi1>, vector<16xf32>
            %mul3A_875 = arith.constant 8 : i32
            %mul3A_876 = arith.muli %scan3A_150, %mul3A_875 : i32
            %add3A_877 = arith.constant 5 : i32
            %add3A_878 = arith.addi %mul3A_876, %add3A_877 : i32
            %eq3A_879 = vector.broadcast %add3A_878 : i32 to vector<16xi32>
            %eq3A_880 = arith.cmpi eq, %iota3A, %eq3A_879 : vector<16xi32>
            %add3A_881 = arith.addf %add3A_793, %add3A_794 : vector<16xf32>
            %reduce_sum3A_882 = arith.constant true
            %reduce_sum3A_883 = vector.broadcast %reduce_sum3A_882 : i1 to vector<16xi1>
            %reduce_sum3A_884 = tpu.scan <sum>, %add3A_881 masked %reduce_sum3A_883 : vector<16xf32>, vector<16xi1> -> vector<16xf32>
            %reduce_sum3A_885 = vector.extract %reduce_sum3A_884[15] : f32 from vector<16xf32>
            %broadcast_in_dim3A_886 = vector.broadcast %reduce_sum3A_885 : f32 to vector<16xf32>
            %select_n3A_887 = arith.select %eq3A_880, %broadcast_in_dim3A_886, %select_n3A_874 : vector<16xi1>, vector<16xf32>
            %mul3A_888 = arith.constant 8 : i32
            %mul3A_889 = arith.muli %scan3A_150, %mul3A_888 : i32
            %add3A_890 = arith.constant 6 : i32
            %add3A_891 = arith.addi %mul3A_889, %add3A_890 : i32
            %eq3A_892 = vector.broadcast %add3A_891 : i32 to vector<16xi32>
            %eq3A_893 = arith.cmpi eq, %iota3A, %eq3A_892 : vector<16xi32>
            %add3A_894 = arith.addf %add3A_802, %add3A_803 : vector<16xf32>
            %reduce_sum3A_895 = arith.constant true
            %reduce_sum3A_896 = vector.broadcast %reduce_sum3A_895 : i1 to vector<16xi1>
            %reduce_sum3A_897 = tpu.scan <sum>, %add3A_894 masked %reduce_sum3A_896 : vector<16xf32>, vector<16xi1> -> vector<16xf32>
            %reduce_sum3A_898 = vector.extract %reduce_sum3A_897[15] : f32 from vector<16xf32>
            %broadcast_in_dim3A_899 = vector.broadcast %reduce_sum3A_898 : f32 to vector<16xf32>
            %select_n3A_900 = arith.select %eq3A_893, %broadcast_in_dim3A_899, %select_n3A_887 : vector<16xi1>, vector<16xf32>
            %mul3A_901 = arith.constant 8 : i32
            %mul3A_902 = arith.muli %scan3A_150, %mul3A_901 : i32
            %add3A_903 = arith.constant 7 : i32
            %add3A_904 = arith.addi %mul3A_902, %add3A_903 : i32
            %eq3A_905 = vector.broadcast %add3A_904 : i32 to vector<16xi32>
            %eq3A_906 = arith.cmpi eq, %iota3A, %eq3A_905 : vector<16xi32>
            %add3A_907 = arith.addf %add3A_811, %add3A_812 : vector<16xf32>
            %reduce_sum3A_908 = arith.constant true
            %reduce_sum3A_909 = vector.broadcast %reduce_sum3A_908 : i1 to vector<16xi1>
            %reduce_sum3A_910 = tpu.scan <sum>, %add3A_907 masked %reduce_sum3A_909 : vector<16xf32>, vector<16xi1> -> vector<16xf32>
            %reduce_sum3A_911 = vector.extract %reduce_sum3A_910[15] : f32 from vector<16xf32>
            %broadcast_in_dim3A_912 = vector.broadcast %reduce_sum3A_911 : f32 to vector<16xf32>
            %select_n3A_913 = arith.select %eq3A_906, %broadcast_in_dim3A_912, %select_n3A_900 : vector<16xi1>, vector<16xf32>
            scf.yield %select_n3A_913 : vector<16xf32>
          }
          %scan3A_145 = arith.constant 2 : i32
          %mul3A_146 = arith.constant 16 : i32
          %mul3A_147 = arith.muli %scan3A_139, %mul3A_146 : i32
          %swap3A = arith.index_cast %add3A_67 : i32 to index
          %swap3A_148 = arith.index_cast %mul3A_147 : i32 to index
          %swap3A_149 = tpu.vector_load %arg11[%swap3A, %swap3A_148] {strides = array<i32>} : memref<32x64xf32, #tpu.memory_space<vmem>>, vector<16xf32>,
          tpu.vector_store %arg11[%swap3A, %swap3A_148], %scan3A_144 {strides = array<i32>} : memref<32x64xf32, #tpu.memory_space<vmem>>, vector<16xf32>,
        }
        %scan3A_81 = arith.constant 4 : i32
        %add3A_82 = arith.constant 4 : i32
        %add3A_83 = arith.addi %add3A_67, %add3A_82 : i32
        %lt3A_84 = arith.constant 32 : i32
        %lt3A_85 = arith.cmpi slt, %add3A_83, %lt3A_84 : i32
        %convert_element_type3A_86 = arith.extui %lt3A_85 : i1 to i32
        %cond3A_87 = arith.constant 0 : i32
        %cond3A_88 = arith.cmpi ne, %convert_element_type3A_86, %cond3A_87 : i32
        scf.if %cond3A_88 {
          %add3A_139 = arith.constant 4 : i32
          %add3A_140 = arith.addi %add3A_67, %add3A_139 : i32
          %mul3A_141 = arith.constant 64 : i32
          %mul3A_142 = arith.muli %add3A_140, %mul3A_141 : i32
          %dma_start3A_143 = tpu.memref_slice %arg6[%mul3A_142] : memref<2048xi32, #tpu.memory_space<vmem>> -> memref<64xi32, #tpu.memory_space<vmem>>
          %dma_start3A_144 = arith.constant 0 : i32
          %dma_start3A_145 = arith.constant 0 : i32
          %dma_start3A_146 = tpu.memref_slice %arg12[%dma_start3A_144, %dma_start3A_145] : memref<10240x128xi32, #tpu.memory_space<vmem_shared>> -> memref<10240x128xi32, #tpu.memory_space<vmem_shared>>
          tpu.enqueue_indirect_dma source(%dma_start3A_146 : memref<10240x128xi32, #tpu.memory_space<vmem_shared>>) target(%arg8 : memref<64x128xi32, #tpu.memory_space<vmem>>) offsets(%dma_start3A_143 : memref<64xi32, #tpu.memory_space<vmem>>) semaphore(%arg14 : memref<!tpu.dma_semaphore, #tpu.memory_space<semaphore_mem>>)
        } else {
        }
        %mul3A_89 = arith.constant 4 : i32
        %mul3A_90 = arith.muli %scan3A_43, %mul3A_89 : i32
        %add3A_91 = arith.constant 2 : i32
        %add3A_92 = arith.addi %mul3A_90, %add3A_91 : i32
        %mul3A_93 = arith.constant 64 : i32
        %mul3A_94 = arith.muli %add3A_92, %mul3A_93 : i32
        %dma_wait3A_95 = tpu.memref_slice %arg6[%mul3A_94] : memref<2048xi32, #tpu.memory_space<vmem>> -> memref<64xi32, #tpu.memory_space<vmem>>
        %dma_wait3A_96 = arith.constant 0 : i32
        %dma_wait3A_97 = arith.constant 0 : i32
        %dma_wait3A_98 = tpu.memref_slice %arg12[%dma_wait3A_96, %dma_wait3A_97] : memref<10240x128xi32, #tpu.memory_space<vmem_shared>> -> memref<10240x128xi32, #tpu.memory_space<vmem_shared>>
        tpu.wait_indirect_dma semaphore(%arg15 : memref<!tpu.dma_semaphore, #tpu.memory_space<semaphore_mem>>) src(%dma_wait3A_98 : memref<10240x128xi32, #tpu.memory_space<vmem_shared>>) dst(%arg9 : memref<64x128xi32, #tpu.memory_space<vmem>>)
        %broadcast_in_dim3A_99 = arith.constant 0.000000e+00 : f32
        %broadcast_in_dim3A_100 = vector.broadcast %broadcast_in_dim3A_99 : f32 to vector<16xf32>
        %scan3A_101 = arith.constant 0 : i32
        %scan3A_102 = arith.constant 0 : i32
        %scan3A_103 = arith.constant 4 : i32
        %scan3A_104 = arith.addi %scan3A_102, %scan3A_103 : i32
        %scan3A_105 = arith.constant 1 : i32
        scf.for %scan3A_139 = %scan3A_102 to %scan3A_104 step %scan3A_105  : i32 {
          %scan3A_140 = arith.constant 0 : i32
          %scan3A_141 = arith.constant 2 : i32
          %scan3A_142 = arith.addi %scan3A_140, %scan3A_141 : i32
          %scan3A_143 = arith.constant 1 : i32
          %scan3A_144 = scf.for %scan3A_150 = %scan3A_140 to %scan3A_142 step %scan3A_143 iter_args(%scan3A_151 = %broadcast_in_dim3A_100) -> (vector<16xf32>)  : i32 {
            %mul3A_152 = arith.constant 16 : i32
            %mul3A_153 = arith.muli %scan3A_139, %mul3A_152 : i32
            %mul3A_154 = arith.constant 8 : i32
            %mul3A_155 = arith.muli %scan3A_150, %mul3A_154 : i32
            %add3A_156 = arith.addi %mul3A_153, %mul3A_155 : i32
            %add3A_157 = arith.constant 0 : i32
            %add3A_158 = arith.addi %add3A_156, %add3A_157 : i32
            %mul3A_159 = arith.constant 16 : i32
            %mul3A_160 = arith.muli %scan3A_139, %mul3A_159 : i32
            %mul3A_161 = arith.constant 8 : i32
            %mul3A_162 = arith.muli %scan3A_150, %mul3A_161 : i32
            %add3A_163 = arith.addi %mul3A_160, %mul3A_162 : i32
            %add3A_164 = arith.constant 1 : i32
            %add3A_165 = arith.addi %add3A_163, %add3A_164 : i32
            %mul3A_166 = arith.constant 16 : i32
            %mul3A_167 = arith.muli %scan3A_139, %mul3A_166 : i32
            %mul3A_168 = arith.constant 8 : i32
            %mul3A_169 = arith.muli %scan3A_150, %mul3A_168 : i32
            %add3A_170 = arith.addi %mul3A_167, %mul3A_169 : i32
            %add3A_171 = arith.constant 2 : i32
            %add3A_172 = arith.addi %add3A_170, %add3A_171 : i32
            %mul3A_173 = arith.constant 16 : i32
            %mul3A_174 = arith.muli %scan3A_139, %mul3A_173 : i32
            %mul3A_175 = arith.constant 8 : i32
            %mul3A_176 = arith.muli %scan3A_150, %mul3A_175 : i32
            %add3A_177 = arith.addi %mul3A_174, %mul3A_176 : i32
            %add3A_178 = arith.constant 3 : i32
            %add3A_179 = arith.addi %add3A_177, %add3A_178 : i32
            %mul3A_180 = arith.constant 16 : i32
            %mul3A_181 = arith.muli %scan3A_139, %mul3A_180 : i32
            %mul3A_182 = arith.constant 8 : i32
            %mul3A_183 = arith.muli %scan3A_150, %mul3A_182 : i32
            %add3A_184 = arith.addi %mul3A_181, %mul3A_183 : i32
            %add3A_185 = arith.constant 4 : i32
            %add3A_186 = arith.addi %add3A_184, %add3A_185 : i32
            %mul3A_187 = arith.constant 16 : i32
            %mul3A_188 = arith.muli %scan3A_139, %mul3A_187 : i32
            %mul3A_189 = arith.constant 8 : i32
            %mul3A_190 = arith.muli %scan3A_150, %mul3A_189 : i32
            %add3A_191 = arith.addi %mul3A_188, %mul3A_190 : i32
            %add3A_192 = arith.constant 5 : i32
            %add3A_193 = arith.addi %add3A_191, %add3A_192 : i32
            %mul3A_194 = arith.constant 16 : i32
            %mul3A_195 = arith.muli %scan3A_139, %mul3A_194 : i32
            %mul3A_196 = arith.constant 8 : i32
            %mul3A_197 = arith.muli %scan3A_150, %mul3A_196 : i32
            %add3A_198 = arith.addi %mul3A_195, %mul3A_197 : i32
            %add3A_199 = arith.constant 6 : i32
            %add3A_200 = arith.addi %add3A_198, %add3A_199 : i32
            %mul3A_201 = arith.constant 16 : i32
            %mul3A_202 = arith.muli %scan3A_139, %mul3A_201 : i32
            %mul3A_203 = arith.constant 8 : i32
            %mul3A_204 = arith.muli %scan3A_150, %mul3A_203 : i32
            %add3A_205 = arith.addi %mul3A_202, %mul3A_204 : i32
            %add3A_206 = arith.constant 7 : i32
            %add3A_207 = arith.addi %add3A_205, %add3A_206 : i32
            %get3A = arith.index_cast %add3A_92 : i32 to index
            %get3A_208 = arith.constant 0 : index
            %get3A_209 = tpu.vector_load %arg5[%get3A, %get3A_208] {strides = array<i32>} : memref<32x128xi32, #tpu.memory_space<vmem>>, vector<16xi32>,
            %bitcast3A = vector.bitcast %get3A_209 : vector<16xi32> to vector<32xbf16>
            %get3A_210 = arith.index_cast %add3A_158 : i32 to index
            %get3A_211 = arith.constant 0 : index
            %get3A_212 = tpu.vector_load %arg9[%get3A_210, %get3A_211] {strides = array<i32>} : memref<64x128xi32, #tpu.memory_space<vmem>>, vector<16xi32>,
            %bitcast3A_213 = vector.bitcast %get3A_212 : vector<16xi32> to vector<32xbf16>
            %mul3A_214 = arith.mulf %bitcast3A_213, %bitcast3A : vector<32xbf16>
            %unpack3A = tpu.unpack_subelements %mul3A_214, 0 {pack_format = #tpu.pack_format<interleaved>} : vector<32xbf16> -> vector<16xf32>
            %unpack3A_215 = tpu.unpack_subelements %mul3A_214, 1 {pack_format = #tpu.pack_format<interleaved>} : vector<32xbf16> -> vector<16xf32>
            %add3A_216 = arith.addf %broadcast_in_dim3A_100, %unpack3A : vector<16xf32>
            %add3A_217 = arith.addf %broadcast_in_dim3A_100, %unpack3A_215 : vector<16xf32>
            %get3A_218 = arith.index_cast %add3A_165 : i32 to index
            %get3A_219 = arith.constant 0 : index
            %get3A_220 = tpu.vector_load %arg9[%get3A_218, %get3A_219] {strides = array<i32>} : memref<64x128xi32, #tpu.memory_space<vmem>>, vector<16xi32>,
            %bitcast3A_221 = vector.bitcast %get3A_220 : vector<16xi32> to vector<32xbf16>
            %mul3A_222 = arith.mulf %bitcast3A_221, %bitcast3A : vector<32xbf16>
            %unpack3A_223 = tpu.unpack_subelements %mul3A_222, 0 {pack_format = #tpu.pack_format<interleaved>} : vector<32xbf16> -> vector<16xf32>
            %unpack3A_224 = tpu.unpack_subelements %mul3A_222, 1 {pack_format = #tpu.pack_format<interleaved>} : vector<32xbf16> -> vector<16xf32>
            %add3A_225 = arith.addf %broadcast_in_dim3A_100, %unpack3A_223 : vector<16xf32>
            %add3A_226 = arith.addf %broadcast_in_dim3A_100, %unpack3A_224 : vector<16xf32>
            %get3A_227 = arith.index_cast %add3A_172 : i32 to index
            %get3A_228 = arith.constant 0 : index
            %get3A_229 = tpu.vector_load %arg9[%get3A_227, %get3A_228] {strides = array<i32>} : memref<64x128xi32, #tpu.memory_space<vmem>>, vector<16xi32>,
            %bitcast3A_230 = vector.bitcast %get3A_229 : vector<16xi32> to vector<32xbf16>
            %mul3A_231 = arith.mulf %bitcast3A_230, %bitcast3A : vector<32xbf16>
            %unpack3A_232 = tpu.unpack_subelements %mul3A_231, 0 {pack_format = #tpu.pack_format<interleaved>} : vector<32xbf16> -> vector<16xf32>
            %unpack3A_233 = tpu.unpack_subelements %mul3A_231, 1 {pack_format = #tpu.pack_format<interleaved>} : vector<32xbf16> -> vector<16xf32>
            %add3A_234 = arith.addf %broadcast_in_dim3A_100, %unpack3A_232 : vector<16xf32>
            %add3A_235 = arith.addf %broadcast_in_dim3A_100, %unpack3A_233 : vector<16xf32>
            %get3A_236 = arith.index_cast %add3A_179 : i32 to index
            %get3A_237 = arith.constant 0 : index
            %get3A_238 = tpu.vector_load %arg9[%get3A_236, %get3A_237] {strides = array<i32>} : memref<64x128xi32, #tpu.memory_space<vmem>>, vector<16xi32>,
            %bitcast3A_239 = vector.bitcast %get3A_238 : vector<16xi32> to vector<32xbf16>
            %mul3A_240 = arith.mulf %bitcast3A_239, %bitcast3A : vector<32xbf16>
            %unpack3A_241 = tpu.unpack_subelements %mul3A_240, 0 {pack_format = #tpu.pack_format<interleaved>} : vector<32xbf16> -> vector<16xf32>
            %unpack3A_242 = tpu.unpack_subelements %mul3A_240, 1 {pack_format = #tpu.pack_format<interleaved>} : vector<32xbf16> -> vector<16xf32>
            %add3A_243 = arith.addf %broadcast_in_dim3A_100, %unpack3A_241 : vector<16xf32>
            %add3A_244 = arith.addf %broadcast_in_dim3A_100, %unpack3A_242 : vector<16xf32>
            %get3A_245 = arith.index_cast %add3A_186 : i32 to index
            %get3A_246 = arith.constant 0 : index
            %get3A_247 = tpu.vector_load %arg9[%get3A_245, %get3A_246] {strides = array<i32>} : memref<64x128xi32, #tpu.memory_space<vmem>>, vector<16xi32>,
            %bitcast3A_248 = vector.bitcast %get3A_247 : vector<16xi32> to vector<32xbf16>
            %mul3A_249 = arith.mulf %bitcast3A_248, %bitcast3A : vector<32xbf16>
            %unpack3A_250 = tpu.unpack_subelements %mul3A_249, 0 {pack_format = #tpu.pack_format<interleaved>} : vector<32xbf16> -> vector<16xf32>
            %unpack3A_251 = tpu.unpack_subelements %mul3A_249, 1 {pack_format = #tpu.pack_format<interleaved>} : vector<32xbf16> -> vector<16xf32>
            %add3A_252 = arith.addf %broadcast_in_dim3A_100, %unpack3A_250 : vector<16xf32>
            %add3A_253 = arith.addf %broadcast_in_dim3A_100, %unpack3A_251 : vector<16xf32>
            %get3A_254 = arith.index_cast %add3A_193 : i32 to index
            %get3A_255 = arith.constant 0 : index
            %get3A_256 = tpu.vector_load %arg9[%get3A_254, %get3A_255] {strides = array<i32>} : memref<64x128xi32, #tpu.memory_space<vmem>>, vector<16xi32>,
            %bitcast3A_257 = vector.bitcast %get3A_256 : vector<16xi32> to vector<32xbf16>
            %mul3A_258 = arith.mulf %bitcast3A_257, %bitcast3A : vector<32xbf16>
            %unpack3A_259 = tpu.unpack_subelements %mul3A_258, 0 {pack_format = #tpu.pack_format<interleaved>} : vector<32xbf16> -> vector<16xf32>
            %unpack3A_260 = tpu.unpack_subelements %mul3A_258, 1 {pack_format = #tpu.pack_format<interleaved>} : vector<32xbf16> -> vector<16xf32>
            %add3A_261 = arith.addf %broadcast_in_dim3A_100, %unpack3A_259 : vector<16xf32>
            %add3A_262 = arith.addf %broadcast_in_dim3A_100, %unpack3A_260 : vector<16xf32>
            %get3A_263 = arith.index_cast %add3A_200 : i32 to index
            %get3A_264 = arith.constant 0 : index
            %get3A_265 = tpu.vector_load %arg9[%get3A_263, %get3A_264] {strides = array<i32>} : memref<64x128xi32, #tpu.memory_space<vmem>>, vector<16xi32>,
            %bitcast3A_266 = vector.bitcast %get3A_265 : vector<16xi32> to vector<32xbf16>
            %mul3A_267 = arith.mulf %bitcast3A_266, %bitcast3A : vector<32xbf16>
            %unpack3A_268 = tpu.unpack_subelements %mul3A_267, 0 {pack_format = #tpu.pack_format<interleaved>} : vector<32xbf16> -> vector<16xf32>
            %unpack3A_269 = tpu.unpack_subelements %mul3A_267, 1 {pack_format = #tpu.pack_format<interleaved>} : vector<32xbf16> -> vector<16xf32>
            %add3A_270 = arith.addf %broadcast_in_dim3A_100, %unpack3A_268 : vector<16xf32>
            %add3A_271 = arith.addf %broadcast_in_dim3A_100, %unpack3A_269 : vector<16xf32>
            %get3A_272 = arith.index_cast %add3A_207 : i32 to index
            %get3A_273 = arith.constant 0 : index
            %get3A_274 = tpu.vector_load %arg9[%get3A_272, %get3A_273] {strides = array<i32>} : memref<64x128xi32, #tpu.memory_space<vmem>>, vector<16xi32>,
            %bitcast3A_275 = vector.bitcast %get3A_274 : vector<16xi32> to vector<32xbf16>
            %mul3A_276 = arith.mulf %bitcast3A_275, %bitcast3A : vector<32xbf16>
            %unpack3A_277 = tpu.unpack_subelements %mul3A_276, 0 {pack_format = #tpu.pack_format<interleaved>} : vector<32xbf16> -> vector<16xf32>
            %unpack3A_278 = tpu.unpack_subelements %mul3A_276, 1 {pack_format = #tpu.pack_format<interleaved>} : vector<32xbf16> -> vector<16xf32>
            %add3A_279 = arith.addf %broadcast_in_dim3A_100, %unpack3A_277 : vector<16xf32>
            %add3A_280 = arith.addf %broadcast_in_dim3A_100, %unpack3A_278 : vector<16xf32>
            %get3A_281 = arith.index_cast %add3A_92 : i32 to index
            %get3A_282 = arith.constant 16 : index
            %get3A_283 = tpu.vector_load %arg5[%get3A_281, %get3A_282] {strides = array<i32>} : memref<32x128xi32, #tpu.memory_space<vmem>>, vector<16xi32>,
            %bitcast3A_284 = vector.bitcast %get3A_283 : vector<16xi32> to vector<32xbf16>
            %get3A_285 = arith.index_cast %add3A_158 : i32 to index
            %get3A_286 = arith.constant 16 : index
            %get3A_287 = tpu.vector_load %arg9[%get3A_285, %get3A_286] {strides = array<i32>} : memref<64x128xi32, #tpu.memory_space<vmem>>, vector<16xi32>,
            %bitcast3A_288 = vector.bitcast %get3A_287 : vector<16xi32> to vector<32xbf16>
            %mul3A_289 = arith.mulf %bitcast3A_288, %bitcast3A_284 : vector<32xbf16>
            %unpack3A_290 = tpu.unpack_subelements %mul3A_289, 0 {pack_format = #tpu.pack_format<interleaved>} : vector<32xbf16> -> vector<16xf32>
            %unpack3A_291 = tpu.unpack_subelements %mul3A_289, 1 {pack_format = #tpu.pack_format<interleaved>} : vector<32xbf16> -> vector<16xf32>
            %add3A_292 = arith.addf %add3A_216, %unpack3A_290 : vector<16xf32>
            %add3A_293 = arith.addf %add3A_217, %unpack3A_291 : vector<16xf32>
            %get3A_294 = arith.index_cast %add3A_165 : i32 to index
            %get3A_295 = arith.constant 16 : index
            %get3A_296 = tpu.vector_load %arg9[%get3A_294, %get3A_295] {strides = array<i32>} : memref<64x128xi32, #tpu.memory_space<vmem>>, vector<16xi32>,
            %bitcast3A_297 = vector.bitcast %get3A_296 : vector<16xi32> to vector<32xbf16>
            %mul3A_298 = arith.mulf %bitcast3A_297, %bitcast3A_284 : vector<32xbf16>
            %unpack3A_299 = tpu.unpack_subelements %mul3A_298, 0 {pack_format = #tpu.pack_format<interleaved>} : vector<32xbf16> -> vector<16xf32>
            %unpack3A_300 = tpu.unpack_subelements %mul3A_298, 1 {pack_format = #tpu.pack_format<interleaved>} : vector<32xbf16> -> vector<16xf32>
            %add3A_301 = arith.addf %add3A_225, %unpack3A_299 : vector<16xf32>
            %add3A_302 = arith.addf %add3A_226, %unpack3A_300 : vector<16xf32>
            %get3A_303 = arith.index_cast %add3A_172 : i32 to index
            %get3A_304 = arith.constant 16 : index
            %get3A_305 = tpu.vector_load %arg9[%get3A_303, %get3A_304] {strides = array<i32>} : memref<64x128xi32, #tpu.memory_space<vmem>>, vector<16xi32>,
            %bitcast3A_306 = vector.bitcast %get3A_305 : vector<16xi32> to vector<32xbf16>
            %mul3A_307 = arith.mulf %bitcast3A_306, %bitcast3A_284 : vector<32xbf16>
            %unpack3A_308 = tpu.unpack_subelements %mul3A_307, 0 {pack_format = #tpu.pack_format<interleaved>} : vector<32xbf16> -> vector<16xf32>
            %unpack3A_309 = tpu.unpack_subelements %mul3A_307, 1 {pack_format = #tpu.pack_format<interleaved>} : vector<32xbf16> -> vector<16xf32>
            %add3A_310 = arith.addf %add3A_234, %unpack3A_308 : vector<16xf32>
            %add3A_311 = arith.addf %add3A_235, %unpack3A_309 : vector<16xf32>
            %get3A_312 = arith.index_cast %add3A_179 : i32 to index
            %get3A_313 = arith.constant 16 : index
            %get3A_314 = tpu.vector_load %arg9[%get3A_312, %get3A_313] {strides = array<i32>} : memref<64x128xi32, #tpu.memory_space<vmem>>, vector<16xi32>,
            %bitcast3A_315 = vector.bitcast %get3A_314 : vector<16xi32> to vector<32xbf16>
            %mul3A_316 = arith.mulf %bitcast3A_315, %bitcast3A_284 : vector<32xbf16>
            %unpack3A_317 = tpu.unpack_subelements %mul3A_316, 0 {pack_format = #tpu.pack_format<interleaved>} : vector<32xbf16> -> vector<16xf32>
            %unpack3A_318 = tpu.unpack_subelements %mul3A_316, 1 {pack_format = #tpu.pack_format<interleaved>} : vector<32xbf16> -> vector<16xf32>
            %add3A_319 = arith.addf %add3A_243, %unpack3A_317 : vector<16xf32>
            %add3A_320 = arith.addf %add3A_244, %unpack3A_318 : vector<16xf32>
            %get3A_321 = arith.index_cast %add3A_186 : i32 to index
            %get3A_322 = arith.constant 16 : index
            %get3A_323 = tpu.vector_load %arg9[%get3A_321, %get3A_322] {strides = array<i32>} : memref<64x128xi32, #tpu.memory_space<vmem>>, vector<16xi32>,
            %bitcast3A_324 = vector.bitcast %get3A_323 : vector<16xi32> to vector<32xbf16>
            %mul3A_325 = arith.mulf %bitcast3A_324, %bitcast3A_284 : vector<32xbf16>
            %unpack3A_326 = tpu.unpack_subelements %mul3A_325, 0 {pack_format = #tpu.pack_format<interleaved>} : vector<32xbf16> -> vector<16xf32>
            %unpack3A_327 = tpu.unpack_subelements %mul3A_325, 1 {pack_format = #tpu.pack_format<interleaved>} : vector<32xbf16> -> vector<16xf32>
            %add3A_328 = arith.addf %add3A_252, %unpack3A_326 : vector<16xf32>
            %add3A_329 = arith.addf %add3A_253, %unpack3A_327 : vector<16xf32>
            %get3A_330 = arith.index_cast %add3A_193 : i32 to index
            %get3A_331 = arith.constant 16 : index
            %get3A_332 = tpu.vector_load %arg9[%get3A_330, %get3A_331] {strides = array<i32>} : memref<64x128xi32, #tpu.memory_space<vmem>>, vector<16xi32>,
            %bitcast3A_333 = vector.bitcast %get3A_332 : vector<16xi32> to vector<32xbf16>
            %mul3A_334 = arith.mulf %bitcast3A_333, %bitcast3A_284 : vector<32xbf16>
            %unpack3A_335 = tpu.unpack_subelements %mul3A_334, 0 {pack_format = #tpu.pack_format<interleaved>} : vector<32xbf16> -> vector<16xf32>
            %unpack3A_336 = tpu.unpack_subelements %mul3A_334, 1 {pack_format = #tpu.pack_format<interleaved>} : vector<32xbf16> -> vector<16xf32>
            %add3A_337 = arith.addf %add3A_261, %unpack3A_335 : vector<16xf32>
            %add3A_338 = arith.addf %add3A_262, %unpack3A_336 : vector<16xf32>
            %get3A_339 = arith.index_cast %add3A_200 : i32 to index
            %get3A_340 = arith.constant 16 : index
            %get3A_341 = tpu.vector_load %arg9[%get3A_339, %get3A_340] {strides = array<i32>} : memref<64x128xi32, #tpu.memory_space<vmem>>, vector<16xi32>,
            %bitcast3A_342 = vector.bitcast %get3A_341 : vector<16xi32> to vector<32xbf16>
            %mul3A_343 = arith.mulf %bitcast3A_342, %bitcast3A_284 : vector<32xbf16>
            %unpack3A_344 = tpu.unpack_subelements %mul3A_343, 0 {pack_format = #tpu.pack_format<interleaved>} : vector<32xbf16> -> vector<16xf32>
            %unpack3A_345 = tpu.unpack_subelements %mul3A_343, 1 {pack_format = #tpu.pack_format<interleaved>} : vector<32xbf16> -> vector<16xf32>
            %add3A_346 = arith.addf %add3A_270, %unpack3A_344 : vector<16xf32>
            %add3A_347 = arith.addf %add3A_271, %unpack3A_345 : vector<16xf32>
            %get3A_348 = arith.index_cast %add3A_207 : i32 to index
            %get3A_349 = arith.constant 16 : index
            %get3A_350 = tpu.vector_load %arg9[%get3A_348, %get3A_349] {strides = array<i32>} : memref<64x128xi32, #tpu.memory_space<vmem>>, vector<16xi32>,
            %bitcast3A_351 = vector.bitcast %get3A_350 : vector<16xi32> to vector<32xbf16>
            %mul3A_352 = arith.mulf %bitcast3A_351, %bitcast3A_284 : vector<32xbf16>
            %unpack3A_353 = tpu.unpack_subelements %mul3A_352, 0 {pack_format = #tpu.pack_format<interleaved>} : vector<32xbf16> -> vector<16xf32>
            %unpack3A_354 = tpu.unpack_subelements %mul3A_352, 1 {pack_format = #tpu.pack_format<interleaved>} : vector<32xbf16> -> vector<16xf32>
            %add3A_355 = arith.addf %add3A_279, %unpack3A_353 : vector<16xf32>
            %add3A_356 = arith.addf %add3A_280, %unpack3A_354 : vector<16xf32>
            %get3A_357 = arith.index_cast %add3A_92 : i32 to index
            %get3A_358 = arith.constant 32 : index
            %get3A_359 = tpu.vector_load %arg5[%get3A_357, %get3A_358] {strides = array<i32>} : memref<32x128xi32, #tpu.memory_space<vmem>>, vector<16xi32>,
            %bitcast3A_360 = vector.bitcast %get3A_359 : vector<16xi32> to vector<32xbf16>
            %get3A_361 = arith.index_cast %add3A_158 : i32 to index
            %get3A_362 = arith.constant 32 : index
            %get3A_363 = tpu.vector_load %arg9[%get3A_361, %get3A_362] {strides = array<i32>} : memref<64x128xi32, #tpu.memory_space<vmem>>, vector<16xi32>,
            %bitcast3A_364 = vector.bitcast %get3A_363 : vector<16xi32> to vector<32xbf16>
            %mul3A_365 = arith.mulf %bitcast3A_364, %bitcast3A_360 : vector<32xbf16>
            %unpack3A_366 = tpu.unpack_subelements %mul3A_365, 0 {pack_format = #tpu.pack_format<interleaved>} : vector<32xbf16> -> vector<16xf32>
            %unpack3A_367 = tpu.unpack_subelements %mul3A_365, 1 {pack_format = #tpu.pack_format<interleaved>} : vector<32xbf16> -> vector<16xf32>
            %add3A_368 = arith.addf %add3A_292, %unpack3A_366 : vector<16xf32>
            %add3A_369 = arith.addf %add3A_293, %unpack3A_367 : vector<16xf32>
            %get3A_370 = arith.index_cast %add3A_165 : i32 to index
            %get3A_371 = arith.constant 32 : index
            %get3A_372 = tpu.vector_load %arg9[%get3A_370, %get3A_371] {strides = array<i32>} : memref<64x128xi32, #tpu.memory_space<vmem>>, vector<16xi32>,
            %bitcast3A_373 = vector.bitcast %get3A_372 : vector<16xi32> to vector<32xbf16>
            %mul3A_374 = arith.mulf %bitcast3A_373, %bitcast3A_360 : vector<32xbf16>
            %unpack3A_375 = tpu.unpack_subelements %mul3A_374, 0 {pack_format = #tpu.pack_format<interleaved>} : vector<32xbf16> -> vector<16xf32>
            %unpack3A_376 = tpu.unpack_subelements %mul3A_374, 1 {pack_format = #tpu.pack_format<interleaved>} : vector<32xbf16> -> vector<16xf32>
            %add3A_377 = arith.addf %add3A_301, %unpack3A_375 : vector<16xf32>
            %add3A_378 = arith.addf %add3A_302, %unpack3A_376 : vector<16xf32>
            %get3A_379 = arith.index_cast %add3A_172 : i32 to index
            %get3A_380 = arith.constant 32 : index
            %get3A_381 = tpu.vector_load %arg9[%get3A_379, %get3A_380] {strides = array<i32>} : memref<64x128xi32, #tpu.memory_space<vmem>>, vector<16xi32>,
            %bitcast3A_382 = vector.bitcast %get3A_381 : vector<16xi32> to vector<32xbf16>
            %mul3A_383 = arith.mulf %bitcast3A_382, %bitcast3A_360 : vector<32xbf16>
            %unpack3A_384 = tpu.unpack_subelements %mul3A_383, 0 {pack_format = #tpu.pack_format<interleaved>} : vector<32xbf16> -> vector<16xf32>
            %unpack3A_385 = tpu.unpack_subelements %mul3A_383, 1 {pack_format = #tpu.pack_format<interleaved>} : vector<32xbf16> -> vector<16xf32>
            %add3A_386 = arith.addf %add3A_310, %unpack3A_384 : vector<16xf32>
            %add3A_387 = arith.addf %add3A_311, %unpack3A_385 : vector<16xf32>
            %get3A_388 = arith.index_cast %add3A_179 : i32 to index
            %get3A_389 = arith.constant 32 : index
            %get3A_390 = tpu.vector_load %arg9[%get3A_388, %get3A_389] {strides = array<i32>} : memref<64x128xi32, #tpu.memory_space<vmem>>, vector<16xi32>,
            %bitcast3A_391 = vector.bitcast %get3A_390 : vector<16xi32> to vector<32xbf16>
            %mul3A_392 = arith.mulf %bitcast3A_391, %bitcast3A_360 : vector<32xbf16>
            %unpack3A_393 = tpu.unpack_subelements %mul3A_392, 0 {pack_format = #tpu.pack_format<interleaved>} : vector<32xbf16> -> vector<16xf32>
            %unpack3A_394 = tpu.unpack_subelements %mul3A_392, 1 {pack_format = #tpu.pack_format<interleaved>} : vector<32xbf16> -> vector<16xf32>
            %add3A_395 = arith.addf %add3A_319, %unpack3A_393 : vector<16xf32>
            %add3A_396 = arith.addf %add3A_320, %unpack3A_394 : vector<16xf32>
            %get3A_397 = arith.index_cast %add3A_186 : i32 to index
            %get3A_398 = arith.constant 32 : index
            %get3A_399 = tpu.vector_load %arg9[%get3A_397, %get3A_398] {strides = array<i32>} : memref<64x128xi32, #tpu.memory_space<vmem>>, vector<16xi32>,
            %bitcast3A_400 = vector.bitcast %get3A_399 : vector<16xi32> to vector<32xbf16>
            %mul3A_401 = arith.mulf %bitcast3A_400, %bitcast3A_360 : vector<32xbf16>
            %unpack3A_402 = tpu.unpack_subelements %mul3A_401, 0 {pack_format = #tpu.pack_format<interleaved>} : vector<32xbf16> -> vector<16xf32>
            %unpack3A_403 = tpu.unpack_subelements %mul3A_401, 1 {pack_format = #tpu.pack_format<interleaved>} : vector<32xbf16> -> vector<16xf32>
            %add3A_404 = arith.addf %add3A_328, %unpack3A_402 : vector<16xf32>
            %add3A_405 = arith.addf %add3A_329, %unpack3A_403 : vector<16xf32>
            %get3A_406 = arith.index_cast %add3A_193 : i32 to index
            %get3A_407 = arith.constant 32 : index
            %get3A_408 = tpu.vector_load %arg9[%get3A_406, %get3A_407] {strides = array<i32>} : memref<64x128xi32, #tpu.memory_space<vmem>>, vector<16xi32>,
            %bitcast3A_409 = vector.bitcast %get3A_408 : vector<16xi32> to vector<32xbf16>
            %mul3A_410 = arith.mulf %bitcast3A_409, %bitcast3A_360 : vector<32xbf16>
            %unpack3A_411 = tpu.unpack_subelements %mul3A_410, 0 {pack_format = #tpu.pack_format<interleaved>} : vector<32xbf16> -> vector<16xf32>
            %unpack3A_412 = tpu.unpack_subelements %mul3A_410, 1 {pack_format = #tpu.pack_format<interleaved>} : vector<32xbf16> -> vector<16xf32>
            %add3A_413 = arith.addf %add3A_337, %unpack3A_411 : vector<16xf32>
            %add3A_414 = arith.addf %add3A_338, %unpack3A_412 : vector<16xf32>
            %get3A_415 = arith.index_cast %add3A_200 : i32 to index
            %get3A_416 = arith.constant 32 : index
            %get3A_417 = tpu.vector_load %arg9[%get3A_415, %get3A_416] {strides = array<i32>} : memref<64x128xi32, #tpu.memory_space<vmem>>, vector<16xi32>,
            %bitcast3A_418 = vector.bitcast %get3A_417 : vector<16xi32> to vector<32xbf16>
            %mul3A_419 = arith.mulf %bitcast3A_418, %bitcast3A_360 : vector<32xbf16>
            %unpack3A_420 = tpu.unpack_subelements %mul3A_419, 0 {pack_format = #tpu.pack_format<interleaved>} : vector<32xbf16> -> vector<16xf32>
            %unpack3A_421 = tpu.unpack_subelements %mul3A_419, 1 {pack_format = #tpu.pack_format<interleaved>} : vector<32xbf16> -> vector<16xf32>
            %add3A_422 = arith.addf %add3A_346, %unpack3A_420 : vector<16xf32>
            %add3A_423 = arith.addf %add3A_347, %unpack3A_421 : vector<16xf32>
            %get3A_424 = arith.index_cast %add3A_207 : i32 to index
            %get3A_425 = arith.constant 32 : index
            %get3A_426 = tpu.vector_load %arg9[%get3A_424, %get3A_425] {strides = array<i32>} : memref<64x128xi32, #tpu.memory_space<vmem>>, vector<16xi32>,
            %bitcast3A_427 = vector.bitcast %get3A_426 : vector<16xi32> to vector<32xbf16>
            %mul3A_428 = arith.mulf %bitcast3A_427, %bitcast3A_360 : vector<32xbf16>
            %unpack3A_429 = tpu.unpack_subelements %mul3A_428, 0 {pack_format = #tpu.pack_format<interleaved>} : vector<32xbf16> -> vector<16xf32>
            %unpack3A_430 = tpu.unpack_subelements %mul3A_428, 1 {pack_format = #tpu.pack_format<interleaved>} : vector<32xbf16> -> vector<16xf32>
            %add3A_431 = arith.addf %add3A_355, %unpack3A_429 : vector<16xf32>
            %add3A_432 = arith.addf %add3A_356, %unpack3A_430 : vector<16xf32>
            %get3A_433 = arith.index_cast %add3A_92 : i32 to index
            %get3A_434 = arith.constant 48 : index
            %get3A_435 = tpu.vector_load %arg5[%get3A_433, %get3A_434] {strides = array<i32>} : memref<32x128xi32, #tpu.memory_space<vmem>>, vector<16xi32>,
            %bitcast3A_436 = vector.bitcast %get3A_435 : vector<16xi32> to vector<32xbf16>
            %get3A_437 = arith.index_cast %add3A_158 : i32 to index
            %get3A_438 = arith.constant 48 : index
            %get3A_439 = tpu.vector_load %arg9[%get3A_437, %get3A_438] {strides = array<i32>} : memref<64x128xi32, #tpu.memory_space<vmem>>, vector<16xi32>,
            %bitcast3A_440 = vector.bitcast %get3A_439 : vector<16xi32> to vector<32xbf16>
            %mul3A_441 = arith.mulf %bitcast3A_440, %bitcast3A_436 : vector<32xbf16>
            %unpack3A_442 = tpu.unpack_subelements %mul3A_441, 0 {pack_format = #tpu.pack_format<interleaved>} : vector<32xbf16> -> vector<16xf32>
            %unpack3A_443 = tpu.unpack_subelements %mul3A_441, 1 {pack_format = #tpu.pack_format<interleaved>} : vector<32xbf16> -> vector<16xf32>
            %add3A_444 = arith.addf %add3A_368, %unpack3A_442 : vector<16xf32>
            %add3A_445 = arith.addf %add3A_369, %unpack3A_443 : vector<16xf32>
            %get3A_446 = arith.index_cast %add3A_165 : i32 to index
            %get3A_447 = arith.constant 48 : index
            %get3A_448 = tpu.vector_load %arg9[%get3A_446, %get3A_447] {strides = array<i32>} : memref<64x128xi32, #tpu.memory_space<vmem>>, vector<16xi32>,
            %bitcast3A_449 = vector.bitcast %get3A_448 : vector<16xi32> to vector<32xbf16>
            %mul3A_450 = arith.mulf %bitcast3A_449, %bitcast3A_436 : vector<32xbf16>
            %unpack3A_451 = tpu.unpack_subelements %mul3A_450, 0 {pack_format = #tpu.pack_format<interleaved>} : vector<32xbf16> -> vector<16xf32>
            %unpack3A_452 = tpu.unpack_subelements %mul3A_450, 1 {pack_format = #tpu.pack_format<interleaved>} : vector<32xbf16> -> vector<16xf32>
            %add3A_453 = arith.addf %add3A_377, %unpack3A_451 : vector<16xf32>
            %add3A_454 = arith.addf %add3A_378, %unpack3A_452 : vector<16xf32>
            %get3A_455 = arith.index_cast %add3A_172 : i32 to index
            %get3A_456 = arith.constant 48 : index
            %get3A_457 = tpu.vector_load %arg9[%get3A_455, %get3A_456] {strides = array<i32>} : memref<64x128xi32, #tpu.memory_space<vmem>>, vector<16xi32>,
            %bitcast3A_458 = vector.bitcast %get3A_457 : vector<16xi32> to vector<32xbf16>
            %mul3A_459 = arith.mulf %bitcast3A_458, %bitcast3A_436 : vector<32xbf16>
            %unpack3A_460 = tpu.unpack_subelements %mul3A_459, 0 {pack_format = #tpu.pack_format<interleaved>} : vector<32xbf16> -> vector<16xf32>
            %unpack3A_461 = tpu.unpack_subelements %mul3A_459, 1 {pack_format = #tpu.pack_format<interleaved>} : vector<32xbf16> -> vector<16xf32>
            %add3A_462 = arith.addf %add3A_386, %unpack3A_460 : vector<16xf32>
            %add3A_463 = arith.addf %add3A_387, %unpack3A_461 : vector<16xf32>
            %get3A_464 = arith.index_cast %add3A_179 : i32 to index
            %get3A_465 = arith.constant 48 : index
            %get3A_466 = tpu.vector_load %arg9[%get3A_464, %get3A_465] {strides = array<i32>} : memref<64x128xi32, #tpu.memory_space<vmem>>, vector<16xi32>,
            %bitcast3A_467 = vector.bitcast %get3A_466 : vector<16xi32> to vector<32xbf16>
            %mul3A_468 = arith.mulf %bitcast3A_467, %bitcast3A_436 : vector<32xbf16>
            %unpack3A_469 = tpu.unpack_subelements %mul3A_468, 0 {pack_format = #tpu.pack_format<interleaved>} : vector<32xbf16> -> vector<16xf32>
            %unpack3A_470 = tpu.unpack_subelements %mul3A_468, 1 {pack_format = #tpu.pack_format<interleaved>} : vector<32xbf16> -> vector<16xf32>
            %add3A_471 = arith.addf %add3A_395, %unpack3A_469 : vector<16xf32>
            %add3A_472 = arith.addf %add3A_396, %unpack3A_470 : vector<16xf32>
            %get3A_473 = arith.index_cast %add3A_186 : i32 to index
            %get3A_474 = arith.constant 48 : index
            %get3A_475 = tpu.vector_load %arg9[%get3A_473, %get3A_474] {strides = array<i32>} : memref<64x128xi32, #tpu.memory_space<vmem>>, vector<16xi32>,
            %bitcast3A_476 = vector.bitcast %get3A_475 : vector<16xi32> to vector<32xbf16>
            %mul3A_477 = arith.mulf %bitcast3A_476, %bitcast3A_436 : vector<32xbf16>
            %unpack3A_478 = tpu.unpack_subelements %mul3A_477, 0 {pack_format = #tpu.pack_format<interleaved>} : vector<32xbf16> -> vector<16xf32>
            %unpack3A_479 = tpu.unpack_subelements %mul3A_477, 1 {pack_format = #tpu.pack_format<interleaved>} : vector<32xbf16> -> vector<16xf32>
            %add3A_480 = arith.addf %add3A_404, %unpack3A_478 : vector<16xf32>
            %add3A_481 = arith.addf %add3A_405, %unpack3A_479 : vector<16xf32>
            %get3A_482 = arith.index_cast %add3A_193 : i32 to index
            %get3A_483 = arith.constant 48 : index
            %get3A_484 = tpu.vector_load %arg9[%get3A_482, %get3A_483] {strides = array<i32>} : memref<64x128xi32, #tpu.memory_space<vmem>>, vector<16xi32>,
            %bitcast3A_485 = vector.bitcast %get3A_484 : vector<16xi32> to vector<32xbf16>
            %mul3A_486 = arith.mulf %bitcast3A_485, %bitcast3A_436 : vector<32xbf16>
            %unpack3A_487 = tpu.unpack_subelements %mul3A_486, 0 {pack_format = #tpu.pack_format<interleaved>} : vector<32xbf16> -> vector<16xf32>
            %unpack3A_488 = tpu.unpack_subelements %mul3A_486, 1 {pack_format = #tpu.pack_format<interleaved>} : vector<32xbf16> -> vector<16xf32>
            %add3A_489 = arith.addf %add3A_413, %unpack3A_487 : vector<16xf32>
            %add3A_490 = arith.addf %add3A_414, %unpack3A_488 : vector<16xf32>
            %get3A_491 = arith.index_cast %add3A_200 : i32 to index
            %get3A_492 = arith.constant 48 : index
            %get3A_493 = tpu.vector_load %arg9[%get3A_491, %get3A_492] {strides = array<i32>} : memref<64x128xi32, #tpu.memory_space<vmem>>, vector<16xi32>,
            %bitcast3A_494 = vector.bitcast %get3A_493 : vector<16xi32> to vector<32xbf16>
            %mul3A_495 = arith.mulf %bitcast3A_494, %bitcast3A_436 : vector<32xbf16>
            %unpack3A_496 = tpu.unpack_subelements %mul3A_495, 0 {pack_format = #tpu.pack_format<interleaved>} : vector<32xbf16> -> vector<16xf32>
            %unpack3A_497 = tpu.unpack_subelements %mul3A_495, 1 {pack_format = #tpu.pack_format<interleaved>} : vector<32xbf16> -> vector<16xf32>
            %add3A_498 = arith.addf %add3A_422, %unpack3A_496 : vector<16xf32>
            %add3A_499 = arith.addf %add3A_423, %unpack3A_497 : vector<16xf32>
            %get3A_500 = arith.index_cast %add3A_207 : i32 to index
            %get3A_501 = arith.constant 48 : index
            %get3A_502 = tpu.vector_load %arg9[%get3A_500, %get3A_501] {strides = array<i32>} : memref<64x128xi32, #tpu.memory_space<vmem>>, vector<16xi32>,
            %bitcast3A_503 = vector.bitcast %get3A_502 : vector<16xi32> to vector<32xbf16>
            %mul3A_504 = arith.mulf %bitcast3A_503, %bitcast3A_436 : vector<32xbf16>
            %unpack3A_505 = tpu.unpack_subelements %mul3A_504, 0 {pack_format = #tpu.pack_format<interleaved>} : vector<32xbf16> -> vector<16xf32>
            %unpack3A_506 = tpu.unpack_subelements %mul3A_504, 1 {pack_format = #tpu.pack_format<interleaved>} : vector<32xbf16> -> vector<16xf32>
            %add3A_507 = arith.addf %add3A_431, %unpack3A_505 : vector<16xf32>
            %add3A_508 = arith.addf %add3A_432, %unpack3A_506 : vector<16xf32>
            %get3A_509 = arith.index_cast %add3A_92 : i32 to index
            %get3A_510 = arith.constant 64 : index
            %get3A_511 = tpu.vector_load %arg5[%get3A_509, %get3A_510] {strides = array<i32>} : memref<32x128xi32, #tpu.memory_space<vmem>>, vector<16xi32>,
            %bitcast3A_512 = vector.bitcast %get3A_511 : vector<16xi32> to vector<32xbf16>
            %get3A_513 = arith.index_cast %add3A_158 : i32 to index
            %get3A_514 = arith.constant 64 : index
            %get3A_515 = tpu.vector_load %arg9[%get3A_513, %get3A_514] {strides = array<i32>} : memref<64x128xi32, #tpu.memory_space<vmem>>, vector<16xi32>,
            %bitcast3A_516 = vector.bitcast %get3A_515 : vector<16xi32> to vector<32xbf16>
            %mul3A_517 = arith.mulf %bitcast3A_516, %bitcast3A_512 : vector<32xbf16>
            %unpack3A_518 = tpu.unpack_subelements %mul3A_517, 0 {pack_format = #tpu.pack_format<interleaved>} : vector<32xbf16> -> vector<16xf32>
            %unpack3A_519 = tpu.unpack_subelements %mul3A_517, 1 {pack_format = #tpu.pack_format<interleaved>} : vector<32xbf16> -> vector<16xf32>
            %add3A_520 = arith.addf %add3A_444, %unpack3A_518 : vector<16xf32>
            %add3A_521 = arith.addf %add3A_445, %unpack3A_519 : vector<16xf32>
            %get3A_522 = arith.index_cast %add3A_165 : i32 to index
            %get3A_523 = arith.constant 64 : index
            %get3A_524 = tpu.vector_load %arg9[%get3A_522, %get3A_523] {strides = array<i32>} : memref<64x128xi32, #tpu.memory_space<vmem>>, vector<16xi32>,
            %bitcast3A_525 = vector.bitcast %get3A_524 : vector<16xi32> to vector<32xbf16>
            %mul3A_526 = arith.mulf %bitcast3A_525, %bitcast3A_512 : vector<32xbf16>
            %unpack3A_527 = tpu.unpack_subelements %mul3A_526, 0 {pack_format = #tpu.pack_format<interleaved>} : vector<32xbf16> -> vector<16xf32>
            %unpack3A_528 = tpu.unpack_subelements %mul3A_526, 1 {pack_format = #tpu.pack_format<interleaved>} : vector<32xbf16> -> vector<16xf32>
            %add3A_529 = arith.addf %add3A_453, %unpack3A_527 : vector<16xf32>
            %add3A_530 = arith.addf %add3A_454, %unpack3A_528 : vector<16xf32>
            %get3A_531 = arith.index_cast %add3A_172 : i32 to index
            %get3A_532 = arith.constant 64 : index
            %get3A_533 = tpu.vector_load %arg9[%get3A_531, %get3A_532] {strides = array<i32>} : memref<64x128xi32, #tpu.memory_space<vmem>>, vector<16xi32>,
            %bitcast3A_534 = vector.bitcast %get3A_533 : vector<16xi32> to vector<32xbf16>
            %mul3A_535 = arith.mulf %bitcast3A_534, %bitcast3A_512 : vector<32xbf16>
            %unpack3A_536 = tpu.unpack_subelements %mul3A_535, 0 {pack_format = #tpu.pack_format<interleaved>} : vector<32xbf16> -> vector<16xf32>
            %unpack3A_537 = tpu.unpack_subelements %mul3A_535, 1 {pack_format = #tpu.pack_format<interleaved>} : vector<32xbf16> -> vector<16xf32>
            %add3A_538 = arith.addf %add3A_462, %unpack3A_536 : vector<16xf32>
            %add3A_539 = arith.addf %add3A_463, %unpack3A_537 : vector<16xf32>
            %get3A_540 = arith.index_cast %add3A_179 : i32 to index
            %get3A_541 = arith.constant 64 : index
            %get3A_542 = tpu.vector_load %arg9[%get3A_540, %get3A_541] {strides = array<i32>} : memref<64x128xi32, #tpu.memory_space<vmem>>, vector<16xi32>,
            %bitcast3A_543 = vector.bitcast %get3A_542 : vector<16xi32> to vector<32xbf16>
            %mul3A_544 = arith.mulf %bitcast3A_543, %bitcast3A_512 : vector<32xbf16>
            %unpack3A_545 = tpu.unpack_subelements %mul3A_544, 0 {pack_format = #tpu.pack_format<interleaved>} : vector<32xbf16> -> vector<16xf32>
            %unpack3A_546 = tpu.unpack_subelements %mul3A_544, 1 {pack_format = #tpu.pack_format<interleaved>} : vector<32xbf16> -> vector<16xf32>
            %add3A_547 = arith.addf %add3A_471, %unpack3A_545 : vector<16xf32>
            %add3A_548 = arith.addf %add3A_472, %unpack3A_546 : vector<16xf32>
            %get3A_549 = arith.index_cast %add3A_186 : i32 to index
            %get3A_550 = arith.constant 64 : index
            %get3A_551 = tpu.vector_load %arg9[%get3A_549, %get3A_550] {strides = array<i32>} : memref<64x128xi32, #tpu.memory_space<vmem>>, vector<16xi32>,
            %bitcast3A_552 = vector.bitcast %get3A_551 : vector<16xi32> to vector<32xbf16>
            %mul3A_553 = arith.mulf %bitcast3A_552, %bitcast3A_512 : vector<32xbf16>
            %unpack3A_554 = tpu.unpack_subelements %mul3A_553, 0 {pack_format = #tpu.pack_format<interleaved>} : vector<32xbf16> -> vector<16xf32>
            %unpack3A_555 = tpu.unpack_subelements %mul3A_553, 1 {pack_format = #tpu.pack_format<interleaved>} : vector<32xbf16> -> vector<16xf32>
            %add3A_556 = arith.addf %add3A_480, %unpack3A_554 : vector<16xf32>
            %add3A_557 = arith.addf %add3A_481, %unpack3A_555 : vector<16xf32>
            %get3A_558 = arith.index_cast %add3A_193 : i32 to index
            %get3A_559 = arith.constant 64 : index
            %get3A_560 = tpu.vector_load %arg9[%get3A_558, %get3A_559] {strides = array<i32>} : memref<64x128xi32, #tpu.memory_space<vmem>>, vector<16xi32>,
            %bitcast3A_561 = vector.bitcast %get3A_560 : vector<16xi32> to vector<32xbf16>
            %mul3A_562 = arith.mulf %bitcast3A_561, %bitcast3A_512 : vector<32xbf16>
            %unpack3A_563 = tpu.unpack_subelements %mul3A_562, 0 {pack_format = #tpu.pack_format<interleaved>} : vector<32xbf16> -> vector<16xf32>
            %unpack3A_564 = tpu.unpack_subelements %mul3A_562, 1 {pack_format = #tpu.pack_format<interleaved>} : vector<32xbf16> -> vector<16xf32>
            %add3A_565 = arith.addf %add3A_489, %unpack3A_563 : vector<16xf32>
            %add3A_566 = arith.addf %add3A_490, %unpack3A_564 : vector<16xf32>
            %get3A_567 = arith.index_cast %add3A_200 : i32 to index
            %get3A_568 = arith.constant 64 : index
            %get3A_569 = tpu.vector_load %arg9[%get3A_567, %get3A_568] {strides = array<i32>} : memref<64x128xi32, #tpu.memory_space<vmem>>, vector<16xi32>,
            %bitcast3A_570 = vector.bitcast %get3A_569 : vector<16xi32> to vector<32xbf16>
            %mul3A_571 = arith.mulf %bitcast3A_570, %bitcast3A_512 : vector<32xbf16>
            %unpack3A_572 = tpu.unpack_subelements %mul3A_571, 0 {pack_format = #tpu.pack_format<interleaved>} : vector<32xbf16> -> vector<16xf32>
            %unpack3A_573 = tpu.unpack_subelements %mul3A_571, 1 {pack_format = #tpu.pack_format<interleaved>} : vector<32xbf16> -> vector<16xf32>
            %add3A_574 = arith.addf %add3A_498, %unpack3A_572 : vector<16xf32>
            %add3A_575 = arith.addf %add3A_499, %unpack3A_573 : vector<16xf32>
            %get3A_576 = arith.index_cast %add3A_207 : i32 to index
            %get3A_577 = arith.constant 64 : index
            %get3A_578 = tpu.vector_load %arg9[%get3A_576, %get3A_577] {strides = array<i32>} : memref<64x128xi32, #tpu.memory_space<vmem>>, vector<16xi32>,
            %bitcast3A_579 = vector.bitcast %get3A_578 : vector<16xi32> to vector<32xbf16>
            %mul3A_580 = arith.mulf %bitcast3A_579, %bitcast3A_512 : vector<32xbf16>
            %unpack3A_581 = tpu.unpack_subelements %mul3A_580, 0 {pack_format = #tpu.pack_format<interleaved>} : vector<32xbf16> -> vector<16xf32>
            %unpack3A_582 = tpu.unpack_subelements %mul3A_580, 1 {pack_format = #tpu.pack_format<interleaved>} : vector<32xbf16> -> vector<16xf32>
            %add3A_583 = arith.addf %add3A_507, %unpack3A_581 : vector<16xf32>
            %add3A_584 = arith.addf %add3A_508, %unpack3A_582 : vector<16xf32>
            %get3A_585 = arith.index_cast %add3A_92 : i32 to index
            %get3A_586 = arith.constant 80 : index
            %get3A_587 = tpu.vector_load %arg5[%get3A_585, %get3A_586] {strides = array<i32>} : memref<32x128xi32, #tpu.memory_space<vmem>>, vector<16xi32>,
            %bitcast3A_588 = vector.bitcast %get3A_587 : vector<16xi32> to vector<32xbf16>
            %get3A_589 = arith.index_cast %add3A_158 : i32 to index
            %get3A_590 = arith.constant 80 : index
            %get3A_591 = tpu.vector_load %arg9[%get3A_589, %get3A_590] {strides = array<i32>} : memref<64x128xi32, #tpu.memory_space<vmem>>, vector<16xi32>,
            %bitcast3A_592 = vector.bitcast %get3A_591 : vector<16xi32> to vector<32xbf16>
            %mul3A_593 = arith.mulf %bitcast3A_592, %bitcast3A_588 : vector<32xbf16>
            %unpack3A_594 = tpu.unpack_subelements %mul3A_593, 0 {pack_format = #tpu.pack_format<interleaved>} : vector<32xbf16> -> vector<16xf32>
            %unpack3A_595 = tpu.unpack_subelements %mul3A_593, 1 {pack_format = #tpu.pack_format<interleaved>} : vector<32xbf16> -> vector<16xf32>
            %add3A_596 = arith.addf %add3A_520, %unpack3A_594 : vector<16xf32>
            %add3A_597 = arith.addf %add3A_521, %unpack3A_595 : vector<16xf32>
            %get3A_598 = arith.index_cast %add3A_165 : i32 to index
            %get3A_599 = arith.constant 80 : index
            %get3A_600 = tpu.vector_load %arg9[%get3A_598, %get3A_599] {strides = array<i32>} : memref<64x128xi32, #tpu.memory_space<vmem>>, vector<16xi32>,
            %bitcast3A_601 = vector.bitcast %get3A_600 : vector<16xi32> to vector<32xbf16>
            %mul3A_602 = arith.mulf %bitcast3A_601, %bitcast3A_588 : vector<32xbf16>
            %unpack3A_603 = tpu.unpack_subelements %mul3A_602, 0 {pack_format = #tpu.pack_format<interleaved>} : vector<32xbf16> -> vector<16xf32>
            %unpack3A_604 = tpu.unpack_subelements %mul3A_602, 1 {pack_format = #tpu.pack_format<interleaved>} : vector<32xbf16> -> vector<16xf32>
            %add3A_605 = arith.addf %add3A_529, %unpack3A_603 : vector<16xf32>
            %add3A_606 = arith.addf %add3A_530, %unpack3A_604 : vector<16xf32>
            %get3A_607 = arith.index_cast %add3A_172 : i32 to index
            %get3A_608 = arith.constant 80 : index
            %get3A_609 = tpu.vector_load %arg9[%get3A_607, %get3A_608] {strides = array<i32>} : memref<64x128xi32, #tpu.memory_space<vmem>>, vector<16xi32>,
            %bitcast3A_610 = vector.bitcast %get3A_609 : vector<16xi32> to vector<32xbf16>
            %mul3A_611 = arith.mulf %bitcast3A_610, %bitcast3A_588 : vector<32xbf16>
            %unpack3A_612 = tpu.unpack_subelements %mul3A_611, 0 {pack_format = #tpu.pack_format<interleaved>} : vector<32xbf16> -> vector<16xf32>
            %unpack3A_613 = tpu.unpack_subelements %mul3A_611, 1 {pack_format = #tpu.pack_format<interleaved>} : vector<32xbf16> -> vector<16xf32>
            %add3A_614 = arith.addf %add3A_538, %unpack3A_612 : vector<16xf32>
            %add3A_615 = arith.addf %add3A_539, %unpack3A_613 : vector<16xf32>
            %get3A_616 = arith.index_cast %add3A_179 : i32 to index
            %get3A_617 = arith.constant 80 : index
            %get3A_618 = tpu.vector_load %arg9[%get3A_616, %get3A_617] {strides = array<i32>} : memref<64x128xi32, #tpu.memory_space<vmem>>, vector<16xi32>,
            %bitcast3A_619 = vector.bitcast %get3A_618 : vector<16xi32> to vector<32xbf16>
            %mul3A_620 = arith.mulf %bitcast3A_619, %bitcast3A_588 : vector<32xbf16>
            %unpack3A_621 = tpu.unpack_subelements %mul3A_620, 0 {pack_format = #tpu.pack_format<interleaved>} : vector<32xbf16> -> vector<16xf32>
            %unpack3A_622 = tpu.unpack_subelements %mul3A_620, 1 {pack_format = #tpu.pack_format<interleaved>} : vector<32xbf16> -> vector<16xf32>
            %add3A_623 = arith.addf %add3A_547, %unpack3A_621 : vector<16xf32>
            %add3A_624 = arith.addf %add3A_548, %unpack3A_622 : vector<16xf32>
            %get3A_625 = arith.index_cast %add3A_186 : i32 to index
            %get3A_626 = arith.constant 80 : index
            %get3A_627 = tpu.vector_load %arg9[%get3A_625, %get3A_626] {strides = array<i32>} : memref<64x128xi32, #tpu.memory_space<vmem>>, vector<16xi32>,
            %bitcast3A_628 = vector.bitcast %get3A_627 : vector<16xi32> to vector<32xbf16>
            %mul3A_629 = arith.mulf %bitcast3A_628, %bitcast3A_588 : vector<32xbf16>
            %unpack3A_630 = tpu.unpack_subelements %mul3A_629, 0 {pack_format = #tpu.pack_format<interleaved>} : vector<32xbf16> -> vector<16xf32>
            %unpack3A_631 = tpu.unpack_subelements %mul3A_629, 1 {pack_format = #tpu.pack_format<interleaved>} : vector<32xbf16> -> vector<16xf32>
            %add3A_632 = arith.addf %add3A_556, %unpack3A_630 : vector<16xf32>
            %add3A_633 = arith.addf %add3A_557, %unpack3A_631 : vector<16xf32>
            %get3A_634 = arith.index_cast %add3A_193 : i32 to index
            %get3A_635 = arith.constant 80 : index
            %get3A_636 = tpu.vector_load %arg9[%get3A_634, %get3A_635] {strides = array<i32>} : memref<64x128xi32, #tpu.memory_space<vmem>>, vector<16xi32>,
            %bitcast3A_637 = vector.bitcast %get3A_636 : vector<16xi32> to vector<32xbf16>
            %mul3A_638 = arith.mulf %bitcast3A_637, %bitcast3A_588 : vector<32xbf16>
            %unpack3A_639 = tpu.unpack_subelements %mul3A_638, 0 {pack_format = #tpu.pack_format<interleaved>} : vector<32xbf16> -> vector<16xf32>
            %unpack3A_640 = tpu.unpack_subelements %mul3A_638, 1 {pack_format = #tpu.pack_format<interleaved>} : vector<32xbf16> -> vector<16xf32>
            %add3A_641 = arith.addf %add3A_565, %unpack3A_639 : vector<16xf32>
            %add3A_642 = arith.addf %add3A_566, %unpack3A_640 : vector<16xf32>
            %get3A_643 = arith.index_cast %add3A_200 : i32 to index
            %get3A_644 = arith.constant 80 : index
            %get3A_645 = tpu.vector_load %arg9[%get3A_643, %get3A_644] {strides = array<i32>} : memref<64x128xi32, #tpu.memory_space<vmem>>, vector<16xi32>,
            %bitcast3A_646 = vector.bitcast %get3A_645 : vector<16xi32> to vector<32xbf16>
            %mul3A_647 = arith.mulf %bitcast3A_646, %bitcast3A_588 : vector<32xbf16>
            %unpack3A_648 = tpu.unpack_subelements %mul3A_647, 0 {pack_format = #tpu.pack_format<interleaved>} : vector<32xbf16> -> vector<16xf32>
            %unpack3A_649 = tpu.unpack_subelements %mul3A_647, 1 {pack_format = #tpu.pack_format<interleaved>} : vector<32xbf16> -> vector<16xf32>
            %add3A_650 = arith.addf %add3A_574, %unpack3A_648 : vector<16xf32>
            %add3A_651 = arith.addf %add3A_575, %unpack3A_649 : vector<16xf32>
            %get3A_652 = arith.index_cast %add3A_207 : i32 to index
            %get3A_653 = arith.constant 80 : index
            %get3A_654 = tpu.vector_load %arg9[%get3A_652, %get3A_653] {strides = array<i32>} : memref<64x128xi32, #tpu.memory_space<vmem>>, vector<16xi32>,
            %bitcast3A_655 = vector.bitcast %get3A_654 : vector<16xi32> to vector<32xbf16>
            %mul3A_656 = arith.mulf %bitcast3A_655, %bitcast3A_588 : vector<32xbf16>
            %unpack3A_657 = tpu.unpack_subelements %mul3A_656, 0 {pack_format = #tpu.pack_format<interleaved>} : vector<32xbf16> -> vector<16xf32>
            %unpack3A_658 = tpu.unpack_subelements %mul3A_656, 1 {pack_format = #tpu.pack_format<interleaved>} : vector<32xbf16> -> vector<16xf32>
            %add3A_659 = arith.addf %add3A_583, %unpack3A_657 : vector<16xf32>
            %add3A_660 = arith.addf %add3A_584, %unpack3A_658 : vector<16xf32>
            %get3A_661 = arith.index_cast %add3A_92 : i32 to index
            %get3A_662 = arith.constant 96 : index
            %get3A_663 = tpu.vector_load %arg5[%get3A_661, %get3A_662] {strides = array<i32>} : memref<32x128xi32, #tpu.memory_space<vmem>>, vector<16xi32>,
            %bitcast3A_664 = vector.bitcast %get3A_663 : vector<16xi32> to vector<32xbf16>
            %get3A_665 = arith.index_cast %add3A_158 : i32 to index
            %get3A_666 = arith.constant 96 : index
            %get3A_667 = tpu.vector_load %arg9[%get3A_665, %get3A_666] {strides = array<i32>} : memref<64x128xi32, #tpu.memory_space<vmem>>, vector<16xi32>,
            %bitcast3A_668 = vector.bitcast %get3A_667 : vector<16xi32> to vector<32xbf16>
            %mul3A_669 = arith.mulf %bitcast3A_668, %bitcast3A_664 : vector<32xbf16>
            %unpack3A_670 = tpu.unpack_subelements %mul3A_669, 0 {pack_format = #tpu.pack_format<interleaved>} : vector<32xbf16> -> vector<16xf32>
            %unpack3A_671 = tpu.unpack_subelements %mul3A_669, 1 {pack_format = #tpu.pack_format<interleaved>} : vector<32xbf16> -> vector<16xf32>
            %add3A_672 = arith.addf %add3A_596, %unpack3A_670 : vector<16xf32>
            %add3A_673 = arith.addf %add3A_597, %unpack3A_671 : vector<16xf32>
            %get3A_674 = arith.index_cast %add3A_165 : i32 to index
            %get3A_675 = arith.constant 96 : index
            %get3A_676 = tpu.vector_load %arg9[%get3A_674, %get3A_675] {strides = array<i32>} : memref<64x128xi32, #tpu.memory_space<vmem>>, vector<16xi32>,
            %bitcast3A_677 = vector.bitcast %get3A_676 : vector<16xi32> to vector<32xbf16>
            %mul3A_678 = arith.mulf %bitcast3A_677, %bitcast3A_664 : vector<32xbf16>
            %unpack3A_679 = tpu.unpack_subelements %mul3A_678, 0 {pack_format = #tpu.pack_format<interleaved>} : vector<32xbf16> -> vector<16xf32>
            %unpack3A_680 = tpu.unpack_subelements %mul3A_678, 1 {pack_format = #tpu.pack_format<interleaved>} : vector<32xbf16> -> vector<16xf32>
            %add3A_681 = arith.addf %add3A_605, %unpack3A_679 : vector<16xf32>
            %add3A_682 = arith.addf %add3A_606, %unpack3A_680 : vector<16xf32>
            %get3A_683 = arith.index_cast %add3A_172 : i32 to index
            %get3A_684 = arith.constant 96 : index
            %get3A_685 = tpu.vector_load %arg9[%get3A_683, %get3A_684] {strides = array<i32>} : memref<64x128xi32, #tpu.memory_space<vmem>>, vector<16xi32>,
            %bitcast3A_686 = vector.bitcast %get3A_685 : vector<16xi32> to vector<32xbf16>
            %mul3A_687 = arith.mulf %bitcast3A_686, %bitcast3A_664 : vector<32xbf16>
            %unpack3A_688 = tpu.unpack_subelements %mul3A_687, 0 {pack_format = #tpu.pack_format<interleaved>} : vector<32xbf16> -> vector<16xf32>
            %unpack3A_689 = tpu.unpack_subelements %mul3A_687, 1 {pack_format = #tpu.pack_format<interleaved>} : vector<32xbf16> -> vector<16xf32>
            %add3A_690 = arith.addf %add3A_614, %unpack3A_688 : vector<16xf32>
            %add3A_691 = arith.addf %add3A_615, %unpack3A_689 : vector<16xf32>
            %get3A_692 = arith.index_cast %add3A_179 : i32 to index
            %get3A_693 = arith.constant 96 : index
            %get3A_694 = tpu.vector_load %arg9[%get3A_692, %get3A_693] {strides = array<i32>} : memref<64x128xi32, #tpu.memory_space<vmem>>, vector<16xi32>,
            %bitcast3A_695 = vector.bitcast %get3A_694 : vector<16xi32> to vector<32xbf16>
            %mul3A_696 = arith.mulf %bitcast3A_695, %bitcast3A_664 : vector<32xbf16>
            %unpack3A_697 = tpu.unpack_subelements %mul3A_696, 0 {pack_format = #tpu.pack_format<interleaved>} : vector<32xbf16> -> vector<16xf32>
            %unpack3A_698 = tpu.unpack_subelements %mul3A_696, 1 {pack_format = #tpu.pack_format<interleaved>} : vector<32xbf16> -> vector<16xf32>
            %add3A_699 = arith.addf %add3A_623, %unpack3A_697 : vector<16xf32>
            %add3A_700 = arith.addf %add3A_624, %unpack3A_698 : vector<16xf32>
            %get3A_701 = arith.index_cast %add3A_186 : i32 to index
            %get3A_702 = arith.constant 96 : index
            %get3A_703 = tpu.vector_load %arg9[%get3A_701, %get3A_702] {strides = array<i32>} : memref<64x128xi32, #tpu.memory_space<vmem>>, vector<16xi32>,
            %bitcast3A_704 = vector.bitcast %get3A_703 : vector<16xi32> to vector<32xbf16>
            %mul3A_705 = arith.mulf %bitcast3A_704, %bitcast3A_664 : vector<32xbf16>
            %unpack3A_706 = tpu.unpack_subelements %mul3A_705, 0 {pack_format = #tpu.pack_format<interleaved>} : vector<32xbf16> -> vector<16xf32>
            %unpack3A_707 = tpu.unpack_subelements %mul3A_705, 1 {pack_format = #tpu.pack_format<interleaved>} : vector<32xbf16> -> vector<16xf32>
            %add3A_708 = arith.addf %add3A_632, %unpack3A_706 : vector<16xf32>
            %add3A_709 = arith.addf %add3A_633, %unpack3A_707 : vector<16xf32>
            %get3A_710 = arith.index_cast %add3A_193 : i32 to index
            %get3A_711 = arith.constant 96 : index
            %get3A_712 = tpu.vector_load %arg9[%get3A_710, %get3A_711] {strides = array<i32>} : memref<64x128xi32, #tpu.memory_space<vmem>>, vector<16xi32>,
            %bitcast3A_713 = vector.bitcast %get3A_712 : vector<16xi32> to vector<32xbf16>
            %mul3A_714 = arith.mulf %bitcast3A_713, %bitcast3A_664 : vector<32xbf16>
            %unpack3A_715 = tpu.unpack_subelements %mul3A_714, 0 {pack_format = #tpu.pack_format<interleaved>} : vector<32xbf16> -> vector<16xf32>
            %unpack3A_716 = tpu.unpack_subelements %mul3A_714, 1 {pack_format = #tpu.pack_format<interleaved>} : vector<32xbf16> -> vector<16xf32>
            %add3A_717 = arith.addf %add3A_641, %unpack3A_715 : vector<16xf32>
            %add3A_718 = arith.addf %add3A_642, %unpack3A_716 : vector<16xf32>
            %get3A_719 = arith.index_cast %add3A_200 : i32 to index
            %get3A_720 = arith.constant 96 : index
            %get3A_721 = tpu.vector_load %arg9[%get3A_719, %get3A_720] {strides = array<i32>} : memref<64x128xi32, #tpu.memory_space<vmem>>, vector<16xi32>,
            %bitcast3A_722 = vector.bitcast %get3A_721 : vector<16xi32> to vector<32xbf16>
            %mul3A_723 = arith.mulf %bitcast3A_722, %bitcast3A_664 : vector<32xbf16>
            %unpack3A_724 = tpu.unpack_subelements %mul3A_723, 0 {pack_format = #tpu.pack_format<interleaved>} : vector<32xbf16> -> vector<16xf32>
            %unpack3A_725 = tpu.unpack_subelements %mul3A_723, 1 {pack_format = #tpu.pack_format<interleaved>} : vector<32xbf16> -> vector<16xf32>
            %add3A_726 = arith.addf %add3A_650, %unpack3A_724 : vector<16xf32>
            %add3A_727 = arith.addf %add3A_651, %unpack3A_725 : vector<16xf32>
            %get3A_728 = arith.index_cast %add3A_207 : i32 to index
            %get3A_729 = arith.constant 96 : index
            %get3A_730 = tpu.vector_load %arg9[%get3A_728, %get3A_729] {strides = array<i32>} : memref<64x128xi32, #tpu.memory_space<vmem>>, vector<16xi32>,
            %bitcast3A_731 = vector.bitcast %get3A_730 : vector<16xi32> to vector<32xbf16>
            %mul3A_732 = arith.mulf %bitcast3A_731, %bitcast3A_664 : vector<32xbf16>
            %unpack3A_733 = tpu.unpack_subelements %mul3A_732, 0 {pack_format = #tpu.pack_format<interleaved>} : vector<32xbf16> -> vector<16xf32>
            %unpack3A_734 = tpu.unpack_subelements %mul3A_732, 1 {pack_format = #tpu.pack_format<interleaved>} : vector<32xbf16> -> vector<16xf32>
            %add3A_735 = arith.addf %add3A_659, %unpack3A_733 : vector<16xf32>
            %add3A_736 = arith.addf %add3A_660, %unpack3A_734 : vector<16xf32>
            %get3A_737 = arith.index_cast %add3A_92 : i32 to index
            %get3A_738 = arith.constant 112 : index
            %get3A_739 = tpu.vector_load %arg5[%get3A_737, %get3A_738] {strides = array<i32>} : memref<32x128xi32, #tpu.memory_space<vmem>>, vector<16xi32>,
            %bitcast3A_740 = vector.bitcast %get3A_739 : vector<16xi32> to vector<32xbf16>
            %get3A_741 = arith.index_cast %add3A_158 : i32 to index
            %get3A_742 = arith.constant 112 : index
            %get3A_743 = tpu.vector_load %arg9[%get3A_741, %get3A_742] {strides = array<i32>} : memref<64x128xi32, #tpu.memory_space<vmem>>, vector<16xi32>,
            %bitcast3A_744 = vector.bitcast %get3A_743 : vector<16xi32> to vector<32xbf16>
            %mul3A_745 = arith.mulf %bitcast3A_744, %bitcast3A_740 : vector<32xbf16>
            %unpack3A_746 = tpu.unpack_subelements %mul3A_745, 0 {pack_format = #tpu.pack_format<interleaved>} : vector<32xbf16> -> vector<16xf32>
            %unpack3A_747 = tpu.unpack_subelements %mul3A_745, 1 {pack_format = #tpu.pack_format<interleaved>} : vector<32xbf16> -> vector<16xf32>
            %add3A_748 = arith.addf %add3A_672, %unpack3A_746 : vector<16xf32>
            %add3A_749 = arith.addf %add3A_673, %unpack3A_747 : vector<16xf32>
            %get3A_750 = arith.index_cast %add3A_165 : i32 to index
            %get3A_751 = arith.constant 112 : index
            %get3A_752 = tpu.vector_load %arg9[%get3A_750, %get3A_751] {strides = array<i32>} : memref<64x128xi32, #tpu.memory_space<vmem>>, vector<16xi32>,
            %bitcast3A_753 = vector.bitcast %get3A_752 : vector<16xi32> to vector<32xbf16>
            %mul3A_754 = arith.mulf %bitcast3A_753, %bitcast3A_740 : vector<32xbf16>
            %unpack3A_755 = tpu.unpack_subelements %mul3A_754, 0 {pack_format = #tpu.pack_format<interleaved>} : vector<32xbf16> -> vector<16xf32>
            %unpack3A_756 = tpu.unpack_subelements %mul3A_754, 1 {pack_format = #tpu.pack_format<interleaved>} : vector<32xbf16> -> vector<16xf32>
            %add3A_757 = arith.addf %add3A_681, %unpack3A_755 : vector<16xf32>
            %add3A_758 = arith.addf %add3A_682, %unpack3A_756 : vector<16xf32>
            %get3A_759 = arith.index_cast %add3A_172 : i32 to index
            %get3A_760 = arith.constant 112 : index
            %get3A_761 = tpu.vector_load %arg9[%get3A_759, %get3A_760] {strides = array<i32>} : memref<64x128xi32, #tpu.memory_space<vmem>>, vector<16xi32>,
            %bitcast3A_762 = vector.bitcast %get3A_761 : vector<16xi32> to vector<32xbf16>
            %mul3A_763 = arith.mulf %bitcast3A_762, %bitcast3A_740 : vector<32xbf16>
            %unpack3A_764 = tpu.unpack_subelements %mul3A_763, 0 {pack_format = #tpu.pack_format<interleaved>} : vector<32xbf16> -> vector<16xf32>
            %unpack3A_765 = tpu.unpack_subelements %mul3A_763, 1 {pack_format = #tpu.pack_format<interleaved>} : vector<32xbf16> -> vector<16xf32>
            %add3A_766 = arith.addf %add3A_690, %unpack3A_764 : vector<16xf32>
            %add3A_767 = arith.addf %add3A_691, %unpack3A_765 : vector<16xf32>
            %get3A_768 = arith.index_cast %add3A_179 : i32 to index
            %get3A_769 = arith.constant 112 : index
            %get3A_770 = tpu.vector_load %arg9[%get3A_768, %get3A_769] {strides = array<i32>} : memref<64x128xi32, #tpu.memory_space<vmem>>, vector<16xi32>,
            %bitcast3A_771 = vector.bitcast %get3A_770 : vector<16xi32> to vector<32xbf16>
            %mul3A_772 = arith.mulf %bitcast3A_771, %bitcast3A_740 : vector<32xbf16>
            %unpack3A_773 = tpu.unpack_subelements %mul3A_772, 0 {pack_format = #tpu.pack_format<interleaved>} : vector<32xbf16> -> vector<16xf32>
            %unpack3A_774 = tpu.unpack_subelements %mul3A_772, 1 {pack_format = #tpu.pack_format<interleaved>} : vector<32xbf16> -> vector<16xf32>
            %add3A_775 = arith.addf %add3A_699, %unpack3A_773 : vector<16xf32>
            %add3A_776 = arith.addf %add3A_700, %unpack3A_774 : vector<16xf32>
            %get3A_777 = arith.index_cast %add3A_186 : i32 to index
            %get3A_778 = arith.constant 112 : index
            %get3A_779 = tpu.vector_load %arg9[%get3A_777, %get3A_778] {strides = array<i32>} : memref<64x128xi32, #tpu.memory_space<vmem>>, vector<16xi32>,
            %bitcast3A_780 = vector.bitcast %get3A_779 : vector<16xi32> to vector<32xbf16>
            %mul3A_781 = arith.mulf %bitcast3A_780, %bitcast3A_740 : vector<32xbf16>
            %unpack3A_782 = tpu.unpack_subelements %mul3A_781, 0 {pack_format = #tpu.pack_format<interleaved>} : vector<32xbf16> -> vector<16xf32>
            %unpack3A_783 = tpu.unpack_subelements %mul3A_781, 1 {pack_format = #tpu.pack_format<interleaved>} : vector<32xbf16> -> vector<16xf32>
            %add3A_784 = arith.addf %add3A_708, %unpack3A_782 : vector<16xf32>
            %add3A_785 = arith.addf %add3A_709, %unpack3A_783 : vector<16xf32>
            %get3A_786 = arith.index_cast %add3A_193 : i32 to index
            %get3A_787 = arith.constant 112 : index
            %get3A_788 = tpu.vector_load %arg9[%get3A_786, %get3A_787] {strides = array<i32>} : memref<64x128xi32, #tpu.memory_space<vmem>>, vector<16xi32>,
            %bitcast3A_789 = vector.bitcast %get3A_788 : vector<16xi32> to vector<32xbf16>
            %mul3A_790 = arith.mulf %bitcast3A_789, %bitcast3A_740 : vector<32xbf16>
            %unpack3A_791 = tpu.unpack_subelements %mul3A_790, 0 {pack_format = #tpu.pack_format<interleaved>} : vector<32xbf16> -> vector<16xf32>
            %unpack3A_792 = tpu.unpack_subelements %mul3A_790, 1 {pack_format = #tpu.pack_format<interleaved>} : vector<32xbf16> -> vector<16xf32>
            %add3A_793 = arith.addf %add3A_717, %unpack3A_791 : vector<16xf32>
            %add3A_794 = arith.addf %add3A_718, %unpack3A_792 : vector<16xf32>
            %get3A_795 = arith.index_cast %add3A_200 : i32 to index
            %get3A_796 = arith.constant 112 : index
            %get3A_797 = tpu.vector_load %arg9[%get3A_795, %get3A_796] {strides = array<i32>} : memref<64x128xi32, #tpu.memory_space<vmem>>, vector<16xi32>,
            %bitcast3A_798 = vector.bitcast %get3A_797 : vector<16xi32> to vector<32xbf16>
            %mul3A_799 = arith.mulf %bitcast3A_798, %bitcast3A_740 : vector<32xbf16>
            %unpack3A_800 = tpu.unpack_subelements %mul3A_799, 0 {pack_format = #tpu.pack_format<interleaved>} : vector<32xbf16> -> vector<16xf32>
            %unpack3A_801 = tpu.unpack_subelements %mul3A_799, 1 {pack_format = #tpu.pack_format<interleaved>} : vector<32xbf16> -> vector<16xf32>
            %add3A_802 = arith.addf %add3A_726, %unpack3A_800 : vector<16xf32>
            %add3A_803 = arith.addf %add3A_727, %unpack3A_801 : vector<16xf32>
            %get3A_804 = arith.index_cast %add3A_207 : i32 to index
            %get3A_805 = arith.constant 112 : index
            %get3A_806 = tpu.vector_load %arg9[%get3A_804, %get3A_805] {strides = array<i32>} : memref<64x128xi32, #tpu.memory_space<vmem>>, vector<16xi32>,
            %bitcast3A_807 = vector.bitcast %get3A_806 : vector<16xi32> to vector<32xbf16>
            %mul3A_808 = arith.mulf %bitcast3A_807, %bitcast3A_740 : vector<32xbf16>
            %unpack3A_809 = tpu.unpack_subelements %mul3A_808, 0 {pack_format = #tpu.pack_format<interleaved>} : vector<32xbf16> -> vector<16xf32>
            %unpack3A_810 = tpu.unpack_subelements %mul3A_808, 1 {pack_format = #tpu.pack_format<interleaved>} : vector<32xbf16> -> vector<16xf32>
            %add3A_811 = arith.addf %add3A_735, %unpack3A_809 : vector<16xf32>
            %add3A_812 = arith.addf %add3A_736, %unpack3A_810 : vector<16xf32>
            %mul3A_813 = arith.constant 8 : i32
            %mul3A_814 = arith.muli %scan3A_150, %mul3A_813 : i32
            %add3A_815 = arith.constant 0 : i32
            %add3A_816 = arith.addi %mul3A_814, %add3A_815 : i32
            %eq3A = vector.broadcast %add3A_816 : i32 to vector<16xi32>
            %eq3A_817 = arith.cmpi eq, %iota3A, %eq3A : vector<16xi32>
            %add3A_818 = arith.addf %add3A_748, %add3A_749 : vector<16xf32>
            %reduce_sum3A = arith.constant true
            %reduce_sum3A_819 = vector.broadcast %reduce_sum3A : i1 to vector<16xi1>
            %reduce_sum3A_820 = tpu.scan <sum>, %add3A_818 masked %reduce_sum3A_819 : vector<16xf32>, vector<16xi1> -> vector<16xf32>
            %reduce_sum3A_821 = vector.extract %reduce_sum3A_820[15] : f32 from vector<16xf32>
            %broadcast_in_dim3A_822 = vector.broadcast %reduce_sum3A_821 : f32 to vector<16xf32>
            %select_n3A = arith.select %eq3A_817, %broadcast_in_dim3A_822, %scan3A_151 : vector<16xi1>, vector<16xf32>
            %mul3A_823 = arith.constant 8 : i32
            %mul3A_824 = arith.muli %scan3A_150, %mul3A_823 : i32
            %add3A_825 = arith.constant 1 : i32
            %add3A_826 = arith.addi %mul3A_824, %add3A_825 : i32
            %eq3A_827 = vector.broadcast %add3A_826 : i32 to vector<16xi32>
            %eq3A_828 = arith.cmpi eq, %iota3A, %eq3A_827 : vector<16xi32>
            %add3A_829 = arith.addf %add3A_757, %add3A_758 : vector<16xf32>
            %reduce_sum3A_830 = arith.constant true
            %reduce_sum3A_831 = vector.broadcast %reduce_sum3A_830 : i1 to vector<16xi1>
            %reduce_sum3A_832 = tpu.scan <sum>, %add3A_829 masked %reduce_sum3A_831 : vector<16xf32>, vector<16xi1> -> vector<16xf32>
            %reduce_sum3A_833 = vector.extract %reduce_sum3A_832[15] : f32 from vector<16xf32>
            %broadcast_in_dim3A_834 = vector.broadcast %reduce_sum3A_833 : f32 to vector<16xf32>
            %select_n3A_835 = arith.select %eq3A_828, %broadcast_in_dim3A_834, %select_n3A : vector<16xi1>, vector<16xf32>
            %mul3A_836 = arith.constant 8 : i32
            %mul3A_837 = arith.muli %scan3A_150, %mul3A_836 : i32
            %add3A_838 = arith.constant 2 : i32
            %add3A_839 = arith.addi %mul3A_837, %add3A_838 : i32
            %eq3A_840 = vector.broadcast %add3A_839 : i32 to vector<16xi32>
            %eq3A_841 = arith.cmpi eq, %iota3A, %eq3A_840 : vector<16xi32>
            %add3A_842 = arith.addf %add3A_766, %add3A_767 : vector<16xf32>
            %reduce_sum3A_843 = arith.constant true
            %reduce_sum3A_844 = vector.broadcast %reduce_sum3A_843 : i1 to vector<16xi1>
            %reduce_sum3A_845 = tpu.scan <sum>, %add3A_842 masked %reduce_sum3A_844 : vector<16xf32>, vector<16xi1> -> vector<16xf32>
            %reduce_sum3A_846 = vector.extract %reduce_sum3A_845[15] : f32 from vector<16xf32>
            %broadcast_in_dim3A_847 = vector.broadcast %reduce_sum3A_846 : f32 to vector<16xf32>
            %select_n3A_848 = arith.select %eq3A_841, %broadcast_in_dim3A_847, %select_n3A_835 : vector<16xi1>, vector<16xf32>
            %mul3A_849 = arith.constant 8 : i32
            %mul3A_850 = arith.muli %scan3A_150, %mul3A_849 : i32
            %add3A_851 = arith.constant 3 : i32
            %add3A_852 = arith.addi %mul3A_850, %add3A_851 : i32
            %eq3A_853 = vector.broadcast %add3A_852 : i32 to vector<16xi32>
            %eq3A_854 = arith.cmpi eq, %iota3A, %eq3A_853 : vector<16xi32>
            %add3A_855 = arith.addf %add3A_775, %add3A_776 : vector<16xf32>
            %reduce_sum3A_856 = arith.constant true
            %reduce_sum3A_857 = vector.broadcast %reduce_sum3A_856 : i1 to vector<16xi1>
            %reduce_sum3A_858 = tpu.scan <sum>, %add3A_855 masked %reduce_sum3A_857 : vector<16xf32>, vector<16xi1> -> vector<16xf32>
            %reduce_sum3A_859 = vector.extract %reduce_sum3A_858[15] : f32 from vector<16xf32>
            %broadcast_in_dim3A_860 = vector.broadcast %reduce_sum3A_859 : f32 to vector<16xf32>
            %select_n3A_861 = arith.select %eq3A_854, %broadcast_in_dim3A_860, %select_n3A_848 : vector<16xi1>, vector<16xf32>
            %mul3A_862 = arith.constant 8 : i32
            %mul3A_863 = arith.muli %scan3A_150, %mul3A_862 : i32
            %add3A_864 = arith.constant 4 : i32
            %add3A_865 = arith.addi %mul3A_863, %add3A_864 : i32
            %eq3A_866 = vector.broadcast %add3A_865 : i32 to vector<16xi32>
            %eq3A_867 = arith.cmpi eq, %iota3A, %eq3A_866 : vector<16xi32>
            %add3A_868 = arith.addf %add3A_784, %add3A_785 : vector<16xf32>
            %reduce_sum3A_869 = arith.constant true
            %reduce_sum3A_870 = vector.broadcast %reduce_sum3A_869 : i1 to vector<16xi1>
            %reduce_sum3A_871 = tpu.scan <sum>, %add3A_868 masked %reduce_sum3A_870 : vector<16xf32>, vector<16xi1> -> vector<16xf32>
            %reduce_sum3A_872 = vector.extract %reduce_sum3A_871[15] : f32 from vector<16xf32>
            %broadcast_in_dim3A_873 = vector.broadcast %reduce_sum3A_872 : f32 to vector<16xf32>
            %select_n3A_874 = arith.select %eq3A_867, %broadcast_in_dim3A_873, %select_n3A_861 : vector<16xi1>, vector<16xf32>
            %mul3A_875 = arith.constant 8 : i32
            %mul3A_876 = arith.muli %scan3A_150, %mul3A_875 : i32
            %add3A_877 = arith.constant 5 : i32
            %add3A_878 = arith.addi %mul3A_876, %add3A_877 : i32
            %eq3A_879 = vector.broadcast %add3A_878 : i32 to vector<16xi32>
            %eq3A_880 = arith.cmpi eq, %iota3A, %eq3A_879 : vector<16xi32>
            %add3A_881 = arith.addf %add3A_793, %add3A_794 : vector<16xf32>
            %reduce_sum3A_882 = arith.constant true
            %reduce_sum3A_883 = vector.broadcast %reduce_sum3A_882 : i1 to vector<16xi1>
            %reduce_sum3A_884 = tpu.scan <sum>, %add3A_881 masked %reduce_sum3A_883 : vector<16xf32>, vector<16xi1> -> vector<16xf32>
            %reduce_sum3A_885 = vector.extract %reduce_sum3A_884[15] : f32 from vector<16xf32>
            %broadcast_in_dim3A_886 = vector.broadcast %reduce_sum3A_885 : f32 to vector<16xf32>
            %select_n3A_887 = arith.select %eq3A_880, %broadcast_in_dim3A_886, %select_n3A_874 : vector<16xi1>, vector<16xf32>
            %mul3A_888 = arith.constant 8 : i32
            %mul3A_889 = arith.muli %scan3A_150, %mul3A_888 : i32
            %add3A_890 = arith.constant 6 : i32
            %add3A_891 = arith.addi %mul3A_889, %add3A_890 : i32
            %eq3A_892 = vector.broadcast %add3A_891 : i32 to vector<16xi32>
            %eq3A_893 = arith.cmpi eq, %iota3A, %eq3A_892 : vector<16xi32>
            %add3A_894 = arith.addf %add3A_802, %add3A_803 : vector<16xf32>
            %reduce_sum3A_895 = arith.constant true
            %reduce_sum3A_896 = vector.broadcast %reduce_sum3A_895 : i1 to vector<16xi1>
            %reduce_sum3A_897 = tpu.scan <sum>, %add3A_894 masked %reduce_sum3A_896 : vector<16xf32>, vector<16xi1> -> vector<16xf32>
            %reduce_sum3A_898 = vector.extract %reduce_sum3A_897[15] : f32 from vector<16xf32>
            %broadcast_in_dim3A_899 = vector.broadcast %reduce_sum3A_898 : f32 to vector<16xf32>
            %select_n3A_900 = arith.select %eq3A_893, %broadcast_in_dim3A_899, %select_n3A_887 : vector<16xi1>, vector<16xf32>
            %mul3A_901 = arith.constant 8 : i32
            %mul3A_902 = arith.muli %scan3A_150, %mul3A_901 : i32
            %add3A_903 = arith.constant 7 : i32
            %add3A_904 = arith.addi %mul3A_902, %add3A_903 : i32
            %eq3A_905 = vector.broadcast %add3A_904 : i32 to vector<16xi32>
            %eq3A_906 = arith.cmpi eq, %iota3A, %eq3A_905 : vector<16xi32>
            %add3A_907 = arith.addf %add3A_811, %add3A_812 : vector<16xf32>
            %reduce_sum3A_908 = arith.constant true
            %reduce_sum3A_909 = vector.broadcast %reduce_sum3A_908 : i1 to vector<16xi1>
            %reduce_sum3A_910 = tpu.scan <sum>, %add3A_907 masked %reduce_sum3A_909 : vector<16xf32>, vector<16xi1> -> vector<16xf32>
            %reduce_sum3A_911 = vector.extract %reduce_sum3A_910[15] : f32 from vector<16xf32>
            %broadcast_in_dim3A_912 = vector.broadcast %reduce_sum3A_911 : f32 to vector<16xf32>
            %select_n3A_913 = arith.select %eq3A_906, %broadcast_in_dim3A_912, %select_n3A_900 : vector<16xi1>, vector<16xf32>
            scf.yield %select_n3A_913 : vector<16xf32>
          }
          %scan3A_145 = arith.constant 2 : i32
          %mul3A_146 = arith.constant 16 : i32
          %mul3A_147 = arith.muli %scan3A_139, %mul3A_146 : i32
          %swap3A = arith.index_cast %add3A_92 : i32 to index
          %swap3A_148 = arith.index_cast %mul3A_147 : i32 to index
          %swap3A_149 = tpu.vector_load %arg11[%swap3A, %swap3A_148] {strides = array<i32>} : memref<32x64xf32, #tpu.memory_space<vmem>>, vector<16xf32>,
          tpu.vector_store %arg11[%swap3A, %swap3A_148], %scan3A_144 {strides = array<i32>} : memref<32x64xf32, #tpu.memory_space<vmem>>, vector<16xf32>,
        }
        %scan3A_106 = arith.constant 4 : i32
        %add3A_107 = arith.constant 4 : i32
        %add3A_108 = arith.addi %add3A_92, %add3A_107 : i32
        %lt3A_109 = arith.constant 32 : i32
        %lt3A_110 = arith.cmpi slt, %add3A_108, %lt3A_109 : i32
        %convert_element_type3A_111 = arith.extui %lt3A_110 : i1 to i32
        %cond3A_112 = arith.constant 0 : i32
        %cond3A_113 = arith.cmpi ne, %convert_element_type3A_111, %cond3A_112 : i32
        scf.if %cond3A_113 {
          %add3A_139 = arith.constant 4 : i32
          %add3A_140 = arith.addi %add3A_92, %add3A_139 : i32
          %mul3A_141 = arith.constant 64 : i32
          %mul3A_142 = arith.muli %add3A_140, %mul3A_141 : i32
          %dma_start3A_143 = tpu.memref_slice %arg6[%mul3A_142] : memref<2048xi32, #tpu.memory_space<vmem>> -> memref<64xi32, #tpu.memory_space<vmem>>
          %dma_start3A_144 = arith.constant 0 : i32
          %dma_start3A_145 = arith.constant 0 : i32
          %dma_start3A_146 = tpu.memref_slice %arg12[%dma_start3A_144, %dma_start3A_145] : memref<10240x128xi32, #tpu.memory_space<vmem_shared>> -> memref<10240x128xi32, #tpu.memory_space<vmem_shared>>
          tpu.enqueue_indirect_dma source(%dma_start3A_146 : memref<10240x128xi32, #tpu.memory_space<vmem_shared>>) target(%arg9 : memref<64x128xi32, #tpu.memory_space<vmem>>) offsets(%dma_start3A_143 : memref<64xi32, #tpu.memory_space<vmem>>) semaphore(%arg15 : memref<!tpu.dma_semaphore, #tpu.memory_space<semaphore_mem>>)
        } else {
        }
        %mul3A_114 = arith.constant 4 : i32
        %mul3A_115 = arith.muli %scan3A_43, %mul3A_114 : i32
        %add3A_116 = arith.constant 3 : i32
        %add3A_117 = arith.addi %mul3A_115, %add3A_116 : i32
        %mul3A_118 = arith.constant 64 : i32
        %mul3A_119 = arith.muli %add3A_117, %mul3A_118 : i32
        %dma_wait3A_120 = tpu.memref_slice %arg6[%mul3A_119] : memref<2048xi32, #tpu.memory_space<vmem>> -> memref<64xi32, #tpu.memory_space<vmem>>
        %dma_wait3A_121 = arith.constant 0 : i32
        %dma_wait3A_122 = arith.constant 0 : i32
        %dma_wait3A_123 = tpu.memref_slice %arg12[%dma_wait3A_121, %dma_wait3A_122] : memref<10240x128xi32, #tpu.memory_space<vmem_shared>> -> memref<10240x128xi32, #tpu.memory_space<vmem_shared>>
        tpu.wait_indirect_dma semaphore(%arg16 : memref<!tpu.dma_semaphore, #tpu.memory_space<semaphore_mem>>) src(%dma_wait3A_123 : memref<10240x128xi32, #tpu.memory_space<vmem_shared>>) dst(%arg10 : memref<64x128xi32, #tpu.memory_space<vmem>>)
        %broadcast_in_dim3A_124 = arith.constant 0.000000e+00 : f32
        %broadcast_in_dim3A_125 = vector.broadcast %broadcast_in_dim3A_124 : f32 to vector<16xf32>
        %scan3A_126 = arith.constant 0 : i32
        %scan3A_127 = arith.constant 0 : i32
        %scan3A_128 = arith.constant 4 : i32
        %scan3A_129 = arith.addi %scan3A_127, %scan3A_128 : i32
        %scan3A_130 = arith.constant 1 : i32
        scf.for %scan3A_139 = %scan3A_127 to %scan3A_129 step %scan3A_130  : i32 {
          %scan3A_140 = arith.constant 0 : i32
          %scan3A_141 = arith.constant 2 : i32
          %scan3A_142 = arith.addi %scan3A_140, %scan3A_141 : i32
          %scan3A_143 = arith.constant 1 : i32
          %scan3A_144 = scf.for %scan3A_150 = %scan3A_140 to %scan3A_142 step %scan3A_143 iter_args(%scan3A_151 = %broadcast_in_dim3A_125) -> (vector<16xf32>)  : i32 {
            %mul3A_152 = arith.constant 16 : i32
            %mul3A_153 = arith.muli %scan3A_139, %mul3A_152 : i32
            %mul3A_154 = arith.constant 8 : i32
            %mul3A_155 = arith.muli %scan3A_150, %mul3A_154 : i32
            %add3A_156 = arith.addi %mul3A_153, %mul3A_155 : i32
            %add3A_157 = arith.constant 0 : i32
            %add3A_158 = arith.addi %add3A_156, %add3A_157 : i32
            %mul3A_159 = arith.constant 16 : i32
            %mul3A_160 = arith.muli %scan3A_139, %mul3A_159 : i32
            %mul3A_161 = arith.constant 8 : i32
            %mul3A_162 = arith.muli %scan3A_150, %mul3A_161 : i32
            %add3A_163 = arith.addi %mul3A_160, %mul3A_162 : i32
            %add3A_164 = arith.constant 1 : i32
            %add3A_165 = arith.addi %add3A_163, %add3A_164 : i32
            %mul3A_166 = arith.constant 16 : i32
            %mul3A_167 = arith.muli %scan3A_139, %mul3A_166 : i32
            %mul3A_168 = arith.constant 8 : i32
            %mul3A_169 = arith.muli %scan3A_150, %mul3A_168 : i32
            %add3A_170 = arith.addi %mul3A_167, %mul3A_169 : i32
            %add3A_171 = arith.constant 2 : i32
            %add3A_172 = arith.addi %add3A_170, %add3A_171 : i32
            %mul3A_173 = arith.constant 16 : i32
            %mul3A_174 = arith.muli %scan3A_139, %mul3A_173 : i32
            %mul3A_175 = arith.constant 8 : i32
            %mul3A_176 = arith.muli %scan3A_150, %mul3A_175 : i32
            %add3A_177 = arith.addi %mul3A_174, %mul3A_176 : i32
            %add3A_178 = arith.constant 3 : i32
            %add3A_179 = arith.addi %add3A_177, %add3A_178 : i32
            %mul3A_180 = arith.constant 16 : i32
            %mul3A_181 = arith.muli %scan3A_139, %mul3A_180 : i32
            %mul3A_182 = arith.constant 8 : i32
            %mul3A_183 = arith.muli %scan3A_150, %mul3A_182 : i32
            %add3A_184 = arith.addi %mul3A_181, %mul3A_183 : i32
            %add3A_185 = arith.constant 4 : i32
            %add3A_186 = arith.addi %add3A_184, %add3A_185 : i32
            %mul3A_187 = arith.constant 16 : i32
            %mul3A_188 = arith.muli %scan3A_139, %mul3A_187 : i32
            %mul3A_189 = arith.constant 8 : i32
            %mul3A_190 = arith.muli %scan3A_150, %mul3A_189 : i32
            %add3A_191 = arith.addi %mul3A_188, %mul3A_190 : i32
            %add3A_192 = arith.constant 5 : i32
            %add3A_193 = arith.addi %add3A_191, %add3A_192 : i32
            %mul3A_194 = arith.constant 16 : i32
            %mul3A_195 = arith.muli %scan3A_139, %mul3A_194 : i32
            %mul3A_196 = arith.constant 8 : i32
            %mul3A_197 = arith.muli %scan3A_150, %mul3A_196 : i32
            %add3A_198 = arith.addi %mul3A_195, %mul3A_197 : i32
            %add3A_199 = arith.constant 6 : i32
            %add3A_200 = arith.addi %add3A_198, %add3A_199 : i32
            %mul3A_201 = arith.constant 16 : i32
            %mul3A_202 = arith.muli %scan3A_139, %mul3A_201 : i32
            %mul3A_203 = arith.constant 8 : i32
            %mul3A_204 = arith.muli %scan3A_150, %mul3A_203 : i32
            %add3A_205 = arith.addi %mul3A_202, %mul3A_204 : i32
            %add3A_206 = arith.constant 7 : i32
            %add3A_207 = arith.addi %add3A_205, %add3A_206 : i32
            %get3A = arith.index_cast %add3A_117 : i32 to index
            %get3A_208 = arith.constant 0 : index
            %get3A_209 = tpu.vector_load %arg5[%get3A, %get3A_208] {strides = array<i32>} : memref<32x128xi32, #tpu.memory_space<vmem>>, vector<16xi32>,
            %bitcast3A = vector.bitcast %get3A_209 : vector<16xi32> to vector<32xbf16>
            %get3A_210 = arith.index_cast %add3A_158 : i32 to index
            %get3A_211 = arith.constant 0 : index
            %get3A_212 = tpu.vector_load %arg10[%get3A_210, %get3A_211] {strides = array<i32>} : memref<64x128xi32, #tpu.memory_space<vmem>>, vector<16xi32>,
            %bitcast3A_213 = vector.bitcast %get3A_212 : vector<16xi32> to vector<32xbf16>
            %mul3A_214 = arith.mulf %bitcast3A_213, %bitcast3A : vector<32xbf16>
            %unpack3A = tpu.unpack_subelements %mul3A_214, 0 {pack_format = #tpu.pack_format<interleaved>} : vector<32xbf16> -> vector<16xf32>
            %unpack3A_215 = tpu.unpack_subelements %mul3A_214, 1 {pack_format = #tpu.pack_format<interleaved>} : vector<32xbf16> -> vector<16xf32>
            %add3A_216 = arith.addf %broadcast_in_dim3A_125, %unpack3A : vector<16xf32>
            %add3A_217 = arith.addf %broadcast_in_dim3A_125, %unpack3A_215 : vector<16xf32>
            %get3A_218 = arith.index_cast %add3A_165 : i32 to index
            %get3A_219 = arith.constant 0 : index
            %get3A_220 = tpu.vector_load %arg10[%get3A_218, %get3A_219] {strides = array<i32>} : memref<64x128xi32, #tpu.memory_space<vmem>>, vector<16xi32>,
            %bitcast3A_221 = vector.bitcast %get3A_220 : vector<16xi32> to vector<32xbf16>
            %mul3A_222 = arith.mulf %bitcast3A_221, %bitcast3A : vector<32xbf16>
            %unpack3A_223 = tpu.unpack_subelements %mul3A_222, 0 {pack_format = #tpu.pack_format<interleaved>} : vector<32xbf16> -> vector<16xf32>
            %unpack3A_224 = tpu.unpack_subelements %mul3A_222, 1 {pack_format = #tpu.pack_format<interleaved>} : vector<32xbf16> -> vector<16xf32>
            %add3A_225 = arith.addf %broadcast_in_dim3A_125, %unpack3A_223 : vector<16xf32>
            %add3A_226 = arith.addf %broadcast_in_dim3A_125, %unpack3A_224 : vector<16xf32>
            %get3A_227 = arith.index_cast %add3A_172 : i32 to index
            %get3A_228 = arith.constant 0 : index
            %get3A_229 = tpu.vector_load %arg10[%get3A_227, %get3A_228] {strides = array<i32>} : memref<64x128xi32, #tpu.memory_space<vmem>>, vector<16xi32>,
            %bitcast3A_230 = vector.bitcast %get3A_229 : vector<16xi32> to vector<32xbf16>
            %mul3A_231 = arith.mulf %bitcast3A_230, %bitcast3A : vector<32xbf16>
            %unpack3A_232 = tpu.unpack_subelements %mul3A_231, 0 {pack_format = #tpu.pack_format<interleaved>} : vector<32xbf16> -> vector<16xf32>
            %unpack3A_233 = tpu.unpack_subelements %mul3A_231, 1 {pack_format = #tpu.pack_format<interleaved>} : vector<32xbf16> -> vector<16xf32>
            %add3A_234 = arith.addf %broadcast_in_dim3A_125, %unpack3A_232 : vector<16xf32>
            %add3A_235 = arith.addf %broadcast_in_dim3A_125, %unpack3A_233 : vector<16xf32>
            %get3A_236 = arith.index_cast %add3A_179 : i32 to index
            %get3A_237 = arith.constant 0 : index
            %get3A_238 = tpu.vector_load %arg10[%get3A_236, %get3A_237] {strides = array<i32>} : memref<64x128xi32, #tpu.memory_space<vmem>>, vector<16xi32>,
            %bitcast3A_239 = vector.bitcast %get3A_238 : vector<16xi32> to vector<32xbf16>
            %mul3A_240 = arith.mulf %bitcast3A_239, %bitcast3A : vector<32xbf16>
            %unpack3A_241 = tpu.unpack_subelements %mul3A_240, 0 {pack_format = #tpu.pack_format<interleaved>} : vector<32xbf16> -> vector<16xf32>
            %unpack3A_242 = tpu.unpack_subelements %mul3A_240, 1 {pack_format = #tpu.pack_format<interleaved>} : vector<32xbf16> -> vector<16xf32>
            %add3A_243 = arith.addf %broadcast_in_dim3A_125, %unpack3A_241 : vector<16xf32>
            %add3A_244 = arith.addf %broadcast_in_dim3A_125, %unpack3A_242 : vector<16xf32>
            %get3A_245 = arith.index_cast %add3A_186 : i32 to index
            %get3A_246 = arith.constant 0 : index
            %get3A_247 = tpu.vector_load %arg10[%get3A_245, %get3A_246] {strides = array<i32>} : memref<64x128xi32, #tpu.memory_space<vmem>>, vector<16xi32>,
            %bitcast3A_248 = vector.bitcast %get3A_247 : vector<16xi32> to vector<32xbf16>
            %mul3A_249 = arith.mulf %bitcast3A_248, %bitcast3A : vector<32xbf16>
            %unpack3A_250 = tpu.unpack_subelements %mul3A_249, 0 {pack_format = #tpu.pack_format<interleaved>} : vector<32xbf16> -> vector<16xf32>
            %unpack3A_251 = tpu.unpack_subelements %mul3A_249, 1 {pack_format = #tpu.pack_format<interleaved>} : vector<32xbf16> -> vector<16xf32>
            %add3A_252 = arith.addf %broadcast_in_dim3A_125, %unpack3A_250 : vector<16xf32>
            %add3A_253 = arith.addf %broadcast_in_dim3A_125, %unpack3A_251 : vector<16xf32>
            %get3A_254 = arith.index_cast %add3A_193 : i32 to index
            %get3A_255 = arith.constant 0 : index
            %get3A_256 = tpu.vector_load %arg10[%get3A_254, %get3A_255] {strides = array<i32>} : memref<64x128xi32, #tpu.memory_space<vmem>>, vector<16xi32>,
            %bitcast3A_257 = vector.bitcast %get3A_256 : vector<16xi32> to vector<32xbf16>
            %mul3A_258 = arith.mulf %bitcast3A_257, %bitcast3A : vector<32xbf16>
            %unpack3A_259 = tpu.unpack_subelements %mul3A_258, 0 {pack_format = #tpu.pack_format<interleaved>} : vector<32xbf16> -> vector<16xf32>
            %unpack3A_260 = tpu.unpack_subelements %mul3A_258, 1 {pack_format = #tpu.pack_format<interleaved>} : vector<32xbf16> -> vector<16xf32>
            %add3A_261 = arith.addf %broadcast_in_dim3A_125, %unpack3A_259 : vector<16xf32>
            %add3A_262 = arith.addf %broadcast_in_dim3A_125, %unpack3A_260 : vector<16xf32>
            %get3A_263 = arith.index_cast %add3A_200 : i32 to index
            %get3A_264 = arith.constant 0 : index
            %get3A_265 = tpu.vector_load %arg10[%get3A_263, %get3A_264] {strides = array<i32>} : memref<64x128xi32, #tpu.memory_space<vmem>>, vector<16xi32>,
            %bitcast3A_266 = vector.bitcast %get3A_265 : vector<16xi32> to vector<32xbf16>
            %mul3A_267 = arith.mulf %bitcast3A_266, %bitcast3A : vector<32xbf16>
            %unpack3A_268 = tpu.unpack_subelements %mul3A_267, 0 {pack_format = #tpu.pack_format<interleaved>} : vector<32xbf16> -> vector<16xf32>
            %unpack3A_269 = tpu.unpack_subelements %mul3A_267, 1 {pack_format = #tpu.pack_format<interleaved>} : vector<32xbf16> -> vector<16xf32>
            %add3A_270 = arith.addf %broadcast_in_dim3A_125, %unpack3A_268 : vector<16xf32>
            %add3A_271 = arith.addf %broadcast_in_dim3A_125, %unpack3A_269 : vector<16xf32>
            %get3A_272 = arith.index_cast %add3A_207 : i32 to index
            %get3A_273 = arith.constant 0 : index
            %get3A_274 = tpu.vector_load %arg10[%get3A_272, %get3A_273] {strides = array<i32>} : memref<64x128xi32, #tpu.memory_space<vmem>>, vector<16xi32>,
            %bitcast3A_275 = vector.bitcast %get3A_274 : vector<16xi32> to vector<32xbf16>
            %mul3A_276 = arith.mulf %bitcast3A_275, %bitcast3A : vector<32xbf16>
            %unpack3A_277 = tpu.unpack_subelements %mul3A_276, 0 {pack_format = #tpu.pack_format<interleaved>} : vector<32xbf16> -> vector<16xf32>
            %unpack3A_278 = tpu.unpack_subelements %mul3A_276, 1 {pack_format = #tpu.pack_format<interleaved>} : vector<32xbf16> -> vector<16xf32>
            %add3A_279 = arith.addf %broadcast_in_dim3A_125, %unpack3A_277 : vector<16xf32>
            %add3A_280 = arith.addf %broadcast_in_dim3A_125, %unpack3A_278 : vector<16xf32>
            %get3A_281 = arith.index_cast %add3A_117 : i32 to index
            %get3A_282 = arith.constant 16 : index
            %get3A_283 = tpu.vector_load %arg5[%get3A_281, %get3A_282] {strides = array<i32>} : memref<32x128xi32, #tpu.memory_space<vmem>>, vector<16xi32>,
            %bitcast3A_284 = vector.bitcast %get3A_283 : vector<16xi32> to vector<32xbf16>
            %get3A_285 = arith.index_cast %add3A_158 : i32 to index
            %get3A_286 = arith.constant 16 : index
            %get3A_287 = tpu.vector_load %arg10[%get3A_285, %get3A_286] {strides = array<i32>} : memref<64x128xi32, #tpu.memory_space<vmem>>, vector<16xi32>,
            %bitcast3A_288 = vector.bitcast %get3A_287 : vector<16xi32> to vector<32xbf16>
            %mul3A_289 = arith.mulf %bitcast3A_288, %bitcast3A_284 : vector<32xbf16>
            %unpack3A_290 = tpu.unpack_subelements %mul3A_289, 0 {pack_format = #tpu.pack_format<interleaved>} : vector<32xbf16> -> vector<16xf32>
            %unpack3A_291 = tpu.unpack_subelements %mul3A_289, 1 {pack_format = #tpu.pack_format<interleaved>} : vector<32xbf16> -> vector<16xf32>
            %add3A_292 = arith.addf %add3A_216, %unpack3A_290 : vector<16xf32>
            %add3A_293 = arith.addf %add3A_217, %unpack3A_291 : vector<16xf32>
            %get3A_294 = arith.index_cast %add3A_165 : i32 to index
            %get3A_295 = arith.constant 16 : index
            %get3A_296 = tpu.vector_load %arg10[%get3A_294, %get3A_295] {strides = array<i32>} : memref<64x128xi32, #tpu.memory_space<vmem>>, vector<16xi32>,
            %bitcast3A_297 = vector.bitcast %get3A_296 : vector<16xi32> to vector<32xbf16>
            %mul3A_298 = arith.mulf %bitcast3A_297, %bitcast3A_284 : vector<32xbf16>
            %unpack3A_299 = tpu.unpack_subelements %mul3A_298, 0 {pack_format = #tpu.pack_format<interleaved>} : vector<32xbf16> -> vector<16xf32>
            %unpack3A_300 = tpu.unpack_subelements %mul3A_298, 1 {pack_format = #tpu.pack_format<interleaved>} : vector<32xbf16> -> vector<16xf32>
            %add3A_301 = arith.addf %add3A_225, %unpack3A_299 : vector<16xf32>
            %add3A_302 = arith.addf %add3A_226, %unpack3A_300 : vector<16xf32>
            %get3A_303 = arith.index_cast %add3A_172 : i32 to index
            %get3A_304 = arith.constant 16 : index
            %get3A_305 = tpu.vector_load %arg10[%get3A_303, %get3A_304] {strides = array<i32>} : memref<64x128xi32, #tpu.memory_space<vmem>>, vector<16xi32>,
            %bitcast3A_306 = vector.bitcast %get3A_305 : vector<16xi32> to vector<32xbf16>
            %mul3A_307 = arith.mulf %bitcast3A_306, %bitcast3A_284 : vector<32xbf16>
            %unpack3A_308 = tpu.unpack_subelements %mul3A_307, 0 {pack_format = #tpu.pack_format<interleaved>} : vector<32xbf16> -> vector<16xf32>
            %unpack3A_309 = tpu.unpack_subelements %mul3A_307, 1 {pack_format = #tpu.pack_format<interleaved>} : vector<32xbf16> -> vector<16xf32>
            %add3A_310 = arith.addf %add3A_234, %unpack3A_308 : vector<16xf32>
            %add3A_311 = arith.addf %add3A_235, %unpack3A_309 : vector<16xf32>
            %get3A_312 = arith.index_cast %add3A_179 : i32 to index
            %get3A_313 = arith.constant 16 : index
            %get3A_314 = tpu.vector_load %arg10[%get3A_312, %get3A_313] {strides = array<i32>} : memref<64x128xi32, #tpu.memory_space<vmem>>, vector<16xi32>,
            %bitcast3A_315 = vector.bitcast %get3A_314 : vector<16xi32> to vector<32xbf16>
            %mul3A_316 = arith.mulf %bitcast3A_315, %bitcast3A_284 : vector<32xbf16>
            %unpack3A_317 = tpu.unpack_subelements %mul3A_316, 0 {pack_format = #tpu.pack_format<interleaved>} : vector<32xbf16> -> vector<16xf32>
            %unpack3A_318 = tpu.unpack_subelements %mul3A_316, 1 {pack_format = #tpu.pack_format<interleaved>} : vector<32xbf16> -> vector<16xf32>
            %add3A_319 = arith.addf %add3A_243, %unpack3A_317 : vector<16xf32>
            %add3A_320 = arith.addf %add3A_244, %unpack3A_318 : vector<16xf32>
            %get3A_321 = arith.index_cast %add3A_186 : i32 to index
            %get3A_322 = arith.constant 16 : index
            %get3A_323 = tpu.vector_load %arg10[%get3A_321, %get3A_322] {strides = array<i32>} : memref<64x128xi32, #tpu.memory_space<vmem>>, vector<16xi32>,
            %bitcast3A_324 = vector.bitcast %get3A_323 : vector<16xi32> to vector<32xbf16>
            %mul3A_325 = arith.mulf %bitcast3A_324, %bitcast3A_284 : vector<32xbf16>
            %unpack3A_326 = tpu.unpack_subelements %mul3A_325, 0 {pack_format = #tpu.pack_format<interleaved>} : vector<32xbf16> -> vector<16xf32>
            %unpack3A_327 = tpu.unpack_subelements %mul3A_325, 1 {pack_format = #tpu.pack_format<interleaved>} : vector<32xbf16> -> vector<16xf32>
            %add3A_328 = arith.addf %add3A_252, %unpack3A_326 : vector<16xf32>
            %add3A_329 = arith.addf %add3A_253, %unpack3A_327 : vector<16xf32>
            %get3A_330 = arith.index_cast %add3A_193 : i32 to index
            %get3A_331 = arith.constant 16 : index
            %get3A_332 = tpu.vector_load %arg10[%get3A_330, %get3A_331] {strides = array<i32>} : memref<64x128xi32, #tpu.memory_space<vmem>>, vector<16xi32>,
            %bitcast3A_333 = vector.bitcast %get3A_332 : vector<16xi32> to vector<32xbf16>
            %mul3A_334 = arith.mulf %bitcast3A_333, %bitcast3A_284 : vector<32xbf16>
            %unpack3A_335 = tpu.unpack_subelements %mul3A_334, 0 {pack_format = #tpu.pack_format<interleaved>} : vector<32xbf16> -> vector<16xf32>
            %unpack3A_336 = tpu.unpack_subelements %mul3A_334, 1 {pack_format = #tpu.pack_format<interleaved>} : vector<32xbf16> -> vector<16xf32>
            %add3A_337 = arith.addf %add3A_261, %unpack3A_335 : vector<16xf32>
            %add3A_338 = arith.addf %add3A_262, %unpack3A_336 : vector<16xf32>
            %get3A_339 = arith.index_cast %add3A_200 : i32 to index
            %get3A_340 = arith.constant 16 : index
            %get3A_341 = tpu.vector_load %arg10[%get3A_339, %get3A_340] {strides = array<i32>} : memref<64x128xi32, #tpu.memory_space<vmem>>, vector<16xi32>,
            %bitcast3A_342 = vector.bitcast %get3A_341 : vector<16xi32> to vector<32xbf16>
            %mul3A_343 = arith.mulf %bitcast3A_342, %bitcast3A_284 : vector<32xbf16>
            %unpack3A_344 = tpu.unpack_subelements %mul3A_343, 0 {pack_format = #tpu.pack_format<interleaved>} : vector<32xbf16> -> vector<16xf32>
            %unpack3A_345 = tpu.unpack_subelements %mul3A_343, 1 {pack_format = #tpu.pack_format<interleaved>} : vector<32xbf16> -> vector<16xf32>
            %add3A_346 = arith.addf %add3A_270, %unpack3A_344 : vector<16xf32>
            %add3A_347 = arith.addf %add3A_271, %unpack3A_345 : vector<16xf32>
            %get3A_348 = arith.index_cast %add3A_207 : i32 to index
            %get3A_349 = arith.constant 16 : index
            %get3A_350 = tpu.vector_load %arg10[%get3A_348, %get3A_349] {strides = array<i32>} : memref<64x128xi32, #tpu.memory_space<vmem>>, vector<16xi32>,
            %bitcast3A_351 = vector.bitcast %get3A_350 : vector<16xi32> to vector<32xbf16>
            %mul3A_352 = arith.mulf %bitcast3A_351, %bitcast3A_284 : vector<32xbf16>
            %unpack3A_353 = tpu.unpack_subelements %mul3A_352, 0 {pack_format = #tpu.pack_format<interleaved>} : vector<32xbf16> -> vector<16xf32>
            %unpack3A_354 = tpu.unpack_subelements %mul3A_352, 1 {pack_format = #tpu.pack_format<interleaved>} : vector<32xbf16> -> vector<16xf32>
            %add3A_355 = arith.addf %add3A_279, %unpack3A_353 : vector<16xf32>
            %add3A_356 = arith.addf %add3A_280, %unpack3A_354 : vector<16xf32>
            %get3A_357 = arith.index_cast %add3A_117 : i32 to index
            %get3A_358 = arith.constant 32 : index
            %get3A_359 = tpu.vector_load %arg5[%get3A_357, %get3A_358] {strides = array<i32>} : memref<32x128xi32, #tpu.memory_space<vmem>>, vector<16xi32>,
            %bitcast3A_360 = vector.bitcast %get3A_359 : vector<16xi32> to vector<32xbf16>
            %get3A_361 = arith.index_cast %add3A_158 : i32 to index
            %get3A_362 = arith.constant 32 : index
            %get3A_363 = tpu.vector_load %arg10[%get3A_361, %get3A_362] {strides = array<i32>} : memref<64x128xi32, #tpu.memory_space<vmem>>, vector<16xi32>,
            %bitcast3A_364 = vector.bitcast %get3A_363 : vector<16xi32> to vector<32xbf16>
            %mul3A_365 = arith.mulf %bitcast3A_364, %bitcast3A_360 : vector<32xbf16>
            %unpack3A_366 = tpu.unpack_subelements %mul3A_365, 0 {pack_format = #tpu.pack_format<interleaved>} : vector<32xbf16> -> vector<16xf32>
            %unpack3A_367 = tpu.unpack_subelements %mul3A_365, 1 {pack_format = #tpu.pack_format<interleaved>} : vector<32xbf16> -> vector<16xf32>
            %add3A_368 = arith.addf %add3A_292, %unpack3A_366 : vector<16xf32>
            %add3A_369 = arith.addf %add3A_293, %unpack3A_367 : vector<16xf32>
            %get3A_370 = arith.index_cast %add3A_165 : i32 to index
            %get3A_371 = arith.constant 32 : index
            %get3A_372 = tpu.vector_load %arg10[%get3A_370, %get3A_371] {strides = array<i32>} : memref<64x128xi32, #tpu.memory_space<vmem>>, vector<16xi32>,
            %bitcast3A_373 = vector.bitcast %get3A_372 : vector<16xi32> to vector<32xbf16>
            %mul3A_374 = arith.mulf %bitcast3A_373, %bitcast3A_360 : vector<32xbf16>
            %unpack3A_375 = tpu.unpack_subelements %mul3A_374, 0 {pack_format = #tpu.pack_format<interleaved>} : vector<32xbf16> -> vector<16xf32>
            %unpack3A_376 = tpu.unpack_subelements %mul3A_374, 1 {pack_format = #tpu.pack_format<interleaved>} : vector<32xbf16> -> vector<16xf32>
            %add3A_377 = arith.addf %add3A_301, %unpack3A_375 : vector<16xf32>
            %add3A_378 = arith.addf %add3A_302, %unpack3A_376 : vector<16xf32>
            %get3A_379 = arith.index_cast %add3A_172 : i32 to index
            %get3A_380 = arith.constant 32 : index
            %get3A_381 = tpu.vector_load %arg10[%get3A_379, %get3A_380] {strides = array<i32>} : memref<64x128xi32, #tpu.memory_space<vmem>>, vector<16xi32>,
            %bitcast3A_382 = vector.bitcast %get3A_381 : vector<16xi32> to vector<32xbf16>
            %mul3A_383 = arith.mulf %bitcast3A_382, %bitcast3A_360 : vector<32xbf16>
            %unpack3A_384 = tpu.unpack_subelements %mul3A_383, 0 {pack_format = #tpu.pack_format<interleaved>} : vector<32xbf16> -> vector<16xf32>
            %unpack3A_385 = tpu.unpack_subelements %mul3A_383, 1 {pack_format = #tpu.pack_format<interleaved>} : vector<32xbf16> -> vector<16xf32>
            %add3A_386 = arith.addf %add3A_310, %unpack3A_384 : vector<16xf32>
            %add3A_387 = arith.addf %add3A_311, %unpack3A_385 : vector<16xf32>
            %get3A_388 = arith.index_cast %add3A_179 : i32 to index
            %get3A_389 = arith.constant 32 : index
            %get3A_390 = tpu.vector_load %arg10[%get3A_388, %get3A_389] {strides = array<i32>} : memref<64x128xi32, #tpu.memory_space<vmem>>, vector<16xi32>,
            %bitcast3A_391 = vector.bitcast %get3A_390 : vector<16xi32> to vector<32xbf16>
            %mul3A_392 = arith.mulf %bitcast3A_391, %bitcast3A_360 : vector<32xbf16>
            %unpack3A_393 = tpu.unpack_subelements %mul3A_392, 0 {pack_format = #tpu.pack_format<interleaved>} : vector<32xbf16> -> vector<16xf32>
            %unpack3A_394 = tpu.unpack_subelements %mul3A_392, 1 {pack_format = #tpu.pack_format<interleaved>} : vector<32xbf16> -> vector<16xf32>
            %add3A_395 = arith.addf %add3A_319, %unpack3A_393 : vector<16xf32>
            %add3A_396 = arith.addf %add3A_320, %unpack3A_394 : vector<16xf32>
            %get3A_397 = arith.index_cast %add3A_186 : i32 to index
            %get3A_398 = arith.constant 32 : index
            %get3A_399 = tpu.vector_load %arg10[%get3A_397, %get3A_398] {strides = array<i32>} : memref<64x128xi32, #tpu.memory_space<vmem>>, vector<16xi32>,
            %bitcast3A_400 = vector.bitcast %get3A_399 : vector<16xi32> to vector<32xbf16>
            %mul3A_401 = arith.mulf %bitcast3A_400, %bitcast3A_360 : vector<32xbf16>
            %unpack3A_402 = tpu.unpack_subelements %mul3A_401, 0 {pack_format = #tpu.pack_format<interleaved>} : vector<32xbf16> -> vector<16xf32>
            %unpack3A_403 = tpu.unpack_subelements %mul3A_401, 1 {pack_format = #tpu.pack_format<interleaved>} : vector<32xbf16> -> vector<16xf32>
            %add3A_404 = arith.addf %add3A_328, %unpack3A_402 : vector<16xf32>
            %add3A_405 = arith.addf %add3A_329, %unpack3A_403 : vector<16xf32>
            %get3A_406 = arith.index_cast %add3A_193 : i32 to index
            %get3A_407 = arith.constant 32 : index
            %get3A_408 = tpu.vector_load %arg10[%get3A_406, %get3A_407] {strides = array<i32>} : memref<64x128xi32, #tpu.memory_space<vmem>>, vector<16xi32>,
            %bitcast3A_409 = vector.bitcast %get3A_408 : vector<16xi32> to vector<32xbf16>
            %mul3A_410 = arith.mulf %bitcast3A_409, %bitcast3A_360 : vector<32xbf16>
            %unpack3A_411 = tpu.unpack_subelements %mul3A_410, 0 {pack_format = #tpu.pack_format<interleaved>} : vector<32xbf16> -> vector<16xf32>
            %unpack3A_412 = tpu.unpack_subelements %mul3A_410, 1 {pack_format = #tpu.pack_format<interleaved>} : vector<32xbf16> -> vector<16xf32>
            %add3A_413 = arith.addf %add3A_337, %unpack3A_411 : vector<16xf32>
            %add3A_414 = arith.addf %add3A_338, %unpack3A_412 : vector<16xf32>
            %get3A_415 = arith.index_cast %add3A_200 : i32 to index
            %get3A_416 = arith.constant 32 : index
            %get3A_417 = tpu.vector_load %arg10[%get3A_415, %get3A_416] {strides = array<i32>} : memref<64x128xi32, #tpu.memory_space<vmem>>, vector<16xi32>,
            %bitcast3A_418 = vector.bitcast %get3A_417 : vector<16xi32> to vector<32xbf16>
            %mul3A_419 = arith.mulf %bitcast3A_418, %bitcast3A_360 : vector<32xbf16>
            %unpack3A_420 = tpu.unpack_subelements %mul3A_419, 0 {pack_format = #tpu.pack_format<interleaved>} : vector<32xbf16> -> vector<16xf32>
            %unpack3A_421 = tpu.unpack_subelements %mul3A_419, 1 {pack_format = #tpu.pack_format<interleaved>} : vector<32xbf16> -> vector<16xf32>
            %add3A_422 = arith.addf %add3A_346, %unpack3A_420 : vector<16xf32>
            %add3A_423 = arith.addf %add3A_347, %unpack3A_421 : vector<16xf32>
            %get3A_424 = arith.index_cast %add3A_207 : i32 to index
            %get3A_425 = arith.constant 32 : index
            %get3A_426 = tpu.vector_load %arg10[%get3A_424, %get3A_425] {strides = array<i32>} : memref<64x128xi32, #tpu.memory_space<vmem>>, vector<16xi32>,
            %bitcast3A_427 = vector.bitcast %get3A_426 : vector<16xi32> to vector<32xbf16>
            %mul3A_428 = arith.mulf %bitcast3A_427, %bitcast3A_360 : vector<32xbf16>
            %unpack3A_429 = tpu.unpack_subelements %mul3A_428, 0 {pack_format = #tpu.pack_format<interleaved>} : vector<32xbf16> -> vector<16xf32>
            %unpack3A_430 = tpu.unpack_subelements %mul3A_428, 1 {pack_format = #tpu.pack_format<interleaved>} : vector<32xbf16> -> vector<16xf32>
            %add3A_431 = arith.addf %add3A_355, %unpack3A_429 : vector<16xf32>
            %add3A_432 = arith.addf %add3A_356, %unpack3A_430 : vector<16xf32>
            %get3A_433 = arith.index_cast %add3A_117 : i32 to index
            %get3A_434 = arith.constant 48 : index
            %get3A_435 = tpu.vector_load %arg5[%get3A_433, %get3A_434] {strides = array<i32>} : memref<32x128xi32, #tpu.memory_space<vmem>>, vector<16xi32>,
            %bitcast3A_436 = vector.bitcast %get3A_435 : vector<16xi32> to vector<32xbf16>
            %get3A_437 = arith.index_cast %add3A_158 : i32 to index
            %get3A_438 = arith.constant 48 : index
            %get3A_439 = tpu.vector_load %arg10[%get3A_437, %get3A_438] {strides = array<i32>} : memref<64x128xi32, #tpu.memory_space<vmem>>, vector<16xi32>,
            %bitcast3A_440 = vector.bitcast %get3A_439 : vector<16xi32> to vector<32xbf16>
            %mul3A_441 = arith.mulf %bitcast3A_440, %bitcast3A_436 : vector<32xbf16>
            %unpack3A_442 = tpu.unpack_subelements %mul3A_441, 0 {pack_format = #tpu.pack_format<interleaved>} : vector<32xbf16> -> vector<16xf32>
            %unpack3A_443 = tpu.unpack_subelements %mul3A_441, 1 {pack_format = #tpu.pack_format<interleaved>} : vector<32xbf16> -> vector<16xf32>
            %add3A_444 = arith.addf %add3A_368, %unpack3A_442 : vector<16xf32>
            %add3A_445 = arith.addf %add3A_369, %unpack3A_443 : vector<16xf32>
            %get3A_446 = arith.index_cast %add3A_165 : i32 to index
            %get3A_447 = arith.constant 48 : index
            %get3A_448 = tpu.vector_load %arg10[%get3A_446, %get3A_447] {strides = array<i32>} : memref<64x128xi32, #tpu.memory_space<vmem>>, vector<16xi32>,
            %bitcast3A_449 = vector.bitcast %get3A_448 : vector<16xi32> to vector<32xbf16>
            %mul3A_450 = arith.mulf %bitcast3A_449, %bitcast3A_436 : vector<32xbf16>
            %unpack3A_451 = tpu.unpack_subelements %mul3A_450, 0 {pack_format = #tpu.pack_format<interleaved>} : vector<32xbf16> -> vector<16xf32>
            %unpack3A_452 = tpu.unpack_subelements %mul3A_450, 1 {pack_format = #tpu.pack_format<interleaved>} : vector<32xbf16> -> vector<16xf32>
            %add3A_453 = arith.addf %add3A_377, %unpack3A_451 : vector<16xf32>
            %add3A_454 = arith.addf %add3A_378, %unpack3A_452 : vector<16xf32>
            %get3A_455 = arith.index_cast %add3A_172 : i32 to index
            %get3A_456 = arith.constant 48 : index
            %get3A_457 = tpu.vector_load %arg10[%get3A_455, %get3A_456] {strides = array<i32>} : memref<64x128xi32, #tpu.memory_space<vmem>>, vector<16xi32>,
            %bitcast3A_458 = vector.bitcast %get3A_457 : vector<16xi32> to vector<32xbf16>
            %mul3A_459 = arith.mulf %bitcast3A_458, %bitcast3A_436 : vector<32xbf16>
            %unpack3A_460 = tpu.unpack_subelements %mul3A_459, 0 {pack_format = #tpu.pack_format<interleaved>} : vector<32xbf16> -> vector<16xf32>
            %unpack3A_461 = tpu.unpack_subelements %mul3A_459, 1 {pack_format = #tpu.pack_format<interleaved>} : vector<32xbf16> -> vector<16xf32>
            %add3A_462 = arith.addf %add3A_386, %unpack3A_460 : vector<16xf32>
            %add3A_463 = arith.addf %add3A_387, %unpack3A_461 : vector<16xf32>
            %get3A_464 = arith.index_cast %add3A_179 : i32 to index
            %get3A_465 = arith.constant 48 : index
            %get3A_466 = tpu.vector_load %arg10[%get3A_464, %get3A_465] {strides = array<i32>} : memref<64x128xi32, #tpu.memory_space<vmem>>, vector<16xi32>,
            %bitcast3A_467 = vector.bitcast %get3A_466 : vector<16xi32> to vector<32xbf16>
            %mul3A_468 = arith.mulf %bitcast3A_467, %bitcast3A_436 : vector<32xbf16>
            %unpack3A_469 = tpu.unpack_subelements %mul3A_468, 0 {pack_format = #tpu.pack_format<interleaved>} : vector<32xbf16> -> vector<16xf32>
            %unpack3A_470 = tpu.unpack_subelements %mul3A_468, 1 {pack_format = #tpu.pack_format<interleaved>} : vector<32xbf16> -> vector<16xf32>
            %add3A_471 = arith.addf %add3A_395, %unpack3A_469 : vector<16xf32>
            %add3A_472 = arith.addf %add3A_396, %unpack3A_470 : vector<16xf32>
            %get3A_473 = arith.index_cast %add3A_186 : i32 to index
            %get3A_474 = arith.constant 48 : index
            %get3A_475 = tpu.vector_load %arg10[%get3A_473, %get3A_474] {strides = array<i32>} : memref<64x128xi32, #tpu.memory_space<vmem>>, vector<16xi32>,
            %bitcast3A_476 = vector.bitcast %get3A_475 : vector<16xi32> to vector<32xbf16>
            %mul3A_477 = arith.mulf %bitcast3A_476, %bitcast3A_436 : vector<32xbf16>
            %unpack3A_478 = tpu.unpack_subelements %mul3A_477, 0 {pack_format = #tpu.pack_format<interleaved>} : vector<32xbf16> -> vector<16xf32>
            %unpack3A_479 = tpu.unpack_subelements %mul3A_477, 1 {pack_format = #tpu.pack_format<interleaved>} : vector<32xbf16> -> vector<16xf32>
            %add3A_480 = arith.addf %add3A_404, %unpack3A_478 : vector<16xf32>
            %add3A_481 = arith.addf %add3A_405, %unpack3A_479 : vector<16xf32>
            %get3A_482 = arith.index_cast %add3A_193 : i32 to index
            %get3A_483 = arith.constant 48 : index
            %get3A_484 = tpu.vector_load %arg10[%get3A_482, %get3A_483] {strides = array<i32>} : memref<64x128xi32, #tpu.memory_space<vmem>>, vector<16xi32>,
            %bitcast3A_485 = vector.bitcast %get3A_484 : vector<16xi32> to vector<32xbf16>
            %mul3A_486 = arith.mulf %bitcast3A_485, %bitcast3A_436 : vector<32xbf16>
            %unpack3A_487 = tpu.unpack_subelements %mul3A_486, 0 {pack_format = #tpu.pack_format<interleaved>} : vector<32xbf16> -> vector<16xf32>
            %unpack3A_488 = tpu.unpack_subelements %mul3A_486, 1 {pack_format = #tpu.pack_format<interleaved>} : vector<32xbf16> -> vector<16xf32>
            %add3A_489 = arith.addf %add3A_413, %unpack3A_487 : vector<16xf32>
            %add3A_490 = arith.addf %add3A_414, %unpack3A_488 : vector<16xf32>
            %get3A_491 = arith.index_cast %add3A_200 : i32 to index
            %get3A_492 = arith.constant 48 : index
            %get3A_493 = tpu.vector_load %arg10[%get3A_491, %get3A_492] {strides = array<i32>} : memref<64x128xi32, #tpu.memory_space<vmem>>, vector<16xi32>,
            %bitcast3A_494 = vector.bitcast %get3A_493 : vector<16xi32> to vector<32xbf16>
            %mul3A_495 = arith.mulf %bitcast3A_494, %bitcast3A_436 : vector<32xbf16>
            %unpack3A_496 = tpu.unpack_subelements %mul3A_495, 0 {pack_format = #tpu.pack_format<interleaved>} : vector<32xbf16> -> vector<16xf32>
            %unpack3A_497 = tpu.unpack_subelements %mul3A_495, 1 {pack_format = #tpu.pack_format<interleaved>} : vector<32xbf16> -> vector<16xf32>
            %add3A_498 = arith.addf %add3A_422, %unpack3A_496 : vector<16xf32>
            %add3A_499 = arith.addf %add3A_423, %unpack3A_497 : vector<16xf32>
            %get3A_500 = arith.index_cast %add3A_207 : i32 to index
            %get3A_501 = arith.constant 48 : index
            %get3A_502 = tpu.vector_load %arg10[%get3A_500, %get3A_501] {strides = array<i32>} : memref<64x128xi32, #tpu.memory_space<vmem>>, vector<16xi32>,
            %bitcast3A_503 = vector.bitcast %get3A_502 : vector<16xi32> to vector<32xbf16>
            %mul3A_504 = arith.mulf %bitcast3A_503, %bitcast3A_436 : vector<32xbf16>
            %unpack3A_505 = tpu.unpack_subelements %mul3A_504, 0 {pack_format = #tpu.pack_format<interleaved>} : vector<32xbf16> -> vector<16xf32>
            %unpack3A_506 = tpu.unpack_subelements %mul3A_504, 1 {pack_format = #tpu.pack_format<interleaved>} : vector<32xbf16> -> vector<16xf32>
            %add3A_507 = arith.addf %add3A_431, %unpack3A_505 : vector<16xf32>
            %add3A_508 = arith.addf %add3A_432, %unpack3A_506 : vector<16xf32>
            %get3A_509 = arith.index_cast %add3A_117 : i32 to index
            %get3A_510 = arith.constant 64 : index
            %get3A_511 = tpu.vector_load %arg5[%get3A_509, %get3A_510] {strides = array<i32>} : memref<32x128xi32, #tpu.memory_space<vmem>>, vector<16xi32>,
            %bitcast3A_512 = vector.bitcast %get3A_511 : vector<16xi32> to vector<32xbf16>
            %get3A_513 = arith.index_cast %add3A_158 : i32 to index
            %get3A_514 = arith.constant 64 : index
            %get3A_515 = tpu.vector_load %arg10[%get3A_513, %get3A_514] {strides = array<i32>} : memref<64x128xi32, #tpu.memory_space<vmem>>, vector<16xi32>,
            %bitcast3A_516 = vector.bitcast %get3A_515 : vector<16xi32> to vector<32xbf16>
            %mul3A_517 = arith.mulf %bitcast3A_516, %bitcast3A_512 : vector<32xbf16>
            %unpack3A_518 = tpu.unpack_subelements %mul3A_517, 0 {pack_format = #tpu.pack_format<interleaved>} : vector<32xbf16> -> vector<16xf32>
            %unpack3A_519 = tpu.unpack_subelements %mul3A_517, 1 {pack_format = #tpu.pack_format<interleaved>} : vector<32xbf16> -> vector<16xf32>
            %add3A_520 = arith.addf %add3A_444, %unpack3A_518 : vector<16xf32>
            %add3A_521 = arith.addf %add3A_445, %unpack3A_519 : vector<16xf32>
            %get3A_522 = arith.index_cast %add3A_165 : i32 to index
            %get3A_523 = arith.constant 64 : index
            %get3A_524 = tpu.vector_load %arg10[%get3A_522, %get3A_523] {strides = array<i32>} : memref<64x128xi32, #tpu.memory_space<vmem>>, vector<16xi32>,
            %bitcast3A_525 = vector.bitcast %get3A_524 : vector<16xi32> to vector<32xbf16>
            %mul3A_526 = arith.mulf %bitcast3A_525, %bitcast3A_512 : vector<32xbf16>
            %unpack3A_527 = tpu.unpack_subelements %mul3A_526, 0 {pack_format = #tpu.pack_format<interleaved>} : vector<32xbf16> -> vector<16xf32>
            %unpack3A_528 = tpu.unpack_subelements %mul3A_526, 1 {pack_format = #tpu.pack_format<interleaved>} : vector<32xbf16> -> vector<16xf32>
            %add3A_529 = arith.addf %add3A_453, %unpack3A_527 : vector<16xf32>
            %add3A_530 = arith.addf %add3A_454, %unpack3A_528 : vector<16xf32>
            %get3A_531 = arith.index_cast %add3A_172 : i32 to index
            %get3A_532 = arith.constant 64 : index
            %get3A_533 = tpu.vector_load %arg10[%get3A_531, %get3A_532] {strides = array<i32>} : memref<64x128xi32, #tpu.memory_space<vmem>>, vector<16xi32>,
            %bitcast3A_534 = vector.bitcast %get3A_533 : vector<16xi32> to vector<32xbf16>
            %mul3A_535 = arith.mulf %bitcast3A_534, %bitcast3A_512 : vector<32xbf16>
            %unpack3A_536 = tpu.unpack_subelements %mul3A_535, 0 {pack_format = #tpu.pack_format<interleaved>} : vector<32xbf16> -> vector<16xf32>
            %unpack3A_537 = tpu.unpack_subelements %mul3A_535, 1 {pack_format = #tpu.pack_format<interleaved>} : vector<32xbf16> -> vector<16xf32>
            %add3A_538 = arith.addf %add3A_462, %unpack3A_536 : vector<16xf32>
            %add3A_539 = arith.addf %add3A_463, %unpack3A_537 : vector<16xf32>
            %get3A_540 = arith.index_cast %add3A_179 : i32 to index
            %get3A_541 = arith.constant 64 : index
            %get3A_542 = tpu.vector_load %arg10[%get3A_540, %get3A_541] {strides = array<i32>} : memref<64x128xi32, #tpu.memory_space<vmem>>, vector<16xi32>,
            %bitcast3A_543 = vector.bitcast %get3A_542 : vector<16xi32> to vector<32xbf16>
            %mul3A_544 = arith.mulf %bitcast3A_543, %bitcast3A_512 : vector<32xbf16>
            %unpack3A_545 = tpu.unpack_subelements %mul3A_544, 0 {pack_format = #tpu.pack_format<interleaved>} : vector<32xbf16> -> vector<16xf32>
            %unpack3A_546 = tpu.unpack_subelements %mul3A_544, 1 {pack_format = #tpu.pack_format<interleaved>} : vector<32xbf16> -> vector<16xf32>
            %add3A_547 = arith.addf %add3A_471, %unpack3A_545 : vector<16xf32>
            %add3A_548 = arith.addf %add3A_472, %unpack3A_546 : vector<16xf32>
            %get3A_549 = arith.index_cast %add3A_186 : i32 to index
            %get3A_550 = arith.constant 64 : index
            %get3A_551 = tpu.vector_load %arg10[%get3A_549, %get3A_550] {strides = array<i32>} : memref<64x128xi32, #tpu.memory_space<vmem>>, vector<16xi32>,
            %bitcast3A_552 = vector.bitcast %get3A_551 : vector<16xi32> to vector<32xbf16>
            %mul3A_553 = arith.mulf %bitcast3A_552, %bitcast3A_512 : vector<32xbf16>
            %unpack3A_554 = tpu.unpack_subelements %mul3A_553, 0 {pack_format = #tpu.pack_format<interleaved>} : vector<32xbf16> -> vector<16xf32>
            %unpack3A_555 = tpu.unpack_subelements %mul3A_553, 1 {pack_format = #tpu.pack_format<interleaved>} : vector<32xbf16> -> vector<16xf32>
            %add3A_556 = arith.addf %add3A_480, %unpack3A_554 : vector<16xf32>
            %add3A_557 = arith.addf %add3A_481, %unpack3A_555 : vector<16xf32>
            %get3A_558 = arith.index_cast %add3A_193 : i32 to index
            %get3A_559 = arith.constant 64 : index
            %get3A_560 = tpu.vector_load %arg10[%get3A_558, %get3A_559] {strides = array<i32>} : memref<64x128xi32, #tpu.memory_space<vmem>>, vector<16xi32>,
            %bitcast3A_561 = vector.bitcast %get3A_560 : vector<16xi32> to vector<32xbf16>
            %mul3A_562 = arith.mulf %bitcast3A_561, %bitcast3A_512 : vector<32xbf16>
            %unpack3A_563 = tpu.unpack_subelements %mul3A_562, 0 {pack_format = #tpu.pack_format<interleaved>} : vector<32xbf16> -> vector<16xf32>
            %unpack3A_564 = tpu.unpack_subelements %mul3A_562, 1 {pack_format = #tpu.pack_format<interleaved>} : vector<32xbf16> -> vector<16xf32>
            %add3A_565 = arith.addf %add3A_489, %unpack3A_563 : vector<16xf32>
            %add3A_566 = arith.addf %add3A_490, %unpack3A_564 : vector<16xf32>
            %get3A_567 = arith.index_cast %add3A_200 : i32 to index
            %get3A_568 = arith.constant 64 : index
            %get3A_569 = tpu.vector_load %arg10[%get3A_567, %get3A_568] {strides = array<i32>} : memref<64x128xi32, #tpu.memory_space<vmem>>, vector<16xi32>,
            %bitcast3A_570 = vector.bitcast %get3A_569 : vector<16xi32> to vector<32xbf16>
            %mul3A_571 = arith.mulf %bitcast3A_570, %bitcast3A_512 : vector<32xbf16>
            %unpack3A_572 = tpu.unpack_subelements %mul3A_571, 0 {pack_format = #tpu.pack_format<interleaved>} : vector<32xbf16> -> vector<16xf32>
            %unpack3A_573 = tpu.unpack_subelements %mul3A_571, 1 {pack_format = #tpu.pack_format<interleaved>} : vector<32xbf16> -> vector<16xf32>
            %add3A_574 = arith.addf %add3A_498, %unpack3A_572 : vector<16xf32>
            %add3A_575 = arith.addf %add3A_499, %unpack3A_573 : vector<16xf32>
            %get3A_576 = arith.index_cast %add3A_207 : i32 to index
            %get3A_577 = arith.constant 64 : index
            %get3A_578 = tpu.vector_load %arg10[%get3A_576, %get3A_577] {strides = array<i32>} : memref<64x128xi32, #tpu.memory_space<vmem>>, vector<16xi32>,
            %bitcast3A_579 = vector.bitcast %get3A_578 : vector<16xi32> to vector<32xbf16>
            %mul3A_580 = arith.mulf %bitcast3A_579, %bitcast3A_512 : vector<32xbf16>
            %unpack3A_581 = tpu.unpack_subelements %mul3A_580, 0 {pack_format = #tpu.pack_format<interleaved>} : vector<32xbf16> -> vector<16xf32>
            %unpack3A_582 = tpu.unpack_subelements %mul3A_580, 1 {pack_format = #tpu.pack_format<interleaved>} : vector<32xbf16> -> vector<16xf32>
            %add3A_583 = arith.addf %add3A_507, %unpack3A_581 : vector<16xf32>
            %add3A_584 = arith.addf %add3A_508, %unpack3A_582 : vector<16xf32>
            %get3A_585 = arith.index_cast %add3A_117 : i32 to index
            %get3A_586 = arith.constant 80 : index
            %get3A_587 = tpu.vector_load %arg5[%get3A_585, %get3A_586] {strides = array<i32>} : memref<32x128xi32, #tpu.memory_space<vmem>>, vector<16xi32>,
            %bitcast3A_588 = vector.bitcast %get3A_587 : vector<16xi32> to vector<32xbf16>
            %get3A_589 = arith.index_cast %add3A_158 : i32 to index
            %get3A_590 = arith.constant 80 : index
            %get3A_591 = tpu.vector_load %arg10[%get3A_589, %get3A_590] {strides = array<i32>} : memref<64x128xi32, #tpu.memory_space<vmem>>, vector<16xi32>,
            %bitcast3A_592 = vector.bitcast %get3A_591 : vector<16xi32> to vector<32xbf16>
            %mul3A_593 = arith.mulf %bitcast3A_592, %bitcast3A_588 : vector<32xbf16>
            %unpack3A_594 = tpu.unpack_subelements %mul3A_593, 0 {pack_format = #tpu.pack_format<interleaved>} : vector<32xbf16> -> vector<16xf32>
            %unpack3A_595 = tpu.unpack_subelements %mul3A_593, 1 {pack_format = #tpu.pack_format<interleaved>} : vector<32xbf16> -> vector<16xf32>
            %add3A_596 = arith.addf %add3A_520, %unpack3A_594 : vector<16xf32>
            %add3A_597 = arith.addf %add3A_521, %unpack3A_595 : vector<16xf32>
            %get3A_598 = arith.index_cast %add3A_165 : i32 to index
            %get3A_599 = arith.constant 80 : index
            %get3A_600 = tpu.vector_load %arg10[%get3A_598, %get3A_599] {strides = array<i32>} : memref<64x128xi32, #tpu.memory_space<vmem>>, vector<16xi32>,
            %bitcast3A_601 = vector.bitcast %get3A_600 : vector<16xi32> to vector<32xbf16>
            %mul3A_602 = arith.mulf %bitcast3A_601, %bitcast3A_588 : vector<32xbf16>
            %unpack3A_603 = tpu.unpack_subelements %mul3A_602, 0 {pack_format = #tpu.pack_format<interleaved>} : vector<32xbf16> -> vector<16xf32>
            %unpack3A_604 = tpu.unpack_subelements %mul3A_602, 1 {pack_format = #tpu.pack_format<interleaved>} : vector<32xbf16> -> vector<16xf32>
            %add3A_605 = arith.addf %add3A_529, %unpack3A_603 : vector<16xf32>
            %add3A_606 = arith.addf %add3A_530, %unpack3A_604 : vector<16xf32>
            %get3A_607 = arith.index_cast %add3A_172 : i32 to index
            %get3A_608 = arith.constant 80 : index
            %get3A_609 = tpu.vector_load %arg10[%get3A_607, %get3A_608] {strides = array<i32>} : memref<64x128xi32, #tpu.memory_space<vmem>>, vector<16xi32>,
            %bitcast3A_610 = vector.bitcast %get3A_609 : vector<16xi32> to vector<32xbf16>
            %mul3A_611 = arith.mulf %bitcast3A_610, %bitcast3A_588 : vector<32xbf16>
            %unpack3A_612 = tpu.unpack_subelements %mul3A_611, 0 {pack_format = #tpu.pack_format<interleaved>} : vector<32xbf16> -> vector<16xf32>
            %unpack3A_613 = tpu.unpack_subelements %mul3A_611, 1 {pack_format = #tpu.pack_format<interleaved>} : vector<32xbf16> -> vector<16xf32>
            %add3A_614 = arith.addf %add3A_538, %unpack3A_612 : vector<16xf32>
            %add3A_615 = arith.addf %add3A_539, %unpack3A_613 : vector<16xf32>
            %get3A_616 = arith.index_cast %add3A_179 : i32 to index
            %get3A_617 = arith.constant 80 : index
            %get3A_618 = tpu.vector_load %arg10[%get3A_616, %get3A_617] {strides = array<i32>} : memref<64x128xi32, #tpu.memory_space<vmem>>, vector<16xi32>,
            %bitcast3A_619 = vector.bitcast %get3A_618 : vector<16xi32> to vector<32xbf16>
            %mul3A_620 = arith.mulf %bitcast3A_619, %bitcast3A_588 : vector<32xbf16>
            %unpack3A_621 = tpu.unpack_subelements %mul3A_620, 0 {pack_format = #tpu.pack_format<interleaved>} : vector<32xbf16> -> vector<16xf32>
            %unpack3A_622 = tpu.unpack_subelements %mul3A_620, 1 {pack_format = #tpu.pack_format<interleaved>} : vector<32xbf16> -> vector<16xf32>
            %add3A_623 = arith.addf %add3A_547, %unpack3A_621 : vector<16xf32>
            %add3A_624 = arith.addf %add3A_548, %unpack3A_622 : vector<16xf32>
            %get3A_625 = arith.index_cast %add3A_186 : i32 to index
            %get3A_626 = arith.constant 80 : index
            %get3A_627 = tpu.vector_load %arg10[%get3A_625, %get3A_626] {strides = array<i32>} : memref<64x128xi32, #tpu.memory_space<vmem>>, vector<16xi32>,
            %bitcast3A_628 = vector.bitcast %get3A_627 : vector<16xi32> to vector<32xbf16>
            %mul3A_629 = arith.mulf %bitcast3A_628, %bitcast3A_588 : vector<32xbf16>
            %unpack3A_630 = tpu.unpack_subelements %mul3A_629, 0 {pack_format = #tpu.pack_format<interleaved>} : vector<32xbf16> -> vector<16xf32>
            %unpack3A_631 = tpu.unpack_subelements %mul3A_629, 1 {pack_format = #tpu.pack_format<interleaved>} : vector<32xbf16> -> vector<16xf32>
            %add3A_632 = arith.addf %add3A_556, %unpack3A_630 : vector<16xf32>
            %add3A_633 = arith.addf %add3A_557, %unpack3A_631 : vector<16xf32>
            %get3A_634 = arith.index_cast %add3A_193 : i32 to index
            %get3A_635 = arith.constant 80 : index
            %get3A_636 = tpu.vector_load %arg10[%get3A_634, %get3A_635] {strides = array<i32>} : memref<64x128xi32, #tpu.memory_space<vmem>>, vector<16xi32>,
            %bitcast3A_637 = vector.bitcast %get3A_636 : vector<16xi32> to vector<32xbf16>
            %mul3A_638 = arith.mulf %bitcast3A_637, %bitcast3A_588 : vector<32xbf16>
            %unpack3A_639 = tpu.unpack_subelements %mul3A_638, 0 {pack_format = #tpu.pack_format<interleaved>} : vector<32xbf16> -> vector<16xf32>
            %unpack3A_640 = tpu.unpack_subelements %mul3A_638, 1 {pack_format = #tpu.pack_format<interleaved>} : vector<32xbf16> -> vector<16xf32>
            %add3A_641 = arith.addf %add3A_565, %unpack3A_639 : vector<16xf32>
            %add3A_642 = arith.addf %add3A_566, %unpack3A_640 : vector<16xf32>
            %get3A_643 = arith.index_cast %add3A_200 : i32 to index
            %get3A_644 = arith.constant 80 : index
            %get3A_645 = tpu.vector_load %arg10[%get3A_643, %get3A_644] {strides = array<i32>} : memref<64x128xi32, #tpu.memory_space<vmem>>, vector<16xi32>,
            %bitcast3A_646 = vector.bitcast %get3A_645 : vector<16xi32> to vector<32xbf16>
            %mul3A_647 = arith.mulf %bitcast3A_646, %bitcast3A_588 : vector<32xbf16>
            %unpack3A_648 = tpu.unpack_subelements %mul3A_647, 0 {pack_format = #tpu.pack_format<interleaved>} : vector<32xbf16> -> vector<16xf32>
            %unpack3A_649 = tpu.unpack_subelements %mul3A_647, 1 {pack_format = #tpu.pack_format<interleaved>} : vector<32xbf16> -> vector<16xf32>
            %add3A_650 = arith.addf %add3A_574, %unpack3A_648 : vector<16xf32>
            %add3A_651 = arith.addf %add3A_575, %unpack3A_649 : vector<16xf32>
            %get3A_652 = arith.index_cast %add3A_207 : i32 to index
            %get3A_653 = arith.constant 80 : index
            %get3A_654 = tpu.vector_load %arg10[%get3A_652, %get3A_653] {strides = array<i32>} : memref<64x128xi32, #tpu.memory_space<vmem>>, vector<16xi32>,
            %bitcast3A_655 = vector.bitcast %get3A_654 : vector<16xi32> to vector<32xbf16>
            %mul3A_656 = arith.mulf %bitcast3A_655, %bitcast3A_588 : vector<32xbf16>
            %unpack3A_657 = tpu.unpack_subelements %mul3A_656, 0 {pack_format = #tpu.pack_format<interleaved>} : vector<32xbf16> -> vector<16xf32>
            %unpack3A_658 = tpu.unpack_subelements %mul3A_656, 1 {pack_format = #tpu.pack_format<interleaved>} : vector<32xbf16> -> vector<16xf32>
            %add3A_659 = arith.addf %add3A_583, %unpack3A_657 : vector<16xf32>
            %add3A_660 = arith.addf %add3A_584, %unpack3A_658 : vector<16xf32>
            %get3A_661 = arith.index_cast %add3A_117 : i32 to index
            %get3A_662 = arith.constant 96 : index
            %get3A_663 = tpu.vector_load %arg5[%get3A_661, %get3A_662] {strides = array<i32>} : memref<32x128xi32, #tpu.memory_space<vmem>>, vector<16xi32>,
            %bitcast3A_664 = vector.bitcast %get3A_663 : vector<16xi32> to vector<32xbf16>
            %get3A_665 = arith.index_cast %add3A_158 : i32 to index
            %get3A_666 = arith.constant 96 : index
            %get3A_667 = tpu.vector_load %arg10[%get3A_665, %get3A_666] {strides = array<i32>} : memref<64x128xi32, #tpu.memory_space<vmem>>, vector<16xi32>,
            %bitcast3A_668 = vector.bitcast %get3A_667 : vector<16xi32> to vector<32xbf16>
            %mul3A_669 = arith.mulf %bitcast3A_668, %bitcast3A_664 : vector<32xbf16>
            %unpack3A_670 = tpu.unpack_subelements %mul3A_669, 0 {pack_format = #tpu.pack_format<interleaved>} : vector<32xbf16> -> vector<16xf32>
            %unpack3A_671 = tpu.unpack_subelements %mul3A_669, 1 {pack_format = #tpu.pack_format<interleaved>} : vector<32xbf16> -> vector<16xf32>
            %add3A_672 = arith.addf %add3A_596, %unpack3A_670 : vector<16xf32>
            %add3A_673 = arith.addf %add3A_597, %unpack3A_671 : vector<16xf32>
            %get3A_674 = arith.index_cast %add3A_165 : i32 to index
            %get3A_675 = arith.constant 96 : index
            %get3A_676 = tpu.vector_load %arg10[%get3A_674, %get3A_675] {strides = array<i32>} : memref<64x128xi32, #tpu.memory_space<vmem>>, vector<16xi32>,
            %bitcast3A_677 = vector.bitcast %get3A_676 : vector<16xi32> to vector<32xbf16>
            %mul3A_678 = arith.mulf %bitcast3A_677, %bitcast3A_664 : vector<32xbf16>
            %unpack3A_679 = tpu.unpack_subelements %mul3A_678, 0 {pack_format = #tpu.pack_format<interleaved>} : vector<32xbf16> -> vector<16xf32>
            %unpack3A_680 = tpu.unpack_subelements %mul3A_678, 1 {pack_format = #tpu.pack_format<interleaved>} : vector<32xbf16> -> vector<16xf32>
            %add3A_681 = arith.addf %add3A_605, %unpack3A_679 : vector<16xf32>
            %add3A_682 = arith.addf %add3A_606, %unpack3A_680 : vector<16xf32>
            %get3A_683 = arith.index_cast %add3A_172 : i32 to index
            %get3A_684 = arith.constant 96 : index
            %get3A_685 = tpu.vector_load %arg10[%get3A_683, %get3A_684] {strides = array<i32>} : memref<64x128xi32, #tpu.memory_space<vmem>>, vector<16xi32>,
            %bitcast3A_686 = vector.bitcast %get3A_685 : vector<16xi32> to vector<32xbf16>
            %mul3A_687 = arith.mulf %bitcast3A_686, %bitcast3A_664 : vector<32xbf16>
            %unpack3A_688 = tpu.unpack_subelements %mul3A_687, 0 {pack_format = #tpu.pack_format<interleaved>} : vector<32xbf16> -> vector<16xf32>
            %unpack3A_689 = tpu.unpack_subelements %mul3A_687, 1 {pack_format = #tpu.pack_format<interleaved>} : vector<32xbf16> -> vector<16xf32>
            %add3A_690 = arith.addf %add3A_614, %unpack3A_688 : vector<16xf32>
            %add3A_691 = arith.addf %add3A_615, %unpack3A_689 : vector<16xf32>
            %get3A_692 = arith.index_cast %add3A_179 : i32 to index
            %get3A_693 = arith.constant 96 : index
            %get3A_694 = tpu.vector_load %arg10[%get3A_692, %get3A_693] {strides = array<i32>} : memref<64x128xi32, #tpu.memory_space<vmem>>, vector<16xi32>,
            %bitcast3A_695 = vector.bitcast %get3A_694 : vector<16xi32> to vector<32xbf16>
            %mul3A_696 = arith.mulf %bitcast3A_695, %bitcast3A_664 : vector<32xbf16>
            %unpack3A_697 = tpu.unpack_subelements %mul3A_696, 0 {pack_format = #tpu.pack_format<interleaved>} : vector<32xbf16> -> vector<16xf32>
            %unpack3A_698 = tpu.unpack_subelements %mul3A_696, 1 {pack_format = #tpu.pack_format<interleaved>} : vector<32xbf16> -> vector<16xf32>
            %add3A_699 = arith.addf %add3A_623, %unpack3A_697 : vector<16xf32>
            %add3A_700 = arith.addf %add3A_624, %unpack3A_698 : vector<16xf32>
            %get3A_701 = arith.index_cast %add3A_186 : i32 to index
            %get3A_702 = arith.constant 96 : index
            %get3A_703 = tpu.vector_load %arg10[%get3A_701, %get3A_702] {strides = array<i32>} : memref<64x128xi32, #tpu.memory_space<vmem>>, vector<16xi32>,
            %bitcast3A_704 = vector.bitcast %get3A_703 : vector<16xi32> to vector<32xbf16>
            %mul3A_705 = arith.mulf %bitcast3A_704, %bitcast3A_664 : vector<32xbf16>
            %unpack3A_706 = tpu.unpack_subelements %mul3A_705, 0 {pack_format = #tpu.pack_format<interleaved>} : vector<32xbf16> -> vector<16xf32>
            %unpack3A_707 = tpu.unpack_subelements %mul3A_705, 1 {pack_format = #tpu.pack_format<interleaved>} : vector<32xbf16> -> vector<16xf32>
            %add3A_708 = arith.addf %add3A_632, %unpack3A_706 : vector<16xf32>
            %add3A_709 = arith.addf %add3A_633, %unpack3A_707 : vector<16xf32>
            %get3A_710 = arith.index_cast %add3A_193 : i32 to index
            %get3A_711 = arith.constant 96 : index
            %get3A_712 = tpu.vector_load %arg10[%get3A_710, %get3A_711] {strides = array<i32>} : memref<64x128xi32, #tpu.memory_space<vmem>>, vector<16xi32>,
            %bitcast3A_713 = vector.bitcast %get3A_712 : vector<16xi32> to vector<32xbf16>
            %mul3A_714 = arith.mulf %bitcast3A_713, %bitcast3A_664 : vector<32xbf16>
            %unpack3A_715 = tpu.unpack_subelements %mul3A_714, 0 {pack_format = #tpu.pack_format<interleaved>} : vector<32xbf16> -> vector<16xf32>
            %unpack3A_716 = tpu.unpack_subelements %mul3A_714, 1 {pack_format = #tpu.pack_format<interleaved>} : vector<32xbf16> -> vector<16xf32>
            %add3A_717 = arith.addf %add3A_641, %unpack3A_715 : vector<16xf32>
            %add3A_718 = arith.addf %add3A_642, %unpack3A_716 : vector<16xf32>
            %get3A_719 = arith.index_cast %add3A_200 : i32 to index
            %get3A_720 = arith.constant 96 : index
            %get3A_721 = tpu.vector_load %arg10[%get3A_719, %get3A_720] {strides = array<i32>} : memref<64x128xi32, #tpu.memory_space<vmem>>, vector<16xi32>,
            %bitcast3A_722 = vector.bitcast %get3A_721 : vector<16xi32> to vector<32xbf16>
            %mul3A_723 = arith.mulf %bitcast3A_722, %bitcast3A_664 : vector<32xbf16>
            %unpack3A_724 = tpu.unpack_subelements %mul3A_723, 0 {pack_format = #tpu.pack_format<interleaved>} : vector<32xbf16> -> vector<16xf32>
            %unpack3A_725 = tpu.unpack_subelements %mul3A_723, 1 {pack_format = #tpu.pack_format<interleaved>} : vector<32xbf16> -> vector<16xf32>
            %add3A_726 = arith.addf %add3A_650, %unpack3A_724 : vector<16xf32>
            %add3A_727 = arith.addf %add3A_651, %unpack3A_725 : vector<16xf32>
            %get3A_728 = arith.index_cast %add3A_207 : i32 to index
            %get3A_729 = arith.constant 96 : index
            %get3A_730 = tpu.vector_load %arg10[%get3A_728, %get3A_729] {strides = array<i32>} : memref<64x128xi32, #tpu.memory_space<vmem>>, vector<16xi32>,
            %bitcast3A_731 = vector.bitcast %get3A_730 : vector<16xi32> to vector<32xbf16>
            %mul3A_732 = arith.mulf %bitcast3A_731, %bitcast3A_664 : vector<32xbf16>
            %unpack3A_733 = tpu.unpack_subelements %mul3A_732, 0 {pack_format = #tpu.pack_format<interleaved>} : vector<32xbf16> -> vector<16xf32>
            %unpack3A_734 = tpu.unpack_subelements %mul3A_732, 1 {pack_format = #tpu.pack_format<interleaved>} : vector<32xbf16> -> vector<16xf32>
            %add3A_735 = arith.addf %add3A_659, %unpack3A_733 : vector<16xf32>
            %add3A_736 = arith.addf %add3A_660, %unpack3A_734 : vector<16xf32>
            %get3A_737 = arith.index_cast %add3A_117 : i32 to index
            %get3A_738 = arith.constant 112 : index
            %get3A_739 = tpu.vector_load %arg5[%get3A_737, %get3A_738] {strides = array<i32>} : memref<32x128xi32, #tpu.memory_space<vmem>>, vector<16xi32>,
            %bitcast3A_740 = vector.bitcast %get3A_739 : vector<16xi32> to vector<32xbf16>
            %get3A_741 = arith.index_cast %add3A_158 : i32 to index
            %get3A_742 = arith.constant 112 : index
            %get3A_743 = tpu.vector_load %arg10[%get3A_741, %get3A_742] {strides = array<i32>} : memref<64x128xi32, #tpu.memory_space<vmem>>, vector<16xi32>,
            %bitcast3A_744 = vector.bitcast %get3A_743 : vector<16xi32> to vector<32xbf16>
            %mul3A_745 = arith.mulf %bitcast3A_744, %bitcast3A_740 : vector<32xbf16>
            %unpack3A_746 = tpu.unpack_subelements %mul3A_745, 0 {pack_format = #tpu.pack_format<interleaved>} : vector<32xbf16> -> vector<16xf32>
            %unpack3A_747 = tpu.unpack_subelements %mul3A_745, 1 {pack_format = #tpu.pack_format<interleaved>} : vector<32xbf16> -> vector<16xf32>
            %add3A_748 = arith.addf %add3A_672, %unpack3A_746 : vector<16xf32>
            %add3A_749 = arith.addf %add3A_673, %unpack3A_747 : vector<16xf32>
            %get3A_750 = arith.index_cast %add3A_165 : i32 to index
            %get3A_751 = arith.constant 112 : index
            %get3A_752 = tpu.vector_load %arg10[%get3A_750, %get3A_751] {strides = array<i32>} : memref<64x128xi32, #tpu.memory_space<vmem>>, vector<16xi32>,
            %bitcast3A_753 = vector.bitcast %get3A_752 : vector<16xi32> to vector<32xbf16>
            %mul3A_754 = arith.mulf %bitcast3A_753, %bitcast3A_740 : vector<32xbf16>
            %unpack3A_755 = tpu.unpack_subelements %mul3A_754, 0 {pack_format = #tpu.pack_format<interleaved>} : vector<32xbf16> -> vector<16xf32>
            %unpack3A_756 = tpu.unpack_subelements %mul3A_754, 1 {pack_format = #tpu.pack_format<interleaved>} : vector<32xbf16> -> vector<16xf32>
            %add3A_757 = arith.addf %add3A_681, %unpack3A_755 : vector<16xf32>
            %add3A_758 = arith.addf %add3A_682, %unpack3A_756 : vector<16xf32>
            %get3A_759 = arith.index_cast %add3A_172 : i32 to index
            %get3A_760 = arith.constant 112 : index
            %get3A_761 = tpu.vector_load %arg10[%get3A_759, %get3A_760] {strides = array<i32>} : memref<64x128xi32, #tpu.memory_space<vmem>>, vector<16xi32>,
            %bitcast3A_762 = vector.bitcast %get3A_761 : vector<16xi32> to vector<32xbf16>
            %mul3A_763 = arith.mulf %bitcast3A_762, %bitcast3A_740 : vector<32xbf16>
            %unpack3A_764 = tpu.unpack_subelements %mul3A_763, 0 {pack_format = #tpu.pack_format<interleaved>} : vector<32xbf16> -> vector<16xf32>
            %unpack3A_765 = tpu.unpack_subelements %mul3A_763, 1 {pack_format = #tpu.pack_format<interleaved>} : vector<32xbf16> -> vector<16xf32>
            %add3A_766 = arith.addf %add3A_690, %unpack3A_764 : vector<16xf32>
            %add3A_767 = arith.addf %add3A_691, %unpack3A_765 : vector<16xf32>
            %get3A_768 = arith.index_cast %add3A_179 : i32 to index
            %get3A_769 = arith.constant 112 : index
            %get3A_770 = tpu.vector_load %arg10[%get3A_768, %get3A_769] {strides = array<i32>} : memref<64x128xi32, #tpu.memory_space<vmem>>, vector<16xi32>,
            %bitcast3A_771 = vector.bitcast %get3A_770 : vector<16xi32> to vector<32xbf16>
            %mul3A_772 = arith.mulf %bitcast3A_771, %bitcast3A_740 : vector<32xbf16>
            %unpack3A_773 = tpu.unpack_subelements %mul3A_772, 0 {pack_format = #tpu.pack_format<interleaved>} : vector<32xbf16> -> vector<16xf32>
            %unpack3A_774 = tpu.unpack_subelements %mul3A_772, 1 {pack_format = #tpu.pack_format<interleaved>} : vector<32xbf16> -> vector<16xf32>
            %add3A_775 = arith.addf %add3A_699, %unpack3A_773 : vector<16xf32>
            %add3A_776 = arith.addf %add3A_700, %unpack3A_774 : vector<16xf32>
            %get3A_777 = arith.index_cast %add3A_186 : i32 to index
            %get3A_778 = arith.constant 112 : index
            %get3A_779 = tpu.vector_load %arg10[%get3A_777, %get3A_778] {strides = array<i32>} : memref<64x128xi32, #tpu.memory_space<vmem>>, vector<16xi32>,
            %bitcast3A_780 = vector.bitcast %get3A_779 : vector<16xi32> to vector<32xbf16>
            %mul3A_781 = arith.mulf %bitcast3A_780, %bitcast3A_740 : vector<32xbf16>
            %unpack3A_782 = tpu.unpack_subelements %mul3A_781, 0 {pack_format = #tpu.pack_format<interleaved>} : vector<32xbf16> -> vector<16xf32>
            %unpack3A_783 = tpu.unpack_subelements %mul3A_781, 1 {pack_format = #tpu.pack_format<interleaved>} : vector<32xbf16> -> vector<16xf32>
            %add3A_784 = arith.addf %add3A_708, %unpack3A_782 : vector<16xf32>
            %add3A_785 = arith.addf %add3A_709, %unpack3A_783 : vector<16xf32>
            %get3A_786 = arith.index_cast %add3A_193 : i32 to index
            %get3A_787 = arith.constant 112 : index
            %get3A_788 = tpu.vector_load %arg10[%get3A_786, %get3A_787] {strides = array<i32>} : memref<64x128xi32, #tpu.memory_space<vmem>>, vector<16xi32>,
            %bitcast3A_789 = vector.bitcast %get3A_788 : vector<16xi32> to vector<32xbf16>
            %mul3A_790 = arith.mulf %bitcast3A_789, %bitcast3A_740 : vector<32xbf16>
            %unpack3A_791 = tpu.unpack_subelements %mul3A_790, 0 {pack_format = #tpu.pack_format<interleaved>} : vector<32xbf16> -> vector<16xf32>
            %unpack3A_792 = tpu.unpack_subelements %mul3A_790, 1 {pack_format = #tpu.pack_format<interleaved>} : vector<32xbf16> -> vector<16xf32>
            %add3A_793 = arith.addf %add3A_717, %unpack3A_791 : vector<16xf32>
            %add3A_794 = arith.addf %add3A_718, %unpack3A_792 : vector<16xf32>
            %get3A_795 = arith.index_cast %add3A_200 : i32 to index
            %get3A_796 = arith.constant 112 : index
            %get3A_797 = tpu.vector_load %arg10[%get3A_795, %get3A_796] {strides = array<i32>} : memref<64x128xi32, #tpu.memory_space<vmem>>, vector<16xi32>,
            %bitcast3A_798 = vector.bitcast %get3A_797 : vector<16xi32> to vector<32xbf16>
            %mul3A_799 = arith.mulf %bitcast3A_798, %bitcast3A_740 : vector<32xbf16>
            %unpack3A_800 = tpu.unpack_subelements %mul3A_799, 0 {pack_format = #tpu.pack_format<interleaved>} : vector<32xbf16> -> vector<16xf32>
            %unpack3A_801 = tpu.unpack_subelements %mul3A_799, 1 {pack_format = #tpu.pack_format<interleaved>} : vector<32xbf16> -> vector<16xf32>
            %add3A_802 = arith.addf %add3A_726, %unpack3A_800 : vector<16xf32>
            %add3A_803 = arith.addf %add3A_727, %unpack3A_801 : vector<16xf32>
            %get3A_804 = arith.index_cast %add3A_207 : i32 to index
            %get3A_805 = arith.constant 112 : index
            %get3A_806 = tpu.vector_load %arg10[%get3A_804, %get3A_805] {strides = array<i32>} : memref<64x128xi32, #tpu.memory_space<vmem>>, vector<16xi32>,
            %bitcast3A_807 = vector.bitcast %get3A_806 : vector<16xi32> to vector<32xbf16>
            %mul3A_808 = arith.mulf %bitcast3A_807, %bitcast3A_740 : vector<32xbf16>
            %unpack3A_809 = tpu.unpack_subelements %mul3A_808, 0 {pack_format = #tpu.pack_format<interleaved>} : vector<32xbf16> -> vector<16xf32>
            %unpack3A_810 = tpu.unpack_subelements %mul3A_808, 1 {pack_format = #tpu.pack_format<interleaved>} : vector<32xbf16> -> vector<16xf32>
            %add3A_811 = arith.addf %add3A_735, %unpack3A_809 : vector<16xf32>
            %add3A_812 = arith.addf %add3A_736, %unpack3A_810 : vector<16xf32>
            %mul3A_813 = arith.constant 8 : i32
            %mul3A_814 = arith.muli %scan3A_150, %mul3A_813 : i32
            %add3A_815 = arith.constant 0 : i32
            %add3A_816 = arith.addi %mul3A_814, %add3A_815 : i32
            %eq3A = vector.broadcast %add3A_816 : i32 to vector<16xi32>
            %eq3A_817 = arith.cmpi eq, %iota3A, %eq3A : vector<16xi32>
            %add3A_818 = arith.addf %add3A_748, %add3A_749 : vector<16xf32>
            %reduce_sum3A = arith.constant true
            %reduce_sum3A_819 = vector.broadcast %reduce_sum3A : i1 to vector<16xi1>
            %reduce_sum3A_820 = tpu.scan <sum>, %add3A_818 masked %reduce_sum3A_819 : vector<16xf32>, vector<16xi1> -> vector<16xf32>
            %reduce_sum3A_821 = vector.extract %reduce_sum3A_820[15] : f32 from vector<16xf32>
            %broadcast_in_dim3A_822 = vector.broadcast %reduce_sum3A_821 : f32 to vector<16xf32>
            %select_n3A = arith.select %eq3A_817, %broadcast_in_dim3A_822, %scan3A_151 : vector<16xi1>, vector<16xf32>
            %mul3A_823 = arith.constant 8 : i32
            %mul3A_824 = arith.muli %scan3A_150, %mul3A_823 : i32
            %add3A_825 = arith.constant 1 : i32
            %add3A_826 = arith.addi %mul3A_824, %add3A_825 : i32
            %eq3A_827 = vector.broadcast %add3A_826 : i32 to vector<16xi32>
            %eq3A_828 = arith.cmpi eq, %iota3A, %eq3A_827 : vector<16xi32>
            %add3A_829 = arith.addf %add3A_757, %add3A_758 : vector<16xf32>
            %reduce_sum3A_830 = arith.constant true
            %reduce_sum3A_831 = vector.broadcast %reduce_sum3A_830 : i1 to vector<16xi1>
            %reduce_sum3A_832 = tpu.scan <sum>, %add3A_829 masked %reduce_sum3A_831 : vector<16xf32>, vector<16xi1> -> vector<16xf32>
            %reduce_sum3A_833 = vector.extract %reduce_sum3A_832[15] : f32 from vector<16xf32>
            %broadcast_in_dim3A_834 = vector.broadcast %reduce_sum3A_833 : f32 to vector<16xf32>
            %select_n3A_835 = arith.select %eq3A_828, %broadcast_in_dim3A_834, %select_n3A : vector<16xi1>, vector<16xf32>
            %mul3A_836 = arith.constant 8 : i32
            %mul3A_837 = arith.muli %scan3A_150, %mul3A_836 : i32
            %add3A_838 = arith.constant 2 : i32
            %add3A_839 = arith.addi %mul3A_837, %add3A_838 : i32
            %eq3A_840 = vector.broadcast %add3A_839 : i32 to vector<16xi32>
            %eq3A_841 = arith.cmpi eq, %iota3A, %eq3A_840 : vector<16xi32>
            %add3A_842 = arith.addf %add3A_766, %add3A_767 : vector<16xf32>
            %reduce_sum3A_843 = arith.constant true
            %reduce_sum3A_844 = vector.broadcast %reduce_sum3A_843 : i1 to vector<16xi1>
            %reduce_sum3A_845 = tpu.scan <sum>, %add3A_842 masked %reduce_sum3A_844 : vector<16xf32>, vector<16xi1> -> vector<16xf32>
            %reduce_sum3A_846 = vector.extract %reduce_sum3A_845[15] : f32 from vector<16xf32>
            %broadcast_in_dim3A_847 = vector.broadcast %reduce_sum3A_846 : f32 to vector<16xf32>
            %select_n3A_848 = arith.select %eq3A_841, %broadcast_in_dim3A_847, %select_n3A_835 : vector<16xi1>, vector<16xf32>
            %mul3A_849 = arith.constant 8 : i32
            %mul3A_850 = arith.muli %scan3A_150, %mul3A_849 : i32
            %add3A_851 = arith.constant 3 : i32
            %add3A_852 = arith.addi %mul3A_850, %add3A_851 : i32
            %eq3A_853 = vector.broadcast %add3A_852 : i32 to vector<16xi32>
            %eq3A_854 = arith.cmpi eq, %iota3A, %eq3A_853 : vector<16xi32>
            %add3A_855 = arith.addf %add3A_775, %add3A_776 : vector<16xf32>
            %reduce_sum3A_856 = arith.constant true
            %reduce_sum3A_857 = vector.broadcast %reduce_sum3A_856 : i1 to vector<16xi1>
            %reduce_sum3A_858 = tpu.scan <sum>, %add3A_855 masked %reduce_sum3A_857 : vector<16xf32>, vector<16xi1> -> vector<16xf32>
            %reduce_sum3A_859 = vector.extract %reduce_sum3A_858[15] : f32 from vector<16xf32>
            %broadcast_in_dim3A_860 = vector.broadcast %reduce_sum3A_859 : f32 to vector<16xf32>
            %select_n3A_861 = arith.select %eq3A_854, %broadcast_in_dim3A_860, %select_n3A_848 : vector<16xi1>, vector<16xf32>
            %mul3A_862 = arith.constant 8 : i32
            %mul3A_863 = arith.muli %scan3A_150, %mul3A_862 : i32
            %add3A_864 = arith.constant 4 : i32
            %add3A_865 = arith.addi %mul3A_863, %add3A_864 : i32
            %eq3A_866 = vector.broadcast %add3A_865 : i32 to vector<16xi32>
            %eq3A_867 = arith.cmpi eq, %iota3A, %eq3A_866 : vector<16xi32>
            %add3A_868 = arith.addf %add3A_784, %add3A_785 : vector<16xf32>
            %reduce_sum3A_869 = arith.constant true
            %reduce_sum3A_870 = vector.broadcast %reduce_sum3A_869 : i1 to vector<16xi1>
            %reduce_sum3A_871 = tpu.scan <sum>, %add3A_868 masked %reduce_sum3A_870 : vector<16xf32>, vector<16xi1> -> vector<16xf32>
            %reduce_sum3A_872 = vector.extract %reduce_sum3A_871[15] : f32 from vector<16xf32>
            %broadcast_in_dim3A_873 = vector.broadcast %reduce_sum3A_872 : f32 to vector<16xf32>
            %select_n3A_874 = arith.select %eq3A_867, %broadcast_in_dim3A_873, %select_n3A_861 : vector<16xi1>, vector<16xf32>
            %mul3A_875 = arith.constant 8 : i32
            %mul3A_876 = arith.muli %scan3A_150, %mul3A_875 : i32
            %add3A_877 = arith.constant 5 : i32
            %add3A_878 = arith.addi %mul3A_876, %add3A_877 : i32
            %eq3A_879 = vector.broadcast %add3A_878 : i32 to vector<16xi32>
            %eq3A_880 = arith.cmpi eq, %iota3A, %eq3A_879 : vector<16xi32>
            %add3A_881 = arith.addf %add3A_793, %add3A_794 : vector<16xf32>
            %reduce_sum3A_882 = arith.constant true
            %reduce_sum3A_883 = vector.broadcast %reduce_sum3A_882 : i1 to vector<16xi1>
            %reduce_sum3A_884 = tpu.scan <sum>, %add3A_881 masked %reduce_sum3A_883 : vector<16xf32>, vector<16xi1> -> vector<16xf32>
            %reduce_sum3A_885 = vector.extract %reduce_sum3A_884[15] : f32 from vector<16xf32>
            %broadcast_in_dim3A_886 = vector.broadcast %reduce_sum3A_885 : f32 to vector<16xf32>
            %select_n3A_887 = arith.select %eq3A_880, %broadcast_in_dim3A_886, %select_n3A_874 : vector<16xi1>, vector<16xf32>
            %mul3A_888 = arith.constant 8 : i32
            %mul3A_889 = arith.muli %scan3A_150, %mul3A_888 : i32
            %add3A_890 = arith.constant 6 : i32
            %add3A_891 = arith.addi %mul3A_889, %add3A_890 : i32
            %eq3A_892 = vector.broadcast %add3A_891 : i32 to vector<16xi32>
            %eq3A_893 = arith.cmpi eq, %iota3A, %eq3A_892 : vector<16xi32>
            %add3A_894 = arith.addf %add3A_802, %add3A_803 : vector<16xf32>
            %reduce_sum3A_895 = arith.constant true
            %reduce_sum3A_896 = vector.broadcast %reduce_sum3A_895 : i1 to vector<16xi1>
            %reduce_sum3A_897 = tpu.scan <sum>, %add3A_894 masked %reduce_sum3A_896 : vector<16xf32>, vector<16xi1> -> vector<16xf32>
            %reduce_sum3A_898 = vector.extract %reduce_sum3A_897[15] : f32 from vector<16xf32>
            %broadcast_in_dim3A_899 = vector.broadcast %reduce_sum3A_898 : f32 to vector<16xf32>
            %select_n3A_900 = arith.select %eq3A_893, %broadcast_in_dim3A_899, %select_n3A_887 : vector<16xi1>, vector<16xf32>
            %mul3A_901 = arith.constant 8 : i32
            %mul3A_902 = arith.muli %scan3A_150, %mul3A_901 : i32
            %add3A_903 = arith.constant 7 : i32
            %add3A_904 = arith.addi %mul3A_902, %add3A_903 : i32
            %eq3A_905 = vector.broadcast %add3A_904 : i32 to vector<16xi32>
            %eq3A_906 = arith.cmpi eq, %iota3A, %eq3A_905 : vector<16xi32>
            %add3A_907 = arith.addf %add3A_811, %add3A_812 : vector<16xf32>
            %reduce_sum3A_908 = arith.constant true
            %reduce_sum3A_909 = vector.broadcast %reduce_sum3A_908 : i1 to vector<16xi1>
            %reduce_sum3A_910 = tpu.scan <sum>, %add3A_907 masked %reduce_sum3A_909 : vector<16xf32>, vector<16xi1> -> vector<16xf32>
            %reduce_sum3A_911 = vector.extract %reduce_sum3A_910[15] : f32 from vector<16xf32>
            %broadcast_in_dim3A_912 = vector.broadcast %reduce_sum3A_911 : f32 to vector<16xf32>
            %select_n3A_913 = arith.select %eq3A_906, %broadcast_in_dim3A_912, %select_n3A_900 : vector<16xi1>, vector<16xf32>
            scf.yield %select_n3A_913 : vector<16xf32>
          }
          %scan3A_145 = arith.constant 2 : i32
          %mul3A_146 = arith.constant 16 : i32
          %mul3A_147 = arith.muli %scan3A_139, %mul3A_146 : i32
          %swap3A = arith.index_cast %add3A_117 : i32 to index
          %swap3A_148 = arith.index_cast %mul3A_147 : i32 to index
          %swap3A_149 = tpu.vector_load %arg11[%swap3A, %swap3A_148] {strides = array<i32>} : memref<32x64xf32, #tpu.memory_space<vmem>>, vector<16xf32>,
          tpu.vector_store %arg11[%swap3A, %swap3A_148], %scan3A_144 {strides = array<i32>} : memref<32x64xf32, #tpu.memory_space<vmem>>, vector<16xf32>,
        }
        %scan3A_131 = arith.constant 4 : i32
        %add3A_132 = arith.constant 4 : i32
        %add3A_133 = arith.addi %add3A_117, %add3A_132 : i32
        %lt3A_134 = arith.constant 32 : i32
        %lt3A_135 = arith.cmpi slt, %add3A_133, %lt3A_134 : i32
        %convert_element_type3A_136 = arith.extui %lt3A_135 : i1 to i32
        %cond3A_137 = arith.constant 0 : i32
        %cond3A_138 = arith.cmpi ne, %convert_element_type3A_136, %cond3A_137 : i32
        scf.if %cond3A_138 {
          %add3A_139 = arith.constant 4 : i32
          %add3A_140 = arith.addi %add3A_117, %add3A_139 : i32
          %mul3A_141 = arith.constant 64 : i32
          %mul3A_142 = arith.muli %add3A_140, %mul3A_141 : i32
          %dma_start3A_143 = tpu.memref_slice %arg6[%mul3A_142] : memref<2048xi32, #tpu.memory_space<vmem>> -> memref<64xi32, #tpu.memory_space<vmem>>
          %dma_start3A_144 = arith.constant 0 : i32
          %dma_start3A_145 = arith.constant 0 : i32
          %dma_start3A_146 = tpu.memref_slice %arg12[%dma_start3A_144, %dma_start3A_145] : memref<10240x128xi32, #tpu.memory_space<vmem_shared>> -> memref<10240x128xi32, #tpu.memory_space<vmem_shared>>
          tpu.enqueue_indirect_dma source(%dma_start3A_146 : memref<10240x128xi32, #tpu.memory_space<vmem_shared>>) target(%arg10 : memref<64x128xi32, #tpu.memory_space<vmem>>) offsets(%dma_start3A_143 : memref<64xi32, #tpu.memory_space<vmem>>) semaphore(%arg16 : memref<!tpu.dma_semaphore, #tpu.memory_space<semaphore_mem>>)
        } else {
        }
      }
      %scan3A_42 = arith.constant 8 : i32
      "tpu.region"() ({
        %run_scoped3A = tpu.sem_alloc : memref<!tpu.dma_semaphore, #tpu.memory_space<semaphore_mem>>
        %dma_start3A_43 = arith.constant 0 : i32
        %dma_start3A_44 = tpu.memref_slice %arg4[%add3A_15, %dma_start3A_43] : memref<10240x64xf32, #tpu.memory_space<hbm>> -> memref<32x64xf32, #tpu.memory_space<hbm>>
        %dma_start3A_45 = arith.constant 0 : i32
        %dma_start3A_46 = tpu.memref_slice %arg4[%add3A_15, %dma_start3A_45] : memref<10240x64xf32, #tpu.memory_space<hbm>> -> memref<32x64xf32, #tpu.memory_space<hbm>>
        tpu.enqueue_dma source(%arg11 : memref<32x64xf32, #tpu.memory_space<vmem>>) target(%dma_start3A_46 : memref<32x64xf32, #tpu.memory_space<hbm>>) target_semaphore(%run_scoped3A : memref<!tpu.dma_semaphore, #tpu.memory_space<semaphore_mem>>)
        %dma_wait3A = arith.constant 0 : i32
        %dma_wait3A_47 = tpu.memref_slice %arg4[%add3A_15, %dma_wait3A] : memref<10240x64xf32, #tpu.memory_space<hbm>> -> memref<32x64xf32, #tpu.memory_space<hbm>>
        %dma_wait3A_48 = arith.constant 0 : i32
        %dma_wait3A_49 = tpu.memref_slice %arg4[%add3A_15, %dma_wait3A_48] : memref<10240x64xf32, #tpu.memory_space<hbm>> -> memref<32x64xf32, #tpu.memory_space<hbm>>
        tpu.wait_dma2 semaphore(%run_scoped3A : memref<!tpu.dma_semaphore, #tpu.memory_space<semaphore_mem>>) src(%arg11 : memref<32x64xf32, #tpu.memory_space<vmem>>) dst(%dma_wait3A_49 : memref<32x64xf32, #tpu.memory_space<hbm>>)
        tpu.yield
      }) : () -> ()
    }
    %scan3A_11 = arith.constant 10 : i32
    return
  }
}

module attributes {stable_mosaic.version = 14 : i64} {
  func.func @_tc_loss_body(%arg0: i32, %arg1: memref<1024x64xf32, #tpu.memory_space<vmem>>, %arg2: memref<1024x1xf32, #tpu.memory_space<vmem>>, %arg3: memref<1x1xf32, #tpu.memory_space<smem>>, %arg4: memref<2xf32, #tpu.memory_space<smem>>) attributes {dimension_semantics = [#tpu.dimension_semantics<arbitrary>], iteration_bounds = array<i64: 10>, scalar_prefetch = 0 : i64, scratch_operands = 1 : i64, tpu.core_type = #tpu.core_type<tc>, window_params = [{transform_indices = @transform_0, window_bounds = array<i64: 1024, 64>}, {transform_indices = @transform_1, window_bounds = array<i64: 1024, 1>}, {transform_indices = @transform_2, window_bounds = array<i64: 1, 1>}]} {
    %eq3A = arith.constant 0 : i32
    %eq3A_0 = arith.cmpi eq, %arg0, %eq3A : i32
    %convert_element_type3A = arith.extui %eq3A_0 : i1 to i32
    %cond3A = arith.constant 0 : i32
    %cond3A_1 = arith.cmpi ne, %convert_element_type3A, %cond3A : i32
    scf.if %cond3A_1 {
      %swap3A_45 = arith.constant 0.000000e+00 : f32
      %swap3A_46 = arith.constant 0 : index
      %swap3A_47 = memref.load %arg4[%swap3A_46] : memref<2xf32, #tpu.memory_space<smem>>
      memref.store %swap3A_45, %arg4[%swap3A_46] : memref<2xf32, #tpu.memory_space<smem>>
      %swap3A_48 = arith.constant 0.000000e+00 : f32
      %swap3A_49 = arith.constant 1 : index
      %swap3A_50 = memref.load %arg4[%swap3A_49] : memref<2xf32, #tpu.memory_space<smem>>
      memref.store %swap3A_48, %arg4[%swap3A_49] : memref<2xf32, #tpu.memory_space<smem>>
    } else {
    }
    %get3A = arith.constant 0 : index
    %get3A_2 = arith.constant 0 : index
    %get3A_3 = vector.load %arg1[%get3A, %get3A_2] : memref<1024x64xf32, #tpu.memory_space<vmem>>, vector<1024x64xf32>
    %get3A_4 = arith.constant 0 : index
    %get3A_5 = arith.constant 0 : index
    %get3A_6 = vector.load %arg2[%get3A_4, %get3A_5] : memref<1024x1xf32, #tpu.memory_space<vmem>>, vector<1024x1xf32>
    %logistic3A = arith.negf %get3A_3 : vector<1024x64xf32>
    %logistic3A_7 = math.exp %logistic3A : vector<1024x64xf32>
    %logistic3A_8 = arith.constant 1.000000e+00 : f32
    %logistic3A_9 = vector.broadcast %logistic3A_8 : f32 to vector<1024x64xf32>
    %logistic3A_10 = arith.addf %logistic3A_9, %logistic3A_7 : vector<1024x64xf32>
    %logistic3A_11 = arith.divf %logistic3A_9, %logistic3A_10 : vector<1024x64xf32>
    %iota3A = tpu.iota {dimensions = array<i32: 1>} : vector<1024x64xi32>
    %lt3A = arith.constant 32 : i32
    %lt3A_12 = vector.broadcast %lt3A : i32 to vector<1024x64xi32>
    %lt3A_13 = arith.cmpi slt, %iota3A, %lt3A_12 : vector<1024x64xi32>
    %sub3A = arith.constant 1.000000e+00 : f32
    %sub3A_14 = vector.broadcast %sub3A : f32 to vector<1024x64xf32>
    %sub3A_15 = arith.subf %sub3A_14, %logistic3A_11 : vector<1024x64xf32>
    %select_n3A = arith.select %lt3A_13, %logistic3A_11, %sub3A_15 : vector<1024x64xi1>, vector<1024x64xf32>
    %add3A = arith.constant 1.000000e-15 : f32
    %add3A_16 = vector.broadcast %add3A : f32 to vector<1024x64xf32>
    %add3A_17 = arith.addf %select_n3A, %add3A_16 : vector<1024x64xf32>
    %log3A = math.log %add3A_17 : vector<1024x64xf32>
    %neg3A = arith.constant 0.000000e+00 : f32
    %neg3A_18 = vector.broadcast %neg3A : f32 to vector<1024x64xf32>
    %neg3A_19 = arith.subf %neg3A_18, %log3A : vector<1024x64xf32>
    %get3A_20 = arith.constant 0 : index
    %get3A_21 = memref.load %arg4[%get3A_20] : memref<2xf32, #tpu.memory_space<smem>>
    %mul3A = vector.broadcast %get3A_6 : vector<1024x1xf32> to vector<1024x64xf32>
    %mul3A_22 = arith.mulf %neg3A_19, %mul3A : vector<1024x64xf32>
    %reduce_sum3A = vector.shape_cast %mul3A_22 : vector<1024x64xf32> to vector<1x1024x64xf32>
    %reduce_sum3A_23 = arith.constant dense<0.000000e+00> : vector<1xf32>
    %reduce_sum3A_24 = vector.multi_reduction <add>, %reduce_sum3A, %reduce_sum3A_23 [1, 2] : vector<1x1024x64xf32> to vector<1xf32>
    %reduce_sum3A_25 = vector.shape_cast %reduce_sum3A_24 : vector<1xf32> to vector<1x1x1xf32>
    %reduce_sum3A_26 = vector.extract %reduce_sum3A_25[0, 0, 0] : f32 from vector<1x1x1xf32>
    %div3A = arith.constant 3.200000e+01 : f32
    %div3A_27 = arith.divf %reduce_sum3A_26, %div3A : f32
    %add3A_28 = arith.addf %get3A_21, %div3A_27 : f32
    %swap3A = arith.constant 0 : index
    %swap3A_29 = memref.load %arg4[%swap3A] : memref<2xf32, #tpu.memory_space<smem>>
    memref.store %add3A_28, %arg4[%swap3A] : memref<2xf32, #tpu.memory_space<smem>>
    %get3A_30 = arith.constant 1 : index
    %get3A_31 = memref.load %arg4[%get3A_30] : memref<2xf32, #tpu.memory_space<smem>>
    %reduce_sum3A_32 = vector.shape_cast %get3A_6 : vector<1024x1xf32> to vector<1x1024x1xf32>
    %reduce_sum3A_33 = arith.constant dense<0.000000e+00> : vector<1xf32>
    %reduce_sum3A_34 = vector.multi_reduction <add>, %reduce_sum3A_32, %reduce_sum3A_33 [1, 2] : vector<1x1024x1xf32> to vector<1xf32>
    %reduce_sum3A_35 = vector.shape_cast %reduce_sum3A_34 : vector<1xf32> to vector<1x1x1xf32>
    %reduce_sum3A_36 = vector.extract %reduce_sum3A_35[0, 0, 0] : f32 from vector<1x1x1xf32>
    %add3A_37 = arith.addf %get3A_31, %reduce_sum3A_36 : f32
    %swap3A_38 = arith.constant 1 : index
    %swap3A_39 = memref.load %arg4[%swap3A_38] : memref<2xf32, #tpu.memory_space<smem>>
    memref.store %add3A_37, %arg4[%swap3A_38] : memref<2xf32, #tpu.memory_space<smem>>
    %eq3A_40 = arith.constant 9 : i32
    %eq3A_41 = arith.cmpi eq, %arg0, %eq3A_40 : i32
    %convert_element_type3A_42 = arith.extui %eq3A_41 : i1 to i32
    %cond3A_43 = arith.constant 0 : i32
    %cond3A_44 = arith.cmpi ne, %convert_element_type3A_42, %cond3A_43 : i32
    scf.if %cond3A_44 {
      %get3A_45 = arith.constant 0 : index
      %get3A_46 = memref.load %arg4[%get3A_45] : memref<2xf32, #tpu.memory_space<smem>>
      %get3A_47 = arith.constant 1 : index
      %get3A_48 = memref.load %arg4[%get3A_47] : memref<2xf32, #tpu.memory_space<smem>>
      %div3A_49 = arith.divf %get3A_46, %get3A_48 : f32
      %swap3A_50 = arith.constant 0 : index
      %swap3A_51 = arith.constant 0 : index
      %swap3A_52 = memref.load %arg3[%swap3A_50, %swap3A_51] : memref<1x1xf32, #tpu.memory_space<smem>>
      memref.store %div3A_49, %arg3[%swap3A_50, %swap3A_51] : memref<1x1xf32, #tpu.memory_space<smem>>
    } else {
    }
    return
  }
  func.func @transform_0(%arg0: i32) -> (i32, i32) {
    %c0_i32 = arith.constant 0 : i32
    %c0_i32_0 = arith.constant 0 : i32
    return %arg0, %c0_i32 : i32, i32
  }
  func.func @transform_1(%arg0: i32) -> (i32, i32) {
    %c0_i32 = arith.constant 0 : i32
    %c0_i32_0 = arith.constant 0 : i32
    return %arg0, %c0_i32 : i32, i32
  }
  func.func @transform_2(%arg0: i32) -> (i32, i32) {
    %c0_i32 = arith.constant 0 : i32
    %c0_i32_0 = arith.constant 0 : i32
    %c0_i32_1 = arith.constant 0 : i32
    return %c0_i32, %c0_i32_0 : i32, i32
  }
}

</mosaic_0001>

<sc_bundles>
// kernel: kernel.4.cloned.1.call-start
scs
__scs_entry_jumppad:
0x0: {  	(pc) =	sbr.rel $0x88, $3  }
0x1: {  	(tag) =	ssettag $0x0;
	lr =	simm.s32 $0x1  }
0x2: {  	[smem:$0x3F9D] =	sst lr;
	_ =	strace $0xD0000000  }
0x3: {  	_ = 	snop  }
0x4: {  	_ = 	snop  }
0x5: {  	_ = 	snop  }
0x6: {  	_ = 	snop  }
0x7: {  	_ = 	snop  }
__scs_overlays_trampoline_lowered:
0x8: {  	[smem:$0x3FAC] =	sst s0  }
0x9: {  	[smem:$0x3FAD] =	sst s1  }
0xa: {  	[smem:$0x3FAE] =	sst s2  }
0xb: {  	[smem:$0x3FAF] =	sst s3  }
0xc: {  	[smem:$0x3FB0] =	sst s4  }
0xd: {  	[smem:$0x3FB1] =	sst s5  }
0xe: {  	[smem:$0x3FB2] =	sst s6  }
0xf: {  	[smem:$0x3FB3] =	sst s7  }
0x10: {  	[smem:$0x3FB4] =	sst s8  }
0x11: {  	[smem:$0x3FB5] =	sst s9;
	s0 =	simm.s32 @!p0 $0x0  }
0x12: {  	s1 =	sld [smem:$0x3F9B];
	s0 =	simm.s32 @p0 $0x1  }
0x13: {  	[smem:$0x3FB6] =	sst s0;
	s0 =	simm.s32 @!p1 $0x0  }
0x14: {  	s2 =	sld [smem:$0x3F9A];
	s0 =	simm.s32 @p1 $0x1  }
0x15: {  	[smem:$0x3FB7] =	sst s0;
	s0 =	simm.s32 @!p2 $0x0  }
0x16: {  	s3 =	sld [smem:$0x3FDB];
	s0 =	simm.s32 @p2 $0x1  }
0x17: {  	s4 =	simm.s32 $0x1BF5;
	[smem:$0x3FB9] =	sst s0  }
0x18: {  	s0 =	sld [smem:$0x3F9C];
	_ =	swait.ge [sflag:s4], $0x0  }
0x19: {  	s7 =	sld [smem:$0x3F9D]  }
0x1a: {  	s8 =	sadd.s32 $0xFFFFE003, lr  }
0x1b: {  	s9 =	sadd.s32 $0xFFFFFEF7, lr;
	s5 =	simm.s32 $0xFFFFFFFF;
	p2 =	slt.u32 s8, $0xFFFFF086  }
0x1c: {  	p1 =	slt.u32 s9, $0xF7A;
	s5 =	simm.s32 @!p2 $0x0  }
0x1d: {  	s5 =	simm.s32 @p1 $0x1;
	p0 =	seq.s32 s7, s2  }
0x1e: {  	s7 =	smul.u32 @!p0 $0xF7A, s2;
	p2 =	seq.s32 @!p0 s5, $0x0  }
0x1f: {  	s9 =	smul.u32 $0xF7A, s1;
	s8 =	simm.s32 @!p0 $0x1BF5;
	p2 =	por !p2, p0  }
0x20: {  	[sflag:s8] =	ssyncset.s32 @!p0 $0xFFFFF086;
	s6 =	sadd.s32 @!p0 s3, s7;
	s7 =	simm.s32 @!p0 $0x108  }
0x21: {  	s3 =	sadd.s32 s3, s9;
	s6 =	sadd.s32 @!p0 $0x88, s6;
	s7 =	simm.s32 @p2 $0x1082  }
0x22: {  	[simem:s7], [sflag:s8] =	dma.local @!p0 [hbm:s6], $0xF7A  }
0x23: {  	s9 =	sor.u32 $0xD0000000, s2;
	s6 =	simm.s32 $0x108;
	_ =	swait.ge @!p0 [sflag:s8], $0x0  }
0x24: {  	s3 =	sadd.s32 $0x88, s3;
	s6 =	simm.s32 @!p1 $0x1082;
	[sflag:s4] =	ssyncset.s32 $0xFFFFF086  }
0x25: {  	[simem:s6], [sflag:s4] =	dma.local [hbm:s3], $0xF7A  }
0x26: {  	[smem:$0x3F9D] =	sst s1;
	(tag) =	ssettag s2;
	_ =	strace s9  }
0x27: {  	s1 =	sld [smem:$0x3FAD]  }
0x28: {  	s2 =	sld [smem:$0x3FAE]  }
0x29: {  	s4 =	sld [smem:$0x3FB0]  }
0x2a: {  	p0 =	seq.s32 s5, $0x0;
	s5 =	sld [smem:$0x3FB1]  }
0x2b: {  	s6 =	sld [smem:$0x3FB2]  }
0x2c: {  	s7 =	sld [smem:$0x3FB3]  }
0x2d: {  	s3 =	simm.s32 $0x108;
	s8 =	sld [smem:$0x3FB4]  }
0x2e: {  	s3 =	simm.s32 @!p0 $0x1082;
	s9 =	sld [smem:$0x3FB5]  }
0x2f: {  	lr =	sadd.s32 s0, s3;
	s0 =	sld [smem:$0x3FAC]  }
0x30: {  	s3 =	sld [smem:$0x3FAF]  }
0x31: {  	[smem:$0x3FB8] =	sst s10  }
0x32: {  	s10 =	sld [smem:$0x3FB6];
	_ =	sdelay $0x3  }
0x33: {  	p0 =	seq.s32 s10, $0x1;
	s10 =	sld [smem:$0x3FB8];
	_ =	sdelay $0x3  }
0x34: {  	[smem:$0x3FB8] =	sst s10  }
0x35: {  	s10 =	sld [smem:$0x3FB7];
	_ =	sdelay $0x3  }
0x36: {  	p1 =	seq.s32 s10, $0x1;
	s10 =	sld [smem:$0x3FB8];
	_ =	sdelay $0x3  }
0x37: {  	[smem:$0x3FB8] =	sst s10  }
0x38: {  	s10 =	sld [smem:$0x3FB9]  }
0x39: {  	_ = 	snop;
	(pc) =	sbr.ind lr, $3  }
0x3a: {  	_ = 	snop  }
0x3b: {  	_ = 	snop  }
0x3c: {  	p2 =	seq.s32 s10, $0x1;
	s10 =	sld [smem:$0x3FB8]  }
0x3d: {  	_ =	shalt  }
0x3e: {  	_ =	shalt  }
0x3f: {  	_ =	shalt  }
0x40: {  	_ =	shalt  }
0x41: {  	_ =	shalt  }
0x42: {  	_ =	shalt  }
0x43: {  	_ =	shalt  }
0x44: {  	_ =	shalt  }
0x45: {  	_ =	shalt  }
0x46: {  	_ =	shalt  }
0x47: {  	_ =	shalt  }
0x48: {  	_ =	shalt  }
0x49: {  	_ =	shalt  }
0x4a: {  	_ =	shalt  }
0x4b: {  	_ =	shalt  }
0x4c: {  	_ =	shalt  }
0x4d: {  	_ =	shalt  }
0x4e: {  	_ =	shalt  }
0x4f: {  	_ =	shalt  }
0x50: {  	_ =	shalt  }
0x51: {  	_ =	shalt  }
0x52: {  	_ =	shalt  }
0x53: {  	_ =	shalt  }
0x54: {  	_ =	shalt  }
0x55: {  	_ =	shalt  }
0x56: {  	_ =	shalt  }
0x57: {  	_ =	shalt  }
0x58: {  	_ =	shalt  }
0x59: {  	_ =	shalt  }
0x5a: {  	_ =	shalt  }
0x5b: {  	_ =	shalt  }
0x5c: {  	_ =	shalt  }
0x5d: {  	_ =	shalt  }
0x5e: {  	_ =	shalt  }
0x5f: {  	_ =	shalt  }
0x60: {  	_ =	shalt  }
0x61: {  	_ =	shalt  }
0x62: {  	_ =	shalt  }
0x63: {  	_ =	shalt  }
0x64: {  	_ =	shalt  }
0x65: {  	_ =	shalt  }
0x66: {  	_ =	shalt  }
0x67: {  	_ =	shalt  }
0x68: {  	_ =	shalt  }
0x69: {  	_ =	shalt  }
0x6a: {  	_ =	shalt  }
0x6b: {  	_ =	shalt  }
0x6c: {  	_ =	shalt  }
0x6d: {  	_ =	shalt  }
0x6e: {  	_ =	shalt  }
0x6f: {  	_ =	shalt  }
0x70: {  	_ =	shalt  }
0x71: {  	_ =	shalt  }
0x72: {  	_ =	shalt  }
0x73: {  	_ =	shalt  }
0x74: {  	_ =	shalt  }
0x75: {  	_ =	shalt  }
0x76: {  	_ =	shalt  }
0x77: {  	_ =	shalt  }
0x78: {  	_ =	shalt  }
0x79: {  	_ =	shalt  }
0x7a: {  	_ =	shalt  }
0x7b: {  	_ =	shalt  }
0x7c: {  	_ =	shalt  }
0x7d: {  	_ =	shalt  }
0x7e: {  	_ =	shalt  }
0x7f: {  	_ =	shalt  }
0x80: {  	_ =	shalt  }
0x81: {  	_ =	shalt  }
0x82: {  	_ =	shalt  }
0x83: {  	_ =	shalt  }
0x84: {  	_ =	shalt  }
0x85: {  	_ =	shalt  }
0x86: {  	_ =	shalt  }
0x87: {  	_ =	shalt  }
.Lfunc_end0:
.L_simem_size_0:
called_computation_lowered:
.L_overlay_start_0:
0x88: {  	s2 =	sld [smem:$0x3FD9]  }
0x89: {  	s3 =	sld [smem:$0x3FFE];
	_ =	sdelay $0x1  }
0x8a: {  	s1 =	srdreg.scid  }
0x8b: {  	s0 =	sand.u32 $0x1, s1  }
0x8c: {  	s16 =	sshll.u32 s0, $0xA;
	s2 =	sadd.s32 s3, s2  }
0x8d: {  	s2 =	sadd.s32 s2, s16  }
0x8e: {  	[smem:$0x3FC4] =	sst s2  }
0x8f: {  	_ = 	snop  }
0x90: {  	(tm) =	ssettm $0x1  }
0x91: {  	s17 =	sld [smem:$0x3FFB];
	_ =	sdelay $0x3  }
0x92: {  	_ =	strace s17  }
0x93: {  	s2 =	sld [smem:$0x3FFC];
	_ =	sdelay $0x3  }
0x94: {  	_ =	strace s2  }
0x95: {  	s2 =	sld [smem:$0x3FFD];
	_ =	sdelay $0x3  }
0x96: {  	_ =	strace s2  }
0x97: {  	_ =	strace $0x8FFFFFFF  }
0x98: {  	s18 =	sld [smem:$0x3FDB];
	_ =	sdelay $0x1  }
0x99: {  	s19 =	simm.s32 $_scs_section_size  }
0x9a: {  	s4 =	simm.s32 $_size__tile_overlayer_lowered;
	s5 =	simm.s32 $_tile_overlayer_lowered  }
0x9b: {  	s22 =	simm.s32 $0x1BFF;
	s21 =	sshll.u32 s5, $0x1;
	s2 =	sadd.s32 s19, s18  }
0x9c: {  	s6 =	simm.s32 $0x0;
	s20 =	sshll.u32 s4, $0x1;
	s4 =	sadd.s32 s21, s2  }
0x9d: {  	[timem:s6], [sflag:s22] =	dma.local [hbm:s4], s20  }
0x9e: {  	_ =	swait.ge [sflag:s22], s20  }
0x9f: {  	s3 =	ssub.s32 $0x0, s20;
	[sflag:s22] =	ssyncset.done $0x0  }
0xa0: {  	[sflag:s22] =	ssyncadd.s32 s3;
	_ =	sdelay $0x1  }
0xa1: {  	s23 =	simm.s32 $0x1B8B  }
0xa2: {  	_ =	swait.ge [sflag:s23], $0x1  }
0xa3: {  	[sflag:s23] =	ssyncset.done $0x0  }
0xa4: {  	s25 =	simm.s32 $0x1B8E;
	s24 =	sld [smem:$0x3FFE];
	[sflag:s23] =	ssyncadd.s32 $0xFFFFFFFF  }
0xa5: {  	s26 =	simm.s32 $execute0_lowered;
	[smem:$0x3FD2] =	sst s25  }
0xa6: {  	s4 =	sshll.u32 s26, $0x1;
	_ =	strace $0x80000046;
	[dreg:$0x1] =	wrdreg $0xFFFFFFFF  }
0xa7: {  	s28 =	simm.s32 $_size_execute0_lowered;
	s2 =	sadd.s32 s2, s4;
	[dreg:$0x0] =	wrdreg $0x0  }
0xa8: {  	s4 =	sshll.u32 s28, $0x1;
	[dreg:$0x2] =	wrdreg s2  }
0xa9: {  	[dreg:$0x3] =	wrdreg s4  }
0xaa: {  	[dreg:$0x4] =	wrdreg $0xC0  }
0xab: {  	_ =	task [dreg:s6], $0x5FFFF  }
0xac: {  	[dreg:$0x1] =	wrdreg $0xFFFFFFFF  }
0xad: {  	[dreg:$0x0] =	wrdreg $0x60  }
0xae: {  	[dreg:$0x2] =	wrdreg s24  }
0xaf: {  	[dreg:$0x3] =	wrdreg $0xA0000  }
0xb0: {  	[dreg:$0x4] =	wrdreg $0x9  }
0xb1: {  	_ =	task.clear_ibuf [dreg:s6], $0x5FFFF;
	_ =	strace $0x90000046  }
0xb2: {  	s29 =	simm.s32 $0x9;
	_ =	strace $0x80000048  }
0xb3: {  	_ =	swait.ge [sflag:s29], $0x1  }
0xb4: {  	[sflag:s29] =	ssyncadd.s32 $0xFFFFFFFF  }
0xb5: {  	_ =	strace $0x90000048  }
0xb6: {  	_ =	sfence  }
0xb7: {  	s30 =	sld [smem:$0x0];
	_ =	sdelay $0x2  }
0xb8: {  	s31 =	sshll.u32 s1, $0xD;
	s1 =	sshrl.u32 s1, $0x2  }
0xb9: {  	s3 =	sand.u32 $0x4000, s31;
	s1 =	sadd.s32 s1, s30  }
0xba: {  	s0 =	sor.u32 s3, s0;
	s1 =	sshll.u32 s1, $0x11  }
0xbb: {  	s0 =	sor.u32 s1, s0  }
0xbc: {  	s0 =	sadd.s32 $0x8F2B, s0  }
0xbd: {  	[sflag:s0] =	ssyncadd.remote.s32 $0x1  }
0xbe: {  	_ =	sfence.sel $0xFFFF  }
0xbf: {  	[dreg:$0x0] =	wrdreg $0xFFFFFFFF;
	(pc) =	sbr.abs _section_cstart, $3  }
0xc0: {  	[dreg:$0x1] =	wrdreg $0xFFFFFFFF  }
0xc1: {  	_ =	task.clear_ibuf [dreg:s6], $0x2FFFF;
	_ =	strace $0x9FFFFFFF  }
0xc2: {  	(tm) =	ssettm $0x7FFFFFFF  }
0xc3: {  	_ =	shalt  }
tec
execute0_lowered:
.L_overlay_start_1:
0x0: {  	(tag) =	ssettag $0x1  }
0x1: {  	s0 =	rddreg [dreg:$0x0]  }
0x2: {  	s1 =	rddreg [dreg:$0x1];
	s2 =	simm.s32 $0x0;
	s3 =	srdreg.scid  }
0x3: {  	s23 =	stileid.u32;
	s12 =	simm.s32 $0x5;
	s13 =	simm.s32 $0x1000  }
0x4: {  	s14 =	simm.s32 $0x40;
	s15 =	simm.s32 $0x1800;
	s16 =	simm.s32 $0x1040  }
0x5: {  	s17 =	simm.s32 $0x3800;
	s18 =	simm.s32 $0x1080;
	s19 =	simm.s32 $0x5800  }
0x6: {  	s20 =	simm.s32 $0x10C0;
	s21 =	simm.s32 $0x7800;
	s22 =	simm.s32 $0x1  }
0x7: {  	[smem:$0x7FF] =	sst s2;
	s4 =	sadd.s32 $0x600, s0;
	s3 =	sand.u32 $0x1, s3  }
0x8: {  	s5 =	sadd.s32 $0x28600, s0;
	s9 =	sshll.u32 s23, $0x1;
	s10 =	smul.u32 $0x14000, s23  }
0x9: {  	s6 =	sadd.s32 $0x3C600, s0;
	s26 =	sshll.u32 s23, $0x6;
	s23 =	simm.s32 $0x2  }
0xa: {  	s2 =	simm.s32 $0x0;
	_ =	strace $0x80000047;
	s7 =	ssub.s32 $0x2, s3  }
0xb: {  	s3 =	sor.u32 s3, s9;
	s30 =	sor.u32 $0x1C05, s26;
	s26 =	simm.s32 $0x9800  }
.Ltmp0:
0xc: {  	s8 =	sshrl.u32 s7, $0x1;
	s25 =	sshrl.u32 s10, $0x3;
	(pc) =	sbr.rel .LBB2_1-.Ltmp0, $4  }
0xd: {  	s28 =	sadd.s32 s10, s1;
	[dreg:$0x4] =	wrdreg s30;
	s29 =	sadd.s32 s4, s25  }
0xe: {  	s24 =	ssub.s32 s7, s8;
	s31 =	sshrl.u32 s28, $0x3;
	[dreg:$0x3] =	wrdreg s29  }
0xf: {  	s7 =	smul.u32 $0x140, s3;
	s0 =	smax.u32 s24, $0x1;
	[dreg:$0x6] =	wrdreg s31  }
0x10: {  	v0 =	vlaneseq.u32;
	s25 =	simm.s32 $0x4;
	s24 =	simm.s32 $0x3;
	[dreg:$0x5] =	wrdreg s0  }
.LBB2_22:
0x11: {  	s2 =	rddreg [dreg:$0x7]  }
0x12: {  	s0 =	rddreg [dreg:$0x5];
	s2 =	sadd.s32 $0x1, s2  }
0x13: {  	p0 =	sne.s32 s2, s0  }
.Ltmp1:
0x14: {  	_ = 	snop;
	(pc) =	sbr.rel @!p0 .LBB2_23-.Ltmp1, $1  }
0x15: {  	_ =	sdelay $0x3  }
.LBB2_1:
0x16: {  	[dreg:$0x7] =	wrdreg s2  }
0x17: {  	s0 =	rddreg [dreg:$0x3]  }
0x18: {  	s31 =	rddreg [dreg:$0x4]  }
0x19: {  	s3 =	rddreg [dreg:$0x6]  }
0x1a: {  	[spmem:s3], [sflag:s31] =	dma.local [hbm:s0], $0x2800  }
.Ltmp2:
0x1b: {  	_ =	swait.ge [sflag:s12], $0x2800;
	(pc) =	sbr.rel .LBB2_2-.Ltmp2, $4  }
0x1c: {  	[sflag:s12] =	ssyncset.done $0x0  }
0x1d: {  	[sflag:s12] =	ssyncadd.s32 $0xFFFFD800  }
0x1e: {  	[bflag:$0x0] =	sbarrier.arrive $0xFFFF  }
0x1f: {  	s29 =	simm.s32 $0x0  }
.LBB2_21:
0x20: {  	s29 =	sadd.s32 $0x1, s29  }
0x21: {  	p0 =	sne.s32 s29, $0xA  }
.Ltmp3:
0x22: {  	s0 =	sadd.s32 s6, s31;
	s2 =	simm.s32 $0x0;
	(pc) =	sbr.rel @!p0 .LBB2_22-.Ltmp3, $4  }
0x23: {  	[hbm4b:s0+s2] =	stream.linear.scatter [tilespmem:s26], [sflag:$0x5], $0x800, $0x38;
	[tilespmem:$0x1E000] =	vst v63  }
0x24: {  	_ =	swait.ge [sflag:s12], $0x800  }
0x25: {  	[sflag:s12] =	ssyncset.done $0x0  }
0x26: {  	[sflag:s12] =	ssyncadd.s32 $0xFFFFF800  }
.LBB2_2:
0x27: {  	s0 =	sshll.u32 s29, $0x5  }
0x28: {  	s0 =	sadd.s32 s7, s0  }
0x29: {  	s3 =	sshll.u32 s0, $0x4  }
0x2a: {  	s30 =	simm.s32 $0x0;
	s3 =	sadd.s32 s4, s3  }
0x2b: {  	[tilespmem:s30], [sflag:$0x5] =	stream.linear.gather [hbm4b:s3+s30], $0x1000, $0x38;
	[tilespmem:$0x1E000] =	vst v63  }
0x2c: {  	_ =	swait.ge [sflag:s12], $0x1000  }
0x2d: {  	s31 =	sshll.u32 s0, $0x3;
	[sflag:s12] =	ssyncset.done $0x0  }
0x2e: {  	s0 =	sadd.s32 s5, s31;
	[sflag:s12] =	ssyncadd.s32 $0xFFFFF000  }
0x2f: {  	[tilespmem:s13], [sflag:$0x5] =	stream.linear.gather [hbm4b:s0+s30], $0x800, $0x38;
	[tilespmem:$0x1E000] =	vst v63  }
0x30: {  	_ =	swait.ge [sflag:s12], $0x800  }
0x31: {  	[sflag:s12] =	ssyncset.done $0x0  }
0x32: {  	[sflag:s12] =	ssyncadd.s32 $0xFFFFF800  }
0x33: {  	[tilespmem:s15], [sflag:$0x1] =	stream.indirect.gather [spmem:s1], $0x80, s13, s14, $0xb8;
	[tilespmem:$0x1E000] =	vst v63  }
0x34: {  	_ = 	snop  }
0x35: {  	[tilespmem:s17], [sflag:$0x2] =	stream.indirect.gather [spmem:s1], $0x80, s16, s14, $0xb8;
	[tilespmem:$0x1E000] =	vst v63  }
0x36: {  	_ = 	snop  }
0x37: {  	[tilespmem:s19], [sflag:$0x3] =	stream.indirect.gather [spmem:s1], $0x80, s18, s14, $0xb8;
	[tilespmem:$0x1E000] =	vst v63  }
0x38: {  	_ = 	snop  }
0x39: {  	[tilespmem:s21], [sflag:$0x4] =	stream.indirect.gather [spmem:s1], $0x80, s20, s14, $0xb8;
	[tilespmem:$0x1E000] =	vst v63  }
.LBB2_3:
0x3a: {  	s8 =	sshll.u32 s30, $0xA  }
0x3b: {  	_ =	swait.ge [sflag:s22], $0x2000;
	s0 =	sshrl.u32 s8, $0x2  }
0x3c: {  	s3 =	sshll.u32 s30, $0x9;
	[sflag:s22] =	ssyncset.done $0x0;
	s9 =	sadd.s32 $0x9800, s0  }
0x3d: {  	s3 =	sand.u32 $0x3FFFFE00, s3;
	[sflag:s22] =	ssyncadd.s32 $0xFFFFE000;
	v1 =	vmov s9;
	s9 =	simm.s32 $0x0  }
.LBB2_4:
0x3e: {  	s10 =	sshll.u32 s9, $0xB  }
0x3f: {  	s10 =	sand.u32 $0x3FFFF800, s10  }
0x40: {  	s11 =	sadd.s32 $0x1800, s10  }
0x41: {  	v3 =	vmov s11;
	_ =	sdelay $0x1  }
0x42: {  	v2 =	vld [tilespmem:s3+$0x0];
	p0 =	por $0x1, $0x1;
	v4 =	vimm.f32 $0.0e+00;
	s10 =	simm.s32 $0x0  }
.LBB2_5:
0x43: {  	s11 =	sshll.u32 s10, $0xA  }
0x44: {  	v18 =	vld [tilespmem:s3+$0x10];
	s11 =	sand.u32 $0x3FFFFC00, s11  }
0x45: {  	v5 =	vld.idx.msk [tilespmem:v3+s11+$0x0 ss:$0x1], $0xffff  }
0x46: {  	v6 =	vld.idx.msk [tilespmem:v3+s11+$0x80 ss:$0x1], $0xffff  }
0x47: {  	v7 =	vld.idx.msk [tilespmem:v3+s11+$0x100 ss:$0x1], $0xffff  }
0x48: {  	v8 =	vld.idx.msk [tilespmem:v3+s11+$0x180 ss:$0x1], $0xffff  }
0x49: {  	v10 =	vld.idx.msk [tilespmem:v3+s11+$0x200 ss:$0x1], $0xffff  }
0x4a: {  	v12 =	vld.idx.msk [tilespmem:v3+s11+$0x280 ss:$0x1], $0xffff  }
0x4b: {  	v14 =	vld.idx.msk [tilespmem:v3+s11+$0x300 ss:$0x1], $0xffff  }
0x4c: {  	v16 =	vld.idx.msk [tilespmem:v3+s11+$0x380 ss:$0x1], $0xffff  }
0x4d: {  	v19 =	vld.idx.msk [tilespmem:v3+s11+$0x10 ss:$0x1], $0xffff  }
0x4e: {  	v21 =	vld.idx.msk [tilespmem:v3+s11+$0x90 ss:$0x1], $0xffff  }
0x4f: {  	v23 =	vld.idx.msk [tilespmem:v3+s11+$0x110 ss:$0x1], $0xffff  }
0x50: {  	v25 =	vld.idx.msk [tilespmem:v3+s11+$0x190 ss:$0x1], $0xffff;
	v5 =	vmul.bf16 v5, v2;
	v6 =	vmul.bf16 v6, v2  }
0x51: {  	v7 =	vmul.bf16 v7, v2;
	v8 =	vmul.bf16 v8, v2  }
0x52: {  	v10 =	vmul.bf16 v10, v2;
	v12 =	vmul.bf16 v12, v2  }
0x53: {  	v14 =	vmul.bf16 v14, v2;
	v16 =	vmul.bf16 v16, v2  }
0x54: {  	v19 =	vmul.bf16 v19, v18;
	v21 =	vmul.bf16 v21, v18  }
0x55: {  	v23 =	vmul.bf16 v23, v18;
	v25 =	vmul.bf16 v25, v18  }
0x56: {  	v9 =	vunpack.i.u.bf16.f32 v5;
	v5 =	vunpack.i.l.bf16.f32 v5;
	v11 =	vunpack.i.u.bf16.f32 v6  }
0x57: {  	v6 =	vunpack.i.l.bf16.f32 v6;
	v13 =	vunpack.i.u.bf16.f32 v7;
	v7 =	vunpack.i.l.bf16.f32 v7  }
0x58: {  	v15 =	vunpack.i.u.bf16.f32 v8;
	v8 =	vunpack.i.l.bf16.f32 v8;
	v17 =	vunpack.i.u.bf16.f32 v10  }
0x59: {  	v10 =	vunpack.i.l.bf16.f32 v10;
	v20 =	vunpack.i.u.bf16.f32 v12;
	v12 =	vunpack.i.l.bf16.f32 v12  }
0x5a: {  	v22 =	vunpack.i.u.bf16.f32 v14;
	v14 =	vunpack.i.l.bf16.f32 v14;
	v5 =	vadd.f32 $0.0e+00, v5  }
0x5b: {  	v24 =	vunpack.i.u.bf16.f32 v16;
	v9 =	vadd.f32 $0.0e+00, v9;
	v6 =	vadd.f32 $0.0e+00, v6  }
0x5c: {  	v16 =	vunpack.i.l.bf16.f32 v16;
	v11 =	vadd.f32 $0.0e+00, v11;
	v7 =	vadd.f32 $0.0e+00, v7  }
0x5d: {  	v26 =	vunpack.i.u.bf16.f32 v19;
	v13 =	vadd.f32 $0.0e+00, v13;
	v8 =	vadd.f32 $0.0e+00, v8  }
0x5e: {  	v19 =	vunpack.i.l.bf16.f32 v19;
	v15 =	vadd.f32 $0.0e+00, v15;
	v10 =	vadd.f32 $0.0e+00, v10  }
0x5f: {  	v54 =	vld.idx.msk [tilespmem:v3+s11+$0x210 ss:$0x1], $0xffff;
	v55 =	vunpack.i.u.bf16.f32 v21;
	v17 =	vadd.f32 $0.0e+00, v17;
	v12 =	vadd.f32 $0.0e+00, v12  }
0x60: {  	v56 =	vld.idx.msk [tilespmem:v3+s11+$0x290 ss:$0x1], $0xffff;
	v21 =	vunpack.i.l.bf16.f32 v21;
	v20 =	vadd.f32 $0.0e+00, v20;
	v14 =	vadd.f32 $0.0e+00, v14  }
0x61: {  	v58 =	vld.idx.msk [tilespmem:v3+s11+$0x310 ss:$0x1], $0xffff;
	v57 =	vunpack.i.u.bf16.f32 v23;
	v22 =	vadd.f32 $0.0e+00, v22;
	v16 =	vadd.f32 $0.0e+00, v16  }
0x62: {  	v60 =	vld.idx.msk [tilespmem:v3+s11+$0x390 ss:$0x1], $0xffff;
	v23 =	vunpack.i.l.bf16.f32 v23;
	v24 =	vadd.f32 $0.0e+00, v24;
	v5 =	vadd.f32 v19, v5  }
0x63: {  	v59 =	vunpack.i.u.bf16.f32 v25;
	v9 =	vadd.f32 v26, v9;
	v6 =	vadd.f32 v21, v6  }
0x64: {  	v27 =	vld [tilespmem:s3+$0x20];
	v25 =	vunpack.i.l.bf16.f32 v25;
	v11 =	vadd.f32 v55, v11;
	v7 =	vadd.f32 v23, v7  }
0x65: {  	v62 =	vld.idx.msk [tilespmem:v3+s11+$0x20 ss:$0x1], $0xffff;
	v13 =	vadd.f32 v57, v13;
	v19 =	vmul.bf16 v54, v18;
	v8 =	vadd.f32 v25, v8  }
0x66: {  	v28 =	vld.idx.msk [tilespmem:v3+s11+$0xA0 ss:$0x1], $0xffff;
	v15 =	vadd.f32 v59, v15;
	v21 =	vmul.bf16 v56, v18;
	v23 =	vmul.bf16 v58, v18  }
0x67: {  	v30 =	vld.idx.msk [tilespmem:v3+s11+$0x120 ss:$0x1], $0xffff;
	v18 =	vmul.bf16 v60, v18;
	v61 =	vunpack.i.u.bf16.f32 v19;
	v19 =	vunpack.i.l.bf16.f32 v19  }
0x68: {  	v32 =	vld.idx.msk [tilespmem:v3+s11+$0x1A0 ss:$0x1], $0xffff;
	v63 =	vunpack.i.u.bf16.f32 v21;
	v21 =	vunpack.i.l.bf16.f32 v21;
	v29 =	vunpack.i.u.bf16.f32 v23  }
0x69: {  	v23 =	vunpack.i.l.bf16.f32 v23;
	v10 =	vadd.f32 v19, v10;
	v17 =	vadd.f32 v61, v17  }
0x6a: {  	v25 =	vunpack.i.u.bf16.f32 v18;
	v12 =	vadd.f32 v21, v12;
	v20 =	vadd.f32 v63, v20  }
0x6b: {  	v18 =	vunpack.i.l.bf16.f32 v18;
	v14 =	vadd.f32 v23, v14;
	v22 =	vadd.f32 v29, v22  }
0x6c: {  	v34 =	vld.idx.msk [tilespmem:v3+s11+$0x220 ss:$0x1], $0xffff;
	v19 =	vmul.bf16 v62, v27;
	v16 =	vadd.f32 v18, v16;
	v21 =	vmul.bf16 v28, v27  }
0x6d: {  	v36 =	vld.idx.msk [tilespmem:v3+s11+$0x2A0 ss:$0x1], $0xffff;
	v31 =	vadd.f32 v25, v24;
	v23 =	vmul.bf16 v30, v27;
	v24 =	vmul.bf16 v32, v27  }
0x6e: {  	v38 =	vld.idx.msk [tilespmem:v3+s11+$0x320 ss:$0x1], $0xffff;
	v33 =	vunpack.i.u.bf16.f32 v19;
	v19 =	vunpack.i.l.bf16.f32 v19;
	v35 =	vunpack.i.u.bf16.f32 v21  }
0x6f: {  	v40 =	vld.idx.msk [tilespmem:v3+s11+$0x3A0 ss:$0x1], $0xffff;
	v21 =	vunpack.i.l.bf16.f32 v21;
	v37 =	vunpack.i.u.bf16.f32 v23;
	v23 =	vunpack.i.l.bf16.f32 v23  }
0x70: {  	v39 =	vunpack.i.u.bf16.f32 v24;
	v5 =	vadd.f32 v19, v5;
	v9 =	vadd.f32 v33, v9  }
0x71: {  	v24 =	vunpack.i.l.bf16.f32 v24;
	v6 =	vadd.f32 v21, v6;
	v11 =	vadd.f32 v35, v11  }
0x72: {  	v42 =	vld [tilespmem:s3+$0x30];
	v7 =	vadd.f32 v23, v7;
	v13 =	vadd.f32 v37, v13;
	v19 =	vmul.bf16 v34, v27  }
0x73: {  	v43 =	vld.idx.msk [tilespmem:v3+s11+$0x30 ss:$0x1], $0xffff;
	v8 =	vadd.f32 v24, v8;
	v15 =	vadd.f32 v39, v15;
	v21 =	vmul.bf16 v36, v27  }
0x74: {  	v45 =	vld.idx.msk [tilespmem:v3+s11+$0xB0 ss:$0x1], $0xffff;
	v23 =	vmul.bf16 v38, v27;
	v24 =	vmul.bf16 v40, v27;
	v41 =	vunpack.i.u.bf16.f32 v19  }
0x75: {  	v47 =	vld.idx.msk [tilespmem:v3+s11+$0x130 ss:$0x1], $0xffff;
	v19 =	vunpack.i.l.bf16.f32 v19;
	v44 =	vunpack.i.u.bf16.f32 v21;
	v21 =	vunpack.i.l.bf16.f32 v21  }
0x76: {  	v49 =	vld.idx.msk [tilespmem:v3+s11+$0x1B0 ss:$0x1], $0xffff;
	v46 =	vunpack.i.u.bf16.f32 v23;
	v23 =	vunpack.i.l.bf16.f32 v23;
	v10 =	vadd.f32 v19, v10  }
0x77: {  	v48 =	vunpack.i.u.bf16.f32 v24;
	v17 =	vadd.f32 v41, v17;
	v12 =	vadd.f32 v21, v12  }
0x78: {  	v24 =	vunpack.i.l.bf16.f32 v24;
	v20 =	vadd.f32 v44, v20;
	v14 =	vadd.f32 v23, v14  }
0x79: {  	v51 =	vld.idx.msk [tilespmem:v3+s11+$0x230 ss:$0x1], $0xffff;
	v22 =	vadd.f32 v46, v22;
	v19 =	vmul.bf16 v43, v42;
	v16 =	vadd.f32 v24, v16  }
0x7a: {  	v53 =	vld.idx.msk [tilespmem:v3+s11+$0x2B0 ss:$0x1], $0xffff;
	v18 =	vadd.f32 v48, v31;
	v21 =	vmul.bf16 v45, v42;
	v23 =	vmul.bf16 v47, v42  }
0x7b: {  	v55 =	vld.idx.msk [tilespmem:v3+s11+$0x330 ss:$0x1], $0xffff;
	v24 =	vmul.bf16 v49, v42;
	v50 =	vunpack.i.u.bf16.f32 v19;
	v19 =	vunpack.i.l.bf16.f32 v19  }
0x7c: {  	v57 =	vld.idx.msk [tilespmem:v3+s11+$0x3B0 ss:$0x1], $0xffff;
	v52 =	vunpack.i.u.bf16.f32 v21;
	v21 =	vunpack.i.l.bf16.f32 v21;
	v54 =	vunpack.i.u.bf16.f32 v23  }
0x7d: {  	v23 =	vunpack.i.l.bf16.f32 v23;
	v5 =	vadd.f32 v19, v5;
	v9 =	vadd.f32 v50, v9  }
0x7e: {  	v56 =	vunpack.i.u.bf16.f32 v24;
	v6 =	vadd.f32 v21, v6;
	v11 =	vadd.f32 v52, v11  }
0x7f: {  	v59 =	vld [tilespmem:s3+$0x40];
	v24 =	vunpack.i.l.bf16.f32 v24;
	v7 =	vadd.f32 v23, v7;
	v13 =	vadd.f32 v54, v13  }
0x80: {  	v60 =	vld.idx.msk [tilespmem:v3+s11+$0x40 ss:$0x1], $0xffff;
	v19 =	vmul.bf16 v51, v42;
	v8 =	vadd.f32 v24, v8;
	v21 =	vmul.bf16 v53, v42  }
0x81: {  	v62 =	vld.idx.msk [tilespmem:v3+s11+$0xC0 ss:$0x1], $0xffff;
	v15 =	vadd.f32 v56, v15;
	v23 =	vmul.bf16 v55, v42;
	v24 =	vmul.bf16 v57, v42  }
0x82: {  	v28 =	vld.idx.msk [tilespmem:v3+s11+$0x140 ss:$0x1], $0xffff;
	v58 =	vunpack.i.u.bf16.f32 v19;
	v19 =	vunpack.i.l.bf16.f32 v19;
	v61 =	vunpack.i.u.bf16.f32 v21  }
0x83: {  	v30 =	vld.idx.msk [tilespmem:v3+s11+$0x1C0 ss:$0x1], $0xffff;
	v21 =	vunpack.i.l.bf16.f32 v21;
	v63 =	vunpack.i.u.bf16.f32 v23;
	v23 =	vunpack.i.l.bf16.f32 v23  }
0x84: {  	v29 =	vunpack.i.u.bf16.f32 v24;
	v10 =	vadd.f32 v19, v10;
	v17 =	vadd.f32 v58, v17  }
0x85: {  	v24 =	vunpack.i.l.bf16.f32 v24;
	v12 =	vadd.f32 v21, v12;
	v20 =	vadd.f32 v61, v20  }
0x86: {  	v14 =	vadd.f32 v23, v14;
	v22 =	vadd.f32 v63, v22;
	v19 =	vmul.bf16 v60, v59  }
0x87: {  	v32 =	vld.idx.msk [tilespmem:v3+s11+$0x240 ss:$0x1], $0xffff;
	v16 =	vadd.f32 v24, v16;
	v18 =	vadd.f32 v29, v18;
	v21 =	vmul.bf16 v62, v59  }
0x88: {  	v34 =	vld.idx.msk [tilespmem:v3+s11+$0x2C0 ss:$0x1], $0xffff;
	v23 =	vmul.bf16 v28, v59;
	v24 =	vmul.bf16 v30, v59;
	v31 =	vunpack.i.u.bf16.f32 v19  }
0x89: {  	v36 =	vld.idx.msk [tilespmem:v3+s11+$0x340 ss:$0x1], $0xffff;
	v19 =	vunpack.i.l.bf16.f32 v19;
	v33 =	vunpack.i.u.bf16.f32 v21;
	v21 =	vunpack.i.l.bf16.f32 v21  }
0x8a: {  	v38 =	vld.idx.msk [tilespmem:v3+s11+$0x3C0 ss:$0x1], $0xffff;
	v35 =	vunpack.i.u.bf16.f32 v23;
	v23 =	vunpack.i.l.bf16.f32 v23;
	v5 =	vadd.f32 v19, v5  }
0x8b: {  	v37 =	vunpack.i.u.bf16.f32 v24;
	v9 =	vadd.f32 v31, v9;
	v6 =	vadd.f32 v21, v6  }
0x8c: {  	v40 =	vld [tilespmem:s3+$0x50];
	v24 =	vunpack.i.l.bf16.f32 v24;
	v11 =	vadd.f32 v33, v11;
	v7 =	vadd.f32 v23, v7  }
0x8d: {  	v41 =	vld.idx.msk [tilespmem:v3+s11+$0x50 ss:$0x1], $0xffff;
	v13 =	vadd.f32 v35, v13;
	v19 =	vmul.bf16 v32, v59;
	v8 =	vadd.f32 v24, v8  }
0x8e: {  	v43 =	vld.idx.msk [tilespmem:v3+s11+$0xD0 ss:$0x1], $0xffff;
	v15 =	vadd.f32 v37, v15;
	v21 =	vmul.bf16 v34, v59;
	v23 =	vmul.bf16 v36, v59  }
0x8f: {  	v45 =	vld.idx.msk [tilespmem:v3+s11+$0x150 ss:$0x1], $0xffff;
	v24 =	vmul.bf16 v38, v59;
	v39 =	vunpack.i.u.bf16.f32 v19;
	v19 =	vunpack.i.l.bf16.f32 v19  }
0x90: {  	v47 =	vld.idx.msk [tilespmem:v3+s11+$0x1D0 ss:$0x1], $0xffff;
	v42 =	vunpack.i.u.bf16.f32 v21;
	v21 =	vunpack.i.l.bf16.f32 v21;
	v44 =	vunpack.i.u.bf16.f32 v23  }
0x91: {  	v23 =	vunpack.i.l.bf16.f32 v23;
	v10 =	vadd.f32 v19, v10;
	v17 =	vadd.f32 v39, v17  }
0x92: {  	v46 =	vunpack.i.u.bf16.f32 v24;
	v12 =	vadd.f32 v21, v12;
	v20 =	vadd.f32 v42, v20  }
0x93: {  	v24 =	vunpack.i.l.bf16.f32 v24;
	v14 =	vadd.f32 v23, v14;
	v22 =	vadd.f32 v44, v22  }
0x94: {  	v49 =	vld.idx.msk [tilespmem:v3+s11+$0x250 ss:$0x1], $0xffff;
	v19 =	vmul.bf16 v41, v40;
	v16 =	vadd.f32 v24, v16;
	v21 =	vmul.bf16 v43, v40  }
0x95: {  	v51 =	vld.idx.msk [tilespmem:v3+s11+$0x2D0 ss:$0x1], $0xffff;
	v18 =	vadd.f32 v46, v18;
	v23 =	vmul.bf16 v45, v40;
	v24 =	vmul.bf16 v47, v40  }
0x96: {  	v53 =	vld.idx.msk [tilespmem:v3+s11+$0x350 ss:$0x1], $0xffff;
	v48 =	vunpack.i.u.bf16.f32 v19;
	v19 =	vunpack.i.l.bf16.f32 v19;
	v50 =	vunpack.i.u.bf16.f32 v21  }
0x97: {  	v55 =	vld.idx.msk [tilespmem:v3+s11+$0x3D0 ss:$0x1], $0xffff;
	v21 =	vunpack.i.l.bf16.f32 v21;
	v52 =	vunpack.i.u.bf16.f32 v23;
	v23 =	vunpack.i.l.bf16.f32 v23  }
0x98: {  	v54 =	vunpack.i.u.bf16.f32 v24;
	v5 =	vadd.f32 v19, v5;
	v9 =	vadd.f32 v48, v9  }
0x99: {  	v24 =	vunpack.i.l.bf16.f32 v24;
	v6 =	vadd.f32 v21, v6;
	v11 =	vadd.f32 v50, v11  }
0x9a: {  	v57 =	vld [tilespmem:s3+$0x60];
	v7 =	vadd.f32 v23, v7;
	v13 =	vadd.f32 v52, v13;
	v19 =	vmul.bf16 v49, v40  }
0x9b: {  	v58 =	vld.idx.msk [tilespmem:v3+s11+$0x60 ss:$0x1], $0xffff;
	v8 =	vadd.f32 v24, v8;
	v15 =	vadd.f32 v54, v15;
	v21 =	vmul.bf16 v51, v40  }
0x9c: {  	v60 =	vld.idx.msk [tilespmem:v3+s11+$0xE0 ss:$0x1], $0xffff;
	v23 =	vmul.bf16 v53, v40;
	v24 =	vmul.bf16 v55, v40;
	v56 =	vunpack.i.u.bf16.f32 v19  }
0x9d: {  	v62 =	vld.idx.msk [tilespmem:v3+s11+$0x160 ss:$0x1], $0xffff;
	v19 =	vunpack.i.l.bf16.f32 v19;
	v59 =	vunpack.i.u.bf16.f32 v21;
	v21 =	vunpack.i.l.bf16.f32 v21  }
0x9e: {  	v28 =	vld.idx.msk [tilespmem:v3+s11+$0x1E0 ss:$0x1], $0xffff;
	v61 =	vunpack.i.u.bf16.f32 v23;
	v23 =	vunpack.i.l.bf16.f32 v23;
	v10 =	vadd.f32 v19, v10  }
0x9f: {  	v63 =	vunpack.i.u.bf16.f32 v24;
	v17 =	vadd.f32 v56, v17;
	v12 =	vadd.f32 v21, v12  }
0xa0: {  	v30 =	vld.idx.msk [tilespmem:v3+s11+$0x260 ss:$0x1], $0xffff;
	v24 =	vunpack.i.l.bf16.f32 v24;
	v20 =	vadd.f32 v59, v20;
	v14 =	vadd.f32 v23, v14  }
0xa1: {  	v32 =	vld.idx.msk [tilespmem:v3+s11+$0x2E0 ss:$0x1], $0xffff;
	v22 =	vadd.f32 v61, v22;
	v19 =	vmul.bf16 v58, v57;
	v16 =	vadd.f32 v24, v16  }
0xa2: {  	v34 =	vld.idx.msk [tilespmem:v3+s11+$0x360 ss:$0x1], $0xffff;
	v18 =	vadd.f32 v63, v18;
	v21 =	vmul.bf16 v60, v57;
	v23 =	vmul.bf16 v62, v57  }
0xa3: {  	v36 =	vld.idx.msk [tilespmem:v3+s11+$0x3E0 ss:$0x1], $0xffff;
	v24 =	vmul.bf16 v28, v57;
	v29 =	vunpack.i.u.bf16.f32 v19;
	v19 =	vunpack.i.l.bf16.f32 v19  }
0xa4: {  	v38 =	vld [tilespmem:s3+$0x70];
	v31 =	vunpack.i.u.bf16.f32 v21;
	v21 =	vunpack.i.l.bf16.f32 v21;
	v33 =	vunpack.i.u.bf16.f32 v23  }
0xa5: {  	v51 =	vld.idx.msk [tilespmem:v3+s11+$0x370 ss:$0x1], $0xffff;
	v23 =	vunpack.i.l.bf16.f32 v23;
	v5 =	vadd.f32 v19, v5;
	v9 =	vadd.f32 v29, v9  }
0xa6: {  	v35 =	vunpack.i.u.bf16.f32 v24;
	v6 =	vadd.f32 v21, v6;
	v11 =	vadd.f32 v31, v11  }
0xa7: {  	v24 =	vunpack.i.l.bf16.f32 v24;
	v7 =	vadd.f32 v23, v7;
	v13 =	vadd.f32 v33, v13  }
0xa8: {  	v19 =	vmul.bf16 v30, v57;
	v8 =	vadd.f32 v24, v8;
	v21 =	vmul.bf16 v32, v57  }
0xa9: {  	v39 =	vld.idx.msk [tilespmem:v3+s11+$0x70 ss:$0x1], $0xffff;
	v15 =	vadd.f32 v35, v15;
	v23 =	vmul.bf16 v34, v57;
	v24 =	vmul.bf16 v36, v57  }
0xaa: {  	v41 =	vld.idx.msk [tilespmem:v3+s11+$0xF0 ss:$0x1], $0xffff;
	v57 =	vmul.bf16 v51, v38;
	v37 =	vunpack.i.u.bf16.f32 v19;
	v19 =	vunpack.i.l.bf16.f32 v19  }
0xab: {  	v43 =	vld.idx.msk [tilespmem:v3+s11+$0x170 ss:$0x1], $0xffff;
	v40 =	vunpack.i.u.bf16.f32 v21;
	v21 =	vunpack.i.l.bf16.f32 v21;
	v42 =	vunpack.i.u.bf16.f32 v23  }
0xac: {  	v45 =	vld.idx.msk [tilespmem:v3+s11+$0x1F0 ss:$0x1], $0xffff;
	v23 =	vunpack.i.l.bf16.f32 v23;
	v44 =	vunpack.i.u.bf16.f32 v24;
	v10 =	vadd.f32 v19, v10  }
0xad: {  	v24 =	vunpack.i.l.bf16.f32 v24;
	v17 =	vadd.f32 v37, v17;
	v12 =	vadd.f32 v21, v12  }
0xae: {  	v58 =	vunpack.i.u.bf16.f32 v57;
	v20 =	vadd.f32 v40, v20;
	v14 =	vadd.f32 v23, v14  }
0xaf: {  	v22 =	vadd.f32 v42, v22;
	v19 =	vmul.bf16 v39, v38;
	v16 =	vadd.f32 v24, v16  }
0xb0: {  	v47 =	vld.idx.msk [tilespmem:v3+s11+$0x270 ss:$0x1], $0xffff;
	v18 =	vadd.f32 v44, v18;
	v21 =	vmul.bf16 v41, v38;
	v23 =	vmul.bf16 v43, v38  }
0xb1: {  	v49 =	vld.idx.msk [tilespmem:v3+s11+$0x2F0 ss:$0x1], $0xffff;
	v24 =	vmul.bf16 v45, v38;
	v46 =	vunpack.i.u.bf16.f32 v19;
	v19 =	vunpack.i.l.bf16.f32 v19  }
0xb2: {  	v48 =	vunpack.i.u.bf16.f32 v21;
	v21 =	vunpack.i.l.bf16.f32 v21;
	v50 =	vunpack.i.u.bf16.f32 v23  }
0xb3: {  	v23 =	vunpack.i.l.bf16.f32 v23;
	v52 =	vunpack.i.u.bf16.f32 v24;
	v5 =	vadd.f32 v19, v5  }
0xb4: {  	v54 =	vld.idx.msk [tilespmem:v3+s11+$0x3F0 ss:$0x1], $0xffff;
	v24 =	vunpack.i.l.bf16.f32 v24;
	v9 =	vadd.f32 v46, v9;
	v6 =	vadd.f32 v21, v6  }
0xb5: {  	v11 =	vadd.f32 v48, v11;
	v7 =	vadd.f32 v23, v7;
	v19 =	vmul.bf16 v47, v38  }
0xb6: {  	v13 =	vadd.f32 v50, v13;
	v8 =	vadd.f32 v24, v8;
	v21 =	vmul.bf16 v49, v38  }
0xb7: {  	v15 =	vadd.f32 v52, v15;
	v53 =	vunpack.i.l.bf16.f32 v19;
	v5 =	vadd.f32 v5, v9  }
0xb8: {  	v6 =	vadd.f32 v6, v11;
	v55 =	vunpack.i.u.bf16.f32 v19;
	v56 =	vunpack.i.l.bf16.f32 v21  }
0xb9: {  	v8 =	vadd.f32 v8, v15;
	v9 =	vmul.bf16 v54, v38;
	v10 =	vadd.f32 v53, v10;
	(xrf2) =	vadd.scan.msk.f32 $0xffff, v5  }
0xba: {  	v11 =	vadd.f32 v55, v17;
	v5 =	vunpack.i.u.bf16.f32 v21;
	(xrf2) =	vadd.scan.msk.f32 $0xffff, v6;
	v6 =	vadd.f32 v7, v13  }
0xbb: {  	v12 =	vadd.f32 v56, v12;
	v5 =	vadd.f32 v5, v20;
	v7 =	vunpack.i.l.bf16.f32 v57  }
0xbc: {  	v60 =	vunpack.i.u.bf16.f32 v9;
	v59 =	vadd.f32 v10, v11;
	v7 =	vadd.f32 v7, v14;
	(xrf2) =	vadd.scan.msk.f32 $0xffff, v6  }
0xbd: {  	v9 =	vunpack.i.l.bf16.f32 v9;
	v6 =	vadd.f32 v58, v22;
	v5 =	vadd.f32 v12, v5;
	(xrf2) =	vadd.scan.msk.f32 $0xffff, v8  }
0xbe: {  	v9 =	vadd.f32 v9, v16;
	v10 =	vadd.f32 v60, v18;
	(xrf2) =	vadd.scan.msk.f32 $0xffff, v59  }
0xbf: {  	(xrf2) =	vadd.scan.msk.f32 $0xffff, v5;
	v5 =	vadd.f32 v7, v6  }
0xc0: {  	v6 =	vadd.f32 v9, v10;
	_ =	sdelay $0x2  }
0xc1: {  	s11 =	sshll.u32 s10, $0x3;
	(xrf2) =	vadd.scan.msk.f32 $0xffff, v5;
	v5, _, _ =	vpop (xrf2)  }
0xc2: {  	s28 =	sor.u32 $0x1, s11;
	v7 =	vmov s11;
	(xrf2) =	vadd.scan.msk.f32 $0xffff, v6;
	v6, _, _ =	vpop (xrf2);
	v5 =	vbroadcast v5, $0xF  }
0xc3: {  	vm0 =	veq.s32 v7, v0;
	v7 =	vmov s28;
	v6 =	vbroadcast v6, $0xF  }
0xc4: {  	s2 =	sor.u32 $0x2, s11;
	vm9 =	veq.s32 v7, v0;
	v4 =	vsel vm0, v5, v4  }
0xc5: {  	v61, _, _ =	vpop (xrf2);
	v4 =	vsel vm9, v6, v4;
	v6 =	vmov s2;
	s2 =	sor.u32 $0x3, s11  }
0xc6: {  	v7 =	vbroadcast v61, $0xF;
	v5, _, _ =	vpop (xrf2);
	vm10 =	veq.s32 v6, v0;
	v6 =	vmov s2  }
0xc7: {  	v5 =	vbroadcast v5, $0xF;
	v62, _, _ =	vpop (xrf2)  }
0xc8: {  	s2 =	sor.u32 $0x4, s11;
	v4 =	vsel vm10, v7, v4;
	vm11 =	veq.s32 v6, v0;
	v7 =	vbroadcast v62, $0xF  }
0xc9: {  	v6, _, _ =	vpop (xrf2);
	v4 =	vsel vm11, v5, v4;
	v5 =	vmov s2;
	s2 =	sor.u32 $0x5, s11  }
0xca: {  	p1 =	por p0, p0;
	vm12 =	veq.s32 v5, v0;
	v5 =	vmov s2;
	v6 =	vbroadcast v6, $0xF  }
.Ltmp4:
0xcb: {  	s11 =	sor.u32 $0x6, s11;
	v63, _, _ =	vpop (xrf2);
	v4 =	vsel vm12, v7, v4;
	vm13 =	veq.s32 v5, v0;
	(pc) =	sbr.rel @p1 .LBB2_5-.Ltmp4, $4  }
0xcc: {  	s28 =	sshllo.u32 s10, $0x3;
	v5 =	vmov s11;
	v4 =	vsel vm13, v6, v4;
	v6 =	vbroadcast v63, $0xF;
	v7, _, _ =	vpop (xrf2)  }
0xcd: {  	vm14 =	veq.s32 v5, v0;
	v5 =	vmov s28;
	v7 =	vbroadcast v7, $0xF  }
0xce: {  	vm15 =	veq.s32 v5, v0;
	v4 =	vsel vm14, v6, v4  }
0xcf: {  	p0 =	por $0x0, $0x0;
	s10 =	simm.s32 $0x1;
	v4 =	vsel vm15, v7, v4  }
0xd0: {  	s10 =	sshll.u32 s9, $0x4;
	s9 =	sadd.s32 $0x1, s9  }
0xd1: {  	p0 =	sne.s32 s9, $0x4  }
.Ltmp5:
0xd2: {  	_ = 	snop;
	(pc) =	sbr.rel @p0 .LBB2_4-.Ltmp5, $3  }
0xd3: {  	_ =	sdelay $0x1  }
0xd4: {  	s10 =	sand.u32 $0x3FFFFFF0, s10  }
0xd5: {  	[tilespmem:v1+s10+$0x0 ss:$0x1] =	vst.idx.msk $0xffff, v4  }
0xd6: {  	p0 =	seq.s32 s30, $0x7  }
0xd7: {  	s3 =	sshll.u32 s30, $0x2;
	s8 =	sshrl.u32 @!p0 s8, $0x2;
	s10 =	simm.s32 @!p0 $0x40  }
0xd8: {  	s11 =	simm.s32 @!p0 $0x1800;
	s2 =	sor.u32 $0x1, s3;
	s9 =	sadd.s32 @!p0 $0x1100, s8  }
0xd9: {  	[tilespmem:s11], [sflag:$0x1] =	stream.indirect.gather @!p0 [spmem:s1], $0x80, s9, s10, $0xb8;
	[tilespmem:$0x1E000] =	vst v63  }
0xda: {  	s11 =	sshll.u32 s2, $0x6  }
0xdb: {  	_ =	swait.ge [sflag:s23], $0x2000;
	s10 =	sand.u32 $0x3FFFFFC0, s11  }
0xdc: {  	s9 =	sshll.u32 s2, $0x7;
	[sflag:s23] =	ssyncset.done $0x0;
	s28 =	sadd.s32 $0x9800, s10  }
0xdd: {  	s9 =	sand.u32 $0x3FFFFF80, s9;
	s10 =	simm.s32 $0x0;
	[sflag:s23] =	ssyncadd.s32 $0xFFFFE000;
	v1 =	vmov s28  }
.LBB2_8:
0xde: {  	s11 =	sshll.u32 s10, $0xB  }
0xdf: {  	s11 =	sand.u32 $0x3FFFF800, s11  }
0xe0: {  	s11 =	sadd.s32 $0x3800, s11  }
0xe1: {  	v3 =	vmov s11;
	_ =	sdelay $0x1  }
0xe2: {  	v2 =	vld [tilespmem:s9+$0x0];
	p1 =	por $0x1, $0x1;
	v4 =	vimm.f32 $0.0e+00;
	s11 =	simm.s32 $0x0  }
.LBB2_9:
0xe3: {  	s28 =	sshll.u32 s11, $0xA  }
0xe4: {  	v18 =	vld [tilespmem:s9+$0x10];
	s28 =	sand.u32 $0x3FFFFC00, s28  }
0xe5: {  	v5 =	vld.idx.msk [tilespmem:v3+s28+$0x0 ss:$0x1], $0xffff  }
0xe6: {  	v6 =	vld.idx.msk [tilespmem:v3+s28+$0x80 ss:$0x1], $0xffff  }
0xe7: {  	v7 =	vld.idx.msk [tilespmem:v3+s28+$0x100 ss:$0x1], $0xffff  }
0xe8: {  	v8 =	vld.idx.msk [tilespmem:v3+s28+$0x180 ss:$0x1], $0xffff  }
0xe9: {  	v10 =	vld.idx.msk [tilespmem:v3+s28+$0x200 ss:$0x1], $0xffff  }
0xea: {  	v12 =	vld.idx.msk [tilespmem:v3+s28+$0x280 ss:$0x1], $0xffff  }
0xeb: {  	v14 =	vld.idx.msk [tilespmem:v3+s28+$0x300 ss:$0x1], $0xffff  }
0xec: {  	v16 =	vld.idx.msk [tilespmem:v3+s28+$0x380 ss:$0x1], $0xffff  }
0xed: {  	v19 =	vld.idx.msk [tilespmem:v3+s28+$0x10 ss:$0x1], $0xffff  }
0xee: {  	v21 =	vld.idx.msk [tilespmem:v3+s28+$0x90 ss:$0x1], $0xffff  }
0xef: {  	v23 =	vld.idx.msk [tilespmem:v3+s28+$0x110 ss:$0x1], $0xffff  }
0xf0: {  	v25 =	vld.idx.msk [tilespmem:v3+s28+$0x190 ss:$0x1], $0xffff;
	v5 =	vmul.bf16 v5, v2;
	v6 =	vmul.bf16 v6, v2  }
0xf1: {  	v7 =	vmul.bf16 v7, v2;
	v8 =	vmul.bf16 v8, v2  }
0xf2: {  	v10 =	vmul.bf16 v10, v2;
	v12 =	vmul.bf16 v12, v2  }
0xf3: {  	v14 =	vmul.bf16 v14, v2;
	v16 =	vmul.bf16 v16, v2  }
0xf4: {  	v19 =	vmul.bf16 v19, v18;
	v21 =	vmul.bf16 v21, v18  }
0xf5: {  	v23 =	vmul.bf16 v23, v18;
	v25 =	vmul.bf16 v25, v18  }
0xf6: {  	v9 =	vunpack.i.u.bf16.f32 v5;
	v5 =	vunpack.i.l.bf16.f32 v5;
	v11 =	vunpack.i.u.bf16.f32 v6  }
0xf7: {  	v6 =	vunpack.i.l.bf16.f32 v6;
	v13 =	vunpack.i.u.bf16.f32 v7;
	v7 =	vunpack.i.l.bf16.f32 v7  }
0xf8: {  	v15 =	vunpack.i.u.bf16.f32 v8;
	v8 =	vunpack.i.l.bf16.f32 v8;
	v17 =	vunpack.i.u.bf16.f32 v10  }
0xf9: {  	v10 =	vunpack.i.l.bf16.f32 v10;
	v20 =	vunpack.i.u.bf16.f32 v12;
	v12 =	vunpack.i.l.bf16.f32 v12  }
0xfa: {  	v22 =	vunpack.i.u.bf16.f32 v14;
	v14 =	vunpack.i.l.bf16.f32 v14;
	v5 =	vadd.f32 $0.0e+00, v5  }
0xfb: {  	v24 =	vunpack.i.u.bf16.f32 v16;
	v9 =	vadd.f32 $0.0e+00, v9;
	v6 =	vadd.f32 $0.0e+00, v6  }
0xfc: {  	v16 =	vunpack.i.l.bf16.f32 v16;
	v11 =	vadd.f32 $0.0e+00, v11;
	v7 =	vadd.f32 $0.0e+00, v7  }
0xfd: {  	v26 =	vunpack.i.u.bf16.f32 v19;
	v13 =	vadd.f32 $0.0e+00, v13;
	v8 =	vadd.f32 $0.0e+00, v8  }
0xfe: {  	v19 =	vunpack.i.l.bf16.f32 v19;
	v15 =	vadd.f32 $0.0e+00, v15;
	v10 =	vadd.f32 $0.0e+00, v10  }
0xff: {  	v54 =	vld.idx.msk [tilespmem:v3+s28+$0x210 ss:$0x1], $0xffff;
	v55 =	vunpack.i.u.bf16.f32 v21;
	v17 =	vadd.f32 $0.0e+00, v17;
	v12 =	vadd.f32 $0.0e+00, v12  }
0x100: {  	v56 =	vld.idx.msk [tilespmem:v3+s28+$0x290 ss:$0x1], $0xffff;
	v21 =	vunpack.i.l.bf16.f32 v21;
	v20 =	vadd.f32 $0.0e+00, v20;
	v14 =	vadd.f32 $0.0e+00, v14  }
0x101: {  	v58 =	vld.idx.msk [tilespmem:v3+s28+$0x310 ss:$0x1], $0xffff;
	v57 =	vunpack.i.u.bf16.f32 v23;
	v22 =	vadd.f32 $0.0e+00, v22;
	v16 =	vadd.f32 $0.0e+00, v16  }
0x102: {  	v60 =	vld.idx.msk [tilespmem:v3+s28+$0x390 ss:$0x1], $0xffff;
	v23 =	vunpack.i.l.bf16.f32 v23;
	v24 =	vadd.f32 $0.0e+00, v24;
	v5 =	vadd.f32 v19, v5  }
0x103: {  	v59 =	vunpack.i.u.bf16.f32 v25;
	v9 =	vadd.f32 v26, v9;
	v6 =	vadd.f32 v21, v6  }
0x104: {  	v27 =	vld [tilespmem:s9+$0x20];
	v25 =	vunpack.i.l.bf16.f32 v25;
	v11 =	vadd.f32 v55, v11;
	v7 =	vadd.f32 v23, v7  }
0x105: {  	v62 =	vld.idx.msk [tilespmem:v3+s28+$0x20 ss:$0x1], $0xffff;
	v13 =	vadd.f32 v57, v13;
	v19 =	vmul.bf16 v54, v18;
	v8 =	vadd.f32 v25, v8  }
0x106: {  	v28 =	vld.idx.msk [tilespmem:v3+s28+$0xA0 ss:$0x1], $0xffff;
	v15 =	vadd.f32 v59, v15;
	v21 =	vmul.bf16 v56, v18;
	v23 =	vmul.bf16 v58, v18  }
0x107: {  	v30 =	vld.idx.msk [tilespmem:v3+s28+$0x120 ss:$0x1], $0xffff;
	v18 =	vmul.bf16 v60, v18;
	v61 =	vunpack.i.u.bf16.f32 v19;
	v19 =	vunpack.i.l.bf16.f32 v19  }
0x108: {  	v32 =	vld.idx.msk [tilespmem:v3+s28+$0x1A0 ss:$0x1], $0xffff;
	v63 =	vunpack.i.u.bf16.f32 v21;
	v21 =	vunpack.i.l.bf16.f32 v21;
	v29 =	vunpack.i.u.bf16.f32 v23  }
0x109: {  	v23 =	vunpack.i.l.bf16.f32 v23;
	v10 =	vadd.f32 v19, v10;
	v17 =	vadd.f32 v61, v17  }
0x10a: {  	v25 =	vunpack.i.u.bf16.f32 v18;
	v12 =	vadd.f32 v21, v12;
	v20 =	vadd.f32 v63, v20  }
0x10b: {  	v18 =	vunpack.i.l.bf16.f32 v18;
	v14 =	vadd.f32 v23, v14;
	v22 =	vadd.f32 v29, v22  }
0x10c: {  	v34 =	vld.idx.msk [tilespmem:v3+s28+$0x220 ss:$0x1], $0xffff;
	v19 =	vmul.bf16 v62, v27;
	v16 =	vadd.f32 v18, v16;
	v21 =	vmul.bf16 v28, v27  }
0x10d: {  	v36 =	vld.idx.msk [tilespmem:v3+s28+$0x2A0 ss:$0x1], $0xffff;
	v31 =	vadd.f32 v25, v24;
	v23 =	vmul.bf16 v30, v27;
	v24 =	vmul.bf16 v32, v27  }
0x10e: {  	v38 =	vld.idx.msk [tilespmem:v3+s28+$0x320 ss:$0x1], $0xffff;
	v33 =	vunpack.i.u.bf16.f32 v19;
	v19 =	vunpack.i.l.bf16.f32 v19;
	v35 =	vunpack.i.u.bf16.f32 v21  }
0x10f: {  	v40 =	vld.idx.msk [tilespmem:v3+s28+$0x3A0 ss:$0x1], $0xffff;
	v21 =	vunpack.i.l.bf16.f32 v21;
	v37 =	vunpack.i.u.bf16.f32 v23;
	v23 =	vunpack.i.l.bf16.f32 v23  }
0x110: {  	v39 =	vunpack.i.u.bf16.f32 v24;
	v5 =	vadd.f32 v19, v5;
	v9 =	vadd.f32 v33, v9  }
0x111: {  	v24 =	vunpack.i.l.bf16.f32 v24;
	v6 =	vadd.f32 v21, v6;
	v11 =	vadd.f32 v35, v11  }
0x112: {  	v42 =	vld [tilespmem:s9+$0x30];
	v7 =	vadd.f32 v23, v7;
	v13 =	vadd.f32 v37, v13;
	v19 =	vmul.bf16 v34, v27  }
0x113: {  	v43 =	vld.idx.msk [tilespmem:v3+s28+$0x30 ss:$0x1], $0xffff;
	v8 =	vadd.f32 v24, v8;
	v15 =	vadd.f32 v39, v15;
	v21 =	vmul.bf16 v36, v27  }
0x114: {  	v45 =	vld.idx.msk [tilespmem:v3+s28+$0xB0 ss:$0x1], $0xffff;
	v23 =	vmul.bf16 v38, v27;
	v24 =	vmul.bf16 v40, v27;
	v41 =	vunpack.i.u.bf16.f32 v19  }
0x115: {  	v47 =	vld.idx.msk [tilespmem:v3+s28+$0x130 ss:$0x1], $0xffff;
	v19 =	vunpack.i.l.bf16.f32 v19;
	v44 =	vunpack.i.u.bf16.f32 v21;
	v21 =	vunpack.i.l.bf16.f32 v21  }
0x116: {  	v49 =	vld.idx.msk [tilespmem:v3+s28+$0x1B0 ss:$0x1], $0xffff;
	v46 =	vunpack.i.u.bf16.f32 v23;
	v23 =	vunpack.i.l.bf16.f32 v23;
	v10 =	vadd.f32 v19, v10  }
0x117: {  	v48 =	vunpack.i.u.bf16.f32 v24;
	v17 =	vadd.f32 v41, v17;
	v12 =	vadd.f32 v21, v12  }
0x118: {  	v24 =	vunpack.i.l.bf16.f32 v24;
	v20 =	vadd.f32 v44, v20;
	v14 =	vadd.f32 v23, v14  }
0x119: {  	v51 =	vld.idx.msk [tilespmem:v3+s28+$0x230 ss:$0x1], $0xffff;
	v22 =	vadd.f32 v46, v22;
	v19 =	vmul.bf16 v43, v42;
	v16 =	vadd.f32 v24, v16  }
0x11a: {  	v53 =	vld.idx.msk [tilespmem:v3+s28+$0x2B0 ss:$0x1], $0xffff;
	v18 =	vadd.f32 v48, v31;
	v21 =	vmul.bf16 v45, v42;
	v23 =	vmul.bf16 v47, v42  }
0x11b: {  	v55 =	vld.idx.msk [tilespmem:v3+s28+$0x330 ss:$0x1], $0xffff;
	v24 =	vmul.bf16 v49, v42;
	v50 =	vunpack.i.u.bf16.f32 v19;
	v19 =	vunpack.i.l.bf16.f32 v19  }
0x11c: {  	v57 =	vld.idx.msk [tilespmem:v3+s28+$0x3B0 ss:$0x1], $0xffff;
	v52 =	vunpack.i.u.bf16.f32 v21;
	v21 =	vunpack.i.l.bf16.f32 v21;
	v54 =	vunpack.i.u.bf16.f32 v23  }
0x11d: {  	v23 =	vunpack.i.l.bf16.f32 v23;
	v5 =	vadd.f32 v19, v5;
	v9 =	vadd.f32 v50, v9  }
0x11e: {  	v56 =	vunpack.i.u.bf16.f32 v24;
	v6 =	vadd.f32 v21, v6;
	v11 =	vadd.f32 v52, v11  }
0x11f: {  	v59 =	vld [tilespmem:s9+$0x40];
	v24 =	vunpack.i.l.bf16.f32 v24;
	v7 =	vadd.f32 v23, v7;
	v13 =	vadd.f32 v54, v13  }
0x120: {  	v60 =	vld.idx.msk [tilespmem:v3+s28+$0x40 ss:$0x1], $0xffff;
	v19 =	vmul.bf16 v51, v42;
	v8 =	vadd.f32 v24, v8;
	v21 =	vmul.bf16 v53, v42  }
0x121: {  	v62 =	vld.idx.msk [tilespmem:v3+s28+$0xC0 ss:$0x1], $0xffff;
	v15 =	vadd.f32 v56, v15;
	v23 =	vmul.bf16 v55, v42;
	v24 =	vmul.bf16 v57, v42  }
0x122: {  	v28 =	vld.idx.msk [tilespmem:v3+s28+$0x140 ss:$0x1], $0xffff;
	v58 =	vunpack.i.u.bf16.f32 v19;
	v19 =	vunpack.i.l.bf16.f32 v19;
	v61 =	vunpack.i.u.bf16.f32 v21  }
0x123: {  	v30 =	vld.idx.msk [tilespmem:v3+s28+$0x1C0 ss:$0x1], $0xffff;
	v21 =	vunpack.i.l.bf16.f32 v21;
	v63 =	vunpack.i.u.bf16.f32 v23;
	v23 =	vunpack.i.l.bf16.f32 v23  }
0x124: {  	v29 =	vunpack.i.u.bf16.f32 v24;
	v10 =	vadd.f32 v19, v10;
	v17 =	vadd.f32 v58, v17  }
0x125: {  	v24 =	vunpack.i.l.bf16.f32 v24;
	v12 =	vadd.f32 v21, v12;
	v20 =	vadd.f32 v61, v20  }
0x126: {  	v14 =	vadd.f32 v23, v14;
	v22 =	vadd.f32 v63, v22;
	v19 =	vmul.bf16 v60, v59  }
0x127: {  	v32 =	vld.idx.msk [tilespmem:v3+s28+$0x240 ss:$0x1], $0xffff;
	v16 =	vadd.f32 v24, v16;
	v18 =	vadd.f32 v29, v18;
	v21 =	vmul.bf16 v62, v59  }
0x128: {  	v34 =	vld.idx.msk [tilespmem:v3+s28+$0x2C0 ss:$0x1], $0xffff;
	v23 =	vmul.bf16 v28, v59;
	v24 =	vmul.bf16 v30, v59;
	v31 =	vunpack.i.u.bf16.f32 v19  }
0x129: {  	v36 =	vld.idx.msk [tilespmem:v3+s28+$0x340 ss:$0x1], $0xffff;
	v19 =	vunpack.i.l.bf16.f32 v19;
	v33 =	vunpack.i.u.bf16.f32 v21;
	v21 =	vunpack.i.l.bf16.f32 v21  }
0x12a: {  	v38 =	vld.idx.msk [tilespmem:v3+s28+$0x3C0 ss:$0x1], $0xffff;
	v35 =	vunpack.i.u.bf16.f32 v23;
	v23 =	vunpack.i.l.bf16.f32 v23;
	v5 =	vadd.f32 v19, v5  }
0x12b: {  	v37 =	vunpack.i.u.bf16.f32 v24;
	v9 =	vadd.f32 v31, v9;
	v6 =	vadd.f32 v21, v6  }
0x12c: {  	v40 =	vld [tilespmem:s9+$0x50];
	v24 =	vunpack.i.l.bf16.f32 v24;
	v11 =	vadd.f32 v33, v11;
	v7 =	vadd.f32 v23, v7  }
0x12d: {  	v41 =	vld.idx.msk [tilespmem:v3+s28+$0x50 ss:$0x1], $0xffff;
	v13 =	vadd.f32 v35, v13;
	v19 =	vmul.bf16 v32, v59;
	v8 =	vadd.f32 v24, v8  }
0x12e: {  	v43 =	vld.idx.msk [tilespmem:v3+s28+$0xD0 ss:$0x1], $0xffff;
	v15 =	vadd.f32 v37, v15;
	v21 =	vmul.bf16 v34, v59;
	v23 =	vmul.bf16 v36, v59  }
0x12f: {  	v45 =	vld.idx.msk [tilespmem:v3+s28+$0x150 ss:$0x1], $0xffff;
	v24 =	vmul.bf16 v38, v59;
	v39 =	vunpack.i.u.bf16.f32 v19;
	v19 =	vunpack.i.l.bf16.f32 v19  }
0x130: {  	v47 =	vld.idx.msk [tilespmem:v3+s28+$0x1D0 ss:$0x1], $0xffff;
	v42 =	vunpack.i.u.bf16.f32 v21;
	v21 =	vunpack.i.l.bf16.f32 v21;
	v44 =	vunpack.i.u.bf16.f32 v23  }
0x131: {  	v23 =	vunpack.i.l.bf16.f32 v23;
	v10 =	vadd.f32 v19, v10;
	v17 =	vadd.f32 v39, v17  }
0x132: {  	v46 =	vunpack.i.u.bf16.f32 v24;
	v12 =	vadd.f32 v21, v12;
	v20 =	vadd.f32 v42, v20  }
0x133: {  	v24 =	vunpack.i.l.bf16.f32 v24;
	v14 =	vadd.f32 v23, v14;
	v22 =	vadd.f32 v44, v22  }
0x134: {  	v49 =	vld.idx.msk [tilespmem:v3+s28+$0x250 ss:$0x1], $0xffff;
	v19 =	vmul.bf16 v41, v40;
	v16 =	vadd.f32 v24, v16;
	v21 =	vmul.bf16 v43, v40  }
0x135: {  	v51 =	vld.idx.msk [tilespmem:v3+s28+$0x2D0 ss:$0x1], $0xffff;
	v18 =	vadd.f32 v46, v18;
	v23 =	vmul.bf16 v45, v40;
	v24 =	vmul.bf16 v47, v40  }
0x136: {  	v53 =	vld.idx.msk [tilespmem:v3+s28+$0x350 ss:$0x1], $0xffff;
	v48 =	vunpack.i.u.bf16.f32 v19;
	v19 =	vunpack.i.l.bf16.f32 v19;
	v50 =	vunpack.i.u.bf16.f32 v21  }
0x137: {  	v55 =	vld.idx.msk [tilespmem:v3+s28+$0x3D0 ss:$0x1], $0xffff;
	v21 =	vunpack.i.l.bf16.f32 v21;
	v52 =	vunpack.i.u.bf16.f32 v23;
	v23 =	vunpack.i.l.bf16.f32 v23  }
0x138: {  	v54 =	vunpack.i.u.bf16.f32 v24;
	v5 =	vadd.f32 v19, v5;
	v9 =	vadd.f32 v48, v9  }
0x139: {  	v24 =	vunpack.i.l.bf16.f32 v24;
	v6 =	vadd.f32 v21, v6;
	v11 =	vadd.f32 v50, v11  }
0x13a: {  	v57 =	vld [tilespmem:s9+$0x60];
	v7 =	vadd.f32 v23, v7;
	v13 =	vadd.f32 v52, v13;
	v19 =	vmul.bf16 v49, v40  }
0x13b: {  	v58 =	vld.idx.msk [tilespmem:v3+s28+$0x60 ss:$0x1], $0xffff;
	v8 =	vadd.f32 v24, v8;
	v15 =	vadd.f32 v54, v15;
	v21 =	vmul.bf16 v51, v40  }
0x13c: {  	v60 =	vld.idx.msk [tilespmem:v3+s28+$0xE0 ss:$0x1], $0xffff;
	v23 =	vmul.bf16 v53, v40;
	v24 =	vmul.bf16 v55, v40;
	v56 =	vunpack.i.u.bf16.f32 v19  }
0x13d: {  	v62 =	vld.idx.msk [tilespmem:v3+s28+$0x160 ss:$0x1], $0xffff;
	v19 =	vunpack.i.l.bf16.f32 v19;
	v59 =	vunpack.i.u.bf16.f32 v21;
	v21 =	vunpack.i.l.bf16.f32 v21  }
0x13e: {  	v28 =	vld.idx.msk [tilespmem:v3+s28+$0x1E0 ss:$0x1], $0xffff;
	v61 =	vunpack.i.u.bf16.f32 v23;
	v23 =	vunpack.i.l.bf16.f32 v23;
	v10 =	vadd.f32 v19, v10  }
0x13f: {  	v63 =	vunpack.i.u.bf16.f32 v24;
	v17 =	vadd.f32 v56, v17;
	v12 =	vadd.f32 v21, v12  }
0x140: {  	v30 =	vld.idx.msk [tilespmem:v3+s28+$0x260 ss:$0x1], $0xffff;
	v24 =	vunpack.i.l.bf16.f32 v24;
	v20 =	vadd.f32 v59, v20;
	v14 =	vadd.f32 v23, v14  }
0x141: {  	v32 =	vld.idx.msk [tilespmem:v3+s28+$0x2E0 ss:$0x1], $0xffff;
	v22 =	vadd.f32 v61, v22;
	v19 =	vmul.bf16 v58, v57;
	v16 =	vadd.f32 v24, v16  }
0x142: {  	v34 =	vld.idx.msk [tilespmem:v3+s28+$0x360 ss:$0x1], $0xffff;
	v18 =	vadd.f32 v63, v18;
	v21 =	vmul.bf16 v60, v57;
	v23 =	vmul.bf16 v62, v57  }
0x143: {  	v36 =	vld.idx.msk [tilespmem:v3+s28+$0x3E0 ss:$0x1], $0xffff;
	v24 =	vmul.bf16 v28, v57;
	v29 =	vunpack.i.u.bf16.f32 v19;
	v19 =	vunpack.i.l.bf16.f32 v19  }
0x144: {  	v38 =	vld [tilespmem:s9+$0x70];
	v31 =	vunpack.i.u.bf16.f32 v21;
	v21 =	vunpack.i.l.bf16.f32 v21;
	v33 =	vunpack.i.u.bf16.f32 v23  }
0x145: {  	v51 =	vld.idx.msk [tilespmem:v3+s28+$0x370 ss:$0x1], $0xffff;
	v23 =	vunpack.i.l.bf16.f32 v23;
	v5 =	vadd.f32 v19, v5;
	v9 =	vadd.f32 v29, v9  }
0x146: {  	v35 =	vunpack.i.u.bf16.f32 v24;
	v6 =	vadd.f32 v21, v6;
	v11 =	vadd.f32 v31, v11  }
0x147: {  	v24 =	vunpack.i.l.bf16.f32 v24;
	v7 =	vadd.f32 v23, v7;
	v13 =	vadd.f32 v33, v13  }
0x148: {  	v19 =	vmul.bf16 v30, v57;
	v8 =	vadd.f32 v24, v8;
	v21 =	vmul.bf16 v32, v57  }
0x149: {  	v39 =	vld.idx.msk [tilespmem:v3+s28+$0x70 ss:$0x1], $0xffff;
	v15 =	vadd.f32 v35, v15;
	v23 =	vmul.bf16 v34, v57;
	v24 =	vmul.bf16 v36, v57  }
0x14a: {  	v41 =	vld.idx.msk [tilespmem:v3+s28+$0xF0 ss:$0x1], $0xffff;
	v57 =	vmul.bf16 v51, v38;
	v37 =	vunpack.i.u.bf16.f32 v19;
	v19 =	vunpack.i.l.bf16.f32 v19  }
0x14b: {  	v43 =	vld.idx.msk [tilespmem:v3+s28+$0x170 ss:$0x1], $0xffff;
	v40 =	vunpack.i.u.bf16.f32 v21;
	v21 =	vunpack.i.l.bf16.f32 v21;
	v42 =	vunpack.i.u.bf16.f32 v23  }
0x14c: {  	v45 =	vld.idx.msk [tilespmem:v3+s28+$0x1F0 ss:$0x1], $0xffff;
	v23 =	vunpack.i.l.bf16.f32 v23;
	v44 =	vunpack.i.u.bf16.f32 v24;
	v10 =	vadd.f32 v19, v10  }
0x14d: {  	v24 =	vunpack.i.l.bf16.f32 v24;
	v17 =	vadd.f32 v37, v17;
	v12 =	vadd.f32 v21, v12  }
0x14e: {  	v58 =	vunpack.i.u.bf16.f32 v57;
	v20 =	vadd.f32 v40, v20;
	v14 =	vadd.f32 v23, v14  }
0x14f: {  	v22 =	vadd.f32 v42, v22;
	v19 =	vmul.bf16 v39, v38;
	v16 =	vadd.f32 v24, v16  }
0x150: {  	v47 =	vld.idx.msk [tilespmem:v3+s28+$0x270 ss:$0x1], $0xffff;
	v18 =	vadd.f32 v44, v18;
	v21 =	vmul.bf16 v41, v38;
	v23 =	vmul.bf16 v43, v38  }
0x151: {  	v49 =	vld.idx.msk [tilespmem:v3+s28+$0x2F0 ss:$0x1], $0xffff;
	v24 =	vmul.bf16 v45, v38;
	v46 =	vunpack.i.u.bf16.f32 v19;
	v19 =	vunpack.i.l.bf16.f32 v19  }
0x152: {  	v48 =	vunpack.i.u.bf16.f32 v21;
	v21 =	vunpack.i.l.bf16.f32 v21;
	v50 =	vunpack.i.u.bf16.f32 v23  }
0x153: {  	v23 =	vunpack.i.l.bf16.f32 v23;
	v52 =	vunpack.i.u.bf16.f32 v24;
	v5 =	vadd.f32 v19, v5  }
0x154: {  	v54 =	vld.idx.msk [tilespmem:v3+s28+$0x3F0 ss:$0x1], $0xffff;
	v24 =	vunpack.i.l.bf16.f32 v24;
	v9 =	vadd.f32 v46, v9;
	v6 =	vadd.f32 v21, v6  }
0x155: {  	v11 =	vadd.f32 v48, v11;
	v7 =	vadd.f32 v23, v7;
	v19 =	vmul.bf16 v47, v38  }
0x156: {  	v13 =	vadd.f32 v50, v13;
	v8 =	vadd.f32 v24, v8;
	v21 =	vmul.bf16 v49, v38  }
0x157: {  	v15 =	vadd.f32 v52, v15;
	v53 =	vunpack.i.l.bf16.f32 v19;
	v5 =	vadd.f32 v5, v9  }
0x158: {  	v6 =	vadd.f32 v6, v11;
	v55 =	vunpack.i.u.bf16.f32 v19;
	v56 =	vunpack.i.l.bf16.f32 v21  }
0x159: {  	v8 =	vadd.f32 v8, v15;
	v9 =	vmul.bf16 v54, v38;
	v10 =	vadd.f32 v53, v10;
	(xrf2) =	vadd.scan.msk.f32 $0xffff, v5  }
0x15a: {  	v11 =	vadd.f32 v55, v17;
	v5 =	vunpack.i.u.bf16.f32 v21;
	(xrf2) =	vadd.scan.msk.f32 $0xffff, v6;
	v6 =	vadd.f32 v7, v13  }
0x15b: {  	v12 =	vadd.f32 v56, v12;
	v5 =	vadd.f32 v5, v20;
	v7 =	vunpack.i.l.bf16.f32 v57  }
0x15c: {  	v60 =	vunpack.i.u.bf16.f32 v9;
	v59 =	vadd.f32 v10, v11;
	v7 =	vadd.f32 v7, v14;
	(xrf2) =	vadd.scan.msk.f32 $0xffff, v6  }
0x15d: {  	v9 =	vunpack.i.l.bf16.f32 v9;
	v6 =	vadd.f32 v58, v22;
	v5 =	vadd.f32 v12, v5;
	(xrf2) =	vadd.scan.msk.f32 $0xffff, v8  }
0x15e: {  	v9 =	vadd.f32 v9, v16;
	v10 =	vadd.f32 v60, v18;
	(xrf2) =	vadd.scan.msk.f32 $0xffff, v59  }
0x15f: {  	(xrf2) =	vadd.scan.msk.f32 $0xffff, v5;
	v5 =	vadd.f32 v7, v6  }
0x160: {  	v6 =	vadd.f32 v9, v10;
	_ =	sdelay $0x2  }
0x161: {  	s28 =	sshll.u32 s11, $0x3;
	(xrf2) =	vadd.scan.msk.f32 $0xffff, v5;
	v5, _, _ =	vpop (xrf2)  }
0x162: {  	s2 =	sor.u32 $0x1, s28;
	v7 =	vmov s28;
	(xrf2) =	vadd.scan.msk.f32 $0xffff, v6;
	v6, _, _ =	vpop (xrf2);
	v5 =	vbroadcast v5, $0xF  }
0x163: {  	vm0 =	veq.s32 v7, v0;
	v7 =	vmov s2;
	v6 =	vbroadcast v6, $0xF  }
0x164: {  	s2 =	sor.u32 $0x2, s28;
	vm9 =	veq.s32 v7, v0;
	v4 =	vsel vm0, v5, v4  }
0x165: {  	v61, _, _ =	vpop (xrf2);
	v4 =	vsel vm9, v6, v4;
	v6 =	vmov s2;
	s2 =	sor.u32 $0x3, s28  }
0x166: {  	v7 =	vbroadcast v61, $0xF;
	v5, _, _ =	vpop (xrf2);
	vm10 =	veq.s32 v6, v0;
	v6 =	vmov s2  }
0x167: {  	v5 =	vbroadcast v5, $0xF;
	v62, _, _ =	vpop (xrf2)  }
0x168: {  	s2 =	sor.u32 $0x4, s28;
	v4 =	vsel vm10, v7, v4;
	vm11 =	veq.s32 v6, v0;
	v7 =	vbroadcast v62, $0xF  }
0x169: {  	v6, _, _ =	vpop (xrf2);
	v4 =	vsel vm11, v5, v4;
	v5 =	vmov s2;
	s2 =	sor.u32 $0x5, s28  }
0x16a: {  	p2 =	por p1, p1;
	vm12 =	veq.s32 v5, v0;
	v5 =	vmov s2;
	v6 =	vbroadcast v6, $0xF  }
.Ltmp6:
0x16b: {  	s28 =	sor.u32 $0x6, s28;
	v63, _, _ =	vpop (xrf2);
	v4 =	vsel vm12, v7, v4;
	vm13 =	veq.s32 v5, v0;
	(pc) =	sbr.rel @p2 .LBB2_9-.Ltmp6, $4  }
0x16c: {  	v5 =	vmov s28;
	s28 =	sshllo.u32 s11, $0x3;
	v4 =	vsel vm13, v6, v4;
	v6 =	vbroadcast v63, $0xF;
	v7, _, _ =	vpop (xrf2)  }
0x16d: {  	vm14 =	veq.s32 v5, v0;
	v5 =	vmov s28;
	v7 =	vbroadcast v7, $0xF  }
0x16e: {  	vm15 =	veq.s32 v5, v0;
	v4 =	vsel vm14, v6, v4  }
0x16f: {  	p1 =	por $0x0, $0x0;
	s11 =	simm.s32 $0x1;
	v4 =	vsel vm15, v7, v4  }
0x170: {  	s2 =	sshll.u32 s10, $0x4;
	s10 =	sadd.s32 $0x1, s10  }
0x171: {  	p1 =	sne.s32 s10, $0x4  }
.Ltmp7:
0x172: {  	_ = 	snop;
	(pc) =	sbr.rel @p1 .LBB2_8-.Ltmp7, $3  }
0x173: {  	_ =	sdelay $0x1  }
0x174: {  	s2 =	sand.u32 $0x3FFFFFF0, s2  }
0x175: {  	[tilespmem:v1+s2+$0x0 ss:$0x1] =	vst.idx.msk $0xffff, v4  }
0x176: {  	s2 =	sadd.s32 @!p0 $0x1140, s8  }
0x177: {  	s9 =	simm.s32 @!p0 $0x40;
	s10 =	simm.s32 @!p0 $0x3800;
	s11 =	sor.u32 $0x2, s3  }
0x178: {  	[tilespmem:s10], [sflag:$0x2] =	stream.indirect.gather @!p0 [spmem:s1], $0x80, s2, s9, $0xb8;
	[tilespmem:$0x1E000] =	vst v63  }
0x179: {  	s28 =	sshll.u32 s11, $0x6  }
0x17a: {  	_ =	swait.ge [sflag:s24], $0x2000;
	s9 =	sand.u32 $0x3FFFFFC0, s28  }
0x17b: {  	s2 =	sshll.u32 s11, $0x7;
	[sflag:s24] =	ssyncset.done $0x0;
	s11 =	sadd.s32 $0x9800, s9  }
0x17c: {  	s10 =	simm.s32 $0x0;
	s9 =	sand.u32 $0x3FFFFF80, s2;
	[sflag:s24] =	ssyncadd.s32 $0xFFFFE000;
	v1 =	vmov s11  }
.LBB2_12:
0x17d: {  	s2 =	sshll.u32 s10, $0xB  }
0x17e: {  	s2 =	sand.u32 $0x3FFFF800, s2  }
0x17f: {  	s2 =	sadd.s32 $0x5800, s2  }
0x180: {  	v3 =	vmov s2;
	_ =	sdelay $0x1  }
0x181: {  	v2 =	vld [tilespmem:s9+$0x0];
	p1 =	por $0x1, $0x1;
	v4 =	vimm.f32 $0.0e+00;
	s11 =	simm.s32 $0x0  }
.LBB2_13:
0x182: {  	s2 =	sshll.u32 s11, $0xA  }
0x183: {  	v18 =	vld [tilespmem:s9+$0x10];
	s28 =	sand.u32 $0x3FFFFC00, s2  }
0x184: {  	v5 =	vld.idx.msk [tilespmem:v3+s28+$0x0 ss:$0x1], $0xffff  }
0x185: {  	v6 =	vld.idx.msk [tilespmem:v3+s28+$0x80 ss:$0x1], $0xffff  }
0x186: {  	v7 =	vld.idx.msk [tilespmem:v3+s28+$0x100 ss:$0x1], $0xffff  }
0x187: {  	v8 =	vld.idx.msk [tilespmem:v3+s28+$0x180 ss:$0x1], $0xffff  }
0x188: {  	v10 =	vld.idx.msk [tilespmem:v3+s28+$0x200 ss:$0x1], $0xffff  }
0x189: {  	v12 =	vld.idx.msk [tilespmem:v3+s28+$0x280 ss:$0x1], $0xffff  }
0x18a: {  	v14 =	vld.idx.msk [tilespmem:v3+s28+$0x300 ss:$0x1], $0xffff  }
0x18b: {  	v16 =	vld.idx.msk [tilespmem:v3+s28+$0x380 ss:$0x1], $0xffff  }
0x18c: {  	v19 =	vld.idx.msk [tilespmem:v3+s28+$0x10 ss:$0x1], $0xffff  }
0x18d: {  	v21 =	vld.idx.msk [tilespmem:v3+s28+$0x90 ss:$0x1], $0xffff  }
0x18e: {  	v23 =	vld.idx.msk [tilespmem:v3+s28+$0x110 ss:$0x1], $0xffff  }
0x18f: {  	v25 =	vld.idx.msk [tilespmem:v3+s28+$0x190 ss:$0x1], $0xffff;
	v5 =	vmul.bf16 v5, v2;
	v6 =	vmul.bf16 v6, v2  }
0x190: {  	v7 =	vmul.bf16 v7, v2;
	v8 =	vmul.bf16 v8, v2  }
0x191: {  	v10 =	vmul.bf16 v10, v2;
	v12 =	vmul.bf16 v12, v2  }
0x192: {  	v14 =	vmul.bf16 v14, v2;
	v16 =	vmul.bf16 v16, v2  }
0x193: {  	v19 =	vmul.bf16 v19, v18;
	v21 =	vmul.bf16 v21, v18  }
0x194: {  	v23 =	vmul.bf16 v23, v18;
	v25 =	vmul.bf16 v25, v18  }
0x195: {  	v9 =	vunpack.i.u.bf16.f32 v5;
	v5 =	vunpack.i.l.bf16.f32 v5;
	v11 =	vunpack.i.u.bf16.f32 v6  }
0x196: {  	v6 =	vunpack.i.l.bf16.f32 v6;
	v13 =	vunpack.i.u.bf16.f32 v7;
	v7 =	vunpack.i.l.bf16.f32 v7  }
0x197: {  	v15 =	vunpack.i.u.bf16.f32 v8;
	v8 =	vunpack.i.l.bf16.f32 v8;
	v17 =	vunpack.i.u.bf16.f32 v10  }
0x198: {  	v10 =	vunpack.i.l.bf16.f32 v10;
	v20 =	vunpack.i.u.bf16.f32 v12;
	v12 =	vunpack.i.l.bf16.f32 v12  }
0x199: {  	v22 =	vunpack.i.u.bf16.f32 v14;
	v14 =	vunpack.i.l.bf16.f32 v14;
	v5 =	vadd.f32 $0.0e+00, v5  }
0x19a: {  	v24 =	vunpack.i.u.bf16.f32 v16;
	v9 =	vadd.f32 $0.0e+00, v9;
	v6 =	vadd.f32 $0.0e+00, v6  }
0x19b: {  	v16 =	vunpack.i.l.bf16.f32 v16;
	v11 =	vadd.f32 $0.0e+00, v11;
	v7 =	vadd.f32 $0.0e+00, v7  }
0x19c: {  	v26 =	vunpack.i.u.bf16.f32 v19;
	v13 =	vadd.f32 $0.0e+00, v13;
	v8 =	vadd.f32 $0.0e+00, v8  }
0x19d: {  	v19 =	vunpack.i.l.bf16.f32 v19;
	v15 =	vadd.f32 $0.0e+00, v15;
	v10 =	vadd.f32 $0.0e+00, v10  }
0x19e: {  	v54 =	vld.idx.msk [tilespmem:v3+s28+$0x210 ss:$0x1], $0xffff;
	v55 =	vunpack.i.u.bf16.f32 v21;
	v17 =	vadd.f32 $0.0e+00, v17;
	v12 =	vadd.f32 $0.0e+00, v12  }
0x19f: {  	v56 =	vld.idx.msk [tilespmem:v3+s28+$0x290 ss:$0x1], $0xffff;
	v21 =	vunpack.i.l.bf16.f32 v21;
	v20 =	vadd.f32 $0.0e+00, v20;
	v14 =	vadd.f32 $0.0e+00, v14  }
0x1a0: {  	v58 =	vld.idx.msk [tilespmem:v3+s28+$0x310 ss:$0x1], $0xffff;
	v57 =	vunpack.i.u.bf16.f32 v23;
	v22 =	vadd.f32 $0.0e+00, v22;
	v16 =	vadd.f32 $0.0e+00, v16  }
0x1a1: {  	v60 =	vld.idx.msk [tilespmem:v3+s28+$0x390 ss:$0x1], $0xffff;
	v23 =	vunpack.i.l.bf16.f32 v23;
	v24 =	vadd.f32 $0.0e+00, v24;
	v5 =	vadd.f32 v19, v5  }
0x1a2: {  	v59 =	vunpack.i.u.bf16.f32 v25;
	v9 =	vadd.f32 v26, v9;
	v6 =	vadd.f32 v21, v6  }
0x1a3: {  	v27 =	vld [tilespmem:s9+$0x20];
	v25 =	vunpack.i.l.bf16.f32 v25;
	v11 =	vadd.f32 v55, v11;
	v7 =	vadd.f32 v23, v7  }
0x1a4: {  	v62 =	vld.idx.msk [tilespmem:v3+s28+$0x20 ss:$0x1], $0xffff;
	v13 =	vadd.f32 v57, v13;
	v19 =	vmul.bf16 v54, v18;
	v8 =	vadd.f32 v25, v8  }
0x1a5: {  	v28 =	vld.idx.msk [tilespmem:v3+s28+$0xA0 ss:$0x1], $0xffff;
	v15 =	vadd.f32 v59, v15;
	v21 =	vmul.bf16 v56, v18;
	v23 =	vmul.bf16 v58, v18  }
0x1a6: {  	v30 =	vld.idx.msk [tilespmem:v3+s28+$0x120 ss:$0x1], $0xffff;
	v18 =	vmul.bf16 v60, v18;
	v61 =	vunpack.i.u.bf16.f32 v19;
	v19 =	vunpack.i.l.bf16.f32 v19  }
0x1a7: {  	v32 =	vld.idx.msk [tilespmem:v3+s28+$0x1A0 ss:$0x1], $0xffff;
	v63 =	vunpack.i.u.bf16.f32 v21;
	v21 =	vunpack.i.l.bf16.f32 v21;
	v29 =	vunpack.i.u.bf16.f32 v23  }
0x1a8: {  	v23 =	vunpack.i.l.bf16.f32 v23;
	v10 =	vadd.f32 v19, v10;
	v17 =	vadd.f32 v61, v17  }
0x1a9: {  	v25 =	vunpack.i.u.bf16.f32 v18;
	v12 =	vadd.f32 v21, v12;
	v20 =	vadd.f32 v63, v20  }
0x1aa: {  	v18 =	vunpack.i.l.bf16.f32 v18;
	v14 =	vadd.f32 v23, v14;
	v22 =	vadd.f32 v29, v22  }
0x1ab: {  	v34 =	vld.idx.msk [tilespmem:v3+s28+$0x220 ss:$0x1], $0xffff;
	v19 =	vmul.bf16 v62, v27;
	v16 =	vadd.f32 v18, v16;
	v21 =	vmul.bf16 v28, v27  }
0x1ac: {  	v36 =	vld.idx.msk [tilespmem:v3+s28+$0x2A0 ss:$0x1], $0xffff;
	v31 =	vadd.f32 v25, v24;
	v23 =	vmul.bf16 v30, v27;
	v24 =	vmul.bf16 v32, v27  }
0x1ad: {  	v38 =	vld.idx.msk [tilespmem:v3+s28+$0x320 ss:$0x1], $0xffff;
	v33 =	vunpack.i.u.bf16.f32 v19;
	v19 =	vunpack.i.l.bf16.f32 v19;
	v35 =	vunpack.i.u.bf16.f32 v21  }
0x1ae: {  	v40 =	vld.idx.msk [tilespmem:v3+s28+$0x3A0 ss:$0x1], $0xffff;
	v21 =	vunpack.i.l.bf16.f32 v21;
	v37 =	vunpack.i.u.bf16.f32 v23;
	v23 =	vunpack.i.l.bf16.f32 v23  }
0x1af: {  	v39 =	vunpack.i.u.bf16.f32 v24;
	v5 =	vadd.f32 v19, v5;
	v9 =	vadd.f32 v33, v9  }
0x1b0: {  	v24 =	vunpack.i.l.bf16.f32 v24;
	v6 =	vadd.f32 v21, v6;
	v11 =	vadd.f32 v35, v11  }
0x1b1: {  	v42 =	vld [tilespmem:s9+$0x30];
	v7 =	vadd.f32 v23, v7;
	v13 =	vadd.f32 v37, v13;
	v19 =	vmul.bf16 v34, v27  }
0x1b2: {  	v43 =	vld.idx.msk [tilespmem:v3+s28+$0x30 ss:$0x1], $0xffff;
	v8 =	vadd.f32 v24, v8;
	v15 =	vadd.f32 v39, v15;
	v21 =	vmul.bf16 v36, v27  }
0x1b3: {  	v45 =	vld.idx.msk [tilespmem:v3+s28+$0xB0 ss:$0x1], $0xffff;
	v23 =	vmul.bf16 v38, v27;
	v24 =	vmul.bf16 v40, v27;
	v41 =	vunpack.i.u.bf16.f32 v19  }
0x1b4: {  	v47 =	vld.idx.msk [tilespmem:v3+s28+$0x130 ss:$0x1], $0xffff;
	v19 =	vunpack.i.l.bf16.f32 v19;
	v44 =	vunpack.i.u.bf16.f32 v21;
	v21 =	vunpack.i.l.bf16.f32 v21  }
0x1b5: {  	v49 =	vld.idx.msk [tilespmem:v3+s28+$0x1B0 ss:$0x1], $0xffff;
	v46 =	vunpack.i.u.bf16.f32 v23;
	v23 =	vunpack.i.l.bf16.f32 v23;
	v10 =	vadd.f32 v19, v10  }
0x1b6: {  	v48 =	vunpack.i.u.bf16.f32 v24;
	v17 =	vadd.f32 v41, v17;
	v12 =	vadd.f32 v21, v12  }
0x1b7: {  	v24 =	vunpack.i.l.bf16.f32 v24;
	v20 =	vadd.f32 v44, v20;
	v14 =	vadd.f32 v23, v14  }
0x1b8: {  	v51 =	vld.idx.msk [tilespmem:v3+s28+$0x230 ss:$0x1], $0xffff;
	v22 =	vadd.f32 v46, v22;
	v19 =	vmul.bf16 v43, v42;
	v16 =	vadd.f32 v24, v16  }
0x1b9: {  	v53 =	vld.idx.msk [tilespmem:v3+s28+$0x2B0 ss:$0x1], $0xffff;
	v18 =	vadd.f32 v48, v31;
	v21 =	vmul.bf16 v45, v42;
	v23 =	vmul.bf16 v47, v42  }
0x1ba: {  	v55 =	vld.idx.msk [tilespmem:v3+s28+$0x330 ss:$0x1], $0xffff;
	v24 =	vmul.bf16 v49, v42;
	v50 =	vunpack.i.u.bf16.f32 v19;
	v19 =	vunpack.i.l.bf16.f32 v19  }
0x1bb: {  	v57 =	vld.idx.msk [tilespmem:v3+s28+$0x3B0 ss:$0x1], $0xffff;
	v52 =	vunpack.i.u.bf16.f32 v21;
	v21 =	vunpack.i.l.bf16.f32 v21;
	v54 =	vunpack.i.u.bf16.f32 v23  }
0x1bc: {  	v23 =	vunpack.i.l.bf16.f32 v23;
	v5 =	vadd.f32 v19, v5;
	v9 =	vadd.f32 v50, v9  }
0x1bd: {  	v56 =	vunpack.i.u.bf16.f32 v24;
	v6 =	vadd.f32 v21, v6;
	v11 =	vadd.f32 v52, v11  }
0x1be: {  	v59 =	vld [tilespmem:s9+$0x40];
	v24 =	vunpack.i.l.bf16.f32 v24;
	v7 =	vadd.f32 v23, v7;
	v13 =	vadd.f32 v54, v13  }
0x1bf: {  	v60 =	vld.idx.msk [tilespmem:v3+s28+$0x40 ss:$0x1], $0xffff;
	v19 =	vmul.bf16 v51, v42;
	v8 =	vadd.f32 v24, v8;
	v21 =	vmul.bf16 v53, v42  }
0x1c0: {  	v62 =	vld.idx.msk [tilespmem:v3+s28+$0xC0 ss:$0x1], $0xffff;
	v15 =	vadd.f32 v56, v15;
	v23 =	vmul.bf16 v55, v42;
	v24 =	vmul.bf16 v57, v42  }
0x1c1: {  	v28 =	vld.idx.msk [tilespmem:v3+s28+$0x140 ss:$0x1], $0xffff;
	v58 =	vunpack.i.u.bf16.f32 v19;
	v19 =	vunpack.i.l.bf16.f32 v19;
	v61 =	vunpack.i.u.bf16.f32 v21  }
0x1c2: {  	v30 =	vld.idx.msk [tilespmem:v3+s28+$0x1C0 ss:$0x1], $0xffff;
	v21 =	vunpack.i.l.bf16.f32 v21;
	v63 =	vunpack.i.u.bf16.f32 v23;
	v23 =	vunpack.i.l.bf16.f32 v23  }
0x1c3: {  	v29 =	vunpack.i.u.bf16.f32 v24;
	v10 =	vadd.f32 v19, v10;
	v17 =	vadd.f32 v58, v17  }
0x1c4: {  	v24 =	vunpack.i.l.bf16.f32 v24;
	v12 =	vadd.f32 v21, v12;
	v20 =	vadd.f32 v61, v20  }
0x1c5: {  	v14 =	vadd.f32 v23, v14;
	v22 =	vadd.f32 v63, v22;
	v19 =	vmul.bf16 v60, v59  }
0x1c6: {  	v32 =	vld.idx.msk [tilespmem:v3+s28+$0x240 ss:$0x1], $0xffff;
	v16 =	vadd.f32 v24, v16;
	v18 =	vadd.f32 v29, v18;
	v21 =	vmul.bf16 v62, v59  }
0x1c7: {  	v34 =	vld.idx.msk [tilespmem:v3+s28+$0x2C0 ss:$0x1], $0xffff;
	v23 =	vmul.bf16 v28, v59;
	v24 =	vmul.bf16 v30, v59;
	v31 =	vunpack.i.u.bf16.f32 v19  }
0x1c8: {  	v36 =	vld.idx.msk [tilespmem:v3+s28+$0x340 ss:$0x1], $0xffff;
	v19 =	vunpack.i.l.bf16.f32 v19;
	v33 =	vunpack.i.u.bf16.f32 v21;
	v21 =	vunpack.i.l.bf16.f32 v21  }
0x1c9: {  	v38 =	vld.idx.msk [tilespmem:v3+s28+$0x3C0 ss:$0x1], $0xffff;
	v35 =	vunpack.i.u.bf16.f32 v23;
	v23 =	vunpack.i.l.bf16.f32 v23;
	v5 =	vadd.f32 v19, v5  }
0x1ca: {  	v37 =	vunpack.i.u.bf16.f32 v24;
	v9 =	vadd.f32 v31, v9;
	v6 =	vadd.f32 v21, v6  }
0x1cb: {  	v40 =	vld [tilespmem:s9+$0x50];
	v24 =	vunpack.i.l.bf16.f32 v24;
	v11 =	vadd.f32 v33, v11;
	v7 =	vadd.f32 v23, v7  }
0x1cc: {  	v41 =	vld.idx.msk [tilespmem:v3+s28+$0x50 ss:$0x1], $0xffff;
	v13 =	vadd.f32 v35, v13;
	v19 =	vmul.bf16 v32, v59;
	v8 =	vadd.f32 v24, v8  }
0x1cd: {  	v43 =	vld.idx.msk [tilespmem:v3+s28+$0xD0 ss:$0x1], $0xffff;
	v15 =	vadd.f32 v37, v15;
	v21 =	vmul.bf16 v34, v59;
	v23 =	vmul.bf16 v36, v59  }
0x1ce: {  	v45 =	vld.idx.msk [tilespmem:v3+s28+$0x150 ss:$0x1], $0xffff;
	v24 =	vmul.bf16 v38, v59;
	v39 =	vunpack.i.u.bf16.f32 v19;
	v19 =	vunpack.i.l.bf16.f32 v19  }
0x1cf: {  	v47 =	vld.idx.msk [tilespmem:v3+s28+$0x1D0 ss:$0x1], $0xffff;
	v42 =	vunpack.i.u.bf16.f32 v21;
	v21 =	vunpack.i.l.bf16.f32 v21;
	v44 =	vunpack.i.u.bf16.f32 v23  }
0x1d0: {  	v23 =	vunpack.i.l.bf16.f32 v23;
	v10 =	vadd.f32 v19, v10;
	v17 =	vadd.f32 v39, v17  }
0x1d1: {  	v46 =	vunpack.i.u.bf16.f32 v24;
	v12 =	vadd.f32 v21, v12;
	v20 =	vadd.f32 v42, v20  }
0x1d2: {  	v24 =	vunpack.i.l.bf16.f32 v24;
	v14 =	vadd.f32 v23, v14;
	v22 =	vadd.f32 v44, v22  }
0x1d3: {  	v49 =	vld.idx.msk [tilespmem:v3+s28+$0x250 ss:$0x1], $0xffff;
	v19 =	vmul.bf16 v41, v40;
	v16 =	vadd.f32 v24, v16;
	v21 =	vmul.bf16 v43, v40  }
0x1d4: {  	v51 =	vld.idx.msk [tilespmem:v3+s28+$0x2D0 ss:$0x1], $0xffff;
	v18 =	vadd.f32 v46, v18;
	v23 =	vmul.bf16 v45, v40;
	v24 =	vmul.bf16 v47, v40  }
0x1d5: {  	v53 =	vld.idx.msk [tilespmem:v3+s28+$0x350 ss:$0x1], $0xffff;
	v48 =	vunpack.i.u.bf16.f32 v19;
	v19 =	vunpack.i.l.bf16.f32 v19;
	v50 =	vunpack.i.u.bf16.f32 v21  }
0x1d6: {  	v55 =	vld.idx.msk [tilespmem:v3+s28+$0x3D0 ss:$0x1], $0xffff;
	v21 =	vunpack.i.l.bf16.f32 v21;
	v52 =	vunpack.i.u.bf16.f32 v23;
	v23 =	vunpack.i.l.bf16.f32 v23  }
0x1d7: {  	v54 =	vunpack.i.u.bf16.f32 v24;
	v5 =	vadd.f32 v19, v5;
	v9 =	vadd.f32 v48, v9  }
0x1d8: {  	v24 =	vunpack.i.l.bf16.f32 v24;
	v6 =	vadd.f32 v21, v6;
	v11 =	vadd.f32 v50, v11  }
0x1d9: {  	v57 =	vld [tilespmem:s9+$0x60];
	v7 =	vadd.f32 v23, v7;
	v13 =	vadd.f32 v52, v13;
	v19 =	vmul.bf16 v49, v40  }
0x1da: {  	v58 =	vld.idx.msk [tilespmem:v3+s28+$0x60 ss:$0x1], $0xffff;
	v8 =	vadd.f32 v24, v8;
	v15 =	vadd.f32 v54, v15;
	v21 =	vmul.bf16 v51, v40  }
0x1db: {  	v60 =	vld.idx.msk [tilespmem:v3+s28+$0xE0 ss:$0x1], $0xffff;
	v23 =	vmul.bf16 v53, v40;
	v24 =	vmul.bf16 v55, v40;
	v56 =	vunpack.i.u.bf16.f32 v19  }
0x1dc: {  	v62 =	vld.idx.msk [tilespmem:v3+s28+$0x160 ss:$0x1], $0xffff;
	v19 =	vunpack.i.l.bf16.f32 v19;
	v59 =	vunpack.i.u.bf16.f32 v21;
	v21 =	vunpack.i.l.bf16.f32 v21  }
0x1dd: {  	v28 =	vld.idx.msk [tilespmem:v3+s28+$0x1E0 ss:$0x1], $0xffff;
	v61 =	vunpack.i.u.bf16.f32 v23;
	v23 =	vunpack.i.l.bf16.f32 v23;
	v10 =	vadd.f32 v19, v10  }
0x1de: {  	v63 =	vunpack.i.u.bf16.f32 v24;
	v17 =	vadd.f32 v56, v17;
	v12 =	vadd.f32 v21, v12  }
0x1df: {  	v30 =	vld.idx.msk [tilespmem:v3+s28+$0x260 ss:$0x1], $0xffff;
	v24 =	vunpack.i.l.bf16.f32 v24;
	v20 =	vadd.f32 v59, v20;
	v14 =	vadd.f32 v23, v14  }
0x1e0: {  	v32 =	vld.idx.msk [tilespmem:v3+s28+$0x2E0 ss:$0x1], $0xffff;
	v22 =	vadd.f32 v61, v22;
	v19 =	vmul.bf16 v58, v57;
	v16 =	vadd.f32 v24, v16  }
0x1e1: {  	v34 =	vld.idx.msk [tilespmem:v3+s28+$0x360 ss:$0x1], $0xffff;
	v18 =	vadd.f32 v63, v18;
	v21 =	vmul.bf16 v60, v57;
	v23 =	vmul.bf16 v62, v57  }
0x1e2: {  	v36 =	vld.idx.msk [tilespmem:v3+s28+$0x3E0 ss:$0x1], $0xffff;
	v24 =	vmul.bf16 v28, v57;
	v29 =	vunpack.i.u.bf16.f32 v19;
	v19 =	vunpack.i.l.bf16.f32 v19  }
0x1e3: {  	v38 =	vld [tilespmem:s9+$0x70];
	v31 =	vunpack.i.u.bf16.f32 v21;
	v21 =	vunpack.i.l.bf16.f32 v21;
	v33 =	vunpack.i.u.bf16.f32 v23  }
0x1e4: {  	v51 =	vld.idx.msk [tilespmem:v3+s28+$0x370 ss:$0x1], $0xffff;
	v23 =	vunpack.i.l.bf16.f32 v23;
	v5 =	vadd.f32 v19, v5;
	v9 =	vadd.f32 v29, v9  }
0x1e5: {  	v35 =	vunpack.i.u.bf16.f32 v24;
	v6 =	vadd.f32 v21, v6;
	v11 =	vadd.f32 v31, v11  }
0x1e6: {  	v24 =	vunpack.i.l.bf16.f32 v24;
	v7 =	vadd.f32 v23, v7;
	v13 =	vadd.f32 v33, v13  }
0x1e7: {  	v19 =	vmul.bf16 v30, v57;
	v8 =	vadd.f32 v24, v8;
	v21 =	vmul.bf16 v32, v57  }
0x1e8: {  	v39 =	vld.idx.msk [tilespmem:v3+s28+$0x70 ss:$0x1], $0xffff;
	v15 =	vadd.f32 v35, v15;
	v23 =	vmul.bf16 v34, v57;
	v24 =	vmul.bf16 v36, v57  }
0x1e9: {  	v41 =	vld.idx.msk [tilespmem:v3+s28+$0xF0 ss:$0x1], $0xffff;
	v57 =	vmul.bf16 v51, v38;
	v37 =	vunpack.i.u.bf16.f32 v19;
	v19 =	vunpack.i.l.bf16.f32 v19  }
0x1ea: {  	v43 =	vld.idx.msk [tilespmem:v3+s28+$0x170 ss:$0x1], $0xffff;
	v40 =	vunpack.i.u.bf16.f32 v21;
	v21 =	vunpack.i.l.bf16.f32 v21;
	v42 =	vunpack.i.u.bf16.f32 v23  }
0x1eb: {  	v45 =	vld.idx.msk [tilespmem:v3+s28+$0x1F0 ss:$0x1], $0xffff;
	v23 =	vunpack.i.l.bf16.f32 v23;
	v44 =	vunpack.i.u.bf16.f32 v24;
	v10 =	vadd.f32 v19, v10  }
0x1ec: {  	v24 =	vunpack.i.l.bf16.f32 v24;
	v17 =	vadd.f32 v37, v17;
	v12 =	vadd.f32 v21, v12  }
0x1ed: {  	v58 =	vunpack.i.u.bf16.f32 v57;
	v20 =	vadd.f32 v40, v20;
	v14 =	vadd.f32 v23, v14  }
0x1ee: {  	v22 =	vadd.f32 v42, v22;
	v19 =	vmul.bf16 v39, v38;
	v16 =	vadd.f32 v24, v16  }
0x1ef: {  	v47 =	vld.idx.msk [tilespmem:v3+s28+$0x270 ss:$0x1], $0xffff;
	v18 =	vadd.f32 v44, v18;
	v21 =	vmul.bf16 v41, v38;
	v23 =	vmul.bf16 v43, v38  }
0x1f0: {  	v49 =	vld.idx.msk [tilespmem:v3+s28+$0x2F0 ss:$0x1], $0xffff;
	v24 =	vmul.bf16 v45, v38;
	v46 =	vunpack.i.u.bf16.f32 v19;
	v19 =	vunpack.i.l.bf16.f32 v19  }
0x1f1: {  	v48 =	vunpack.i.u.bf16.f32 v21;
	v21 =	vunpack.i.l.bf16.f32 v21;
	v50 =	vunpack.i.u.bf16.f32 v23  }
0x1f2: {  	v23 =	vunpack.i.l.bf16.f32 v23;
	v52 =	vunpack.i.u.bf16.f32 v24;
	v5 =	vadd.f32 v19, v5  }
0x1f3: {  	v54 =	vld.idx.msk [tilespmem:v3+s28+$0x3F0 ss:$0x1], $0xffff;
	v24 =	vunpack.i.l.bf16.f32 v24;
	v9 =	vadd.f32 v46, v9;
	v6 =	vadd.f32 v21, v6  }
0x1f4: {  	v11 =	vadd.f32 v48, v11;
	v7 =	vadd.f32 v23, v7;
	v19 =	vmul.bf16 v47, v38  }
0x1f5: {  	v13 =	vadd.f32 v50, v13;
	v8 =	vadd.f32 v24, v8;
	v21 =	vmul.bf16 v49, v38  }
0x1f6: {  	v15 =	vadd.f32 v52, v15;
	v53 =	vunpack.i.l.bf16.f32 v19;
	v5 =	vadd.f32 v5, v9  }
0x1f7: {  	v6 =	vadd.f32 v6, v11;
	v55 =	vunpack.i.u.bf16.f32 v19;
	v56 =	vunpack.i.l.bf16.f32 v21  }
0x1f8: {  	v8 =	vadd.f32 v8, v15;
	v9 =	vmul.bf16 v54, v38;
	v10 =	vadd.f32 v53, v10;
	(xrf2) =	vadd.scan.msk.f32 $0xffff, v5  }
0x1f9: {  	v11 =	vadd.f32 v55, v17;
	v5 =	vunpack.i.u.bf16.f32 v21;
	(xrf2) =	vadd.scan.msk.f32 $0xffff, v6;
	v6 =	vadd.f32 v7, v13  }
0x1fa: {  	v12 =	vadd.f32 v56, v12;
	v5 =	vadd.f32 v5, v20;
	v7 =	vunpack.i.l.bf16.f32 v57  }
0x1fb: {  	v60 =	vunpack.i.u.bf16.f32 v9;
	v59 =	vadd.f32 v10, v11;
	v7 =	vadd.f32 v7, v14;
	(xrf2) =	vadd.scan.msk.f32 $0xffff, v6  }
0x1fc: {  	v9 =	vunpack.i.l.bf16.f32 v9;
	v6 =	vadd.f32 v58, v22;
	v5 =	vadd.f32 v12, v5;
	(xrf2) =	vadd.scan.msk.f32 $0xffff, v8  }
0x1fd: {  	v9 =	vadd.f32 v9, v16;
	v10 =	vadd.f32 v60, v18;
	(xrf2) =	vadd.scan.msk.f32 $0xffff, v59  }
0x1fe: {  	(xrf2) =	vadd.scan.msk.f32 $0xffff, v5;
	v5 =	vadd.f32 v7, v6  }
0x1ff: {  	v6 =	vadd.f32 v9, v10;
	_ =	sdelay $0x2  }
0x200: {  	s2 =	sshll.u32 s11, $0x3;
	(xrf2) =	vadd.scan.msk.f32 $0xffff, v5;
	v5, _, _ =	vpop (xrf2)  }
0x201: {  	s28 =	sor.u32 $0x1, s2;
	v7 =	vmov s2;
	(xrf2) =	vadd.scan.msk.f32 $0xffff, v6;
	v6, _, _ =	vpop (xrf2);
	v5 =	vbroadcast v5, $0xF  }
0x202: {  	vm0 =	veq.s32 v7, v0;
	v7 =	vmov s28;
	v6 =	vbroadcast v6, $0xF  }
0x203: {  	s28 =	sor.u32 $0x2, s2;
	vm9 =	veq.s32 v7, v0;
	v4 =	vsel vm0, v5, v4  }
0x204: {  	v61, _, _ =	vpop (xrf2);
	v4 =	vsel vm9, v6, v4;
	v6 =	vmov s28;
	s28 =	sor.u32 $0x3, s2  }
0x205: {  	v7 =	vbroadcast v61, $0xF;
	v5, _, _ =	vpop (xrf2);
	vm10 =	veq.s32 v6, v0;
	v6 =	vmov s28  }
0x206: {  	v5 =	vbroadcast v5, $0xF;
	v62, _, _ =	vpop (xrf2)  }
0x207: {  	s28 =	sor.u32 $0x4, s2;
	v4 =	vsel vm10, v7, v4;
	vm11 =	veq.s32 v6, v0;
	v7 =	vbroadcast v62, $0xF  }
0x208: {  	v6, _, _ =	vpop (xrf2);
	v4 =	vsel vm11, v5, v4;
	v5 =	vmov s28;
	s28 =	sor.u32 $0x5, s2  }
0x209: {  	p2 =	por p1, p1;
	vm12 =	veq.s32 v5, v0;
	v5 =	vmov s28;
	v6 =	vbroadcast v6, $0xF  }
.Ltmp8:
0x20a: {  	s2 =	sor.u32 $0x6, s2;
	v63, _, _ =	vpop (xrf2);
	v4 =	vsel vm12, v7, v4;
	vm13 =	veq.s32 v5, v0;
	(pc) =	sbr.rel @p2 .LBB2_13-.Ltmp8, $4  }
0x20b: {  	s28 =	sshllo.u32 s11, $0x3;
	v5 =	vmov s2;
	v4 =	vsel vm13, v6, v4;
	v6 =	vbroadcast v63, $0xF;
	v7, _, _ =	vpop (xrf2)  }
0x20c: {  	vm14 =	veq.s32 v5, v0;
	v5 =	vmov s28;
	v7 =	vbroadcast v7, $0xF  }
0x20d: {  	vm15 =	veq.s32 v5, v0;
	v4 =	vsel vm14, v6, v4  }
0x20e: {  	p1 =	por $0x0, $0x0;
	s11 =	simm.s32 $0x1;
	v4 =	vsel vm15, v7, v4  }
0x20f: {  	s2 =	sshll.u32 s10, $0x4;
	s10 =	sadd.s32 $0x1, s10  }
0x210: {  	p1 =	sne.s32 s10, $0x4  }
.Ltmp9:
0x211: {  	_ = 	snop;
	(pc) =	sbr.rel @p1 .LBB2_12-.Ltmp9, $3  }
0x212: {  	_ =	sdelay $0x1  }
0x213: {  	s2 =	sand.u32 $0x3FFFFFF0, s2  }
0x214: {  	[tilespmem:v1+s2+$0x0 ss:$0x1] =	vst.idx.msk $0xffff, v4  }
0x215: {  	s2 =	sadd.s32 @!p0 $0x1180, s8  }
0x216: {  	s8 =	simm.s32 @!p0 $0x40;
	s9 =	simm.s32 @!p0 $0x5800;
	s11 =	sor.u32 $0x3, s3  }
0x217: {  	[tilespmem:s9], [sflag:$0x3] =	stream.indirect.gather @!p0 [spmem:s1], $0x80, s2, s8, $0xb8;
	[tilespmem:$0x1E000] =	vst v63  }
0x218: {  	s3 =	sshll.u32 s11, $0x6  }
0x219: {  	_ =	swait.ge [sflag:s25], $0x2000;
	s3 =	sand.u32 $0x3FFFFFC0, s3  }
0x21a: {  	s2 =	sshll.u32 s11, $0x7;
	[sflag:s25] =	ssyncset.done $0x0;
	s28 =	sadd.s32 $0x9800, s3  }
0x21b: {  	s8 =	simm.s32 $0x0;
	s3 =	sand.u32 $0x3FFFFF80, s2;
	[sflag:s25] =	ssyncadd.s32 $0xFFFFE000;
	v1 =	vmov s28  }
.LBB2_16:
0x21c: {  	s2 =	sshll.u32 s8, $0xB  }
0x21d: {  	s2 =	sand.u32 $0x3FFFF800, s2  }
0x21e: {  	s2 =	sadd.s32 $0x7800, s2  }
0x21f: {  	v3 =	vmov s2;
	_ =	sdelay $0x1  }
0x220: {  	v2 =	vld [tilespmem:s3+$0x0];
	p1 =	por $0x1, $0x1;
	v4 =	vimm.f32 $0.0e+00;
	s9 =	simm.s32 $0x0  }
.LBB2_17:
0x221: {  	s2 =	sshll.u32 s9, $0xA  }
0x222: {  	v18 =	vld [tilespmem:s3+$0x10];
	s10 =	sand.u32 $0x3FFFFC00, s2  }
0x223: {  	v5 =	vld.idx.msk [tilespmem:v3+s10+$0x0 ss:$0x1], $0xffff  }
0x224: {  	v6 =	vld.idx.msk [tilespmem:v3+s10+$0x80 ss:$0x1], $0xffff  }
0x225: {  	v7 =	vld.idx.msk [tilespmem:v3+s10+$0x100 ss:$0x1], $0xffff  }
0x226: {  	v8 =	vld.idx.msk [tilespmem:v3+s10+$0x180 ss:$0x1], $0xffff  }
0x227: {  	v10 =	vld.idx.msk [tilespmem:v3+s10+$0x200 ss:$0x1], $0xffff  }
0x228: {  	v12 =	vld.idx.msk [tilespmem:v3+s10+$0x280 ss:$0x1], $0xffff  }
0x229: {  	v14 =	vld.idx.msk [tilespmem:v3+s10+$0x300 ss:$0x1], $0xffff  }
0x22a: {  	v16 =	vld.idx.msk [tilespmem:v3+s10+$0x380 ss:$0x1], $0xffff  }
0x22b: {  	v19 =	vld.idx.msk [tilespmem:v3+s10+$0x10 ss:$0x1], $0xffff  }
0x22c: {  	v21 =	vld.idx.msk [tilespmem:v3+s10+$0x90 ss:$0x1], $0xffff  }
0x22d: {  	v23 =	vld.idx.msk [tilespmem:v3+s10+$0x110 ss:$0x1], $0xffff  }
0x22e: {  	v25 =	vld.idx.msk [tilespmem:v3+s10+$0x190 ss:$0x1], $0xffff;
	v5 =	vmul.bf16 v5, v2;
	v6 =	vmul.bf16 v6, v2  }
0x22f: {  	v7 =	vmul.bf16 v7, v2;
	v8 =	vmul.bf16 v8, v2  }
0x230: {  	v10 =	vmul.bf16 v10, v2;
	v12 =	vmul.bf16 v12, v2  }
0x231: {  	v14 =	vmul.bf16 v14, v2;
	v16 =	vmul.bf16 v16, v2  }
0x232: {  	v19 =	vmul.bf16 v19, v18;
	v21 =	vmul.bf16 v21, v18  }
0x233: {  	v23 =	vmul.bf16 v23, v18;
	v25 =	vmul.bf16 v25, v18  }
0x234: {  	v9 =	vunpack.i.u.bf16.f32 v5;
	v5 =	vunpack.i.l.bf16.f32 v5;
	v11 =	vunpack.i.u.bf16.f32 v6  }
0x235: {  	v6 =	vunpack.i.l.bf16.f32 v6;
	v13 =	vunpack.i.u.bf16.f32 v7;
	v7 =	vunpack.i.l.bf16.f32 v7  }
0x236: {  	v15 =	vunpack.i.u.bf16.f32 v8;
	v8 =	vunpack.i.l.bf16.f32 v8;
	v17 =	vunpack.i.u.bf16.f32 v10  }
0x237: {  	v10 =	vunpack.i.l.bf16.f32 v10;
	v20 =	vunpack.i.u.bf16.f32 v12;
	v12 =	vunpack.i.l.bf16.f32 v12  }
0x238: {  	v22 =	vunpack.i.u.bf16.f32 v14;
	v14 =	vunpack.i.l.bf16.f32 v14;
	v5 =	vadd.f32 $0.0e+00, v5  }
0x239: {  	v24 =	vunpack.i.u.bf16.f32 v16;
	v9 =	vadd.f32 $0.0e+00, v9;
	v6 =	vadd.f32 $0.0e+00, v6  }
0x23a: {  	v16 =	vunpack.i.l.bf16.f32 v16;
	v11 =	vadd.f32 $0.0e+00, v11;
	v7 =	vadd.f32 $0.0e+00, v7  }
0x23b: {  	v26 =	vunpack.i.u.bf16.f32 v19;
	v13 =	vadd.f32 $0.0e+00, v13;
	v8 =	vadd.f32 $0.0e+00, v8  }
0x23c: {  	v19 =	vunpack.i.l.bf16.f32 v19;
	v15 =	vadd.f32 $0.0e+00, v15;
	v10 =	vadd.f32 $0.0e+00, v10  }
0x23d: {  	v54 =	vld.idx.msk [tilespmem:v3+s10+$0x210 ss:$0x1], $0xffff;
	v55 =	vunpack.i.u.bf16.f32 v21;
	v17 =	vadd.f32 $0.0e+00, v17;
	v12 =	vadd.f32 $0.0e+00, v12  }
0x23e: {  	v56 =	vld.idx.msk [tilespmem:v3+s10+$0x290 ss:$0x1], $0xffff;
	v21 =	vunpack.i.l.bf16.f32 v21;
	v20 =	vadd.f32 $0.0e+00, v20;
	v14 =	vadd.f32 $0.0e+00, v14  }
0x23f: {  	v58 =	vld.idx.msk [tilespmem:v3+s10+$0x310 ss:$0x1], $0xffff;
	v57 =	vunpack.i.u.bf16.f32 v23;
	v22 =	vadd.f32 $0.0e+00, v22;
	v16 =	vadd.f32 $0.0e+00, v16  }
0x240: {  	v60 =	vld.idx.msk [tilespmem:v3+s10+$0x390 ss:$0x1], $0xffff;
	v23 =	vunpack.i.l.bf16.f32 v23;
	v24 =	vadd.f32 $0.0e+00, v24;
	v5 =	vadd.f32 v19, v5  }
0x241: {  	v59 =	vunpack.i.u.bf16.f32 v25;
	v9 =	vadd.f32 v26, v9;
	v6 =	vadd.f32 v21, v6  }
0x242: {  	v27 =	vld [tilespmem:s3+$0x20];
	v25 =	vunpack.i.l.bf16.f32 v25;
	v11 =	vadd.f32 v55, v11;
	v7 =	vadd.f32 v23, v7  }
0x243: {  	v62 =	vld.idx.msk [tilespmem:v3+s10+$0x20 ss:$0x1], $0xffff;
	v13 =	vadd.f32 v57, v13;
	v19 =	vmul.bf16 v54, v18;
	v8 =	vadd.f32 v25, v8  }
0x244: {  	v28 =	vld.idx.msk [tilespmem:v3+s10+$0xA0 ss:$0x1], $0xffff;
	v15 =	vadd.f32 v59, v15;
	v21 =	vmul.bf16 v56, v18;
	v23 =	vmul.bf16 v58, v18  }
0x245: {  	v30 =	vld.idx.msk [tilespmem:v3+s10+$0x120 ss:$0x1], $0xffff;
	v18 =	vmul.bf16 v60, v18;
	v61 =	vunpack.i.u.bf16.f32 v19;
	v19 =	vunpack.i.l.bf16.f32 v19  }
0x246: {  	v32 =	vld.idx.msk [tilespmem:v3+s10+$0x1A0 ss:$0x1], $0xffff;
	v63 =	vunpack.i.u.bf16.f32 v21;
	v21 =	vunpack.i.l.bf16.f32 v21;
	v29 =	vunpack.i.u.bf16.f32 v23  }
0x247: {  	v23 =	vunpack.i.l.bf16.f32 v23;
	v10 =	vadd.f32 v19, v10;
	v17 =	vadd.f32 v61, v17  }
0x248: {  	v25 =	vunpack.i.u.bf16.f32 v18;
	v12 =	vadd.f32 v21, v12;
	v20 =	vadd.f32 v63, v20  }
0x249: {  	v18 =	vunpack.i.l.bf16.f32 v18;
	v14 =	vadd.f32 v23, v14;
	v22 =	vadd.f32 v29, v22  }
0x24a: {  	v34 =	vld.idx.msk [tilespmem:v3+s10+$0x220 ss:$0x1], $0xffff;
	v19 =	vmul.bf16 v62, v27;
	v16 =	vadd.f32 v18, v16;
	v21 =	vmul.bf16 v28, v27  }
0x24b: {  	v36 =	vld.idx.msk [tilespmem:v3+s10+$0x2A0 ss:$0x1], $0xffff;
	v31 =	vadd.f32 v25, v24;
	v23 =	vmul.bf16 v30, v27;
	v24 =	vmul.bf16 v32, v27  }
0x24c: {  	v38 =	vld.idx.msk [tilespmem:v3+s10+$0x320 ss:$0x1], $0xffff;
	v33 =	vunpack.i.u.bf16.f32 v19;
	v19 =	vunpack.i.l.bf16.f32 v19;
	v35 =	vunpack.i.u.bf16.f32 v21  }
0x24d: {  	v40 =	vld.idx.msk [tilespmem:v3+s10+$0x3A0 ss:$0x1], $0xffff;
	v21 =	vunpack.i.l.bf16.f32 v21;
	v37 =	vunpack.i.u.bf16.f32 v23;
	v23 =	vunpack.i.l.bf16.f32 v23  }
0x24e: {  	v39 =	vunpack.i.u.bf16.f32 v24;
	v5 =	vadd.f32 v19, v5;
	v9 =	vadd.f32 v33, v9  }
0x24f: {  	v24 =	vunpack.i.l.bf16.f32 v24;
	v6 =	vadd.f32 v21, v6;
	v11 =	vadd.f32 v35, v11  }
0x250: {  	v42 =	vld [tilespmem:s3+$0x30];
	v7 =	vadd.f32 v23, v7;
	v13 =	vadd.f32 v37, v13;
	v19 =	vmul.bf16 v34, v27  }
0x251: {  	v43 =	vld.idx.msk [tilespmem:v3+s10+$0x30 ss:$0x1], $0xffff;
	v8 =	vadd.f32 v24, v8;
	v15 =	vadd.f32 v39, v15;
	v21 =	vmul.bf16 v36, v27  }
0x252: {  	v45 =	vld.idx.msk [tilespmem:v3+s10+$0xB0 ss:$0x1], $0xffff;
	v23 =	vmul.bf16 v38, v27;
	v24 =	vmul.bf16 v40, v27;
	v41 =	vunpack.i.u.bf16.f32 v19  }
0x253: {  	v47 =	vld.idx.msk [tilespmem:v3+s10+$0x130 ss:$0x1], $0xffff;
	v19 =	vunpack.i.l.bf16.f32 v19;
	v44 =	vunpack.i.u.bf16.f32 v21;
	v21 =	vunpack.i.l.bf16.f32 v21  }
0x254: {  	v49 =	vld.idx.msk [tilespmem:v3+s10+$0x1B0 ss:$0x1], $0xffff;
	v46 =	vunpack.i.u.bf16.f32 v23;
	v23 =	vunpack.i.l.bf16.f32 v23;
	v10 =	vadd.f32 v19, v10  }
0x255: {  	v48 =	vunpack.i.u.bf16.f32 v24;
	v17 =	vadd.f32 v41, v17;
	v12 =	vadd.f32 v21, v12  }
0x256: {  	v24 =	vunpack.i.l.bf16.f32 v24;
	v20 =	vadd.f32 v44, v20;
	v14 =	vadd.f32 v23, v14  }
0x257: {  	v51 =	vld.idx.msk [tilespmem:v3+s10+$0x230 ss:$0x1], $0xffff;
	v22 =	vadd.f32 v46, v22;
	v19 =	vmul.bf16 v43, v42;
	v16 =	vadd.f32 v24, v16  }
0x258: {  	v53 =	vld.idx.msk [tilespmem:v3+s10+$0x2B0 ss:$0x1], $0xffff;
	v18 =	vadd.f32 v48, v31;
	v21 =	vmul.bf16 v45, v42;
	v23 =	vmul.bf16 v47, v42  }
0x259: {  	v55 =	vld.idx.msk [tilespmem:v3+s10+$0x330 ss:$0x1], $0xffff;
	v24 =	vmul.bf16 v49, v42;
	v50 =	vunpack.i.u.bf16.f32 v19;
	v19 =	vunpack.i.l.bf16.f32 v19  }
0x25a: {  	v57 =	vld.idx.msk [tilespmem:v3+s10+$0x3B0 ss:$0x1], $0xffff;
	v52 =	vunpack.i.u.bf16.f32 v21;
	v21 =	vunpack.i.l.bf16.f32 v21;
	v54 =	vunpack.i.u.bf16.f32 v23  }
0x25b: {  	v23 =	vunpack.i.l.bf16.f32 v23;
	v5 =	vadd.f32 v19, v5;
	v9 =	vadd.f32 v50, v9  }
0x25c: {  	v56 =	vunpack.i.u.bf16.f32 v24;
	v6 =	vadd.f32 v21, v6;
	v11 =	vadd.f32 v52, v11  }
0x25d: {  	v59 =	vld [tilespmem:s3+$0x40];
	v24 =	vunpack.i.l.bf16.f32 v24;
	v7 =	vadd.f32 v23, v7;
	v13 =	vadd.f32 v54, v13  }
0x25e: {  	v60 =	vld.idx.msk [tilespmem:v3+s10+$0x40 ss:$0x1], $0xffff;
	v19 =	vmul.bf16 v51, v42;
	v8 =	vadd.f32 v24, v8;
	v21 =	vmul.bf16 v53, v42  }
0x25f: {  	v62 =	vld.idx.msk [tilespmem:v3+s10+$0xC0 ss:$0x1], $0xffff;
	v15 =	vadd.f32 v56, v15;
	v23 =	vmul.bf16 v55, v42;
	v24 =	vmul.bf16 v57, v42  }
0x260: {  	v28 =	vld.idx.msk [tilespmem:v3+s10+$0x140 ss:$0x1], $0xffff;
	v58 =	vunpack.i.u.bf16.f32 v19;
	v19 =	vunpack.i.l.bf16.f32 v19;
	v61 =	vunpack.i.u.bf16.f32 v21  }
0x261: {  	v30 =	vld.idx.msk [tilespmem:v3+s10+$0x1C0 ss:$0x1], $0xffff;
	v21 =	vunpack.i.l.bf16.f32 v21;
	v63 =	vunpack.i.u.bf16.f32 v23;
	v23 =	vunpack.i.l.bf16.f32 v23  }
0x262: {  	v29 =	vunpack.i.u.bf16.f32 v24;
	v10 =	vadd.f32 v19, v10;
	v17 =	vadd.f32 v58, v17  }
0x263: {  	v24 =	vunpack.i.l.bf16.f32 v24;
	v12 =	vadd.f32 v21, v12;
	v20 =	vadd.f32 v61, v20  }
0x264: {  	v14 =	vadd.f32 v23, v14;
	v22 =	vadd.f32 v63, v22;
	v19 =	vmul.bf16 v60, v59  }
0x265: {  	v32 =	vld.idx.msk [tilespmem:v3+s10+$0x240 ss:$0x1], $0xffff;
	v16 =	vadd.f32 v24, v16;
	v18 =	vadd.f32 v29, v18;
	v21 =	vmul.bf16 v62, v59  }
0x266: {  	v34 =	vld.idx.msk [tilespmem:v3+s10+$0x2C0 ss:$0x1], $0xffff;
	v23 =	vmul.bf16 v28, v59;
	v24 =	vmul.bf16 v30, v59;
	v31 =	vunpack.i.u.bf16.f32 v19  }
0x267: {  	v36 =	vld.idx.msk [tilespmem:v3+s10+$0x340 ss:$0x1], $0xffff;
	v19 =	vunpack.i.l.bf16.f32 v19;
	v33 =	vunpack.i.u.bf16.f32 v21;
	v21 =	vunpack.i.l.bf16.f32 v21  }
0x268: {  	v38 =	vld.idx.msk [tilespmem:v3+s10+$0x3C0 ss:$0x1], $0xffff;
	v35 =	vunpack.i.u.bf16.f32 v23;
	v23 =	vunpack.i.l.bf16.f32 v23;
	v5 =	vadd.f32 v19, v5  }
0x269: {  	v37 =	vunpack.i.u.bf16.f32 v24;
	v9 =	vadd.f32 v31, v9;
	v6 =	vadd.f32 v21, v6  }
0x26a: {  	v40 =	vld [tilespmem:s3+$0x50];
	v24 =	vunpack.i.l.bf16.f32 v24;
	v11 =	vadd.f32 v33, v11;
	v7 =	vadd.f32 v23, v7  }
0x26b: {  	v41 =	vld.idx.msk [tilespmem:v3+s10+$0x50 ss:$0x1], $0xffff;
	v13 =	vadd.f32 v35, v13;
	v19 =	vmul.bf16 v32, v59;
	v8 =	vadd.f32 v24, v8  }
0x26c: {  	v43 =	vld.idx.msk [tilespmem:v3+s10+$0xD0 ss:$0x1], $0xffff;
	v15 =	vadd.f32 v37, v15;
	v21 =	vmul.bf16 v34, v59;
	v23 =	vmul.bf16 v36, v59  }
0x26d: {  	v45 =	vld.idx.msk [tilespmem:v3+s10+$0x150 ss:$0x1], $0xffff;
	v24 =	vmul.bf16 v38, v59;
	v39 =	vunpack.i.u.bf16.f32 v19;
	v19 =	vunpack.i.l.bf16.f32 v19  }
0x26e: {  	v47 =	vld.idx.msk [tilespmem:v3+s10+$0x1D0 ss:$0x1], $0xffff;
	v42 =	vunpack.i.u.bf16.f32 v21;
	v21 =	vunpack.i.l.bf16.f32 v21;
	v44 =	vunpack.i.u.bf16.f32 v23  }
0x26f: {  	v23 =	vunpack.i.l.bf16.f32 v23;
	v10 =	vadd.f32 v19, v10;
	v17 =	vadd.f32 v39, v17  }
0x270: {  	v46 =	vunpack.i.u.bf16.f32 v24;
	v12 =	vadd.f32 v21, v12;
	v20 =	vadd.f32 v42, v20  }
0x271: {  	v24 =	vunpack.i.l.bf16.f32 v24;
	v14 =	vadd.f32 v23, v14;
	v22 =	vadd.f32 v44, v22  }
0x272: {  	v49 =	vld.idx.msk [tilespmem:v3+s10+$0x250 ss:$0x1], $0xffff;
	v19 =	vmul.bf16 v41, v40;
	v16 =	vadd.f32 v24, v16;
	v21 =	vmul.bf16 v43, v40  }
0x273: {  	v51 =	vld.idx.msk [tilespmem:v3+s10+$0x2D0 ss:$0x1], $0xffff;
	v18 =	vadd.f32 v46, v18;
	v23 =	vmul.bf16 v45, v40;
	v24 =	vmul.bf16 v47, v40  }
0x274: {  	v53 =	vld.idx.msk [tilespmem:v3+s10+$0x350 ss:$0x1], $0xffff;
	v48 =	vunpack.i.u.bf16.f32 v19;
	v19 =	vunpack.i.l.bf16.f32 v19;
	v50 =	vunpack.i.u.bf16.f32 v21  }
0x275: {  	v55 =	vld.idx.msk [tilespmem:v3+s10+$0x3D0 ss:$0x1], $0xffff;
	v21 =	vunpack.i.l.bf16.f32 v21;
	v52 =	vunpack.i.u.bf16.f32 v23;
	v23 =	vunpack.i.l.bf16.f32 v23  }
0x276: {  	v54 =	vunpack.i.u.bf16.f32 v24;
	v5 =	vadd.f32 v19, v5;
	v9 =	vadd.f32 v48, v9  }
0x277: {  	v24 =	vunpack.i.l.bf16.f32 v24;
	v6 =	vadd.f32 v21, v6;
	v11 =	vadd.f32 v50, v11  }
0x278: {  	v57 =	vld [tilespmem:s3+$0x60];
	v7 =	vadd.f32 v23, v7;
	v13 =	vadd.f32 v52, v13;
	v19 =	vmul.bf16 v49, v40  }
0x279: {  	v58 =	vld.idx.msk [tilespmem:v3+s10+$0x60 ss:$0x1], $0xffff;
	v8 =	vadd.f32 v24, v8;
	v15 =	vadd.f32 v54, v15;
	v21 =	vmul.bf16 v51, v40  }
0x27a: {  	v60 =	vld.idx.msk [tilespmem:v3+s10+$0xE0 ss:$0x1], $0xffff;
	v23 =	vmul.bf16 v53, v40;
	v24 =	vmul.bf16 v55, v40;
	v56 =	vunpack.i.u.bf16.f32 v19  }
0x27b: {  	v62 =	vld.idx.msk [tilespmem:v3+s10+$0x160 ss:$0x1], $0xffff;
	v19 =	vunpack.i.l.bf16.f32 v19;
	v59 =	vunpack.i.u.bf16.f32 v21;
	v21 =	vunpack.i.l.bf16.f32 v21  }
0x27c: {  	v28 =	vld.idx.msk [tilespmem:v3+s10+$0x1E0 ss:$0x1], $0xffff;
	v61 =	vunpack.i.u.bf16.f32 v23;
	v23 =	vunpack.i.l.bf16.f32 v23;
	v10 =	vadd.f32 v19, v10  }
0x27d: {  	v63 =	vunpack.i.u.bf16.f32 v24;
	v17 =	vadd.f32 v56, v17;
	v12 =	vadd.f32 v21, v12  }
0x27e: {  	v30 =	vld.idx.msk [tilespmem:v3+s10+$0x260 ss:$0x1], $0xffff;
	v24 =	vunpack.i.l.bf16.f32 v24;
	v20 =	vadd.f32 v59, v20;
	v14 =	vadd.f32 v23, v14  }
0x27f: {  	v32 =	vld.idx.msk [tilespmem:v3+s10+$0x2E0 ss:$0x1], $0xffff;
	v22 =	vadd.f32 v61, v22;
	v19 =	vmul.bf16 v58, v57;
	v16 =	vadd.f32 v24, v16  }
0x280: {  	v34 =	vld.idx.msk [tilespmem:v3+s10+$0x360 ss:$0x1], $0xffff;
	v18 =	vadd.f32 v63, v18;
	v21 =	vmul.bf16 v60, v57;
	v23 =	vmul.bf16 v62, v57  }
0x281: {  	v36 =	vld.idx.msk [tilespmem:v3+s10+$0x3E0 ss:$0x1], $0xffff;
	v24 =	vmul.bf16 v28, v57;
	v29 =	vunpack.i.u.bf16.f32 v19;
	v19 =	vunpack.i.l.bf16.f32 v19  }
0x282: {  	v38 =	vld [tilespmem:s3+$0x70];
	v31 =	vunpack.i.u.bf16.f32 v21;
	v21 =	vunpack.i.l.bf16.f32 v21;
	v33 =	vunpack.i.u.bf16.f32 v23  }
0x283: {  	v51 =	vld.idx.msk [tilespmem:v3+s10+$0x370 ss:$0x1], $0xffff;
	v23 =	vunpack.i.l.bf16.f32 v23;
	v5 =	vadd.f32 v19, v5;
	v9 =	vadd.f32 v29, v9  }
0x284: {  	v35 =	vunpack.i.u.bf16.f32 v24;
	v6 =	vadd.f32 v21, v6;
	v11 =	vadd.f32 v31, v11  }
0x285: {  	v24 =	vunpack.i.l.bf16.f32 v24;
	v7 =	vadd.f32 v23, v7;
	v13 =	vadd.f32 v33, v13  }
0x286: {  	v19 =	vmul.bf16 v30, v57;
	v8 =	vadd.f32 v24, v8;
	v21 =	vmul.bf16 v32, v57  }
0x287: {  	v39 =	vld.idx.msk [tilespmem:v3+s10+$0x70 ss:$0x1], $0xffff;
	v15 =	vadd.f32 v35, v15;
	v23 =	vmul.bf16 v34, v57;
	v24 =	vmul.bf16 v36, v57  }
0x288: {  	v41 =	vld.idx.msk [tilespmem:v3+s10+$0xF0 ss:$0x1], $0xffff;
	v57 =	vmul.bf16 v51, v38;
	v37 =	vunpack.i.u.bf16.f32 v19;
	v19 =	vunpack.i.l.bf16.f32 v19  }
0x289: {  	v43 =	vld.idx.msk [tilespmem:v3+s10+$0x170 ss:$0x1], $0xffff;
	v40 =	vunpack.i.u.bf16.f32 v21;
	v21 =	vunpack.i.l.bf16.f32 v21;
	v42 =	vunpack.i.u.bf16.f32 v23  }
0x28a: {  	v45 =	vld.idx.msk [tilespmem:v3+s10+$0x1F0 ss:$0x1], $0xffff;
	v23 =	vunpack.i.l.bf16.f32 v23;
	v44 =	vunpack.i.u.bf16.f32 v24;
	v10 =	vadd.f32 v19, v10  }
0x28b: {  	v24 =	vunpack.i.l.bf16.f32 v24;
	v17 =	vadd.f32 v37, v17;
	v12 =	vadd.f32 v21, v12  }
0x28c: {  	v58 =	vunpack.i.u.bf16.f32 v57;
	v20 =	vadd.f32 v40, v20;
	v14 =	vadd.f32 v23, v14  }
0x28d: {  	v22 =	vadd.f32 v42, v22;
	v19 =	vmul.bf16 v39, v38;
	v16 =	vadd.f32 v24, v16  }
0x28e: {  	v47 =	vld.idx.msk [tilespmem:v3+s10+$0x270 ss:$0x1], $0xffff;
	v18 =	vadd.f32 v44, v18;
	v21 =	vmul.bf16 v41, v38;
	v23 =	vmul.bf16 v43, v38  }
0x28f: {  	v49 =	vld.idx.msk [tilespmem:v3+s10+$0x2F0 ss:$0x1], $0xffff;
	v24 =	vmul.bf16 v45, v38;
	v46 =	vunpack.i.u.bf16.f32 v19;
	v19 =	vunpack.i.l.bf16.f32 v19  }
0x290: {  	v48 =	vunpack.i.u.bf16.f32 v21;
	v21 =	vunpack.i.l.bf16.f32 v21;
	v50 =	vunpack.i.u.bf16.f32 v23  }
0x291: {  	v23 =	vunpack.i.l.bf16.f32 v23;
	v52 =	vunpack.i.u.bf16.f32 v24;
	v5 =	vadd.f32 v19, v5  }
0x292: {  	v54 =	vld.idx.msk [tilespmem:v3+s10+$0x3F0 ss:$0x1], $0xffff;
	v24 =	vunpack.i.l.bf16.f32 v24;
	v9 =	vadd.f32 v46, v9;
	v6 =	vadd.f32 v21, v6  }
0x293: {  	v11 =	vadd.f32 v48, v11;
	v7 =	vadd.f32 v23, v7;
	v19 =	vmul.bf16 v47, v38  }
0x294: {  	v13 =	vadd.f32 v50, v13;
	v8 =	vadd.f32 v24, v8;
	v21 =	vmul.bf16 v49, v38  }
0x295: {  	v15 =	vadd.f32 v52, v15;
	v53 =	vunpack.i.l.bf16.f32 v19;
	v5 =	vadd.f32 v5, v9  }
0x296: {  	v6 =	vadd.f32 v6, v11;
	v55 =	vunpack.i.u.bf16.f32 v19;
	v56 =	vunpack.i.l.bf16.f32 v21  }
0x297: {  	v8 =	vadd.f32 v8, v15;
	v9 =	vmul.bf16 v54, v38;
	v10 =	vadd.f32 v53, v10;
	(xrf2) =	vadd.scan.msk.f32 $0xffff, v5  }
0x298: {  	v11 =	vadd.f32 v55, v17;
	v5 =	vunpack.i.u.bf16.f32 v21;
	(xrf2) =	vadd.scan.msk.f32 $0xffff, v6;
	v6 =	vadd.f32 v7, v13  }
0x299: {  	v12 =	vadd.f32 v56, v12;
	v5 =	vadd.f32 v5, v20;
	v7 =	vunpack.i.l.bf16.f32 v57  }
0x29a: {  	v60 =	vunpack.i.u.bf16.f32 v9;
	v59 =	vadd.f32 v10, v11;
	v7 =	vadd.f32 v7, v14;
	(xrf2) =	vadd.scan.msk.f32 $0xffff, v6  }
0x29b: {  	v9 =	vunpack.i.l.bf16.f32 v9;
	v6 =	vadd.f32 v58, v22;
	v5 =	vadd.f32 v12, v5;
	(xrf2) =	vadd.scan.msk.f32 $0xffff, v8  }
0x29c: {  	v9 =	vadd.f32 v9, v16;
	v10 =	vadd.f32 v60, v18;
	(xrf2) =	vadd.scan.msk.f32 $0xffff, v59  }
0x29d: {  	(xrf2) =	vadd.scan.msk.f32 $0xffff, v5;
	v5 =	vadd.f32 v7, v6  }
0x29e: {  	v6 =	vadd.f32 v9, v10;
	_ =	sdelay $0x2  }
0x29f: {  	s2 =	sshll.u32 s9, $0x3;
	(xrf2) =	vadd.scan.msk.f32 $0xffff, v5;
	v5, _, _ =	vpop (xrf2)  }
0x2a0: {  	s11 =	sor.u32 $0x1, s2;
	v7 =	vmov s2;
	(xrf2) =	vadd.scan.msk.f32 $0xffff, v6;
	v6, _, _ =	vpop (xrf2);
	v5 =	vbroadcast v5, $0xF  }
0x2a1: {  	vm0 =	veq.s32 v7, v0;
	v7 =	vmov s11;
	v6 =	vbroadcast v6, $0xF  }
0x2a2: {  	s28 =	sor.u32 $0x2, s2;
	vm9 =	veq.s32 v7, v0;
	v4 =	vsel vm0, v5, v4  }
0x2a3: {  	s11 =	sor.u32 $0x3, s2;
	v61, _, _ =	vpop (xrf2);
	v4 =	vsel vm9, v6, v4;
	v6 =	vmov s28  }
0x2a4: {  	v7 =	vbroadcast v61, $0xF;
	v5, _, _ =	vpop (xrf2);
	vm10 =	veq.s32 v6, v0;
	v6 =	vmov s11  }
0x2a5: {  	v5 =	vbroadcast v5, $0xF;
	v62, _, _ =	vpop (xrf2)  }
0x2a6: {  	s28 =	sor.u32 $0x4, s2;
	v4 =	vsel vm10, v7, v4;
	vm11 =	veq.s32 v6, v0;
	v7 =	vbroadcast v62, $0xF  }
0x2a7: {  	s11 =	sor.u32 $0x5, s2;
	v6, _, _ =	vpop (xrf2);
	v4 =	vsel vm11, v5, v4;
	v5 =	vmov s28  }
0x2a8: {  	p2 =	por p1, p1;
	vm12 =	veq.s32 v5, v0;
	v5 =	vmov s11;
	v6 =	vbroadcast v6, $0xF  }
.Ltmp10:
0x2a9: {  	s2 =	sor.u32 $0x6, s2;
	v63, _, _ =	vpop (xrf2);
	v4 =	vsel vm12, v7, v4;
	vm13 =	veq.s32 v5, v0;
	(pc) =	sbr.rel @p2 .LBB2_17-.Ltmp10, $4  }
0x2aa: {  	s28 =	sshllo.u32 s9, $0x3;
	v5 =	vmov s2;
	v4 =	vsel vm13, v6, v4;
	v6 =	vbroadcast v63, $0xF;
	v7, _, _ =	vpop (xrf2)  }
0x2ab: {  	vm14 =	veq.s32 v5, v0;
	v5 =	vmov s28;
	v7 =	vbroadcast v7, $0xF  }
0x2ac: {  	vm15 =	veq.s32 v5, v0;
	v4 =	vsel vm14, v6, v4  }
0x2ad: {  	p1 =	por $0x0, $0x0;
	s9 =	simm.s32 $0x1;
	v4 =	vsel vm15, v7, v4  }
0x2ae: {  	s2 =	sshll.u32 s8, $0x4;
	s8 =	sadd.s32 $0x1, s8  }
0x2af: {  	p1 =	sne.s32 s8, $0x4  }
.Ltmp11:
0x2b0: {  	_ = 	snop;
	(pc) =	sbr.rel @p1 .LBB2_16-.Ltmp11, $3  }
0x2b1: {  	_ =	sdelay $0x1  }
0x2b2: {  	s2 =	sand.u32 $0x3FFFFFF0, s2  }
0x2b3: {  	[tilespmem:v1+s2+$0x0 ss:$0x1] =	vst.idx.msk $0xffff, v4  }
.Ltmp12:
0x2b4: {  	(pc) =	sbr.rel @p0 .LBB2_21-.Ltmp12, $1  }
0x2b5: {  	_ =	sdelay $0x3  }
.Ltmp13:
0x2b6: {  	(pc) =	sbr.rel .LBB2_3-.Ltmp13, $3  }
0x2b7: {  	_ =	sdelay $0x1  }
0x2b8: {  	s0 =	sadd.s32 $0x11C0, s0;
	s30 =	sadd.s32 $0x1, s30  }
0x2b9: {  	[tilespmem:s21], [sflag:$0x4] =	stream.indirect.gather [spmem:s1], $0x80, s0, s14, $0xb8;
	[tilespmem:$0x1E000] =	vst v63  }
.LBB2_23:
0x2ba: {  	_ =	sfence.sel $0x180000  }
0x2bb: {  	[bflag:$0x0] =	sbarrier.arrive $0xFFFF  }
0x2bc: {  	_ =	strace $0x90000047  }
0x2bd: {  	s0 =	stileid.u32;
	[bflag:$0x2] =	sbarrier.arrive $0xFFFF  }
0x2be: {  	p0 =	sne.s32 s0, $0x0;
	s0 =	rddreg [dreg:$0x2]  }
0x2bf: {  	s0 =	sadd.s32 @!p0 $0x100000, s0  }
0x2c0: {  	[sflag:s0] =	ssyncadd.tile.s32 @!p0 $0x1;
	_ =	shalt  }
.Lfunc_end2:
_tile_overlayer_lowered:
.L_overlay_start_2:
0x2c1: {  	(tag) =	ssettag $0x2  }
0x2c2: {  	s0 =	rddreg [dreg:$0x0];
	s2 =	stileid.u32  }
0x2c3: {  	s1 =	rddreg [dreg:$0x1];
	p0 =	sne.s32 s2, $0x0  }
0x2c4: {  	s3 =	rddreg [dreg:$0x2];
	[bflag:$0x3] =	sbarrier.arrive $0xFFFF;
	s2 =	simm.s32 @!p0 $0x1C05  }
0x2c5: {  	[timem:s3], [sflag:s2] =	dma.local @!p0 [hbm:s0], s1  }
0x2c6: {  	s0 =	simm.s32 @!p0 $0x5  }
0x2c7: {  	_ =	swait.ge @!p0 [sflag:s0], s1  }
0x2c8: {  	s1 =	ssub.s32 @!p0 $0x0, s1;
	[sflag:s0] =	ssyncset.done @!p0 $0x0  }
0x2c9: {  	[sflag:s0] =	ssyncadd.s32 @!p0 s1  }
0x2ca: {  	[bflag:$0x3] =	sbarrier.arrive $0xFFFF  }
0x2cb: {  	_ =	shalt  }

</sc_bundles>
